<compile_context>
chip_gen: v7x
topology: tpu7x:2x2x1
jax: 0.10.2.dev20260603
libtpu: 0.0.44.dev20260713+nightly
codegen_flags: <defaults>
</compile_context>

<pallas_src>
import functools
import math

import jax
import jax.numpy as jnp
from jax import lax
from jax.experimental import pallas as pl
from jax.experimental.pallas import tpu as pltpu
from jax.experimental.pallas import tpu_sc as plsc

_N = 10000
_E = 320000
_HID = 128
_HH = _HID // 2
_NE = 8
_NCORE = 2
_NSUB = 16
_NW = _NCORE * _NSUB
_EPW = _E // _NW
_K = 80
_CH = _EPW // _K
_NP = 10240
_RPT = _NP // _NSUB
_D = 8
_BLK = 1000
_COEF = 0.01
_NUM_LAYERS = 4


def _h_body(x_ref, win_ref, bin_ref, h_ref):
    h = jnp.maximum(
        jnp.dot(x_ref[...], win_ref[...], preferred_element_type=jnp.float32)
        + bin_ref[...], 0.0)
    h_ref[0] = h[:, :_HH]
    h_ref[1] = h[:, _HH:]


def _h_call(x, w_in, b_in):
    grid = (_N // _BLK,)
    return pl.pallas_call(
        _h_body,
        grid=grid,
        in_specs=[
            pl.BlockSpec((_BLK, _HID), lambda i: (i, 0)),
            pl.BlockSpec((_HID, _HID), lambda i: (0, 0)),
            pl.BlockSpec((1, _HID), lambda i: (0, 0)),
        ],
        out_specs=[pl.BlockSpec((2, _BLK, _HH), lambda i: (0, i, 0))],
        out_shape=[jax.ShapeDtypeStruct((2, _N, _HH), jnp.float32)],
    )(x, w_in, b_in)[0]


def _gate_body(h2_ref, noise_ref, wg_ref, wn_ref,
               raw_ref, gates_ref, implo_ref):
    h = jnp.concatenate([h2_ref[0], h2_ref[1]], axis=1)
    clean = jnp.dot(h, wg_ref[...], preferred_element_type=jnp.float32)
    sp = jnp.dot(h, wn_ref[...], preferred_element_type=jnp.float32)
    nstd = jnp.maximum(sp, 0.0) + jnp.log1p(jnp.exp(-jnp.abs(sp))) + 1e-2
    raw = clean + noise_ref[...] * nstd
    raw_ref[...] = raw

    ids = lax.broadcasted_iota(jnp.int32, raw.shape, 1)
    v1 = jnp.max(raw, axis=1, keepdims=True)
    i1 = jnp.min(jnp.where(raw >= v1, ids, _NE), axis=1, keepdims=True)
    masked = jnp.where(ids == i1, -jnp.inf, raw)
    v2 = jnp.max(masked, axis=1, keepdims=True)
    i2 = jnp.min(jnp.where(masked >= v2, ids, _NE), axis=1, keepdims=True)
    e = jnp.exp(v2 - v1)
    g1 = 1.0 / (1.0 + e)
    g2 = e / (1.0 + e)
    gates = jnp.where(ids == i1, g1, 0.0) + jnp.where(ids == i2, g2, 0.0)
    gates_ref[...] = gates

    @pl.when(pl.program_id(0) == 0)
    def _():
        implo_ref[...] = jnp.zeros_like(implo_ref)

    imp = jnp.sum(gates, axis=0)[None, :]
    load = jnp.sum((gates > 0.0).astype(jnp.float32), axis=0)[None, :]
    implo_ref[...] += jnp.concatenate([imp, load], axis=0)


def _gating_call(h2, noise, w_gate, w_noise):
    grid = (_N // _BLK,)
    return pl.pallas_call(
        _gate_body,
        grid=grid,
        in_specs=[
            pl.BlockSpec((2, _BLK, _HH), lambda i: (0, i, 0)),
            pl.BlockSpec((_BLK, _NE), lambda i: (i, 0)),
            pl.BlockSpec((_HID, _NE), lambda i: (0, 0)),
            pl.BlockSpec((_HID, _NE), lambda i: (0, 0)),
        ],
        out_specs=[
            pl.BlockSpec((_BLK, _NE), lambda i: (i, 0)),
            pl.BlockSpec((_BLK, _NE), lambda i: (i, 0)),
            pl.BlockSpec((2, _NE), lambda i: (0, 0)),
        ],
        out_shape=[
            jax.ShapeDtypeStruct((_N, _NE), jnp.float32),
            jax.ShapeDtypeStruct((_N, _NE), jnp.float32),
            jax.ShapeDtypeStruct((2, _NE), jnp.float32),
        ],
    )(h2, noise, w_gate, w_noise)


def _sc_aggregate(h2, ei, z64, z16, ones16):
    mesh = plsc.VectorSubcoreMesh(core_axis_name="c", subcore_axis_name="s")

    @functools.partial(
        pl.kernel,
        out_type=[
            jax.ShapeDtypeStruct((2, _NCORE, _NP, _HH), jnp.float32),
            jax.ShapeDtypeStruct((_NCORE, _NP, 16), jnp.float32),
        ],
        mesh=mesh,
        compiler_params=pltpu.CompilerParams(use_tc_tiling_on_sc=False),
        scratch_types=[
            pltpu.VMEM((_CH, _K), jnp.int32),
            pltpu.VMEM((_CH, _K), jnp.int32),
            [pltpu.VMEM((_K, _HH), jnp.float32) for _ in range(_D)],
            pltpu.VMEM((_K, 16), jnp.float32),
            pltpu.VMEM_SHARED((_NP, _HH), jnp.float32),
            pltpu.VMEM_SHARED((_NP, 16), jnp.float32),
            [pltpu.SemaphoreType.DMA for _ in range(_D)],
            [pltpu.SemaphoreType.DMA for _ in range(_D)],
        ],
    )
    def body(h_hbm, ei_hbm, z64_hbm, z16_hbm, ones_hbm,
             aggp_hbm, degp_hbm,
             sidx, didx, rows, ones_v, agg_sh, deg_sh, gsem, ssem):
        cid = lax.axis_index("c")
        sid = lax.axis_index("s")
        w = cid * _NSUB + sid
        rbase = sid * _RPT

        pltpu.sync_copy(ones_hbm, ones_v)
        pltpu.sync_copy(ei_hbm.at[0, w], sidx)
        pltpu.sync_copy(ei_hbm.at[1, w], didx)

        for half in range(2):
            first = half == 0
            htab = h_hbm.at[half]

            pltpu.sync_copy(z64_hbm, agg_sh.at[pl.ds(rbase, _RPT)])
            if first:
                pltpu.sync_copy(z16_hbm, deg_sh.at[pl.ds(rbase, _RPT)])
            plsc.subcore_barrier()

            def start_gather(c, rows, sem):
                pltpu.async_copy(htab.at[sidx.at[c]], rows, sem)

            def wait_gather(c, rows, sem):
                pltpu.make_async_copy(htab.at[sidx.at[c]], rows, sem).wait()

            def start_scatter(c, rows, sem):
                pltpu.async_copy(rows, agg_sh.at[didx.at[c]], sem, add=True)
                if first:
                    pltpu.async_copy(ones_v, deg_sh.at[didx.at[c]], sem,
                                     add=True)

            def wait_scatter(c, rows, sem):
                pltpu.make_async_copy(rows, agg_sh.at[didx.at[c]], sem).wait()
                if first:
                    pltpu.make_async_copy(ones_v, deg_sh.at[didx.at[c]],
                                          sem).wait()

            for j in range(_D):
                start_gather(j, rows[j], gsem[j])

            def step(i, carry):
                c = _D * i
                for k in range(_D):
                    wait_gather(c + k, rows[k], gsem[k])
                    start_scatter(c + k, rows[k], ssem[k])
                    if k >= 1:
                        wait_scatter(c + k - 1, rows[k - 1], ssem[k - 1])
                        start_gather(c + k - 1 + _D, rows[k - 1], gsem[k - 1])
                wait_scatter(c + _D - 1, rows[_D - 1], ssem[_D - 1])
                start_gather(c + 2 * _D - 1, rows[_D - 1], gsem[_D - 1])
                return carry

            nloop = (_CH - 2 * _D) // _D + 1
            lax.fori_loop(0, nloop, step, 0)

            t0 = nloop * _D
            for idx, t in enumerate(range(t0, _CH)):
                wait_gather(t, rows[t % _D], gsem[t % _D])
                start_scatter(t, rows[t % _D], ssem[t % _D])
                if idx >= 1:
                    wait_scatter(t - 1, rows[(t - 1) % _D], ssem[(t - 1) % _D])
                    gq = t - 1 + _D
                    if gq < _CH:
                        start_gather(gq, rows[gq % _D], gsem[gq % _D])
            wait_scatter(_CH - 1, rows[(_CH - 1) % _D], ssem[(_CH - 1) % _D])

            plsc.subcore_barrier()
            pltpu.sync_copy(agg_sh.at[pl.ds(rbase, _RPT)],
                            aggp_hbm.at[half, cid, pl.ds(rbase, _RPT)])
            if first:
                pltpu.sync_copy(deg_sh.at[pl.ds(rbase, _RPT)],
                                degp_hbm.at[cid, pl.ds(rbase, _RPT)])

    return body(h2, ei, z64, z16, ones16)


def _moe_body(p_ref, degp_ref, gates_ref, implo_ref, we_ref, be_ref,
              wo_ref, bo_ref, out_ref, lb_ref):
    p = p_ref[...]
    agg_sum = jnp.concatenate([p[0, 0] + p[0, 1], p[1, 0] + p[1, 1]], axis=1)
    deg = degp_ref[0, :, 0] + degp_ref[1, :, 0]
    agg = agg_sum / jnp.maximum(deg, 1.0)[:, None]
    gates = gates_ref[...]
    y = jnp.zeros_like(agg)
    for e in range(_NE):
        eo = jnp.maximum(
            jnp.dot(agg, we_ref[e], preferred_element_type=jnp.float32)
            + be_ref[e][None, :], 0.0)
        y = y + gates[:, e][:, None] * eo
    out_ref[...] = (jnp.dot(y, wo_ref[...], preferred_element_type=jnp.float32)
                    + bo_ref[...])

    @pl.when(pl.program_id(0) == 0)
    def _():
        implo = implo_ref[...]

        def cv2(v):
            m = jnp.mean(v)
            var = jnp.sum((v - m) ** 2) / (v.shape[0] - 1)
            return var / (m * m + 1e-10)

        scale = _COEF / math.ceil((_NUM_LAYERS - 2) / 2)
        lb_ref[...] = (scale * (cv2(implo[0]) + cv2(implo[1]))).reshape(1, 1)


def _moe_call(aggp, degp, gates, implo, w_expert, b_expert, w_out, b_out):
    grid = (_N // _BLK,)
    d_out = w_out.shape[1]
    return pl.pallas_call(
        _moe_body,
        grid=grid,
        in_specs=[
            pl.BlockSpec((2, _NCORE, _BLK, _HH), lambda i: (0, 0, i, 0)),
            pl.BlockSpec((_NCORE, _BLK, 16), lambda i: (0, i, 0)),
            pl.BlockSpec((_BLK, _NE), lambda i: (i, 0)),
            pl.BlockSpec((2, _NE), lambda i: (0, 0)),
            pl.BlockSpec((_NE, _HID, _HID), lambda i: (0, 0, 0)),
            pl.BlockSpec((_NE, _HID), lambda i: (0, 0)),
            pl.BlockSpec((_HID, d_out), lambda i: (0, 0)),
            pl.BlockSpec((1, d_out), lambda i: (0, 0)),
        ],
        out_specs=[
            pl.BlockSpec((_BLK, d_out), lambda i: (i, 0)),
            pl.BlockSpec((1, 1), lambda i: (0, 0)),
        ],
        out_shape=[
            jax.ShapeDtypeStruct((_N, d_out), jnp.float32),
            jax.ShapeDtypeStruct((1, 1), jnp.float32),
        ],
    )(aggp, degp, gates, implo, w_expert, b_expert, w_out, b_out)


def kernel(x, edge_index, noise, W_in, b_in, w_gate, w_noise,
           W_expert, b_expert, W_out, b_out):
    h2 = _h_call(x, W_in, b_in.reshape(1, -1))
    raw_logits, gates, implo = _gating_call(h2, noise, w_gate, w_noise)
    ei = edge_index.reshape(2, _NW, _CH, _K)
    z64 = jnp.zeros((_RPT, _HH), jnp.float32)
    z16 = jnp.zeros((_RPT, 16), jnp.float32)
    ones16 = jnp.ones((_K, 16), jnp.float32)
    aggp, degp = _sc_aggregate(h2, ei, z64, z16, ones16)
    out, lb = _moe_call(aggp, degp, gates, implo,
                        W_expert, b_expert, W_out, b_out.reshape(1, -1))
    return out, lb.reshape(()), raw_logits

# --- scband reference (transcript-rebuilt; emitter-appended) ---
"""Pipeline reference for scband-network-model-1623497638189 (READ-ONLY COPY).

The authoritative reference and input builder live on the scoring server;
editing this copy changes nothing except your own understanding.
"""

import math
import jax, jax.numpy as jnp
import numpy as np

N = 10000
E_EDGES = 320000
D_IN = 128
HID = 128
D_OUT = 64
N_EXPERTS = 8
TOP_K = 2
COEF = 0.01
NUM_LAYERS = 4


def setup_inputs(seed: int = 0) -> dict:
    key = jax.random.key(seed)
    ks = jax.random.split(key, 12)
    x = jax.random.normal(ks[0], (N, D_IN), dtype=jnp.float32)
    edge_index = jax.random.randint(ks[1], (2, E_EDGES), 0, N, dtype=jnp.int32)
    noise = jax.random.normal(ks[2], (N, N_EXPERTS), dtype=jnp.float32)
    W_in = jax.random.normal(ks[3], (D_IN, HID), dtype=jnp.float32) / np.sqrt(D_IN)
    b_in = jnp.zeros((HID,), dtype=jnp.float32)
    w_gate = jax.random.normal(ks[4], (HID, N_EXPERTS), dtype=jnp.float32) / np.sqrt(HID)
    w_noise = jax.random.normal(ks[5], (HID, N_EXPERTS), dtype=jnp.float32) / np.sqrt(HID)
    W_expert = jax.random.normal(ks[6], (N_EXPERTS, HID, HID), dtype=jnp.float32) / np.sqrt(HID)
    b_expert = jnp.zeros((N_EXPERTS, HID), dtype=jnp.float32)
    W_out = jax.random.normal(ks[7], (HID, D_OUT), dtype=jnp.float32) / np.sqrt(HID)
    b_out = jnp.zeros((D_OUT,), dtype=jnp.float32)
    return {"x": x, "edge_index": edge_index, "noise": noise, "W_in": W_in, "b_in": b_in,
            "w_gate": w_gate, "w_noise": w_noise, "W_expert": W_expert, "b_expert": b_expert,
            "W_out": W_out, "b_out": b_out}


def _cv_squared(v):
    eps = 1e-10
    if v.shape[0] == 1:
        return jnp.asarray(0.0, v.dtype)
    return jnp.var(v, ddof=1) / (jnp.mean(v) ** 2 + eps)


def reference(x, edge_index, noise, W_in, b_in, w_gate, w_noise, W_expert, b_expert, W_out, b_out):
    src = edge_index[0]
    dst = edge_index[1]
    # shared input transform
    h = jax.nn.relu(x @ W_in + b_in)
    # noisy top-k gating (GMoE noisy router)
    clean_logits = h @ w_gate
    noise_std = jax.nn.softplus(h @ w_noise) + 1e-2
    raw_logits = clean_logits + noise * noise_std
    top_v, top_i = jax.lax.top_k(raw_logits, TOP_K)
    top_g = jax.nn.softmax(top_v, axis=-1)
    gates = jnp.zeros((N, N_EXPERTS), dtype=h.dtype).at[jnp.arange(N)[:, None], top_i].add(top_g)
    # graph mean aggregation (SparseCore: gather + segment_sum)
    msg = jnp.take(h, src, axis=0)
    agg = jax.ops.segment_sum(msg, dst, num_segments=N)
    deg = jax.ops.segment_sum(jnp.ones((E_EDGES,), dtype=h.dtype), dst, num_segments=N)
    agg = agg / jnp.clip(deg, 1.0, None)[:, None]
    # dense evaluation of all experts, gated combine
    expert_out = jax.nn.relu(jnp.einsum('nd,edh->neh', agg, W_expert) + b_expert[None, :, :])
    y = jnp.einsum('ne,neh->nh', gates, expert_out)
    out = y @ W_out + b_out
    # load balance loss: cv^2 of importance and load
    importance = gates.sum(axis=0)
    load = (gates > 0).astype(h.dtype).sum(axis=0)
    lb = COEF * (_cv_squared(importance) + _cv_squared(load))
    lb = lb / math.ceil((NUM_LAYERS - 2) / 2)
    return out, lb, raw_logits

if __name__ == "__main__":
    import jax
    _d = setup_inputs()
    print(jax.jit(kernel)(*tuple(_d.values())))

</pallas_src>

<mosaic_0001>
#map = affine_map<(d0, d1) -> (0, 0, 0)>
#map1 = affine_map<(d0, d1) -> (0, 0, 0, 0)>
#map2 = affine_map<(d0, d1) -> (0, 0)>
module attributes {stable_mosaic.version = 14 : i64} {
  func.func @body(%arg0: i32, %arg1: i32, %arg2: memref<2x10000x64xf32, #tpu.memory_space<hbm>>, %arg3: memref<2x32x125x80xi32, #tpu.memory_space<hbm>>, %arg4: memref<640x64xf32, #tpu.memory_space<hbm>>, %arg5: memref<640x16xf32, #tpu.memory_space<hbm>>, %arg6: memref<80x16xf32, #tpu.memory_space<hbm>>, %arg7: memref<2x2x10240x64xf32, #tpu.memory_space<hbm>>, %arg8: memref<2x10240x16xf32, #tpu.memory_space<hbm>>, %arg9: memref<125x80xi32, #tpu.memory_space<vmem>>, %arg10: memref<125x80xi32, #tpu.memory_space<vmem>>, %arg11: memref<80x64xf32, #tpu.memory_space<vmem>>, %arg12: memref<80x64xf32, #tpu.memory_space<vmem>>, %arg13: memref<80x64xf32, #tpu.memory_space<vmem>>, %arg14: memref<80x64xf32, #tpu.memory_space<vmem>>, %arg15: memref<80x64xf32, #tpu.memory_space<vmem>>, %arg16: memref<80x64xf32, #tpu.memory_space<vmem>>, %arg17: memref<80x64xf32, #tpu.memory_space<vmem>>, %arg18: memref<80x64xf32, #tpu.memory_space<vmem>>, %arg19: memref<80x16xf32, #tpu.memory_space<vmem>>, %arg20: memref<10240x64xf32, #tpu.memory_space<vmem_shared>>, %arg21: memref<10240x16xf32, #tpu.memory_space<vmem_shared>>, %arg22: memref<!tpu.dma_semaphore, #tpu.memory_space<semaphore_mem>>, %arg23: memref<!tpu.dma_semaphore, #tpu.memory_space<semaphore_mem>>, %arg24: memref<!tpu.dma_semaphore, #tpu.memory_space<semaphore_mem>>, %arg25: memref<!tpu.dma_semaphore, #tpu.memory_space<semaphore_mem>>, %arg26: memref<!tpu.dma_semaphore, #tpu.memory_space<semaphore_mem>>, %arg27: memref<!tpu.dma_semaphore, #tpu.memory_space<semaphore_mem>>, %arg28: memref<!tpu.dma_semaphore, #tpu.memory_space<semaphore_mem>>, %arg29: memref<!tpu.dma_semaphore, #tpu.memory_space<semaphore_mem>>, %arg30: memref<!tpu.dma_semaphore, #tpu.memory_space<semaphore_mem>>, %arg31: memref<!tpu.dma_semaphore, #tpu.memory_space<semaphore_mem>>, %arg32: memref<!tpu.dma_semaphore, #tpu.memory_space<semaphore_mem>>, %arg33: memref<!tpu.dma_semaphore, #tpu.memory_space<semaphore_mem>>, %arg34: memref<!tpu.dma_semaphore, #tpu.memory_space<semaphore_mem>>, %arg35: memref<!tpu.dma_semaphore, #tpu.memory_space<semaphore_mem>>, %arg36: memref<!tpu.dma_semaphore, #tpu.memory_space<semaphore_mem>>, %arg37: memref<!tpu.dma_semaphore, #tpu.memory_space<semaphore_mem>>) attributes {dimension_semantics = [#tpu.dimension_semantics<core_parallel>, #tpu.dimension_semantics<subcore_parallel>], iteration_bounds = array<i64: 2, 16>, scalar_prefetch = 0 : i64, scratch_operands = 29 : i64, tpu.core_type = #tpu.core_type<sc_vector_subcore>, window_params = [{transform_indices = #map}, {transform_indices = #map1}, {transform_indices = #map2}, {transform_indices = #map2}, {transform_indices = #map2}, {transform_indices = #map1}, {transform_indices = #map}]} {
    %mul3A = arith.constant 16 : i32
    %mul3A_0 = arith.muli %arg0, %mul3A : i32
    %add3A = arith.addi %mul3A_0, %arg1 : i32
    %mul3A_1 = arith.constant 640 : i32
    %mul3A_2 = arith.muli %arg1, %mul3A_1 : i32
    "tpu.region"() ({
      %run_scoped3A_1190 = tpu.sem_alloc : memref<!tpu.dma_semaphore, #tpu.memory_space<semaphore_mem>>
      tpu.enqueue_dma source(%arg6 : memref<80x16xf32, #tpu.memory_space<hbm>>) target(%arg19 : memref<80x16xf32, #tpu.memory_space<vmem>>) target_semaphore(%run_scoped3A_1190 : memref<!tpu.dma_semaphore, #tpu.memory_space<semaphore_mem>>)
      tpu.wait_dma2 semaphore(%run_scoped3A_1190 : memref<!tpu.dma_semaphore, #tpu.memory_space<semaphore_mem>>) src(%arg6 : memref<80x16xf32, #tpu.memory_space<hbm>>) dst(%arg19 : memref<80x16xf32, #tpu.memory_space<vmem>>)
      tpu.yield
    }) : () -> ()
    %run_scoped3A = arith.constant 0 : i32
    "tpu.region"() ({
      %run_scoped3A_1190 = tpu.sem_alloc : memref<!tpu.dma_semaphore, #tpu.memory_space<semaphore_mem>>
      %dma_start3A_1191 = arith.constant 0 : i32
      %dma_start3A_1192 = arith.constant 0 : i32
      %dma_start3A_1193 = tpu.memref_slice %arg3[%run_scoped3A, %add3A, %dma_start3A_1191, %dma_start3A_1192] : memref<2x32x125x80xi32, #tpu.memory_space<hbm>> -> memref<1x1x125x80xi32, #tpu.memory_space<hbm>>
      %dma_start3A_1194 = tpu.memref_squeeze %dma_start3A_1193 : memref<1x1x125x80xi32, #tpu.memory_space<hbm>> -> memref<125x80xi32, #tpu.memory_space<hbm>>
      %dma_start3A_1195 = arith.constant 0 : i32
      %dma_start3A_1196 = arith.constant 0 : i32
      %dma_start3A_1197 = tpu.memref_slice %arg3[%run_scoped3A, %add3A, %dma_start3A_1195, %dma_start3A_1196] : memref<2x32x125x80xi32, #tpu.memory_space<hbm>> -> memref<1x1x125x80xi32, #tpu.memory_space<hbm>>
      %dma_start3A_1198 = tpu.memref_squeeze %dma_start3A_1197 : memref<1x1x125x80xi32, #tpu.memory_space<hbm>> -> memref<125x80xi32, #tpu.memory_space<hbm>>
      tpu.enqueue_dma source(%dma_start3A_1198 : memref<125x80xi32, #tpu.memory_space<hbm>>) target(%arg9 : memref<125x80xi32, #tpu.memory_space<vmem>>) target_semaphore(%run_scoped3A_1190 : memref<!tpu.dma_semaphore, #tpu.memory_space<semaphore_mem>>)
      %dma_wait3A_1199 = arith.constant 0 : i32
      %dma_wait3A_1200 = arith.constant 0 : i32
      %dma_wait3A_1201 = tpu.memref_slice %arg3[%run_scoped3A, %add3A, %dma_wait3A_1199, %dma_wait3A_1200] : memref<2x32x125x80xi32, #tpu.memory_space<hbm>> -> memref<1x1x125x80xi32, #tpu.memory_space<hbm>>
      %dma_wait3A_1202 = tpu.memref_squeeze %dma_wait3A_1201 : memref<1x1x125x80xi32, #tpu.memory_space<hbm>> -> memref<125x80xi32, #tpu.memory_space<hbm>>
      %dma_wait3A_1203 = arith.constant 0 : i32
      %dma_wait3A_1204 = arith.constant 0 : i32
      %dma_wait3A_1205 = tpu.memref_slice %arg3[%run_scoped3A, %add3A, %dma_wait3A_1203, %dma_wait3A_1204] : memref<2x32x125x80xi32, #tpu.memory_space<hbm>> -> memref<1x1x125x80xi32, #tpu.memory_space<hbm>>
      %dma_wait3A_1206 = tpu.memref_squeeze %dma_wait3A_1205 : memref<1x1x125x80xi32, #tpu.memory_space<hbm>> -> memref<125x80xi32, #tpu.memory_space<hbm>>
      tpu.wait_dma2 semaphore(%run_scoped3A_1190 : memref<!tpu.dma_semaphore, #tpu.memory_space<semaphore_mem>>) src(%dma_wait3A_1206 : memref<125x80xi32, #tpu.memory_space<hbm>>) dst(%arg9 : memref<125x80xi32, #tpu.memory_space<vmem>>)
      tpu.yield
    }) : () -> ()
    %run_scoped3A_3 = arith.constant 1 : i32
    "tpu.region"() ({
      %run_scoped3A_1190 = tpu.sem_alloc : memref<!tpu.dma_semaphore, #tpu.memory_space<semaphore_mem>>
      %dma_start3A_1191 = arith.constant 0 : i32
      %dma_start3A_1192 = arith.constant 0 : i32
      %dma_start3A_1193 = tpu.memref_slice %arg3[%run_scoped3A_3, %add3A, %dma_start3A_1191, %dma_start3A_1192] : memref<2x32x125x80xi32, #tpu.memory_space<hbm>> -> memref<1x1x125x80xi32, #tpu.memory_space<hbm>>
      %dma_start3A_1194 = tpu.memref_squeeze %dma_start3A_1193 : memref<1x1x125x80xi32, #tpu.memory_space<hbm>> -> memref<125x80xi32, #tpu.memory_space<hbm>>
      %dma_start3A_1195 = arith.constant 0 : i32
      %dma_start3A_1196 = arith.constant 0 : i32
      %dma_start3A_1197 = tpu.memref_slice %arg3[%run_scoped3A_3, %add3A, %dma_start3A_1195, %dma_start3A_1196] : memref<2x32x125x80xi32, #tpu.memory_space<hbm>> -> memref<1x1x125x80xi32, #tpu.memory_space<hbm>>
      %dma_start3A_1198 = tpu.memref_squeeze %dma_start3A_1197 : memref<1x1x125x80xi32, #tpu.memory_space<hbm>> -> memref<125x80xi32, #tpu.memory_space<hbm>>
      tpu.enqueue_dma source(%dma_start3A_1198 : memref<125x80xi32, #tpu.memory_space<hbm>>) target(%arg10 : memref<125x80xi32, #tpu.memory_space<vmem>>) target_semaphore(%run_scoped3A_1190 : memref<!tpu.dma_semaphore, #tpu.memory_space<semaphore_mem>>)
      %dma_wait3A_1199 = arith.constant 0 : i32
      %dma_wait3A_1200 = arith.constant 0 : i32
      %dma_wait3A_1201 = tpu.memref_slice %arg3[%run_scoped3A_3, %add3A, %dma_wait3A_1199, %dma_wait3A_1200] : memref<2x32x125x80xi32, #tpu.memory_space<hbm>> -> memref<1x1x125x80xi32, #tpu.memory_space<hbm>>
      %dma_wait3A_1202 = tpu.memref_squeeze %dma_wait3A_1201 : memref<1x1x125x80xi32, #tpu.memory_space<hbm>> -> memref<125x80xi32, #tpu.memory_space<hbm>>
      %dma_wait3A_1203 = arith.constant 0 : i32
      %dma_wait3A_1204 = arith.constant 0 : i32
      %dma_wait3A_1205 = tpu.memref_slice %arg3[%run_scoped3A_3, %add3A, %dma_wait3A_1203, %dma_wait3A_1204] : memref<2x32x125x80xi32, #tpu.memory_space<hbm>> -> memref<1x1x125x80xi32, #tpu.memory_space<hbm>>
      %dma_wait3A_1206 = tpu.memref_squeeze %dma_wait3A_1205 : memref<1x1x125x80xi32, #tpu.memory_space<hbm>> -> memref<125x80xi32, #tpu.memory_space<hbm>>
      tpu.wait_dma2 semaphore(%run_scoped3A_1190 : memref<!tpu.dma_semaphore, #tpu.memory_space<semaphore_mem>>) src(%dma_wait3A_1206 : memref<125x80xi32, #tpu.memory_space<hbm>>) dst(%arg10 : memref<125x80xi32, #tpu.memory_space<vmem>>)
      tpu.yield
    }) : () -> ()
    "tpu.region"() ({
      %run_scoped3A_1190 = tpu.sem_alloc : memref<!tpu.dma_semaphore, #tpu.memory_space<semaphore_mem>>
      %dma_start3A_1191 = arith.constant 0 : i32
      %dma_start3A_1192 = tpu.memref_slice %arg20[%mul3A_2, %dma_start3A_1191] : memref<10240x64xf32, #tpu.memory_space<vmem_shared>> -> memref<640x64xf32, #tpu.memory_space<vmem_shared>>
      tpu.enqueue_dma source(%arg4 : memref<640x64xf32, #tpu.memory_space<hbm>>) target(%dma_start3A_1192 : memref<640x64xf32, #tpu.memory_space<vmem_shared>>) target_semaphore(%run_scoped3A_1190 : memref<!tpu.dma_semaphore, #tpu.memory_space<semaphore_mem>>)
      %dma_wait3A_1193 = arith.constant 0 : i32
      %dma_wait3A_1194 = tpu.memref_slice %arg20[%mul3A_2, %dma_wait3A_1193] : memref<10240x64xf32, #tpu.memory_space<vmem_shared>> -> memref<640x64xf32, #tpu.memory_space<vmem_shared>>
      tpu.wait_dma2 semaphore(%run_scoped3A_1190 : memref<!tpu.dma_semaphore, #tpu.memory_space<semaphore_mem>>) src(%arg4 : memref<640x64xf32, #tpu.memory_space<hbm>>) dst(%dma_wait3A_1194 : memref<640x64xf32, #tpu.memory_space<vmem_shared>>)
      tpu.yield
    }) : () -> ()
    "tpu.region"() ({
      %run_scoped3A_1190 = tpu.sem_alloc : memref<!tpu.dma_semaphore, #tpu.memory_space<semaphore_mem>>
      %dma_start3A_1191 = arith.constant 0 : i32
      %dma_start3A_1192 = tpu.memref_slice %arg21[%mul3A_2, %dma_start3A_1191] : memref<10240x16xf32, #tpu.memory_space<vmem_shared>> -> memref<640x16xf32, #tpu.memory_space<vmem_shared>>
      tpu.enqueue_dma source(%arg5 : memref<640x16xf32, #tpu.memory_space<hbm>>) target(%dma_start3A_1192 : memref<640x16xf32, #tpu.memory_space<vmem_shared>>) target_semaphore(%run_scoped3A_1190 : memref<!tpu.dma_semaphore, #tpu.memory_space<semaphore_mem>>)
      %dma_wait3A_1193 = arith.constant 0 : i32
      %dma_wait3A_1194 = tpu.memref_slice %arg21[%mul3A_2, %dma_wait3A_1193] : memref<10240x16xf32, #tpu.memory_space<vmem_shared>> -> memref<640x16xf32, #tpu.memory_space<vmem_shared>>
      tpu.wait_dma2 semaphore(%run_scoped3A_1190 : memref<!tpu.dma_semaphore, #tpu.memory_space<semaphore_mem>>) src(%arg5 : memref<640x16xf32, #tpu.memory_space<hbm>>) dst(%dma_wait3A_1194 : memref<640x16xf32, #tpu.memory_space<vmem_shared>>)
      tpu.yield
    }) : () -> ()
    %barrier3A = arith.constant 0 : index
    tpu.barrier barrier_id(%barrier3A)
    %dma_start3A = arith.constant 0 : i32
    %dma_start3A_4 = arith.constant 0 : i32
    %dma_start3A_5 = arith.constant 0 : i32
    %dma_start3A_6 = tpu.memref_slice %arg9[%dma_start3A_4, %dma_start3A_5] : memref<125x80xi32, #tpu.memory_space<vmem>> -> memref<1x80xi32, #tpu.memory_space<vmem>>
    %dma_start3A_7 = tpu.memref_squeeze %dma_start3A_6 : memref<1x80xi32, #tpu.memory_space<vmem>> -> memref<80xi32, #tpu.memory_space<vmem>>
    %dma_start3A_8 = arith.constant 0 : i32
    %dma_start3A_9 = arith.constant 0 : i32
    %dma_start3A_10 = tpu.memref_slice %arg2[%dma_start3A, %dma_start3A_8, %dma_start3A_9] : memref<2x10000x64xf32, #tpu.memory_space<hbm>> -> memref<1x10000x64xf32, #tpu.memory_space<hbm>>
    %dma_start3A_11 = tpu.memref_squeeze %dma_start3A_10 : memref<1x10000x64xf32, #tpu.memory_space<hbm>> -> memref<10000x64xf32, #tpu.memory_space<hbm>>
    %dma_start3A_12 = arith.constant 0 : i32
    %dma_start3A_13 = arith.constant 0 : i32
    %dma_start3A_14 = tpu.memref_slice %dma_start3A_11[%dma_start3A_12, %dma_start3A_13] : memref<10000x64xf32, #tpu.memory_space<hbm>> -> memref<10000x64xf32, #tpu.memory_space<hbm>>
    tpu.enqueue_indirect_dma source(%dma_start3A_14 : memref<10000x64xf32, #tpu.memory_space<hbm>>) target(%arg11 : memref<80x64xf32, #tpu.memory_space<vmem>>) offsets(%dma_start3A_7 : memref<80xi32, #tpu.memory_space<vmem>>) semaphore(%arg22 : memref<!tpu.dma_semaphore, #tpu.memory_space<semaphore_mem>>)
    %dma_start3A_15 = arith.constant 0 : i32
    %dma_start3A_16 = arith.constant 1 : i32
    %dma_start3A_17 = arith.constant 0 : i32
    %dma_start3A_18 = tpu.memref_slice %arg9[%dma_start3A_16, %dma_start3A_17] : memref<125x80xi32, #tpu.memory_space<vmem>> -> memref<1x80xi32, #tpu.memory_space<vmem>>
    %dma_start3A_19 = tpu.memref_squeeze %dma_start3A_18 : memref<1x80xi32, #tpu.memory_space<vmem>> -> memref<80xi32, #tpu.memory_space<vmem>>
    %dma_start3A_20 = arith.constant 0 : i32
    %dma_start3A_21 = arith.constant 0 : i32
    %dma_start3A_22 = tpu.memref_slice %arg2[%dma_start3A_15, %dma_start3A_20, %dma_start3A_21] : memref<2x10000x64xf32, #tpu.memory_space<hbm>> -> memref<1x10000x64xf32, #tpu.memory_space<hbm>>
    %dma_start3A_23 = tpu.memref_squeeze %dma_start3A_22 : memref<1x10000x64xf32, #tpu.memory_space<hbm>> -> memref<10000x64xf32, #tpu.memory_space<hbm>>
    %dma_start3A_24 = arith.constant 0 : i32
    %dma_start3A_25 = arith.constant 0 : i32
    %dma_start3A_26 = tpu.memref_slice %dma_start3A_23[%dma_start3A_24, %dma_start3A_25] : memref<10000x64xf32, #tpu.memory_space<hbm>> -> memref<10000x64xf32, #tpu.memory_space<hbm>>
    tpu.enqueue_indirect_dma source(%dma_start3A_26 : memref<10000x64xf32, #tpu.memory_space<hbm>>) target(%arg12 : memref<80x64xf32, #tpu.memory_space<vmem>>) offsets(%dma_start3A_19 : memref<80xi32, #tpu.memory_space<vmem>>) semaphore(%arg23 : memref<!tpu.dma_semaphore, #tpu.memory_space<semaphore_mem>>)
    %dma_start3A_27 = arith.constant 0 : i32
    %dma_start3A_28 = arith.constant 2 : i32
    %dma_start3A_29 = arith.constant 0 : i32
    %dma_start3A_30 = tpu.memref_slice %arg9[%dma_start3A_28, %dma_start3A_29] : memref<125x80xi32, #tpu.memory_space<vmem>> -> memref<1x80xi32, #tpu.memory_space<vmem>>
    %dma_start3A_31 = tpu.memref_squeeze %dma_start3A_30 : memref<1x80xi32, #tpu.memory_space<vmem>> -> memref<80xi32, #tpu.memory_space<vmem>>
    %dma_start3A_32 = arith.constant 0 : i32
    %dma_start3A_33 = arith.constant 0 : i32
    %dma_start3A_34 = tpu.memref_slice %arg2[%dma_start3A_27, %dma_start3A_32, %dma_start3A_33] : memref<2x10000x64xf32, #tpu.memory_space<hbm>> -> memref<1x10000x64xf32, #tpu.memory_space<hbm>>
    %dma_start3A_35 = tpu.memref_squeeze %dma_start3A_34 : memref<1x10000x64xf32, #tpu.memory_space<hbm>> -> memref<10000x64xf32, #tpu.memory_space<hbm>>
    %dma_start3A_36 = arith.constant 0 : i32
    %dma_start3A_37 = arith.constant 0 : i32
    %dma_start3A_38 = tpu.memref_slice %dma_start3A_35[%dma_start3A_36, %dma_start3A_37] : memref<10000x64xf32, #tpu.memory_space<hbm>> -> memref<10000x64xf32, #tpu.memory_space<hbm>>
    tpu.enqueue_indirect_dma source(%dma_start3A_38 : memref<10000x64xf32, #tpu.memory_space<hbm>>) target(%arg13 : memref<80x64xf32, #tpu.memory_space<vmem>>) offsets(%dma_start3A_31 : memref<80xi32, #tpu.memory_space<vmem>>) semaphore(%arg24 : memref<!tpu.dma_semaphore, #tpu.memory_space<semaphore_mem>>)
    %dma_start3A_39 = arith.constant 0 : i32
    %dma_start3A_40 = arith.constant 3 : i32
    %dma_start3A_41 = arith.constant 0 : i32
    %dma_start3A_42 = tpu.memref_slice %arg9[%dma_start3A_40, %dma_start3A_41] : memref<125x80xi32, #tpu.memory_space<vmem>> -> memref<1x80xi32, #tpu.memory_space<vmem>>
    %dma_start3A_43 = tpu.memref_squeeze %dma_start3A_42 : memref<1x80xi32, #tpu.memory_space<vmem>> -> memref<80xi32, #tpu.memory_space<vmem>>
    %dma_start3A_44 = arith.constant 0 : i32
    %dma_start3A_45 = arith.constant 0 : i32
    %dma_start3A_46 = tpu.memref_slice %arg2[%dma_start3A_39, %dma_start3A_44, %dma_start3A_45] : memref<2x10000x64xf32, #tpu.memory_space<hbm>> -> memref<1x10000x64xf32, #tpu.memory_space<hbm>>
    %dma_start3A_47 = tpu.memref_squeeze %dma_start3A_46 : memref<1x10000x64xf32, #tpu.memory_space<hbm>> -> memref<10000x64xf32, #tpu.memory_space<hbm>>
    %dma_start3A_48 = arith.constant 0 : i32
    %dma_start3A_49 = arith.constant 0 : i32
    %dma_start3A_50 = tpu.memref_slice %dma_start3A_47[%dma_start3A_48, %dma_start3A_49] : memref<10000x64xf32, #tpu.memory_space<hbm>> -> memref<10000x64xf32, #tpu.memory_space<hbm>>
    tpu.enqueue_indirect_dma source(%dma_start3A_50 : memref<10000x64xf32, #tpu.memory_space<hbm>>) target(%arg14 : memref<80x64xf32, #tpu.memory_space<vmem>>) offsets(%dma_start3A_43 : memref<80xi32, #tpu.memory_space<vmem>>) semaphore(%arg25 : memref<!tpu.dma_semaphore, #tpu.memory_space<semaphore_mem>>)
    %dma_start3A_51 = arith.constant 0 : i32
    %dma_start3A_52 = arith.constant 4 : i32
    %dma_start3A_53 = arith.constant 0 : i32
    %dma_start3A_54 = tpu.memref_slice %arg9[%dma_start3A_52, %dma_start3A_53] : memref<125x80xi32, #tpu.memory_space<vmem>> -> memref<1x80xi32, #tpu.memory_space<vmem>>
    %dma_start3A_55 = tpu.memref_squeeze %dma_start3A_54 : memref<1x80xi32, #tpu.memory_space<vmem>> -> memref<80xi32, #tpu.memory_space<vmem>>
    %dma_start3A_56 = arith.constant 0 : i32
    %dma_start3A_57 = arith.constant 0 : i32
    %dma_start3A_58 = tpu.memref_slice %arg2[%dma_start3A_51, %dma_start3A_56, %dma_start3A_57] : memref<2x10000x64xf32, #tpu.memory_space<hbm>> -> memref<1x10000x64xf32, #tpu.memory_space<hbm>>
    %dma_start3A_59 = tpu.memref_squeeze %dma_start3A_58 : memref<1x10000x64xf32, #tpu.memory_space<hbm>> -> memref<10000x64xf32, #tpu.memory_space<hbm>>
    %dma_start3A_60 = arith.constant 0 : i32
    %dma_start3A_61 = arith.constant 0 : i32
    %dma_start3A_62 = tpu.memref_slice %dma_start3A_59[%dma_start3A_60, %dma_start3A_61] : memref<10000x64xf32, #tpu.memory_space<hbm>> -> memref<10000x64xf32, #tpu.memory_space<hbm>>
    tpu.enqueue_indirect_dma source(%dma_start3A_62 : memref<10000x64xf32, #tpu.memory_space<hbm>>) target(%arg15 : memref<80x64xf32, #tpu.memory_space<vmem>>) offsets(%dma_start3A_55 : memref<80xi32, #tpu.memory_space<vmem>>) semaphore(%arg26 : memref<!tpu.dma_semaphore, #tpu.memory_space<semaphore_mem>>)
    %dma_start3A_63 = arith.constant 0 : i32
    %dma_start3A_64 = arith.constant 5 : i32
    %dma_start3A_65 = arith.constant 0 : i32
    %dma_start3A_66 = tpu.memref_slice %arg9[%dma_start3A_64, %dma_start3A_65] : memref<125x80xi32, #tpu.memory_space<vmem>> -> memref<1x80xi32, #tpu.memory_space<vmem>>
    %dma_start3A_67 = tpu.memref_squeeze %dma_start3A_66 : memref<1x80xi32, #tpu.memory_space<vmem>> -> memref<80xi32, #tpu.memory_space<vmem>>
    %dma_start3A_68 = arith.constant 0 : i32
    %dma_start3A_69 = arith.constant 0 : i32
    %dma_start3A_70 = tpu.memref_slice %arg2[%dma_start3A_63, %dma_start3A_68, %dma_start3A_69] : memref<2x10000x64xf32, #tpu.memory_space<hbm>> -> memref<1x10000x64xf32, #tpu.memory_space<hbm>>
    %dma_start3A_71 = tpu.memref_squeeze %dma_start3A_70 : memref<1x10000x64xf32, #tpu.memory_space<hbm>> -> memref<10000x64xf32, #tpu.memory_space<hbm>>
    %dma_start3A_72 = arith.constant 0 : i32
    %dma_start3A_73 = arith.constant 0 : i32
    %dma_start3A_74 = tpu.memref_slice %dma_start3A_71[%dma_start3A_72, %dma_start3A_73] : memref<10000x64xf32, #tpu.memory_space<hbm>> -> memref<10000x64xf32, #tpu.memory_space<hbm>>
    tpu.enqueue_indirect_dma source(%dma_start3A_74 : memref<10000x64xf32, #tpu.memory_space<hbm>>) target(%arg16 : memref<80x64xf32, #tpu.memory_space<vmem>>) offsets(%dma_start3A_67 : memref<80xi32, #tpu.memory_space<vmem>>) semaphore(%arg27 : memref<!tpu.dma_semaphore, #tpu.memory_space<semaphore_mem>>)
    %dma_start3A_75 = arith.constant 0 : i32
    %dma_start3A_76 = arith.constant 6 : i32
    %dma_start3A_77 = arith.constant 0 : i32
    %dma_start3A_78 = tpu.memref_slice %arg9[%dma_start3A_76, %dma_start3A_77] : memref<125x80xi32, #tpu.memory_space<vmem>> -> memref<1x80xi32, #tpu.memory_space<vmem>>
    %dma_start3A_79 = tpu.memref_squeeze %dma_start3A_78 : memref<1x80xi32, #tpu.memory_space<vmem>> -> memref<80xi32, #tpu.memory_space<vmem>>
    %dma_start3A_80 = arith.constant 0 : i32
    %dma_start3A_81 = arith.constant 0 : i32
    %dma_start3A_82 = tpu.memref_slice %arg2[%dma_start3A_75, %dma_start3A_80, %dma_start3A_81] : memref<2x10000x64xf32, #tpu.memory_space<hbm>> -> memref<1x10000x64xf32, #tpu.memory_space<hbm>>
    %dma_start3A_83 = tpu.memref_squeeze %dma_start3A_82 : memref<1x10000x64xf32, #tpu.memory_space<hbm>> -> memref<10000x64xf32, #tpu.memory_space<hbm>>
    %dma_start3A_84 = arith.constant 0 : i32
    %dma_start3A_85 = arith.constant 0 : i32
    %dma_start3A_86 = tpu.memref_slice %dma_start3A_83[%dma_start3A_84, %dma_start3A_85] : memref<10000x64xf32, #tpu.memory_space<hbm>> -> memref<10000x64xf32, #tpu.memory_space<hbm>>
    tpu.enqueue_indirect_dma source(%dma_start3A_86 : memref<10000x64xf32, #tpu.memory_space<hbm>>) target(%arg17 : memref<80x64xf32, #tpu.memory_space<vmem>>) offsets(%dma_start3A_79 : memref<80xi32, #tpu.memory_space<vmem>>) semaphore(%arg28 : memref<!tpu.dma_semaphore, #tpu.memory_space<semaphore_mem>>)
    %dma_start3A_87 = arith.constant 0 : i32
    %dma_start3A_88 = arith.constant 7 : i32
    %dma_start3A_89 = arith.constant 0 : i32
    %dma_start3A_90 = tpu.memref_slice %arg9[%dma_start3A_88, %dma_start3A_89] : memref<125x80xi32, #tpu.memory_space<vmem>> -> memref<1x80xi32, #tpu.memory_space<vmem>>
    %dma_start3A_91 = tpu.memref_squeeze %dma_start3A_90 : memref<1x80xi32, #tpu.memory_space<vmem>> -> memref<80xi32, #tpu.memory_space<vmem>>
    %dma_start3A_92 = arith.constant 0 : i32
    %dma_start3A_93 = arith.constant 0 : i32
    %dma_start3A_94 = tpu.memref_slice %arg2[%dma_start3A_87, %dma_start3A_92, %dma_start3A_93] : memref<2x10000x64xf32, #tpu.memory_space<hbm>> -> memref<1x10000x64xf32, #tpu.memory_space<hbm>>
    %dma_start3A_95 = tpu.memref_squeeze %dma_start3A_94 : memref<1x10000x64xf32, #tpu.memory_space<hbm>> -> memref<10000x64xf32, #tpu.memory_space<hbm>>
    %dma_start3A_96 = arith.constant 0 : i32
    %dma_start3A_97 = arith.constant 0 : i32
    %dma_start3A_98 = tpu.memref_slice %dma_start3A_95[%dma_start3A_96, %dma_start3A_97] : memref<10000x64xf32, #tpu.memory_space<hbm>> -> memref<10000x64xf32, #tpu.memory_space<hbm>>
    tpu.enqueue_indirect_dma source(%dma_start3A_98 : memref<10000x64xf32, #tpu.memory_space<hbm>>) target(%arg18 : memref<80x64xf32, #tpu.memory_space<vmem>>) offsets(%dma_start3A_91 : memref<80xi32, #tpu.memory_space<vmem>>) semaphore(%arg29 : memref<!tpu.dma_semaphore, #tpu.memory_space<semaphore_mem>>)
    %scan3A = arith.constant 0 : i32
    %scan3A_99 = arith.constant 0 : i32
    %scan3A_100 = arith.constant 0 : i32
    %scan3A_101 = arith.constant 14 : i32
    %scan3A_102 = arith.addi %scan3A_100, %scan3A_101 : i32
    %scan3A_103 = arith.constant 1 : i32
    scf.for %scan3A_1190 = %scan3A_100 to %scan3A_102 step %scan3A_103  : i32 {
      %mul3A_1191 = arith.constant 8 : i32
      %mul3A_1192 = arith.muli %mul3A_1191, %scan3A_1190 : i32
      %add3A_1193 = arith.constant 0 : i32
      %add3A_1194 = arith.addi %mul3A_1192, %add3A_1193 : i32
      %dma_wait3A_1195 = arith.constant 0 : i32
      %dma_wait3A_1196 = tpu.memref_slice %arg9[%add3A_1194, %dma_wait3A_1195] : memref<125x80xi32, #tpu.memory_space<vmem>> -> memref<1x80xi32, #tpu.memory_space<vmem>>
      %dma_wait3A_1197 = tpu.memref_squeeze %dma_wait3A_1196 : memref<1x80xi32, #tpu.memory_space<vmem>> -> memref<80xi32, #tpu.memory_space<vmem>>
      %dma_wait3A_1198 = arith.constant 0 : i32
      %dma_wait3A_1199 = arith.constant 0 : i32
      %dma_wait3A_1200 = tpu.memref_slice %arg2[%scan3A_99, %dma_wait3A_1198, %dma_wait3A_1199] : memref<2x10000x64xf32, #tpu.memory_space<hbm>> -> memref<1x10000x64xf32, #tpu.memory_space<hbm>>
      %dma_wait3A_1201 = tpu.memref_squeeze %dma_wait3A_1200 : memref<1x10000x64xf32, #tpu.memory_space<hbm>> -> memref<10000x64xf32, #tpu.memory_space<hbm>>
      %dma_wait3A_1202 = arith.constant 0 : i32
      %dma_wait3A_1203 = arith.constant 0 : i32
      %dma_wait3A_1204 = tpu.memref_slice %dma_wait3A_1201[%dma_wait3A_1202, %dma_wait3A_1203] : memref<10000x64xf32, #tpu.memory_space<hbm>> -> memref<10000x64xf32, #tpu.memory_space<hbm>>
      tpu.wait_indirect_dma semaphore(%arg22 : memref<!tpu.dma_semaphore, #tpu.memory_space<semaphore_mem>>) src(%dma_wait3A_1204 : memref<10000x64xf32, #tpu.memory_space<hbm>>) dst(%arg11 : memref<80x64xf32, #tpu.memory_space<vmem>>)
      %add3A_1205 = arith.constant 0 : i32
      %add3A_1206 = arith.addi %mul3A_1192, %add3A_1205 : i32
      %dma_start3A_1207 = arith.constant 0 : i32
      %dma_start3A_1208 = tpu.memref_slice %arg10[%add3A_1206, %dma_start3A_1207] : memref<125x80xi32, #tpu.memory_space<vmem>> -> memref<1x80xi32, #tpu.memory_space<vmem>>
      %dma_start3A_1209 = tpu.memref_squeeze %dma_start3A_1208 : memref<1x80xi32, #tpu.memory_space<vmem>> -> memref<80xi32, #tpu.memory_space<vmem>>
      %dma_start3A_1210 = arith.constant 0 : i32
      %dma_start3A_1211 = arith.constant 0 : i32
      %dma_start3A_1212 = tpu.memref_slice %arg20[%dma_start3A_1210, %dma_start3A_1211] : memref<10240x64xf32, #tpu.memory_space<vmem_shared>> -> memref<10240x64xf32, #tpu.memory_space<vmem_shared>>
      tpu.enqueue_indirect_dma source(%arg11 : memref<80x64xf32, #tpu.memory_space<vmem>>) target(%dma_start3A_1212 : memref<10240x64xf32, #tpu.memory_space<vmem_shared>>) offsets(%dma_start3A_1209 : memref<80xi32, #tpu.memory_space<vmem>>) semaphore(%arg30 : memref<!tpu.dma_semaphore, #tpu.memory_space<semaphore_mem>>) {add = true}
      %dma_start3A_1213 = arith.constant 0 : i32
      %dma_start3A_1214 = tpu.memref_slice %arg10[%add3A_1206, %dma_start3A_1213] : memref<125x80xi32, #tpu.memory_space<vmem>> -> memref<1x80xi32, #tpu.memory_space<vmem>>
      %dma_start3A_1215 = tpu.memref_squeeze %dma_start3A_1214 : memref<1x80xi32, #tpu.memory_space<vmem>> -> memref<80xi32, #tpu.memory_space<vmem>>
      %dma_start3A_1216 = arith.constant 0 : i32
      %dma_start3A_1217 = arith.constant 0 : i32
      %dma_start3A_1218 = tpu.memref_slice %arg21[%dma_start3A_1216, %dma_start3A_1217] : memref<10240x16xf32, #tpu.memory_space<vmem_shared>> -> memref<10240x16xf32, #tpu.memory_space<vmem_shared>>
      tpu.enqueue_indirect_dma source(%arg19 : memref<80x16xf32, #tpu.memory_space<vmem>>) target(%dma_start3A_1218 : memref<10240x16xf32, #tpu.memory_space<vmem_shared>>) offsets(%dma_start3A_1215 : memref<80xi32, #tpu.memory_space<vmem>>) semaphore(%arg30 : memref<!tpu.dma_semaphore, #tpu.memory_space<semaphore_mem>>) {add = true}
      %add3A_1219 = arith.constant 1 : i32
      %add3A_1220 = arith.addi %mul3A_1192, %add3A_1219 : i32
      %dma_wait3A_1221 = arith.constant 0 : i32
      %dma_wait3A_1222 = tpu.memref_slice %arg9[%add3A_1220, %dma_wait3A_1221] : memref<125x80xi32, #tpu.memory_space<vmem>> -> memref<1x80xi32, #tpu.memory_space<vmem>>
      %dma_wait3A_1223 = tpu.memref_squeeze %dma_wait3A_1222 : memref<1x80xi32, #tpu.memory_space<vmem>> -> memref<80xi32, #tpu.memory_space<vmem>>
      %dma_wait3A_1224 = arith.constant 0 : i32
      %dma_wait3A_1225 = arith.constant 0 : i32
      %dma_wait3A_1226 = tpu.memref_slice %arg2[%scan3A_99, %dma_wait3A_1224, %dma_wait3A_1225] : memref<2x10000x64xf32, #tpu.memory_space<hbm>> -> memref<1x10000x64xf32, #tpu.memory_space<hbm>>
      %dma_wait3A_1227 = tpu.memref_squeeze %dma_wait3A_1226 : memref<1x10000x64xf32, #tpu.memory_space<hbm>> -> memref<10000x64xf32, #tpu.memory_space<hbm>>
      %dma_wait3A_1228 = arith.constant 0 : i32
      %dma_wait3A_1229 = arith.constant 0 : i32
      %dma_wait3A_1230 = tpu.memref_slice %dma_wait3A_1227[%dma_wait3A_1228, %dma_wait3A_1229] : memref<10000x64xf32, #tpu.memory_space<hbm>> -> memref<10000x64xf32, #tpu.memory_space<hbm>>
      tpu.wait_indirect_dma semaphore(%arg23 : memref<!tpu.dma_semaphore, #tpu.memory_space<semaphore_mem>>) src(%dma_wait3A_1230 : memref<10000x64xf32, #tpu.memory_space<hbm>>) dst(%arg12 : memref<80x64xf32, #tpu.memory_space<vmem>>)
      %add3A_1231 = arith.constant 1 : i32
      %add3A_1232 = arith.addi %mul3A_1192, %add3A_1231 : i32
      %dma_start3A_1233 = arith.constant 0 : i32
      %dma_start3A_1234 = tpu.memref_slice %arg10[%add3A_1232, %dma_start3A_1233] : memref<125x80xi32, #tpu.memory_space<vmem>> -> memref<1x80xi32, #tpu.memory_space<vmem>>
      %dma_start3A_1235 = tpu.memref_squeeze %dma_start3A_1234 : memref<1x80xi32, #tpu.memory_space<vmem>> -> memref<80xi32, #tpu.memory_space<vmem>>
      %dma_start3A_1236 = arith.constant 0 : i32
      %dma_start3A_1237 = arith.constant 0 : i32
      %dma_start3A_1238 = tpu.memref_slice %arg20[%dma_start3A_1236, %dma_start3A_1237] : memref<10240x64xf32, #tpu.memory_space<vmem_shared>> -> memref<10240x64xf32, #tpu.memory_space<vmem_shared>>
      tpu.enqueue_indirect_dma source(%arg12 : memref<80x64xf32, #tpu.memory_space<vmem>>) target(%dma_start3A_1238 : memref<10240x64xf32, #tpu.memory_space<vmem_shared>>) offsets(%dma_start3A_1235 : memref<80xi32, #tpu.memory_space<vmem>>) semaphore(%arg31 : memref<!tpu.dma_semaphore, #tpu.memory_space<semaphore_mem>>) {add = true}
      %dma_start3A_1239 = arith.constant 0 : i32
      %dma_start3A_1240 = tpu.memref_slice %arg10[%add3A_1232, %dma_start3A_1239] : memref<125x80xi32, #tpu.memory_space<vmem>> -> memref<1x80xi32, #tpu.memory_space<vmem>>
      %dma_start3A_1241 = tpu.memref_squeeze %dma_start3A_1240 : memref<1x80xi32, #tpu.memory_space<vmem>> -> memref<80xi32, #tpu.memory_space<vmem>>
      %dma_start3A_1242 = arith.constant 0 : i32
      %dma_start3A_1243 = arith.constant 0 : i32
      %dma_start3A_1244 = tpu.memref_slice %arg21[%dma_start3A_1242, %dma_start3A_1243] : memref<10240x16xf32, #tpu.memory_space<vmem_shared>> -> memref<10240x16xf32, #tpu.memory_space<vmem_shared>>
      tpu.enqueue_indirect_dma source(%arg19 : memref<80x16xf32, #tpu.memory_space<vmem>>) target(%dma_start3A_1244 : memref<10240x16xf32, #tpu.memory_space<vmem_shared>>) offsets(%dma_start3A_1241 : memref<80xi32, #tpu.memory_space<vmem>>) semaphore(%arg31 : memref<!tpu.dma_semaphore, #tpu.memory_space<semaphore_mem>>) {add = true}
      %add3A_1245 = arith.constant 1 : i32
      %add3A_1246 = arith.addi %mul3A_1192, %add3A_1245 : i32
      %sub3A = arith.constant 1 : i32
      %sub3A_1247 = arith.subi %add3A_1246, %sub3A : i32
      %dma_wait3A_1248 = arith.constant 0 : i32
      %dma_wait3A_1249 = tpu.memref_slice %arg10[%sub3A_1247, %dma_wait3A_1248] : memref<125x80xi32, #tpu.memory_space<vmem>> -> memref<1x80xi32, #tpu.memory_space<vmem>>
      %dma_wait3A_1250 = tpu.memref_squeeze %dma_wait3A_1249 : memref<1x80xi32, #tpu.memory_space<vmem>> -> memref<80xi32, #tpu.memory_space<vmem>>
      %dma_wait3A_1251 = arith.constant 0 : i32
      %dma_wait3A_1252 = arith.constant 0 : i32
      %dma_wait3A_1253 = tpu.memref_slice %arg20[%dma_wait3A_1251, %dma_wait3A_1252] : memref<10240x64xf32, #tpu.memory_space<vmem_shared>> -> memref<10240x64xf32, #tpu.memory_space<vmem_shared>>
      tpu.wait_indirect_dma semaphore(%arg30 : memref<!tpu.dma_semaphore, #tpu.memory_space<semaphore_mem>>) src(%arg11 : memref<80x64xf32, #tpu.memory_space<vmem>>) dst(%dma_wait3A_1253 : memref<10240x64xf32, #tpu.memory_space<vmem_shared>>)
      %dma_wait3A_1254 = arith.constant 0 : i32
      %dma_wait3A_1255 = tpu.memref_slice %arg10[%sub3A_1247, %dma_wait3A_1254] : memref<125x80xi32, #tpu.memory_space<vmem>> -> memref<1x80xi32, #tpu.memory_space<vmem>>
      %dma_wait3A_1256 = tpu.memref_squeeze %dma_wait3A_1255 : memref<1x80xi32, #tpu.memory_space<vmem>> -> memref<80xi32, #tpu.memory_space<vmem>>
      %dma_wait3A_1257 = arith.constant 0 : i32
      %dma_wait3A_1258 = arith.constant 0 : i32
      %dma_wait3A_1259 = tpu.memref_slice %arg21[%dma_wait3A_1257, %dma_wait3A_1258] : memref<10240x16xf32, #tpu.memory_space<vmem_shared>> -> memref<10240x16xf32, #tpu.memory_space<vmem_shared>>
      tpu.wait_indirect_dma semaphore(%arg30 : memref<!tpu.dma_semaphore, #tpu.memory_space<semaphore_mem>>) src(%arg19 : memref<80x16xf32, #tpu.memory_space<vmem>>) dst(%dma_wait3A_1259 : memref<10240x16xf32, #tpu.memory_space<vmem_shared>>)
      %add3A_1260 = arith.constant 1 : i32
      %add3A_1261 = arith.addi %mul3A_1192, %add3A_1260 : i32
      %sub3A_1262 = arith.constant 1 : i32
      %sub3A_1263 = arith.subi %add3A_1261, %sub3A_1262 : i32
      %add3A_1264 = arith.constant 8 : i32
      %add3A_1265 = arith.addi %sub3A_1263, %add3A_1264 : i32
      %dma_start3A_1266 = arith.constant 0 : i32
      %dma_start3A_1267 = tpu.memref_slice %arg9[%add3A_1265, %dma_start3A_1266] : memref<125x80xi32, #tpu.memory_space<vmem>> -> memref<1x80xi32, #tpu.memory_space<vmem>>
      %dma_start3A_1268 = tpu.memref_squeeze %dma_start3A_1267 : memref<1x80xi32, #tpu.memory_space<vmem>> -> memref<80xi32, #tpu.memory_space<vmem>>
      %dma_start3A_1269 = arith.constant 0 : i32
      %dma_start3A_1270 = arith.constant 0 : i32
      %dma_start3A_1271 = tpu.memref_slice %arg2[%scan3A_99, %dma_start3A_1269, %dma_start3A_1270] : memref<2x10000x64xf32, #tpu.memory_space<hbm>> -> memref<1x10000x64xf32, #tpu.memory_space<hbm>>
      %dma_start3A_1272 = tpu.memref_squeeze %dma_start3A_1271 : memref<1x10000x64xf32, #tpu.memory_space<hbm>> -> memref<10000x64xf32, #tpu.memory_space<hbm>>
      %dma_start3A_1273 = arith.constant 0 : i32
      %dma_start3A_1274 = arith.constant 0 : i32
      %dma_start3A_1275 = tpu.memref_slice %dma_start3A_1272[%dma_start3A_1273, %dma_start3A_1274] : memref<10000x64xf32, #tpu.memory_space<hbm>> -> memref<10000x64xf32, #tpu.memory_space<hbm>>
      tpu.enqueue_indirect_dma source(%dma_start3A_1275 : memref<10000x64xf32, #tpu.memory_space<hbm>>) target(%arg11 : memref<80x64xf32, #tpu.memory_space<vmem>>) offsets(%dma_start3A_1268 : memref<80xi32, #tpu.memory_space<vmem>>) semaphore(%arg22 : memref<!tpu.dma_semaphore, #tpu.memory_space<semaphore_mem>>)
      %add3A_1276 = arith.constant 2 : i32
      %add3A_1277 = arith.addi %mul3A_1192, %add3A_1276 : i32
      %dma_wait3A_1278 = arith.constant 0 : i32
      %dma_wait3A_1279 = tpu.memref_slice %arg9[%add3A_1277, %dma_wait3A_1278] : memref<125x80xi32, #tpu.memory_space<vmem>> -> memref<1x80xi32, #tpu.memory_space<vmem>>
      %dma_wait3A_1280 = tpu.memref_squeeze %dma_wait3A_1279 : memref<1x80xi32, #tpu.memory_space<vmem>> -> memref<80xi32, #tpu.memory_space<vmem>>
      %dma_wait3A_1281 = arith.constant 0 : i32
      %dma_wait3A_1282 = arith.constant 0 : i32
      %dma_wait3A_1283 = tpu.memref_slice %arg2[%scan3A_99, %dma_wait3A_1281, %dma_wait3A_1282] : memref<2x10000x64xf32, #tpu.memory_space<hbm>> -> memref<1x10000x64xf32, #tpu.memory_space<hbm>>
      %dma_wait3A_1284 = tpu.memref_squeeze %dma_wait3A_1283 : memref<1x10000x64xf32, #tpu.memory_space<hbm>> -> memref<10000x64xf32, #tpu.memory_space<hbm>>
      %dma_wait3A_1285 = arith.constant 0 : i32
      %dma_wait3A_1286 = arith.constant 0 : i32
      %dma_wait3A_1287 = tpu.memref_slice %dma_wait3A_1284[%dma_wait3A_1285, %dma_wait3A_1286] : memref<10000x64xf32, #tpu.memory_space<hbm>> -> memref<10000x64xf32, #tpu.memory_space<hbm>>
      tpu.wait_indirect_dma semaphore(%arg24 : memref<!tpu.dma_semaphore, #tpu.memory_space<semaphore_mem>>) src(%dma_wait3A_1287 : memref<10000x64xf32, #tpu.memory_space<hbm>>) dst(%arg13 : memref<80x64xf32, #tpu.memory_space<vmem>>)
      %add3A_1288 = arith.constant 2 : i32
      %add3A_1289 = arith.addi %mul3A_1192, %add3A_1288 : i32
      %dma_start3A_1290 = arith.constant 0 : i32
      %dma_start3A_1291 = tpu.memref_slice %arg10[%add3A_1289, %dma_start3A_1290] : memref<125x80xi32, #tpu.memory_space<vmem>> -> memref<1x80xi32, #tpu.memory_space<vmem>>
      %dma_start3A_1292 = tpu.memref_squeeze %dma_start3A_1291 : memref<1x80xi32, #tpu.memory_space<vmem>> -> memref<80xi32, #tpu.memory_space<vmem>>
      %dma_start3A_1293 = arith.constant 0 : i32
      %dma_start3A_1294 = arith.constant 0 : i32
      %dma_start3A_1295 = tpu.memref_slice %arg20[%dma_start3A_1293, %dma_start3A_1294] : memref<10240x64xf32, #tpu.memory_space<vmem_shared>> -> memref<10240x64xf32, #tpu.memory_space<vmem_shared>>
      tpu.enqueue_indirect_dma source(%arg13 : memref<80x64xf32, #tpu.memory_space<vmem>>) target(%dma_start3A_1295 : memref<10240x64xf32, #tpu.memory_space<vmem_shared>>) offsets(%dma_start3A_1292 : memref<80xi32, #tpu.memory_space<vmem>>) semaphore(%arg32 : memref<!tpu.dma_semaphore, #tpu.memory_space<semaphore_mem>>) {add = true}
      %dma_start3A_1296 = arith.constant 0 : i32
      %dma_start3A_1297 = tpu.memref_slice %arg10[%add3A_1289, %dma_start3A_1296] : memref<125x80xi32, #tpu.memory_space<vmem>> -> memref<1x80xi32, #tpu.memory_space<vmem>>
      %dma_start3A_1298 = tpu.memref_squeeze %dma_start3A_1297 : memref<1x80xi32, #tpu.memory_space<vmem>> -> memref<80xi32, #tpu.memory_space<vmem>>
      %dma_start3A_1299 = arith.constant 0 : i32
      %dma_start3A_1300 = arith.constant 0 : i32
      %dma_start3A_1301 = tpu.memref_slice %arg21[%dma_start3A_1299, %dma_start3A_1300] : memref<10240x16xf32, #tpu.memory_space<vmem_shared>> -> memref<10240x16xf32, #tpu.memory_space<vmem_shared>>
      tpu.enqueue_indirect_dma source(%arg19 : memref<80x16xf32, #tpu.memory_space<vmem>>) target(%dma_start3A_1301 : memref<10240x16xf32, #tpu.memory_space<vmem_shared>>) offsets(%dma_start3A_1298 : memref<80xi32, #tpu.memory_space<vmem>>) semaphore(%arg32 : memref<!tpu.dma_semaphore, #tpu.memory_space<semaphore_mem>>) {add = true}
      %add3A_1302 = arith.constant 2 : i32
      %add3A_1303 = arith.addi %mul3A_1192, %add3A_1302 : i32
      %sub3A_1304 = arith.constant 1 : i32
      %sub3A_1305 = arith.subi %add3A_1303, %sub3A_1304 : i32
      %dma_wait3A_1306 = arith.constant 0 : i32
      %dma_wait3A_1307 = tpu.memref_slice %arg10[%sub3A_1305, %dma_wait3A_1306] : memref<125x80xi32, #tpu.memory_space<vmem>> -> memref<1x80xi32, #tpu.memory_space<vmem>>
      %dma_wait3A_1308 = tpu.memref_squeeze %dma_wait3A_1307 : memref<1x80xi32, #tpu.memory_space<vmem>> -> memref<80xi32, #tpu.memory_space<vmem>>
      %dma_wait3A_1309 = arith.constant 0 : i32
      %dma_wait3A_1310 = arith.constant 0 : i32
      %dma_wait3A_1311 = tpu.memref_slice %arg20[%dma_wait3A_1309, %dma_wait3A_1310] : memref<10240x64xf32, #tpu.memory_space<vmem_shared>> -> memref<10240x64xf32, #tpu.memory_space<vmem_shared>>
      tpu.wait_indirect_dma semaphore(%arg31 : memref<!tpu.dma_semaphore, #tpu.memory_space<semaphore_mem>>) src(%arg12 : memref<80x64xf32, #tpu.memory_space<vmem>>) dst(%dma_wait3A_1311 : memref<10240x64xf32, #tpu.memory_space<vmem_shared>>)
      %dma_wait3A_1312 = arith.constant 0 : i32
      %dma_wait3A_1313 = tpu.memref_slice %arg10[%sub3A_1305, %dma_wait3A_1312] : memref<125x80xi32, #tpu.memory_space<vmem>> -> memref<1x80xi32, #tpu.memory_space<vmem>>
      %dma_wait3A_1314 = tpu.memref_squeeze %dma_wait3A_1313 : memref<1x80xi32, #tpu.memory_space<vmem>> -> memref<80xi32, #tpu.memory_space<vmem>>
      %dma_wait3A_1315 = arith.constant 0 : i32
      %dma_wait3A_1316 = arith.constant 0 : i32
      %dma_wait3A_1317 = tpu.memref_slice %arg21[%dma_wait3A_1315, %dma_wait3A_1316] : memref<10240x16xf32, #tpu.memory_space<vmem_shared>> -> memref<10240x16xf32, #tpu.memory_space<vmem_shared>>
      tpu.wait_indirect_dma semaphore(%arg31 : memref<!tpu.dma_semaphore, #tpu.memory_space<semaphore_mem>>) src(%arg19 : memref<80x16xf32, #tpu.memory_space<vmem>>) dst(%dma_wait3A_1317 : memref<10240x16xf32, #tpu.memory_space<vmem_shared>>)
      %add3A_1318 = arith.constant 2 : i32
      %add3A_1319 = arith.addi %mul3A_1192, %add3A_1318 : i32
      %sub3A_1320 = arith.constant 1 : i32
      %sub3A_1321 = arith.subi %add3A_1319, %sub3A_1320 : i32
      %add3A_1322 = arith.constant 8 : i32
      %add3A_1323 = arith.addi %sub3A_1321, %add3A_1322 : i32
      %dma_start3A_1324 = arith.constant 0 : i32
      %dma_start3A_1325 = tpu.memref_slice %arg9[%add3A_1323, %dma_start3A_1324] : memref<125x80xi32, #tpu.memory_space<vmem>> -> memref<1x80xi32, #tpu.memory_space<vmem>>
      %dma_start3A_1326 = tpu.memref_squeeze %dma_start3A_1325 : memref<1x80xi32, #tpu.memory_space<vmem>> -> memref<80xi32, #tpu.memory_space<vmem>>
      %dma_start3A_1327 = arith.constant 0 : i32
      %dma_start3A_1328 = arith.constant 0 : i32
      %dma_start3A_1329 = tpu.memref_slice %arg2[%scan3A_99, %dma_start3A_1327, %dma_start3A_1328] : memref<2x10000x64xf32, #tpu.memory_space<hbm>> -> memref<1x10000x64xf32, #tpu.memory_space<hbm>>
      %dma_start3A_1330 = tpu.memref_squeeze %dma_start3A_1329 : memref<1x10000x64xf32, #tpu.memory_space<hbm>> -> memref<10000x64xf32, #tpu.memory_space<hbm>>
      %dma_start3A_1331 = arith.constant 0 : i32
      %dma_start3A_1332 = arith.constant 0 : i32
      %dma_start3A_1333 = tpu.memref_slice %dma_start3A_1330[%dma_start3A_1331, %dma_start3A_1332] : memref<10000x64xf32, #tpu.memory_space<hbm>> -> memref<10000x64xf32, #tpu.memory_space<hbm>>
      tpu.enqueue_indirect_dma source(%dma_start3A_1333 : memref<10000x64xf32, #tpu.memory_space<hbm>>) target(%arg12 : memref<80x64xf32, #tpu.memory_space<vmem>>) offsets(%dma_start3A_1326 : memref<80xi32, #tpu.memory_space<vmem>>) semaphore(%arg23 : memref<!tpu.dma_semaphore, #tpu.memory_space<semaphore_mem>>)
      %add3A_1334 = arith.constant 3 : i32
      %add3A_1335 = arith.addi %mul3A_1192, %add3A_1334 : i32
      %dma_wait3A_1336 = arith.constant 0 : i32
      %dma_wait3A_1337 = tpu.memref_slice %arg9[%add3A_1335, %dma_wait3A_1336] : memref<125x80xi32, #tpu.memory_space<vmem>> -> memref<1x80xi32, #tpu.memory_space<vmem>>
      %dma_wait3A_1338 = tpu.memref_squeeze %dma_wait3A_1337 : memref<1x80xi32, #tpu.memory_space<vmem>> -> memref<80xi32, #tpu.memory_space<vmem>>
      %dma_wait3A_1339 = arith.constant 0 : i32
      %dma_wait3A_1340 = arith.constant 0 : i32
      %dma_wait3A_1341 = tpu.memref_slice %arg2[%scan3A_99, %dma_wait3A_1339, %dma_wait3A_1340] : memref<2x10000x64xf32, #tpu.memory_space<hbm>> -> memref<1x10000x64xf32, #tpu.memory_space<hbm>>
      %dma_wait3A_1342 = tpu.memref_squeeze %dma_wait3A_1341 : memref<1x10000x64xf32, #tpu.memory_space<hbm>> -> memref<10000x64xf32, #tpu.memory_space<hbm>>
      %dma_wait3A_1343 = arith.constant 0 : i32
      %dma_wait3A_1344 = arith.constant 0 : i32
      %dma_wait3A_1345 = tpu.memref_slice %dma_wait3A_1342[%dma_wait3A_1343, %dma_wait3A_1344] : memref<10000x64xf32, #tpu.memory_space<hbm>> -> memref<10000x64xf32, #tpu.memory_space<hbm>>
      tpu.wait_indirect_dma semaphore(%arg25 : memref<!tpu.dma_semaphore, #tpu.memory_space<semaphore_mem>>) src(%dma_wait3A_1345 : memref<10000x64xf32, #tpu.memory_space<hbm>>) dst(%arg14 : memref<80x64xf32, #tpu.memory_space<vmem>>)
      %add3A_1346 = arith.constant 3 : i32
      %add3A_1347 = arith.addi %mul3A_1192, %add3A_1346 : i32
      %dma_start3A_1348 = arith.constant 0 : i32
      %dma_start3A_1349 = tpu.memref_slice %arg10[%add3A_1347, %dma_start3A_1348] : memref<125x80xi32, #tpu.memory_space<vmem>> -> memref<1x80xi32, #tpu.memory_space<vmem>>
      %dma_start3A_1350 = tpu.memref_squeeze %dma_start3A_1349 : memref<1x80xi32, #tpu.memory_space<vmem>> -> memref<80xi32, #tpu.memory_space<vmem>>
      %dma_start3A_1351 = arith.constant 0 : i32
      %dma_start3A_1352 = arith.constant 0 : i32
      %dma_start3A_1353 = tpu.memref_slice %arg20[%dma_start3A_1351, %dma_start3A_1352] : memref<10240x64xf32, #tpu.memory_space<vmem_shared>> -> memref<10240x64xf32, #tpu.memory_space<vmem_shared>>
      tpu.enqueue_indirect_dma source(%arg14 : memref<80x64xf32, #tpu.memory_space<vmem>>) target(%dma_start3A_1353 : memref<10240x64xf32, #tpu.memory_space<vmem_shared>>) offsets(%dma_start3A_1350 : memref<80xi32, #tpu.memory_space<vmem>>) semaphore(%arg33 : memref<!tpu.dma_semaphore, #tpu.memory_space<semaphore_mem>>) {add = true}
      %dma_start3A_1354 = arith.constant 0 : i32
      %dma_start3A_1355 = tpu.memref_slice %arg10[%add3A_1347, %dma_start3A_1354] : memref<125x80xi32, #tpu.memory_space<vmem>> -> memref<1x80xi32, #tpu.memory_space<vmem>>
      %dma_start3A_1356 = tpu.memref_squeeze %dma_start3A_1355 : memref<1x80xi32, #tpu.memory_space<vmem>> -> memref<80xi32, #tpu.memory_space<vmem>>
      %dma_start3A_1357 = arith.constant 0 : i32
      %dma_start3A_1358 = arith.constant 0 : i32
      %dma_start3A_1359 = tpu.memref_slice %arg21[%dma_start3A_1357, %dma_start3A_1358] : memref<10240x16xf32, #tpu.memory_space<vmem_shared>> -> memref<10240x16xf32, #tpu.memory_space<vmem_shared>>
      tpu.enqueue_indirect_dma source(%arg19 : memref<80x16xf32, #tpu.memory_space<vmem>>) target(%dma_start3A_1359 : memref<10240x16xf32, #tpu.memory_space<vmem_shared>>) offsets(%dma_start3A_1356 : memref<80xi32, #tpu.memory_space<vmem>>) semaphore(%arg33 : memref<!tpu.dma_semaphore, #tpu.memory_space<semaphore_mem>>) {add = true}
      %add3A_1360 = arith.constant 3 : i32
      %add3A_1361 = arith.addi %mul3A_1192, %add3A_1360 : i32
      %sub3A_1362 = arith.constant 1 : i32
      %sub3A_1363 = arith.subi %add3A_1361, %sub3A_1362 : i32
      %dma_wait3A_1364 = arith.constant 0 : i32
      %dma_wait3A_1365 = tpu.memref_slice %arg10[%sub3A_1363, %dma_wait3A_1364] : memref<125x80xi32, #tpu.memory_space<vmem>> -> memref<1x80xi32, #tpu.memory_space<vmem>>
      %dma_wait3A_1366 = tpu.memref_squeeze %dma_wait3A_1365 : memref<1x80xi32, #tpu.memory_space<vmem>> -> memref<80xi32, #tpu.memory_space<vmem>>
      %dma_wait3A_1367 = arith.constant 0 : i32
      %dma_wait3A_1368 = arith.constant 0 : i32
      %dma_wait3A_1369 = tpu.memref_slice %arg20[%dma_wait3A_1367, %dma_wait3A_1368] : memref<10240x64xf32, #tpu.memory_space<vmem_shared>> -> memref<10240x64xf32, #tpu.memory_space<vmem_shared>>
      tpu.wait_indirect_dma semaphore(%arg32 : memref<!tpu.dma_semaphore, #tpu.memory_space<semaphore_mem>>) src(%arg13 : memref<80x64xf32, #tpu.memory_space<vmem>>) dst(%dma_wait3A_1369 : memref<10240x64xf32, #tpu.memory_space<vmem_shared>>)
      %dma_wait3A_1370 = arith.constant 0 : i32
      %dma_wait3A_1371 = tpu.memref_slice %arg10[%sub3A_1363, %dma_wait3A_1370] : memref<125x80xi32, #tpu.memory_space<vmem>> -> memref<1x80xi32, #tpu.memory_space<vmem>>
      %dma_wait3A_1372 = tpu.memref_squeeze %dma_wait3A_1371 : memref<1x80xi32, #tpu.memory_space<vmem>> -> memref<80xi32, #tpu.memory_space<vmem>>
      %dma_wait3A_1373 = arith.constant 0 : i32
      %dma_wait3A_1374 = arith.constant 0 : i32
      %dma_wait3A_1375 = tpu.memref_slice %arg21[%dma_wait3A_1373, %dma_wait3A_1374] : memref<10240x16xf32, #tpu.memory_space<vmem_shared>> -> memref<10240x16xf32, #tpu.memory_space<vmem_shared>>
      tpu.wait_indirect_dma semaphore(%arg32 : memref<!tpu.dma_semaphore, #tpu.memory_space<semaphore_mem>>) src(%arg19 : memref<80x16xf32, #tpu.memory_space<vmem>>) dst(%dma_wait3A_1375 : memref<10240x16xf32, #tpu.memory_space<vmem_shared>>)
      %add3A_1376 = arith.constant 3 : i32
      %add3A_1377 = arith.addi %mul3A_1192, %add3A_1376 : i32
      %sub3A_1378 = arith.constant 1 : i32
      %sub3A_1379 = arith.subi %add3A_1377, %sub3A_1378 : i32
      %add3A_1380 = arith.constant 8 : i32
      %add3A_1381 = arith.addi %sub3A_1379, %add3A_1380 : i32
      %dma_start3A_1382 = arith.constant 0 : i32
      %dma_start3A_1383 = tpu.memref_slice %arg9[%add3A_1381, %dma_start3A_1382] : memref<125x80xi32, #tpu.memory_space<vmem>> -> memref<1x80xi32, #tpu.memory_space<vmem>>
      %dma_start3A_1384 = tpu.memref_squeeze %dma_start3A_1383 : memref<1x80xi32, #tpu.memory_space<vmem>> -> memref<80xi32, #tpu.memory_space<vmem>>
      %dma_start3A_1385 = arith.constant 0 : i32
      %dma_start3A_1386 = arith.constant 0 : i32
      %dma_start3A_1387 = tpu.memref_slice %arg2[%scan3A_99, %dma_start3A_1385, %dma_start3A_1386] : memref<2x10000x64xf32, #tpu.memory_space<hbm>> -> memref<1x10000x64xf32, #tpu.memory_space<hbm>>
      %dma_start3A_1388 = tpu.memref_squeeze %dma_start3A_1387 : memref<1x10000x64xf32, #tpu.memory_space<hbm>> -> memref<10000x64xf32, #tpu.memory_space<hbm>>
      %dma_start3A_1389 = arith.constant 0 : i32
      %dma_start3A_1390 = arith.constant 0 : i32
      %dma_start3A_1391 = tpu.memref_slice %dma_start3A_1388[%dma_start3A_1389, %dma_start3A_1390] : memref<10000x64xf32, #tpu.memory_space<hbm>> -> memref<10000x64xf32, #tpu.memory_space<hbm>>
      tpu.enqueue_indirect_dma source(%dma_start3A_1391 : memref<10000x64xf32, #tpu.memory_space<hbm>>) target(%arg13 : memref<80x64xf32, #tpu.memory_space<vmem>>) offsets(%dma_start3A_1384 : memref<80xi32, #tpu.memory_space<vmem>>) semaphore(%arg24 : memref<!tpu.dma_semaphore, #tpu.memory_space<semaphore_mem>>)
      %add3A_1392 = arith.constant 4 : i32
      %add3A_1393 = arith.addi %mul3A_1192, %add3A_1392 : i32
      %dma_wait3A_1394 = arith.constant 0 : i32
      %dma_wait3A_1395 = tpu.memref_slice %arg9[%add3A_1393, %dma_wait3A_1394] : memref<125x80xi32, #tpu.memory_space<vmem>> -> memref<1x80xi32, #tpu.memory_space<vmem>>
      %dma_wait3A_1396 = tpu.memref_squeeze %dma_wait3A_1395 : memref<1x80xi32, #tpu.memory_space<vmem>> -> memref<80xi32, #tpu.memory_space<vmem>>
      %dma_wait3A_1397 = arith.constant 0 : i32
      %dma_wait3A_1398 = arith.constant 0 : i32
      %dma_wait3A_1399 = tpu.memref_slice %arg2[%scan3A_99, %dma_wait3A_1397, %dma_wait3A_1398] : memref<2x10000x64xf32, #tpu.memory_space<hbm>> -> memref<1x10000x64xf32, #tpu.memory_space<hbm>>
      %dma_wait3A_1400 = tpu.memref_squeeze %dma_wait3A_1399 : memref<1x10000x64xf32, #tpu.memory_space<hbm>> -> memref<10000x64xf32, #tpu.memory_space<hbm>>
      %dma_wait3A_1401 = arith.constant 0 : i32
      %dma_wait3A_1402 = arith.constant 0 : i32
      %dma_wait3A_1403 = tpu.memref_slice %dma_wait3A_1400[%dma_wait3A_1401, %dma_wait3A_1402] : memref<10000x64xf32, #tpu.memory_space<hbm>> -> memref<10000x64xf32, #tpu.memory_space<hbm>>
      tpu.wait_indirect_dma semaphore(%arg26 : memref<!tpu.dma_semaphore, #tpu.memory_space<semaphore_mem>>) src(%dma_wait3A_1403 : memref<10000x64xf32, #tpu.memory_space<hbm>>) dst(%arg15 : memref<80x64xf32, #tpu.memory_space<vmem>>)
      %add3A_1404 = arith.constant 4 : i32
      %add3A_1405 = arith.addi %mul3A_1192, %add3A_1404 : i32
      %dma_start3A_1406 = arith.constant 0 : i32
      %dma_start3A_1407 = tpu.memref_slice %arg10[%add3A_1405, %dma_start3A_1406] : memref<125x80xi32, #tpu.memory_space<vmem>> -> memref<1x80xi32, #tpu.memory_space<vmem>>
      %dma_start3A_1408 = tpu.memref_squeeze %dma_start3A_1407 : memref<1x80xi32, #tpu.memory_space<vmem>> -> memref<80xi32, #tpu.memory_space<vmem>>
      %dma_start3A_1409 = arith.constant 0 : i32
      %dma_start3A_1410 = arith.constant 0 : i32
      %dma_start3A_1411 = tpu.memref_slice %arg20[%dma_start3A_1409, %dma_start3A_1410] : memref<10240x64xf32, #tpu.memory_space<vmem_shared>> -> memref<10240x64xf32, #tpu.memory_space<vmem_shared>>
      tpu.enqueue_indirect_dma source(%arg15 : memref<80x64xf32, #tpu.memory_space<vmem>>) target(%dma_start3A_1411 : memref<10240x64xf32, #tpu.memory_space<vmem_shared>>) offsets(%dma_start3A_1408 : memref<80xi32, #tpu.memory_space<vmem>>) semaphore(%arg34 : memref<!tpu.dma_semaphore, #tpu.memory_space<semaphore_mem>>) {add = true}
      %dma_start3A_1412 = arith.constant 0 : i32
      %dma_start3A_1413 = tpu.memref_slice %arg10[%add3A_1405, %dma_start3A_1412] : memref<125x80xi32, #tpu.memory_space<vmem>> -> memref<1x80xi32, #tpu.memory_space<vmem>>
      %dma_start3A_1414 = tpu.memref_squeeze %dma_start3A_1413 : memref<1x80xi32, #tpu.memory_space<vmem>> -> memref<80xi32, #tpu.memory_space<vmem>>
      %dma_start3A_1415 = arith.constant 0 : i32
      %dma_start3A_1416 = arith.constant 0 : i32
      %dma_start3A_1417 = tpu.memref_slice %arg21[%dma_start3A_1415, %dma_start3A_1416] : memref<10240x16xf32, #tpu.memory_space<vmem_shared>> -> memref<10240x16xf32, #tpu.memory_space<vmem_shared>>
      tpu.enqueue_indirect_dma source(%arg19 : memref<80x16xf32, #tpu.memory_space<vmem>>) target(%dma_start3A_1417 : memref<10240x16xf32, #tpu.memory_space<vmem_shared>>) offsets(%dma_start3A_1414 : memref<80xi32, #tpu.memory_space<vmem>>) semaphore(%arg34 : memref<!tpu.dma_semaphore, #tpu.memory_space<semaphore_mem>>) {add = true}
      %add3A_1418 = arith.constant 4 : i32
      %add3A_1419 = arith.addi %mul3A_1192, %add3A_1418 : i32
      %sub3A_1420 = arith.constant 1 : i32
      %sub3A_1421 = arith.subi %add3A_1419, %sub3A_1420 : i32
      %dma_wait3A_1422 = arith.constant 0 : i32
      %dma_wait3A_1423 = tpu.memref_slice %arg10[%sub3A_1421, %dma_wait3A_1422] : memref<125x80xi32, #tpu.memory_space<vmem>> -> memref<1x80xi32, #tpu.memory_space<vmem>>
      %dma_wait3A_1424 = tpu.memref_squeeze %dma_wait3A_1423 : memref<1x80xi32, #tpu.memory_space<vmem>> -> memref<80xi32, #tpu.memory_space<vmem>>
      %dma_wait3A_1425 = arith.constant 0 : i32
      %dma_wait3A_1426 = arith.constant 0 : i32
      %dma_wait3A_1427 = tpu.memref_slice %arg20[%dma_wait3A_1425, %dma_wait3A_1426] : memref<10240x64xf32, #tpu.memory_space<vmem_shared>> -> memref<10240x64xf32, #tpu.memory_space<vmem_shared>>
      tpu.wait_indirect_dma semaphore(%arg33 : memref<!tpu.dma_semaphore, #tpu.memory_space<semaphore_mem>>) src(%arg14 : memref<80x64xf32, #tpu.memory_space<vmem>>) dst(%dma_wait3A_1427 : memref<10240x64xf32, #tpu.memory_space<vmem_shared>>)
      %dma_wait3A_1428 = arith.constant 0 : i32
      %dma_wait3A_1429 = tpu.memref_slice %arg10[%sub3A_1421, %dma_wait3A_1428] : memref<125x80xi32, #tpu.memory_space<vmem>> -> memref<1x80xi32, #tpu.memory_space<vmem>>
      %dma_wait3A_1430 = tpu.memref_squeeze %dma_wait3A_1429 : memref<1x80xi32, #tpu.memory_space<vmem>> -> memref<80xi32, #tpu.memory_space<vmem>>
      %dma_wait3A_1431 = arith.constant 0 : i32
      %dma_wait3A_1432 = arith.constant 0 : i32
      %dma_wait3A_1433 = tpu.memref_slice %arg21[%dma_wait3A_1431, %dma_wait3A_1432] : memref<10240x16xf32, #tpu.memory_space<vmem_shared>> -> memref<10240x16xf32, #tpu.memory_space<vmem_shared>>
      tpu.wait_indirect_dma semaphore(%arg33 : memref<!tpu.dma_semaphore, #tpu.memory_space<semaphore_mem>>) src(%arg19 : memref<80x16xf32, #tpu.memory_space<vmem>>) dst(%dma_wait3A_1433 : memref<10240x16xf32, #tpu.memory_space<vmem_shared>>)
      %add3A_1434 = arith.constant 4 : i32
      %add3A_1435 = arith.addi %mul3A_1192, %add3A_1434 : i32
      %sub3A_1436 = arith.constant 1 : i32
      %sub3A_1437 = arith.subi %add3A_1435, %sub3A_1436 : i32
      %add3A_1438 = arith.constant 8 : i32
      %add3A_1439 = arith.addi %sub3A_1437, %add3A_1438 : i32
      %dma_start3A_1440 = arith.constant 0 : i32
      %dma_start3A_1441 = tpu.memref_slice %arg9[%add3A_1439, %dma_start3A_1440] : memref<125x80xi32, #tpu.memory_space<vmem>> -> memref<1x80xi32, #tpu.memory_space<vmem>>
      %dma_start3A_1442 = tpu.memref_squeeze %dma_start3A_1441 : memref<1x80xi32, #tpu.memory_space<vmem>> -> memref<80xi32, #tpu.memory_space<vmem>>
      %dma_start3A_1443 = arith.constant 0 : i32
      %dma_start3A_1444 = arith.constant 0 : i32
      %dma_start3A_1445 = tpu.memref_slice %arg2[%scan3A_99, %dma_start3A_1443, %dma_start3A_1444] : memref<2x10000x64xf32, #tpu.memory_space<hbm>> -> memref<1x10000x64xf32, #tpu.memory_space<hbm>>
      %dma_start3A_1446 = tpu.memref_squeeze %dma_start3A_1445 : memref<1x10000x64xf32, #tpu.memory_space<hbm>> -> memref<10000x64xf32, #tpu.memory_space<hbm>>
      %dma_start3A_1447 = arith.constant 0 : i32
      %dma_start3A_1448 = arith.constant 0 : i32
      %dma_start3A_1449 = tpu.memref_slice %dma_start3A_1446[%dma_start3A_1447, %dma_start3A_1448] : memref<10000x64xf32, #tpu.memory_space<hbm>> -> memref<10000x64xf32, #tpu.memory_space<hbm>>
      tpu.enqueue_indirect_dma source(%dma_start3A_1449 : memref<10000x64xf32, #tpu.memory_space<hbm>>) target(%arg14 : memref<80x64xf32, #tpu.memory_space<vmem>>) offsets(%dma_start3A_1442 : memref<80xi32, #tpu.memory_space<vmem>>) semaphore(%arg25 : memref<!tpu.dma_semaphore, #tpu.memory_space<semaphore_mem>>)
      %add3A_1450 = arith.constant 5 : i32
      %add3A_1451 = arith.addi %mul3A_1192, %add3A_1450 : i32
      %dma_wait3A_1452 = arith.constant 0 : i32
      %dma_wait3A_1453 = tpu.memref_slice %arg9[%add3A_1451, %dma_wait3A_1452] : memref<125x80xi32, #tpu.memory_space<vmem>> -> memref<1x80xi32, #tpu.memory_space<vmem>>
      %dma_wait3A_1454 = tpu.memref_squeeze %dma_wait3A_1453 : memref<1x80xi32, #tpu.memory_space<vmem>> -> memref<80xi32, #tpu.memory_space<vmem>>
      %dma_wait3A_1455 = arith.constant 0 : i32
      %dma_wait3A_1456 = arith.constant 0 : i32
      %dma_wait3A_1457 = tpu.memref_slice %arg2[%scan3A_99, %dma_wait3A_1455, %dma_wait3A_1456] : memref<2x10000x64xf32, #tpu.memory_space<hbm>> -> memref<1x10000x64xf32, #tpu.memory_space<hbm>>
      %dma_wait3A_1458 = tpu.memref_squeeze %dma_wait3A_1457 : memref<1x10000x64xf32, #tpu.memory_space<hbm>> -> memref<10000x64xf32, #tpu.memory_space<hbm>>
      %dma_wait3A_1459 = arith.constant 0 : i32
      %dma_wait3A_1460 = arith.constant 0 : i32
      %dma_wait3A_1461 = tpu.memref_slice %dma_wait3A_1458[%dma_wait3A_1459, %dma_wait3A_1460] : memref<10000x64xf32, #tpu.memory_space<hbm>> -> memref<10000x64xf32, #tpu.memory_space<hbm>>
      tpu.wait_indirect_dma semaphore(%arg27 : memref<!tpu.dma_semaphore, #tpu.memory_space<semaphore_mem>>) src(%dma_wait3A_1461 : memref<10000x64xf32, #tpu.memory_space<hbm>>) dst(%arg16 : memref<80x64xf32, #tpu.memory_space<vmem>>)
      %add3A_1462 = arith.constant 5 : i32
      %add3A_1463 = arith.addi %mul3A_1192, %add3A_1462 : i32
      %dma_start3A_1464 = arith.constant 0 : i32
      %dma_start3A_1465 = tpu.memref_slice %arg10[%add3A_1463, %dma_start3A_1464] : memref<125x80xi32, #tpu.memory_space<vmem>> -> memref<1x80xi32, #tpu.memory_space<vmem>>
      %dma_start3A_1466 = tpu.memref_squeeze %dma_start3A_1465 : memref<1x80xi32, #tpu.memory_space<vmem>> -> memref<80xi32, #tpu.memory_space<vmem>>
      %dma_start3A_1467 = arith.constant 0 : i32
      %dma_start3A_1468 = arith.constant 0 : i32
      %dma_start3A_1469 = tpu.memref_slice %arg20[%dma_start3A_1467, %dma_start3A_1468] : memref<10240x64xf32, #tpu.memory_space<vmem_shared>> -> memref<10240x64xf32, #tpu.memory_space<vmem_shared>>
      tpu.enqueue_indirect_dma source(%arg16 : memref<80x64xf32, #tpu.memory_space<vmem>>) target(%dma_start3A_1469 : memref<10240x64xf32, #tpu.memory_space<vmem_shared>>) offsets(%dma_start3A_1466 : memref<80xi32, #tpu.memory_space<vmem>>) semaphore(%arg35 : memref<!tpu.dma_semaphore, #tpu.memory_space<semaphore_mem>>) {add = true}
      %dma_start3A_1470 = arith.constant 0 : i32
      %dma_start3A_1471 = tpu.memref_slice %arg10[%add3A_1463, %dma_start3A_1470] : memref<125x80xi32, #tpu.memory_space<vmem>> -> memref<1x80xi32, #tpu.memory_space<vmem>>
      %dma_start3A_1472 = tpu.memref_squeeze %dma_start3A_1471 : memref<1x80xi32, #tpu.memory_space<vmem>> -> memref<80xi32, #tpu.memory_space<vmem>>
      %dma_start3A_1473 = arith.constant 0 : i32
      %dma_start3A_1474 = arith.constant 0 : i32
      %dma_start3A_1475 = tpu.memref_slice %arg21[%dma_start3A_1473, %dma_start3A_1474] : memref<10240x16xf32, #tpu.memory_space<vmem_shared>> -> memref<10240x16xf32, #tpu.memory_space<vmem_shared>>
      tpu.enqueue_indirect_dma source(%arg19 : memref<80x16xf32, #tpu.memory_space<vmem>>) target(%dma_start3A_1475 : memref<10240x16xf32, #tpu.memory_space<vmem_shared>>) offsets(%dma_start3A_1472 : memref<80xi32, #tpu.memory_space<vmem>>) semaphore(%arg35 : memref<!tpu.dma_semaphore, #tpu.memory_space<semaphore_mem>>) {add = true}
      %add3A_1476 = arith.constant 5 : i32
      %add3A_1477 = arith.addi %mul3A_1192, %add3A_1476 : i32
      %sub3A_1478 = arith.constant 1 : i32
      %sub3A_1479 = arith.subi %add3A_1477, %sub3A_1478 : i32
      %dma_wait3A_1480 = arith.constant 0 : i32
      %dma_wait3A_1481 = tpu.memref_slice %arg10[%sub3A_1479, %dma_wait3A_1480] : memref<125x80xi32, #tpu.memory_space<vmem>> -> memref<1x80xi32, #tpu.memory_space<vmem>>
      %dma_wait3A_1482 = tpu.memref_squeeze %dma_wait3A_1481 : memref<1x80xi32, #tpu.memory_space<vmem>> -> memref<80xi32, #tpu.memory_space<vmem>>
      %dma_wait3A_1483 = arith.constant 0 : i32
      %dma_wait3A_1484 = arith.constant 0 : i32
      %dma_wait3A_1485 = tpu.memref_slice %arg20[%dma_wait3A_1483, %dma_wait3A_1484] : memref<10240x64xf32, #tpu.memory_space<vmem_shared>> -> memref<10240x64xf32, #tpu.memory_space<vmem_shared>>
      tpu.wait_indirect_dma semaphore(%arg34 : memref<!tpu.dma_semaphore, #tpu.memory_space<semaphore_mem>>) src(%arg15 : memref<80x64xf32, #tpu.memory_space<vmem>>) dst(%dma_wait3A_1485 : memref<10240x64xf32, #tpu.memory_space<vmem_shared>>)
      %dma_wait3A_1486 = arith.constant 0 : i32
      %dma_wait3A_1487 = tpu.memref_slice %arg10[%sub3A_1479, %dma_wait3A_1486] : memref<125x80xi32, #tpu.memory_space<vmem>> -> memref<1x80xi32, #tpu.memory_space<vmem>>
      %dma_wait3A_1488 = tpu.memref_squeeze %dma_wait3A_1487 : memref<1x80xi32, #tpu.memory_space<vmem>> -> memref<80xi32, #tpu.memory_space<vmem>>
      %dma_wait3A_1489 = arith.constant 0 : i32
      %dma_wait3A_1490 = arith.constant 0 : i32
      %dma_wait3A_1491 = tpu.memref_slice %arg21[%dma_wait3A_1489, %dma_wait3A_1490] : memref<10240x16xf32, #tpu.memory_space<vmem_shared>> -> memref<10240x16xf32, #tpu.memory_space<vmem_shared>>
      tpu.wait_indirect_dma semaphore(%arg34 : memref<!tpu.dma_semaphore, #tpu.memory_space<semaphore_mem>>) src(%arg19 : memref<80x16xf32, #tpu.memory_space<vmem>>) dst(%dma_wait3A_1491 : memref<10240x16xf32, #tpu.memory_space<vmem_shared>>)
      %add3A_1492 = arith.constant 5 : i32
      %add3A_1493 = arith.addi %mul3A_1192, %add3A_1492 : i32
      %sub3A_1494 = arith.constant 1 : i32
      %sub3A_1495 = arith.subi %add3A_1493, %sub3A_1494 : i32
      %add3A_1496 = arith.constant 8 : i32
      %add3A_1497 = arith.addi %sub3A_1495, %add3A_1496 : i32
      %dma_start3A_1498 = arith.constant 0 : i32
      %dma_start3A_1499 = tpu.memref_slice %arg9[%add3A_1497, %dma_start3A_1498] : memref<125x80xi32, #tpu.memory_space<vmem>> -> memref<1x80xi32, #tpu.memory_space<vmem>>
      %dma_start3A_1500 = tpu.memref_squeeze %dma_start3A_1499 : memref<1x80xi32, #tpu.memory_space<vmem>> -> memref<80xi32, #tpu.memory_space<vmem>>
      %dma_start3A_1501 = arith.constant 0 : i32
      %dma_start3A_1502 = arith.constant 0 : i32
      %dma_start3A_1503 = tpu.memref_slice %arg2[%scan3A_99, %dma_start3A_1501, %dma_start3A_1502] : memref<2x10000x64xf32, #tpu.memory_space<hbm>> -> memref<1x10000x64xf32, #tpu.memory_space<hbm>>
      %dma_start3A_1504 = tpu.memref_squeeze %dma_start3A_1503 : memref<1x10000x64xf32, #tpu.memory_space<hbm>> -> memref<10000x64xf32, #tpu.memory_space<hbm>>
      %dma_start3A_1505 = arith.constant 0 : i32
      %dma_start3A_1506 = arith.constant 0 : i32
      %dma_start3A_1507 = tpu.memref_slice %dma_start3A_1504[%dma_start3A_1505, %dma_start3A_1506] : memref<10000x64xf32, #tpu.memory_space<hbm>> -> memref<10000x64xf32, #tpu.memory_space<hbm>>
      tpu.enqueue_indirect_dma source(%dma_start3A_1507 : memref<10000x64xf32, #tpu.memory_space<hbm>>) target(%arg15 : memref<80x64xf32, #tpu.memory_space<vmem>>) offsets(%dma_start3A_1500 : memref<80xi32, #tpu.memory_space<vmem>>) semaphore(%arg26 : memref<!tpu.dma_semaphore, #tpu.memory_space<semaphore_mem>>)
      %add3A_1508 = arith.constant 6 : i32
      %add3A_1509 = arith.addi %mul3A_1192, %add3A_1508 : i32
      %dma_wait3A_1510 = arith.constant 0 : i32
      %dma_wait3A_1511 = tpu.memref_slice %arg9[%add3A_1509, %dma_wait3A_1510] : memref<125x80xi32, #tpu.memory_space<vmem>> -> memref<1x80xi32, #tpu.memory_space<vmem>>
      %dma_wait3A_1512 = tpu.memref_squeeze %dma_wait3A_1511 : memref<1x80xi32, #tpu.memory_space<vmem>> -> memref<80xi32, #tpu.memory_space<vmem>>
      %dma_wait3A_1513 = arith.constant 0 : i32
      %dma_wait3A_1514 = arith.constant 0 : i32
      %dma_wait3A_1515 = tpu.memref_slice %arg2[%scan3A_99, %dma_wait3A_1513, %dma_wait3A_1514] : memref<2x10000x64xf32, #tpu.memory_space<hbm>> -> memref<1x10000x64xf32, #tpu.memory_space<hbm>>
      %dma_wait3A_1516 = tpu.memref_squeeze %dma_wait3A_1515 : memref<1x10000x64xf32, #tpu.memory_space<hbm>> -> memref<10000x64xf32, #tpu.memory_space<hbm>>
      %dma_wait3A_1517 = arith.constant 0 : i32
      %dma_wait3A_1518 = arith.constant 0 : i32
      %dma_wait3A_1519 = tpu.memref_slice %dma_wait3A_1516[%dma_wait3A_1517, %dma_wait3A_1518] : memref<10000x64xf32, #tpu.memory_space<hbm>> -> memref<10000x64xf32, #tpu.memory_space<hbm>>
      tpu.wait_indirect_dma semaphore(%arg28 : memref<!tpu.dma_semaphore, #tpu.memory_space<semaphore_mem>>) src(%dma_wait3A_1519 : memref<10000x64xf32, #tpu.memory_space<hbm>>) dst(%arg17 : memref<80x64xf32, #tpu.memory_space<vmem>>)
      %add3A_1520 = arith.constant 6 : i32
      %add3A_1521 = arith.addi %mul3A_1192, %add3A_1520 : i32
      %dma_start3A_1522 = arith.constant 0 : i32
      %dma_start3A_1523 = tpu.memref_slice %arg10[%add3A_1521, %dma_start3A_1522] : memref<125x80xi32, #tpu.memory_space<vmem>> -> memref<1x80xi32, #tpu.memory_space<vmem>>
      %dma_start3A_1524 = tpu.memref_squeeze %dma_start3A_1523 : memref<1x80xi32, #tpu.memory_space<vmem>> -> memref<80xi32, #tpu.memory_space<vmem>>
      %dma_start3A_1525 = arith.constant 0 : i32
      %dma_start3A_1526 = arith.constant 0 : i32
      %dma_start3A_1527 = tpu.memref_slice %arg20[%dma_start3A_1525, %dma_start3A_1526] : memref<10240x64xf32, #tpu.memory_space<vmem_shared>> -> memref<10240x64xf32, #tpu.memory_space<vmem_shared>>
      tpu.enqueue_indirect_dma source(%arg17 : memref<80x64xf32, #tpu.memory_space<vmem>>) target(%dma_start3A_1527 : memref<10240x64xf32, #tpu.memory_space<vmem_shared>>) offsets(%dma_start3A_1524 : memref<80xi32, #tpu.memory_space<vmem>>) semaphore(%arg36 : memref<!tpu.dma_semaphore, #tpu.memory_space<semaphore_mem>>) {add = true}
      %dma_start3A_1528 = arith.constant 0 : i32
      %dma_start3A_1529 = tpu.memref_slice %arg10[%add3A_1521, %dma_start3A_1528] : memref<125x80xi32, #tpu.memory_space<vmem>> -> memref<1x80xi32, #tpu.memory_space<vmem>>
      %dma_start3A_1530 = tpu.memref_squeeze %dma_start3A_1529 : memref<1x80xi32, #tpu.memory_space<vmem>> -> memref<80xi32, #tpu.memory_space<vmem>>
      %dma_start3A_1531 = arith.constant 0 : i32
      %dma_start3A_1532 = arith.constant 0 : i32
      %dma_start3A_1533 = tpu.memref_slice %arg21[%dma_start3A_1531, %dma_start3A_1532] : memref<10240x16xf32, #tpu.memory_space<vmem_shared>> -> memref<10240x16xf32, #tpu.memory_space<vmem_shared>>
      tpu.enqueue_indirect_dma source(%arg19 : memref<80x16xf32, #tpu.memory_space<vmem>>) target(%dma_start3A_1533 : memref<10240x16xf32, #tpu.memory_space<vmem_shared>>) offsets(%dma_start3A_1530 : memref<80xi32, #tpu.memory_space<vmem>>) semaphore(%arg36 : memref<!tpu.dma_semaphore, #tpu.memory_space<semaphore_mem>>) {add = true}
      %add3A_1534 = arith.constant 6 : i32
      %add3A_1535 = arith.addi %mul3A_1192, %add3A_1534 : i32
      %sub3A_1536 = arith.constant 1 : i32
      %sub3A_1537 = arith.subi %add3A_1535, %sub3A_1536 : i32
      %dma_wait3A_1538 = arith.constant 0 : i32
      %dma_wait3A_1539 = tpu.memref_slice %arg10[%sub3A_1537, %dma_wait3A_1538] : memref<125x80xi32, #tpu.memory_space<vmem>> -> memref<1x80xi32, #tpu.memory_space<vmem>>
      %dma_wait3A_1540 = tpu.memref_squeeze %dma_wait3A_1539 : memref<1x80xi32, #tpu.memory_space<vmem>> -> memref<80xi32, #tpu.memory_space<vmem>>
      %dma_wait3A_1541 = arith.constant 0 : i32
      %dma_wait3A_1542 = arith.constant 0 : i32
      %dma_wait3A_1543 = tpu.memref_slice %arg20[%dma_wait3A_1541, %dma_wait3A_1542] : memref<10240x64xf32, #tpu.memory_space<vmem_shared>> -> memref<10240x64xf32, #tpu.memory_space<vmem_shared>>
      tpu.wait_indirect_dma semaphore(%arg35 : memref<!tpu.dma_semaphore, #tpu.memory_space<semaphore_mem>>) src(%arg16 : memref<80x64xf32, #tpu.memory_space<vmem>>) dst(%dma_wait3A_1543 : memref<10240x64xf32, #tpu.memory_space<vmem_shared>>)
      %dma_wait3A_1544 = arith.constant 0 : i32
      %dma_wait3A_1545 = tpu.memref_slice %arg10[%sub3A_1537, %dma_wait3A_1544] : memref<125x80xi32, #tpu.memory_space<vmem>> -> memref<1x80xi32, #tpu.memory_space<vmem>>
      %dma_wait3A_1546 = tpu.memref_squeeze %dma_wait3A_1545 : memref<1x80xi32, #tpu.memory_space<vmem>> -> memref<80xi32, #tpu.memory_space<vmem>>
      %dma_wait3A_1547 = arith.constant 0 : i32
      %dma_wait3A_1548 = arith.constant 0 : i32
      %dma_wait3A_1549 = tpu.memref_slice %arg21[%dma_wait3A_1547, %dma_wait3A_1548] : memref<10240x16xf32, #tpu.memory_space<vmem_shared>> -> memref<10240x16xf32, #tpu.memory_space<vmem_shared>>
      tpu.wait_indirect_dma semaphore(%arg35 : memref<!tpu.dma_semaphore, #tpu.memory_space<semaphore_mem>>) src(%arg19 : memref<80x16xf32, #tpu.memory_space<vmem>>) dst(%dma_wait3A_1549 : memref<10240x16xf32, #tpu.memory_space<vmem_shared>>)
      %add3A_1550 = arith.constant 6 : i32
      %add3A_1551 = arith.addi %mul3A_1192, %add3A_1550 : i32
      %sub3A_1552 = arith.constant 1 : i32
      %sub3A_1553 = arith.subi %add3A_1551, %sub3A_1552 : i32
      %add3A_1554 = arith.constant 8 : i32
      %add3A_1555 = arith.addi %sub3A_1553, %add3A_1554 : i32
      %dma_start3A_1556 = arith.constant 0 : i32
      %dma_start3A_1557 = tpu.memref_slice %arg9[%add3A_1555, %dma_start3A_1556] : memref<125x80xi32, #tpu.memory_space<vmem>> -> memref<1x80xi32, #tpu.memory_space<vmem>>
      %dma_start3A_1558 = tpu.memref_squeeze %dma_start3A_1557 : memref<1x80xi32, #tpu.memory_space<vmem>> -> memref<80xi32, #tpu.memory_space<vmem>>
      %dma_start3A_1559 = arith.constant 0 : i32
      %dma_start3A_1560 = arith.constant 0 : i32
      %dma_start3A_1561 = tpu.memref_slice %arg2[%scan3A_99, %dma_start3A_1559, %dma_start3A_1560] : memref<2x10000x64xf32, #tpu.memory_space<hbm>> -> memref<1x10000x64xf32, #tpu.memory_space<hbm>>
      %dma_start3A_1562 = tpu.memref_squeeze %dma_start3A_1561 : memref<1x10000x64xf32, #tpu.memory_space<hbm>> -> memref<10000x64xf32, #tpu.memory_space<hbm>>
      %dma_start3A_1563 = arith.constant 0 : i32
      %dma_start3A_1564 = arith.constant 0 : i32
      %dma_start3A_1565 = tpu.memref_slice %dma_start3A_1562[%dma_start3A_1563, %dma_start3A_1564] : memref<10000x64xf32, #tpu.memory_space<hbm>> -> memref<10000x64xf32, #tpu.memory_space<hbm>>
      tpu.enqueue_indirect_dma source(%dma_start3A_1565 : memref<10000x64xf32, #tpu.memory_space<hbm>>) target(%arg16 : memref<80x64xf32, #tpu.memory_space<vmem>>) offsets(%dma_start3A_1558 : memref<80xi32, #tpu.memory_space<vmem>>) semaphore(%arg27 : memref<!tpu.dma_semaphore, #tpu.memory_space<semaphore_mem>>)
      %add3A_1566 = arith.constant 7 : i32
      %add3A_1567 = arith.addi %mul3A_1192, %add3A_1566 : i32
      %dma_wait3A_1568 = arith.constant 0 : i32
      %dma_wait3A_1569 = tpu.memref_slice %arg9[%add3A_1567, %dma_wait3A_1568] : memref<125x80xi32, #tpu.memory_space<vmem>> -> memref<1x80xi32, #tpu.memory_space<vmem>>
      %dma_wait3A_1570 = tpu.memref_squeeze %dma_wait3A_1569 : memref<1x80xi32, #tpu.memory_space<vmem>> -> memref<80xi32, #tpu.memory_space<vmem>>
      %dma_wait3A_1571 = arith.constant 0 : i32
      %dma_wait3A_1572 = arith.constant 0 : i32
      %dma_wait3A_1573 = tpu.memref_slice %arg2[%scan3A_99, %dma_wait3A_1571, %dma_wait3A_1572] : memref<2x10000x64xf32, #tpu.memory_space<hbm>> -> memref<1x10000x64xf32, #tpu.memory_space<hbm>>
      %dma_wait3A_1574 = tpu.memref_squeeze %dma_wait3A_1573 : memref<1x10000x64xf32, #tpu.memory_space<hbm>> -> memref<10000x64xf32, #tpu.memory_space<hbm>>
      %dma_wait3A_1575 = arith.constant 0 : i32
      %dma_wait3A_1576 = arith.constant 0 : i32
      %dma_wait3A_1577 = tpu.memref_slice %dma_wait3A_1574[%dma_wait3A_1575, %dma_wait3A_1576] : memref<10000x64xf32, #tpu.memory_space<hbm>> -> memref<10000x64xf32, #tpu.memory_space<hbm>>
      tpu.wait_indirect_dma semaphore(%arg29 : memref<!tpu.dma_semaphore, #tpu.memory_space<semaphore_mem>>) src(%dma_wait3A_1577 : memref<10000x64xf32, #tpu.memory_space<hbm>>) dst(%arg18 : memref<80x64xf32, #tpu.memory_space<vmem>>)
      %add3A_1578 = arith.constant 7 : i32
      %add3A_1579 = arith.addi %mul3A_1192, %add3A_1578 : i32
      %dma_start3A_1580 = arith.constant 0 : i32
      %dma_start3A_1581 = tpu.memref_slice %arg10[%add3A_1579, %dma_start3A_1580] : memref<125x80xi32, #tpu.memory_space<vmem>> -> memref<1x80xi32, #tpu.memory_space<vmem>>
      %dma_start3A_1582 = tpu.memref_squeeze %dma_start3A_1581 : memref<1x80xi32, #tpu.memory_space<vmem>> -> memref<80xi32, #tpu.memory_space<vmem>>
      %dma_start3A_1583 = arith.constant 0 : i32
      %dma_start3A_1584 = arith.constant 0 : i32
      %dma_start3A_1585 = tpu.memref_slice %arg20[%dma_start3A_1583, %dma_start3A_1584] : memref<10240x64xf32, #tpu.memory_space<vmem_shared>> -> memref<10240x64xf32, #tpu.memory_space<vmem_shared>>
      tpu.enqueue_indirect_dma source(%arg18 : memref<80x64xf32, #tpu.memory_space<vmem>>) target(%dma_start3A_1585 : memref<10240x64xf32, #tpu.memory_space<vmem_shared>>) offsets(%dma_start3A_1582 : memref<80xi32, #tpu.memory_space<vmem>>) semaphore(%arg37 : memref<!tpu.dma_semaphore, #tpu.memory_space<semaphore_mem>>) {add = true}
      %dma_start3A_1586 = arith.constant 0 : i32
      %dma_start3A_1587 = tpu.memref_slice %arg10[%add3A_1579, %dma_start3A_1586] : memref<125x80xi32, #tpu.memory_space<vmem>> -> memref<1x80xi32, #tpu.memory_space<vmem>>
      %dma_start3A_1588 = tpu.memref_squeeze %dma_start3A_1587 : memref<1x80xi32, #tpu.memory_space<vmem>> -> memref<80xi32, #tpu.memory_space<vmem>>
      %dma_start3A_1589 = arith.constant 0 : i32
      %dma_start3A_1590 = arith.constant 0 : i32
      %dma_start3A_1591 = tpu.memref_slice %arg21[%dma_start3A_1589, %dma_start3A_1590] : memref<10240x16xf32, #tpu.memory_space<vmem_shared>> -> memref<10240x16xf32, #tpu.memory_space<vmem_shared>>
      tpu.enqueue_indirect_dma source(%arg19 : memref<80x16xf32, #tpu.memory_space<vmem>>) target(%dma_start3A_1591 : memref<10240x16xf32, #tpu.memory_space<vmem_shared>>) offsets(%dma_start3A_1588 : memref<80xi32, #tpu.memory_space<vmem>>) semaphore(%arg37 : memref<!tpu.dma_semaphore, #tpu.memory_space<semaphore_mem>>) {add = true}
      %add3A_1592 = arith.constant 7 : i32
      %add3A_1593 = arith.addi %mul3A_1192, %add3A_1592 : i32
      %sub3A_1594 = arith.constant 1 : i32
      %sub3A_1595 = arith.subi %add3A_1593, %sub3A_1594 : i32
      %dma_wait3A_1596 = arith.constant 0 : i32
      %dma_wait3A_1597 = tpu.memref_slice %arg10[%sub3A_1595, %dma_wait3A_1596] : memref<125x80xi32, #tpu.memory_space<vmem>> -> memref<1x80xi32, #tpu.memory_space<vmem>>
      %dma_wait3A_1598 = tpu.memref_squeeze %dma_wait3A_1597 : memref<1x80xi32, #tpu.memory_space<vmem>> -> memref<80xi32, #tpu.memory_space<vmem>>
      %dma_wait3A_1599 = arith.constant 0 : i32
      %dma_wait3A_1600 = arith.constant 0 : i32
      %dma_wait3A_1601 = tpu.memref_slice %arg20[%dma_wait3A_1599, %dma_wait3A_1600] : memref<10240x64xf32, #tpu.memory_space<vmem_shared>> -> memref<10240x64xf32, #tpu.memory_space<vmem_shared>>
      tpu.wait_indirect_dma semaphore(%arg36 : memref<!tpu.dma_semaphore, #tpu.memory_space<semaphore_mem>>) src(%arg17 : memref<80x64xf32, #tpu.memory_space<vmem>>) dst(%dma_wait3A_1601 : memref<10240x64xf32, #tpu.memory_space<vmem_shared>>)
      %dma_wait3A_1602 = arith.constant 0 : i32
      %dma_wait3A_1603 = tpu.memref_slice %arg10[%sub3A_1595, %dma_wait3A_1602] : memref<125x80xi32, #tpu.memory_space<vmem>> -> memref<1x80xi32, #tpu.memory_space<vmem>>
      %dma_wait3A_1604 = tpu.memref_squeeze %dma_wait3A_1603 : memref<1x80xi32, #tpu.memory_space<vmem>> -> memref<80xi32, #tpu.memory_space<vmem>>
      %dma_wait3A_1605 = arith.constant 0 : i32
      %dma_wait3A_1606 = arith.constant 0 : i32
      %dma_wait3A_1607 = tpu.memref_slice %arg21[%dma_wait3A_1605, %dma_wait3A_1606] : memref<10240x16xf32, #tpu.memory_space<vmem_shared>> -> memref<10240x16xf32, #tpu.memory_space<vmem_shared>>
      tpu.wait_indirect_dma semaphore(%arg36 : memref<!tpu.dma_semaphore, #tpu.memory_space<semaphore_mem>>) src(%arg19 : memref<80x16xf32, #tpu.memory_space<vmem>>) dst(%dma_wait3A_1607 : memref<10240x16xf32, #tpu.memory_space<vmem_shared>>)
      %add3A_1608 = arith.constant 7 : i32
      %add3A_1609 = arith.addi %mul3A_1192, %add3A_1608 : i32
      %sub3A_1610 = arith.constant 1 : i32
      %sub3A_1611 = arith.subi %add3A_1609, %sub3A_1610 : i32
      %add3A_1612 = arith.constant 8 : i32
      %add3A_1613 = arith.addi %sub3A_1611, %add3A_1612 : i32
      %dma_start3A_1614 = arith.constant 0 : i32
      %dma_start3A_1615 = tpu.memref_slice %arg9[%add3A_1613, %dma_start3A_1614] : memref<125x80xi32, #tpu.memory_space<vmem>> -> memref<1x80xi32, #tpu.memory_space<vmem>>
      %dma_start3A_1616 = tpu.memref_squeeze %dma_start3A_1615 : memref<1x80xi32, #tpu.memory_space<vmem>> -> memref<80xi32, #tpu.memory_space<vmem>>
      %dma_start3A_1617 = arith.constant 0 : i32
      %dma_start3A_1618 = arith.constant 0 : i32
      %dma_start3A_1619 = tpu.memref_slice %arg2[%scan3A_99, %dma_start3A_1617, %dma_start3A_1618] : memref<2x10000x64xf32, #tpu.memory_space<hbm>> -> memref<1x10000x64xf32, #tpu.memory_space<hbm>>
      %dma_start3A_1620 = tpu.memref_squeeze %dma_start3A_1619 : memref<1x10000x64xf32, #tpu.memory_space<hbm>> -> memref<10000x64xf32, #tpu.memory_space<hbm>>
      %dma_start3A_1621 = arith.constant 0 : i32
      %dma_start3A_1622 = arith.constant 0 : i32
      %dma_start3A_1623 = tpu.memref_slice %dma_start3A_1620[%dma_start3A_1621, %dma_start3A_1622] : memref<10000x64xf32, #tpu.memory_space<hbm>> -> memref<10000x64xf32, #tpu.memory_space<hbm>>
      tpu.enqueue_indirect_dma source(%dma_start3A_1623 : memref<10000x64xf32, #tpu.memory_space<hbm>>) target(%arg17 : memref<80x64xf32, #tpu.memory_space<vmem>>) offsets(%dma_start3A_1616 : memref<80xi32, #tpu.memory_space<vmem>>) semaphore(%arg28 : memref<!tpu.dma_semaphore, #tpu.memory_space<semaphore_mem>>)
      %add3A_1624 = arith.constant 8 : i32
      %add3A_1625 = arith.addi %mul3A_1192, %add3A_1624 : i32
      %sub3A_1626 = arith.constant 1 : i32
      %sub3A_1627 = arith.subi %add3A_1625, %sub3A_1626 : i32
      %dma_wait3A_1628 = arith.constant 0 : i32
      %dma_wait3A_1629 = tpu.memref_slice %arg10[%sub3A_1627, %dma_wait3A_1628] : memref<125x80xi32, #tpu.memory_space<vmem>> -> memref<1x80xi32, #tpu.memory_space<vmem>>
      %dma_wait3A_1630 = tpu.memref_squeeze %dma_wait3A_1629 : memref<1x80xi32, #tpu.memory_space<vmem>> -> memref<80xi32, #tpu.memory_space<vmem>>
      %dma_wait3A_1631 = arith.constant 0 : i32
      %dma_wait3A_1632 = arith.constant 0 : i32
      %dma_wait3A_1633 = tpu.memref_slice %arg20[%dma_wait3A_1631, %dma_wait3A_1632] : memref<10240x64xf32, #tpu.memory_space<vmem_shared>> -> memref<10240x64xf32, #tpu.memory_space<vmem_shared>>
      tpu.wait_indirect_dma semaphore(%arg37 : memref<!tpu.dma_semaphore, #tpu.memory_space<semaphore_mem>>) src(%arg18 : memref<80x64xf32, #tpu.memory_space<vmem>>) dst(%dma_wait3A_1633 : memref<10240x64xf32, #tpu.memory_space<vmem_shared>>)
      %dma_wait3A_1634 = arith.constant 0 : i32
      %dma_wait3A_1635 = tpu.memref_slice %arg10[%sub3A_1627, %dma_wait3A_1634] : memref<125x80xi32, #tpu.memory_space<vmem>> -> memref<1x80xi32, #tpu.memory_space<vmem>>
      %dma_wait3A_1636 = tpu.memref_squeeze %dma_wait3A_1635 : memref<1x80xi32, #tpu.memory_space<vmem>> -> memref<80xi32, #tpu.memory_space<vmem>>
      %dma_wait3A_1637 = arith.constant 0 : i32
      %dma_wait3A_1638 = arith.constant 0 : i32
      %dma_wait3A_1639 = tpu.memref_slice %arg21[%dma_wait3A_1637, %dma_wait3A_1638] : memref<10240x16xf32, #tpu.memory_space<vmem_shared>> -> memref<10240x16xf32, #tpu.memory_space<vmem_shared>>
      tpu.wait_indirect_dma semaphore(%arg37 : memref<!tpu.dma_semaphore, #tpu.memory_space<semaphore_mem>>) src(%arg19 : memref<80x16xf32, #tpu.memory_space<vmem>>) dst(%dma_wait3A_1639 : memref<10240x16xf32, #tpu.memory_space<vmem_shared>>)
      %add3A_1640 = arith.constant 16 : i32
      %add3A_1641 = arith.addi %mul3A_1192, %add3A_1640 : i32
      %sub3A_1642 = arith.constant 1 : i32
      %sub3A_1643 = arith.subi %add3A_1641, %sub3A_1642 : i32
      %dma_start3A_1644 = arith.constant 0 : i32
      %dma_start3A_1645 = tpu.memref_slice %arg9[%sub3A_1643, %dma_start3A_1644] : memref<125x80xi32, #tpu.memory_space<vmem>> -> memref<1x80xi32, #tpu.memory_space<vmem>>
      %dma_start3A_1646 = tpu.memref_squeeze %dma_start3A_1645 : memref<1x80xi32, #tpu.memory_space<vmem>> -> memref<80xi32, #tpu.memory_space<vmem>>
      %dma_start3A_1647 = arith.constant 0 : i32
      %dma_start3A_1648 = arith.constant 0 : i32
      %dma_start3A_1649 = tpu.memref_slice %arg2[%scan3A_99, %dma_start3A_1647, %dma_start3A_1648] : memref<2x10000x64xf32, #tpu.memory_space<hbm>> -> memref<1x10000x64xf32, #tpu.memory_space<hbm>>
      %dma_start3A_1650 = tpu.memref_squeeze %dma_start3A_1649 : memref<1x10000x64xf32, #tpu.memory_space<hbm>> -> memref<10000x64xf32, #tpu.memory_space<hbm>>
      %dma_start3A_1651 = arith.constant 0 : i32
      %dma_start3A_1652 = arith.constant 0 : i32
      %dma_start3A_1653 = tpu.memref_slice %dma_start3A_1650[%dma_start3A_1651, %dma_start3A_1652] : memref<10000x64xf32, #tpu.memory_space<hbm>> -> memref<10000x64xf32, #tpu.memory_space<hbm>>
      tpu.enqueue_indirect_dma source(%dma_start3A_1653 : memref<10000x64xf32, #tpu.memory_space<hbm>>) target(%arg18 : memref<80x64xf32, #tpu.memory_space<vmem>>) offsets(%dma_start3A_1646 : memref<80xi32, #tpu.memory_space<vmem>>) semaphore(%arg29 : memref<!tpu.dma_semaphore, #tpu.memory_space<semaphore_mem>>)
    }
    %scan3A_104 = arith.constant 14 : i32
    %dma_wait3A = arith.constant 0 : i32
    %dma_wait3A_105 = arith.constant 112 : i32
    %dma_wait3A_106 = arith.constant 0 : i32
    %dma_wait3A_107 = tpu.memref_slice %arg9[%dma_wait3A_105, %dma_wait3A_106] : memref<125x80xi32, #tpu.memory_space<vmem>> -> memref<1x80xi32, #tpu.memory_space<vmem>>
    %dma_wait3A_108 = tpu.memref_squeeze %dma_wait3A_107 : memref<1x80xi32, #tpu.memory_space<vmem>> -> memref<80xi32, #tpu.memory_space<vmem>>
    %dma_wait3A_109 = arith.constant 0 : i32
    %dma_wait3A_110 = arith.constant 0 : i32
    %dma_wait3A_111 = tpu.memref_slice %arg2[%dma_wait3A, %dma_wait3A_109, %dma_wait3A_110] : memref<2x10000x64xf32, #tpu.memory_space<hbm>> -> memref<1x10000x64xf32, #tpu.memory_space<hbm>>
    %dma_wait3A_112 = tpu.memref_squeeze %dma_wait3A_111 : memref<1x10000x64xf32, #tpu.memory_space<hbm>> -> memref<10000x64xf32, #tpu.memory_space<hbm>>
    %dma_wait3A_113 = arith.constant 0 : i32
    %dma_wait3A_114 = arith.constant 0 : i32
    %dma_wait3A_115 = tpu.memref_slice %dma_wait3A_112[%dma_wait3A_113, %dma_wait3A_114] : memref<10000x64xf32, #tpu.memory_space<hbm>> -> memref<10000x64xf32, #tpu.memory_space<hbm>>
    tpu.wait_indirect_dma semaphore(%arg22 : memref<!tpu.dma_semaphore, #tpu.memory_space<semaphore_mem>>) src(%dma_wait3A_115 : memref<10000x64xf32, #tpu.memory_space<hbm>>) dst(%arg11 : memref<80x64xf32, #tpu.memory_space<vmem>>)
    %dma_start3A_116 = arith.constant 112 : i32
    %dma_start3A_117 = arith.constant 0 : i32
    %dma_start3A_118 = tpu.memref_slice %arg10[%dma_start3A_116, %dma_start3A_117] : memref<125x80xi32, #tpu.memory_space<vmem>> -> memref<1x80xi32, #tpu.memory_space<vmem>>
    %dma_start3A_119 = tpu.memref_squeeze %dma_start3A_118 : memref<1x80xi32, #tpu.memory_space<vmem>> -> memref<80xi32, #tpu.memory_space<vmem>>
    %dma_start3A_120 = arith.constant 0 : i32
    %dma_start3A_121 = arith.constant 0 : i32
    %dma_start3A_122 = tpu.memref_slice %arg20[%dma_start3A_120, %dma_start3A_121] : memref<10240x64xf32, #tpu.memory_space<vmem_shared>> -> memref<10240x64xf32, #tpu.memory_space<vmem_shared>>
    tpu.enqueue_indirect_dma source(%arg11 : memref<80x64xf32, #tpu.memory_space<vmem>>) target(%dma_start3A_122 : memref<10240x64xf32, #tpu.memory_space<vmem_shared>>) offsets(%dma_start3A_119 : memref<80xi32, #tpu.memory_space<vmem>>) semaphore(%arg30 : memref<!tpu.dma_semaphore, #tpu.memory_space<semaphore_mem>>) {add = true}
    %dma_start3A_123 = arith.constant 112 : i32
    %dma_start3A_124 = arith.constant 0 : i32
    %dma_start3A_125 = tpu.memref_slice %arg10[%dma_start3A_123, %dma_start3A_124] : memref<125x80xi32, #tpu.memory_space<vmem>> -> memref<1x80xi32, #tpu.memory_space<vmem>>
    %dma_start3A_126 = tpu.memref_squeeze %dma_start3A_125 : memref<1x80xi32, #tpu.memory_space<vmem>> -> memref<80xi32, #tpu.memory_space<vmem>>
    %dma_start3A_127 = arith.constant 0 : i32
    %dma_start3A_128 = arith.constant 0 : i32
    %dma_start3A_129 = tpu.memref_slice %arg21[%dma_start3A_127, %dma_start3A_128] : memref<10240x16xf32, #tpu.memory_space<vmem_shared>> -> memref<10240x16xf32, #tpu.memory_space<vmem_shared>>
    tpu.enqueue_indirect_dma source(%arg19 : memref<80x16xf32, #tpu.memory_space<vmem>>) target(%dma_start3A_129 : memref<10240x16xf32, #tpu.memory_space<vmem_shared>>) offsets(%dma_start3A_126 : memref<80xi32, #tpu.memory_space<vmem>>) semaphore(%arg30 : memref<!tpu.dma_semaphore, #tpu.memory_space<semaphore_mem>>) {add = true}
    %dma_wait3A_130 = arith.constant 0 : i32
    %dma_wait3A_131 = arith.constant 113 : i32
    %dma_wait3A_132 = arith.constant 0 : i32
    %dma_wait3A_133 = tpu.memref_slice %arg9[%dma_wait3A_131, %dma_wait3A_132] : memref<125x80xi32, #tpu.memory_space<vmem>> -> memref<1x80xi32, #tpu.memory_space<vmem>>
    %dma_wait3A_134 = tpu.memref_squeeze %dma_wait3A_133 : memref<1x80xi32, #tpu.memory_space<vmem>> -> memref<80xi32, #tpu.memory_space<vmem>>
    %dma_wait3A_135 = arith.constant 0 : i32
    %dma_wait3A_136 = arith.constant 0 : i32
    %dma_wait3A_137 = tpu.memref_slice %arg2[%dma_wait3A_130, %dma_wait3A_135, %dma_wait3A_136] : memref<2x10000x64xf32, #tpu.memory_space<hbm>> -> memref<1x10000x64xf32, #tpu.memory_space<hbm>>
    %dma_wait3A_138 = tpu.memref_squeeze %dma_wait3A_137 : memref<1x10000x64xf32, #tpu.memory_space<hbm>> -> memref<10000x64xf32, #tpu.memory_space<hbm>>
    %dma_wait3A_139 = arith.constant 0 : i32
    %dma_wait3A_140 = arith.constant 0 : i32
    %dma_wait3A_141 = tpu.memref_slice %dma_wait3A_138[%dma_wait3A_139, %dma_wait3A_140] : memref<10000x64xf32, #tpu.memory_space<hbm>> -> memref<10000x64xf32, #tpu.memory_space<hbm>>
    tpu.wait_indirect_dma semaphore(%arg23 : memref<!tpu.dma_semaphore, #tpu.memory_space<semaphore_mem>>) src(%dma_wait3A_141 : memref<10000x64xf32, #tpu.memory_space<hbm>>) dst(%arg12 : memref<80x64xf32, #tpu.memory_space<vmem>>)
    %dma_start3A_142 = arith.constant 113 : i32
    %dma_start3A_143 = arith.constant 0 : i32
    %dma_start3A_144 = tpu.memref_slice %arg10[%dma_start3A_142, %dma_start3A_143] : memref<125x80xi32, #tpu.memory_space<vmem>> -> memref<1x80xi32, #tpu.memory_space<vmem>>
    %dma_start3A_145 = tpu.memref_squeeze %dma_start3A_144 : memref<1x80xi32, #tpu.memory_space<vmem>> -> memref<80xi32, #tpu.memory_space<vmem>>
    %dma_start3A_146 = arith.constant 0 : i32
    %dma_start3A_147 = arith.constant 0 : i32
    %dma_start3A_148 = tpu.memref_slice %arg20[%dma_start3A_146, %dma_start3A_147] : memref<10240x64xf32, #tpu.memory_space<vmem_shared>> -> memref<10240x64xf32, #tpu.memory_space<vmem_shared>>
    tpu.enqueue_indirect_dma source(%arg12 : memref<80x64xf32, #tpu.memory_space<vmem>>) target(%dma_start3A_148 : memref<10240x64xf32, #tpu.memory_space<vmem_shared>>) offsets(%dma_start3A_145 : memref<80xi32, #tpu.memory_space<vmem>>) semaphore(%arg31 : memref<!tpu.dma_semaphore, #tpu.memory_space<semaphore_mem>>) {add = true}
    %dma_start3A_149 = arith.constant 113 : i32
    %dma_start3A_150 = arith.constant 0 : i32
    %dma_start3A_151 = tpu.memref_slice %arg10[%dma_start3A_149, %dma_start3A_150] : memref<125x80xi32, #tpu.memory_space<vmem>> -> memref<1x80xi32, #tpu.memory_space<vmem>>
    %dma_start3A_152 = tpu.memref_squeeze %dma_start3A_151 : memref<1x80xi32, #tpu.memory_space<vmem>> -> memref<80xi32, #tpu.memory_space<vmem>>
    %dma_start3A_153 = arith.constant 0 : i32
    %dma_start3A_154 = arith.constant 0 : i32
    %dma_start3A_155 = tpu.memref_slice %arg21[%dma_start3A_153, %dma_start3A_154] : memref<10240x16xf32, #tpu.memory_space<vmem_shared>> -> memref<10240x16xf32, #tpu.memory_space<vmem_shared>>
    tpu.enqueue_indirect_dma source(%arg19 : memref<80x16xf32, #tpu.memory_space<vmem>>) target(%dma_start3A_155 : memref<10240x16xf32, #tpu.memory_space<vmem_shared>>) offsets(%dma_start3A_152 : memref<80xi32, #tpu.memory_space<vmem>>) semaphore(%arg31 : memref<!tpu.dma_semaphore, #tpu.memory_space<semaphore_mem>>) {add = true}
    %dma_wait3A_156 = arith.constant 112 : i32
    %dma_wait3A_157 = arith.constant 0 : i32
    %dma_wait3A_158 = tpu.memref_slice %arg10[%dma_wait3A_156, %dma_wait3A_157] : memref<125x80xi32, #tpu.memory_space<vmem>> -> memref<1x80xi32, #tpu.memory_space<vmem>>
    %dma_wait3A_159 = tpu.memref_squeeze %dma_wait3A_158 : memref<1x80xi32, #tpu.memory_space<vmem>> -> memref<80xi32, #tpu.memory_space<vmem>>
    %dma_wait3A_160 = arith.constant 0 : i32
    %dma_wait3A_161 = arith.constant 0 : i32
    %dma_wait3A_162 = tpu.memref_slice %arg20[%dma_wait3A_160, %dma_wait3A_161] : memref<10240x64xf32, #tpu.memory_space<vmem_shared>> -> memref<10240x64xf32, #tpu.memory_space<vmem_shared>>
    tpu.wait_indirect_dma semaphore(%arg30 : memref<!tpu.dma_semaphore, #tpu.memory_space<semaphore_mem>>) src(%arg11 : memref<80x64xf32, #tpu.memory_space<vmem>>) dst(%dma_wait3A_162 : memref<10240x64xf32, #tpu.memory_space<vmem_shared>>)
    %dma_wait3A_163 = arith.constant 112 : i32
    %dma_wait3A_164 = arith.constant 0 : i32
    %dma_wait3A_165 = tpu.memref_slice %arg10[%dma_wait3A_163, %dma_wait3A_164] : memref<125x80xi32, #tpu.memory_space<vmem>> -> memref<1x80xi32, #tpu.memory_space<vmem>>
    %dma_wait3A_166 = tpu.memref_squeeze %dma_wait3A_165 : memref<1x80xi32, #tpu.memory_space<vmem>> -> memref<80xi32, #tpu.memory_space<vmem>>
    %dma_wait3A_167 = arith.constant 0 : i32
    %dma_wait3A_168 = arith.constant 0 : i32
    %dma_wait3A_169 = tpu.memref_slice %arg21[%dma_wait3A_167, %dma_wait3A_168] : memref<10240x16xf32, #tpu.memory_space<vmem_shared>> -> memref<10240x16xf32, #tpu.memory_space<vmem_shared>>
    tpu.wait_indirect_dma semaphore(%arg30 : memref<!tpu.dma_semaphore, #tpu.memory_space<semaphore_mem>>) src(%arg19 : memref<80x16xf32, #tpu.memory_space<vmem>>) dst(%dma_wait3A_169 : memref<10240x16xf32, #tpu.memory_space<vmem_shared>>)
    %dma_start3A_170 = arith.constant 0 : i32
    %dma_start3A_171 = arith.constant 120 : i32
    %dma_start3A_172 = arith.constant 0 : i32
    %dma_start3A_173 = tpu.memref_slice %arg9[%dma_start3A_171, %dma_start3A_172] : memref<125x80xi32, #tpu.memory_space<vmem>> -> memref<1x80xi32, #tpu.memory_space<vmem>>
    %dma_start3A_174 = tpu.memref_squeeze %dma_start3A_173 : memref<1x80xi32, #tpu.memory_space<vmem>> -> memref<80xi32, #tpu.memory_space<vmem>>
    %dma_start3A_175 = arith.constant 0 : i32
    %dma_start3A_176 = arith.constant 0 : i32
    %dma_start3A_177 = tpu.memref_slice %arg2[%dma_start3A_170, %dma_start3A_175, %dma_start3A_176] : memref<2x10000x64xf32, #tpu.memory_space<hbm>> -> memref<1x10000x64xf32, #tpu.memory_space<hbm>>
    %dma_start3A_178 = tpu.memref_squeeze %dma_start3A_177 : memref<1x10000x64xf32, #tpu.memory_space<hbm>> -> memref<10000x64xf32, #tpu.memory_space<hbm>>
    %dma_start3A_179 = arith.constant 0 : i32
    %dma_start3A_180 = arith.constant 0 : i32
    %dma_start3A_181 = tpu.memref_slice %dma_start3A_178[%dma_start3A_179, %dma_start3A_180] : memref<10000x64xf32, #tpu.memory_space<hbm>> -> memref<10000x64xf32, #tpu.memory_space<hbm>>
    tpu.enqueue_indirect_dma source(%dma_start3A_181 : memref<10000x64xf32, #tpu.memory_space<hbm>>) target(%arg11 : memref<80x64xf32, #tpu.memory_space<vmem>>) offsets(%dma_start3A_174 : memref<80xi32, #tpu.memory_space<vmem>>) semaphore(%arg22 : memref<!tpu.dma_semaphore, #tpu.memory_space<semaphore_mem>>)
    %dma_wait3A_182 = arith.constant 0 : i32
    %dma_wait3A_183 = arith.constant 114 : i32
    %dma_wait3A_184 = arith.constant 0 : i32
    %dma_wait3A_185 = tpu.memref_slice %arg9[%dma_wait3A_183, %dma_wait3A_184] : memref<125x80xi32, #tpu.memory_space<vmem>> -> memref<1x80xi32, #tpu.memory_space<vmem>>
    %dma_wait3A_186 = tpu.memref_squeeze %dma_wait3A_185 : memref<1x80xi32, #tpu.memory_space<vmem>> -> memref<80xi32, #tpu.memory_space<vmem>>
    %dma_wait3A_187 = arith.constant 0 : i32
    %dma_wait3A_188 = arith.constant 0 : i32
    %dma_wait3A_189 = tpu.memref_slice %arg2[%dma_wait3A_182, %dma_wait3A_187, %dma_wait3A_188] : memref<2x10000x64xf32, #tpu.memory_space<hbm>> -> memref<1x10000x64xf32, #tpu.memory_space<hbm>>
    %dma_wait3A_190 = tpu.memref_squeeze %dma_wait3A_189 : memref<1x10000x64xf32, #tpu.memory_space<hbm>> -> memref<10000x64xf32, #tpu.memory_space<hbm>>
    %dma_wait3A_191 = arith.constant 0 : i32
    %dma_wait3A_192 = arith.constant 0 : i32
    %dma_wait3A_193 = tpu.memref_slice %dma_wait3A_190[%dma_wait3A_191, %dma_wait3A_192] : memref<10000x64xf32, #tpu.memory_space<hbm>> -> memref<10000x64xf32, #tpu.memory_space<hbm>>
    tpu.wait_indirect_dma semaphore(%arg24 : memref<!tpu.dma_semaphore, #tpu.memory_space<semaphore_mem>>) src(%dma_wait3A_193 : memref<10000x64xf32, #tpu.memory_space<hbm>>) dst(%arg13 : memref<80x64xf32, #tpu.memory_space<vmem>>)
    %dma_start3A_194 = arith.constant 114 : i32
    %dma_start3A_195 = arith.constant 0 : i32
    %dma_start3A_196 = tpu.memref_slice %arg10[%dma_start3A_194, %dma_start3A_195] : memref<125x80xi32, #tpu.memory_space<vmem>> -> memref<1x80xi32, #tpu.memory_space<vmem>>
    %dma_start3A_197 = tpu.memref_squeeze %dma_start3A_196 : memref<1x80xi32, #tpu.memory_space<vmem>> -> memref<80xi32, #tpu.memory_space<vmem>>
    %dma_start3A_198 = arith.constant 0 : i32
    %dma_start3A_199 = arith.constant 0 : i32
    %dma_start3A_200 = tpu.memref_slice %arg20[%dma_start3A_198, %dma_start3A_199] : memref<10240x64xf32, #tpu.memory_space<vmem_shared>> -> memref<10240x64xf32, #tpu.memory_space<vmem_shared>>
    tpu.enqueue_indirect_dma source(%arg13 : memref<80x64xf32, #tpu.memory_space<vmem>>) target(%dma_start3A_200 : memref<10240x64xf32, #tpu.memory_space<vmem_shared>>) offsets(%dma_start3A_197 : memref<80xi32, #tpu.memory_space<vmem>>) semaphore(%arg32 : memref<!tpu.dma_semaphore, #tpu.memory_space<semaphore_mem>>) {add = true}
    %dma_start3A_201 = arith.constant 114 : i32
    %dma_start3A_202 = arith.constant 0 : i32
    %dma_start3A_203 = tpu.memref_slice %arg10[%dma_start3A_201, %dma_start3A_202] : memref<125x80xi32, #tpu.memory_space<vmem>> -> memref<1x80xi32, #tpu.memory_space<vmem>>
    %dma_start3A_204 = tpu.memref_squeeze %dma_start3A_203 : memref<1x80xi32, #tpu.memory_space<vmem>> -> memref<80xi32, #tpu.memory_space<vmem>>
    %dma_start3A_205 = arith.constant 0 : i32
    %dma_start3A_206 = arith.constant 0 : i32
    %dma_start3A_207 = tpu.memref_slice %arg21[%dma_start3A_205, %dma_start3A_206] : memref<10240x16xf32, #tpu.memory_space<vmem_shared>> -> memref<10240x16xf32, #tpu.memory_space<vmem_shared>>
    tpu.enqueue_indirect_dma source(%arg19 : memref<80x16xf32, #tpu.memory_space<vmem>>) target(%dma_start3A_207 : memref<10240x16xf32, #tpu.memory_space<vmem_shared>>) offsets(%dma_start3A_204 : memref<80xi32, #tpu.memory_space<vmem>>) semaphore(%arg32 : memref<!tpu.dma_semaphore, #tpu.memory_space<semaphore_mem>>) {add = true}
    %dma_wait3A_208 = arith.constant 113 : i32
    %dma_wait3A_209 = arith.constant 0 : i32
    %dma_wait3A_210 = tpu.memref_slice %arg10[%dma_wait3A_208, %dma_wait3A_209] : memref<125x80xi32, #tpu.memory_space<vmem>> -> memref<1x80xi32, #tpu.memory_space<vmem>>
    %dma_wait3A_211 = tpu.memref_squeeze %dma_wait3A_210 : memref<1x80xi32, #tpu.memory_space<vmem>> -> memref<80xi32, #tpu.memory_space<vmem>>
    %dma_wait3A_212 = arith.constant 0 : i32
    %dma_wait3A_213 = arith.constant 0 : i32
    %dma_wait3A_214 = tpu.memref_slice %arg20[%dma_wait3A_212, %dma_wait3A_213] : memref<10240x64xf32, #tpu.memory_space<vmem_shared>> -> memref<10240x64xf32, #tpu.memory_space<vmem_shared>>
    tpu.wait_indirect_dma semaphore(%arg31 : memref<!tpu.dma_semaphore, #tpu.memory_space<semaphore_mem>>) src(%arg12 : memref<80x64xf32, #tpu.memory_space<vmem>>) dst(%dma_wait3A_214 : memref<10240x64xf32, #tpu.memory_space<vmem_shared>>)
    %dma_wait3A_215 = arith.constant 113 : i32
    %dma_wait3A_216 = arith.constant 0 : i32
    %dma_wait3A_217 = tpu.memref_slice %arg10[%dma_wait3A_215, %dma_wait3A_216] : memref<125x80xi32, #tpu.memory_space<vmem>> -> memref<1x80xi32, #tpu.memory_space<vmem>>
    %dma_wait3A_218 = tpu.memref_squeeze %dma_wait3A_217 : memref<1x80xi32, #tpu.memory_space<vmem>> -> memref<80xi32, #tpu.memory_space<vmem>>
    %dma_wait3A_219 = arith.constant 0 : i32
    %dma_wait3A_220 = arith.constant 0 : i32
    %dma_wait3A_221 = tpu.memref_slice %arg21[%dma_wait3A_219, %dma_wait3A_220] : memref<10240x16xf32, #tpu.memory_space<vmem_shared>> -> memref<10240x16xf32, #tpu.memory_space<vmem_shared>>
    tpu.wait_indirect_dma semaphore(%arg31 : memref<!tpu.dma_semaphore, #tpu.memory_space<semaphore_mem>>) src(%arg19 : memref<80x16xf32, #tpu.memory_space<vmem>>) dst(%dma_wait3A_221 : memref<10240x16xf32, #tpu.memory_space<vmem_shared>>)
    %dma_start3A_222 = arith.constant 0 : i32
    %dma_start3A_223 = arith.constant 121 : i32
    %dma_start3A_224 = arith.constant 0 : i32
    %dma_start3A_225 = tpu.memref_slice %arg9[%dma_start3A_223, %dma_start3A_224] : memref<125x80xi32, #tpu.memory_space<vmem>> -> memref<1x80xi32, #tpu.memory_space<vmem>>
    %dma_start3A_226 = tpu.memref_squeeze %dma_start3A_225 : memref<1x80xi32, #tpu.memory_space<vmem>> -> memref<80xi32, #tpu.memory_space<vmem>>
    %dma_start3A_227 = arith.constant 0 : i32
    %dma_start3A_228 = arith.constant 0 : i32
    %dma_start3A_229 = tpu.memref_slice %arg2[%dma_start3A_222, %dma_start3A_227, %dma_start3A_228] : memref<2x10000x64xf32, #tpu.memory_space<hbm>> -> memref<1x10000x64xf32, #tpu.memory_space<hbm>>
    %dma_start3A_230 = tpu.memref_squeeze %dma_start3A_229 : memref<1x10000x64xf32, #tpu.memory_space<hbm>> -> memref<10000x64xf32, #tpu.memory_space<hbm>>
    %dma_start3A_231 = arith.constant 0 : i32
    %dma_start3A_232 = arith.constant 0 : i32
    %dma_start3A_233 = tpu.memref_slice %dma_start3A_230[%dma_start3A_231, %dma_start3A_232] : memref<10000x64xf32, #tpu.memory_space<hbm>> -> memref<10000x64xf32, #tpu.memory_space<hbm>>
    tpu.enqueue_indirect_dma source(%dma_start3A_233 : memref<10000x64xf32, #tpu.memory_space<hbm>>) target(%arg12 : memref<80x64xf32, #tpu.memory_space<vmem>>) offsets(%dma_start3A_226 : memref<80xi32, #tpu.memory_space<vmem>>) semaphore(%arg23 : memref<!tpu.dma_semaphore, #tpu.memory_space<semaphore_mem>>)
    %dma_wait3A_234 = arith.constant 0 : i32
    %dma_wait3A_235 = arith.constant 115 : i32
    %dma_wait3A_236 = arith.constant 0 : i32
    %dma_wait3A_237 = tpu.memref_slice %arg9[%dma_wait3A_235, %dma_wait3A_236] : memref<125x80xi32, #tpu.memory_space<vmem>> -> memref<1x80xi32, #tpu.memory_space<vmem>>
    %dma_wait3A_238 = tpu.memref_squeeze %dma_wait3A_237 : memref<1x80xi32, #tpu.memory_space<vmem>> -> memref<80xi32, #tpu.memory_space<vmem>>
    %dma_wait3A_239 = arith.constant 0 : i32
    %dma_wait3A_240 = arith.constant 0 : i32
    %dma_wait3A_241 = tpu.memref_slice %arg2[%dma_wait3A_234, %dma_wait3A_239, %dma_wait3A_240] : memref<2x10000x64xf32, #tpu.memory_space<hbm>> -> memref<1x10000x64xf32, #tpu.memory_space<hbm>>
    %dma_wait3A_242 = tpu.memref_squeeze %dma_wait3A_241 : memref<1x10000x64xf32, #tpu.memory_space<hbm>> -> memref<10000x64xf32, #tpu.memory_space<hbm>>
    %dma_wait3A_243 = arith.constant 0 : i32
    %dma_wait3A_244 = arith.constant 0 : i32
    %dma_wait3A_245 = tpu.memref_slice %dma_wait3A_242[%dma_wait3A_243, %dma_wait3A_244] : memref<10000x64xf32, #tpu.memory_space<hbm>> -> memref<10000x64xf32, #tpu.memory_space<hbm>>
    tpu.wait_indirect_dma semaphore(%arg25 : memref<!tpu.dma_semaphore, #tpu.memory_space<semaphore_mem>>) src(%dma_wait3A_245 : memref<10000x64xf32, #tpu.memory_space<hbm>>) dst(%arg14 : memref<80x64xf32, #tpu.memory_space<vmem>>)
    %dma_start3A_246 = arith.constant 115 : i32
    %dma_start3A_247 = arith.constant 0 : i32
    %dma_start3A_248 = tpu.memref_slice %arg10[%dma_start3A_246, %dma_start3A_247] : memref<125x80xi32, #tpu.memory_space<vmem>> -> memref<1x80xi32, #tpu.memory_space<vmem>>
    %dma_start3A_249 = tpu.memref_squeeze %dma_start3A_248 : memref<1x80xi32, #tpu.memory_space<vmem>> -> memref<80xi32, #tpu.memory_space<vmem>>
    %dma_start3A_250 = arith.constant 0 : i32
    %dma_start3A_251 = arith.constant 0 : i32
    %dma_start3A_252 = tpu.memref_slice %arg20[%dma_start3A_250, %dma_start3A_251] : memref<10240x64xf32, #tpu.memory_space<vmem_shared>> -> memref<10240x64xf32, #tpu.memory_space<vmem_shared>>
    tpu.enqueue_indirect_dma source(%arg14 : memref<80x64xf32, #tpu.memory_space<vmem>>) target(%dma_start3A_252 : memref<10240x64xf32, #tpu.memory_space<vmem_shared>>) offsets(%dma_start3A_249 : memref<80xi32, #tpu.memory_space<vmem>>) semaphore(%arg33 : memref<!tpu.dma_semaphore, #tpu.memory_space<semaphore_mem>>) {add = true}
    %dma_start3A_253 = arith.constant 115 : i32
    %dma_start3A_254 = arith.constant 0 : i32
    %dma_start3A_255 = tpu.memref_slice %arg10[%dma_start3A_253, %dma_start3A_254] : memref<125x80xi32, #tpu.memory_space<vmem>> -> memref<1x80xi32, #tpu.memory_space<vmem>>
    %dma_start3A_256 = tpu.memref_squeeze %dma_start3A_255 : memref<1x80xi32, #tpu.memory_space<vmem>> -> memref<80xi32, #tpu.memory_space<vmem>>
    %dma_start3A_257 = arith.constant 0 : i32
    %dma_start3A_258 = arith.constant 0 : i32
    %dma_start3A_259 = tpu.memref_slice %arg21[%dma_start3A_257, %dma_start3A_258] : memref<10240x16xf32, #tpu.memory_space<vmem_shared>> -> memref<10240x16xf32, #tpu.memory_space<vmem_shared>>
    tpu.enqueue_indirect_dma source(%arg19 : memref<80x16xf32, #tpu.memory_space<vmem>>) target(%dma_start3A_259 : memref<10240x16xf32, #tpu.memory_space<vmem_shared>>) offsets(%dma_start3A_256 : memref<80xi32, #tpu.memory_space<vmem>>) semaphore(%arg33 : memref<!tpu.dma_semaphore, #tpu.memory_space<semaphore_mem>>) {add = true}
    %dma_wait3A_260 = arith.constant 114 : i32
    %dma_wait3A_261 = arith.constant 0 : i32
    %dma_wait3A_262 = tpu.memref_slice %arg10[%dma_wait3A_260, %dma_wait3A_261] : memref<125x80xi32, #tpu.memory_space<vmem>> -> memref<1x80xi32, #tpu.memory_space<vmem>>
    %dma_wait3A_263 = tpu.memref_squeeze %dma_wait3A_262 : memref<1x80xi32, #tpu.memory_space<vmem>> -> memref<80xi32, #tpu.memory_space<vmem>>
    %dma_wait3A_264 = arith.constant 0 : i32
    %dma_wait3A_265 = arith.constant 0 : i32
    %dma_wait3A_266 = tpu.memref_slice %arg20[%dma_wait3A_264, %dma_wait3A_265] : memref<10240x64xf32, #tpu.memory_space<vmem_shared>> -> memref<10240x64xf32, #tpu.memory_space<vmem_shared>>
    tpu.wait_indirect_dma semaphore(%arg32 : memref<!tpu.dma_semaphore, #tpu.memory_space<semaphore_mem>>) src(%arg13 : memref<80x64xf32, #tpu.memory_space<vmem>>) dst(%dma_wait3A_266 : memref<10240x64xf32, #tpu.memory_space<vmem_shared>>)
    %dma_wait3A_267 = arith.constant 114 : i32
    %dma_wait3A_268 = arith.constant 0 : i32
    %dma_wait3A_269 = tpu.memref_slice %arg10[%dma_wait3A_267, %dma_wait3A_268] : memref<125x80xi32, #tpu.memory_space<vmem>> -> memref<1x80xi32, #tpu.memory_space<vmem>>
    %dma_wait3A_270 = tpu.memref_squeeze %dma_wait3A_269 : memref<1x80xi32, #tpu.memory_space<vmem>> -> memref<80xi32, #tpu.memory_space<vmem>>
    %dma_wait3A_271 = arith.constant 0 : i32
    %dma_wait3A_272 = arith.constant 0 : i32
    %dma_wait3A_273 = tpu.memref_slice %arg21[%dma_wait3A_271, %dma_wait3A_272] : memref<10240x16xf32, #tpu.memory_space<vmem_shared>> -> memref<10240x16xf32, #tpu.memory_space<vmem_shared>>
    tpu.wait_indirect_dma semaphore(%arg32 : memref<!tpu.dma_semaphore, #tpu.memory_space<semaphore_mem>>) src(%arg19 : memref<80x16xf32, #tpu.memory_space<vmem>>) dst(%dma_wait3A_273 : memref<10240x16xf32, #tpu.memory_space<vmem_shared>>)
    %dma_start3A_274 = arith.constant 0 : i32
    %dma_start3A_275 = arith.constant 122 : i32
    %dma_start3A_276 = arith.constant 0 : i32
    %dma_start3A_277 = tpu.memref_slice %arg9[%dma_start3A_275, %dma_start3A_276] : memref<125x80xi32, #tpu.memory_space<vmem>> -> memref<1x80xi32, #tpu.memory_space<vmem>>
    %dma_start3A_278 = tpu.memref_squeeze %dma_start3A_277 : memref<1x80xi32, #tpu.memory_space<vmem>> -> memref<80xi32, #tpu.memory_space<vmem>>
    %dma_start3A_279 = arith.constant 0 : i32
    %dma_start3A_280 = arith.constant 0 : i32
    %dma_start3A_281 = tpu.memref_slice %arg2[%dma_start3A_274, %dma_start3A_279, %dma_start3A_280] : memref<2x10000x64xf32, #tpu.memory_space<hbm>> -> memref<1x10000x64xf32, #tpu.memory_space<hbm>>
    %dma_start3A_282 = tpu.memref_squeeze %dma_start3A_281 : memref<1x10000x64xf32, #tpu.memory_space<hbm>> -> memref<10000x64xf32, #tpu.memory_space<hbm>>
    %dma_start3A_283 = arith.constant 0 : i32
    %dma_start3A_284 = arith.constant 0 : i32
    %dma_start3A_285 = tpu.memref_slice %dma_start3A_282[%dma_start3A_283, %dma_start3A_284] : memref<10000x64xf32, #tpu.memory_space<hbm>> -> memref<10000x64xf32, #tpu.memory_space<hbm>>
    tpu.enqueue_indirect_dma source(%dma_start3A_285 : memref<10000x64xf32, #tpu.memory_space<hbm>>) target(%arg13 : memref<80x64xf32, #tpu.memory_space<vmem>>) offsets(%dma_start3A_278 : memref<80xi32, #tpu.memory_space<vmem>>) semaphore(%arg24 : memref<!tpu.dma_semaphore, #tpu.memory_space<semaphore_mem>>)
    %dma_wait3A_286 = arith.constant 0 : i32
    %dma_wait3A_287 = arith.constant 116 : i32
    %dma_wait3A_288 = arith.constant 0 : i32
    %dma_wait3A_289 = tpu.memref_slice %arg9[%dma_wait3A_287, %dma_wait3A_288] : memref<125x80xi32, #tpu.memory_space<vmem>> -> memref<1x80xi32, #tpu.memory_space<vmem>>
    %dma_wait3A_290 = tpu.memref_squeeze %dma_wait3A_289 : memref<1x80xi32, #tpu.memory_space<vmem>> -> memref<80xi32, #tpu.memory_space<vmem>>
    %dma_wait3A_291 = arith.constant 0 : i32
    %dma_wait3A_292 = arith.constant 0 : i32
    %dma_wait3A_293 = tpu.memref_slice %arg2[%dma_wait3A_286, %dma_wait3A_291, %dma_wait3A_292] : memref<2x10000x64xf32, #tpu.memory_space<hbm>> -> memref<1x10000x64xf32, #tpu.memory_space<hbm>>
    %dma_wait3A_294 = tpu.memref_squeeze %dma_wait3A_293 : memref<1x10000x64xf32, #tpu.memory_space<hbm>> -> memref<10000x64xf32, #tpu.memory_space<hbm>>
    %dma_wait3A_295 = arith.constant 0 : i32
    %dma_wait3A_296 = arith.constant 0 : i32
    %dma_wait3A_297 = tpu.memref_slice %dma_wait3A_294[%dma_wait3A_295, %dma_wait3A_296] : memref<10000x64xf32, #tpu.memory_space<hbm>> -> memref<10000x64xf32, #tpu.memory_space<hbm>>
    tpu.wait_indirect_dma semaphore(%arg26 : memref<!tpu.dma_semaphore, #tpu.memory_space<semaphore_mem>>) src(%dma_wait3A_297 : memref<10000x64xf32, #tpu.memory_space<hbm>>) dst(%arg15 : memref<80x64xf32, #tpu.memory_space<vmem>>)
    %dma_start3A_298 = arith.constant 116 : i32
    %dma_start3A_299 = arith.constant 0 : i32
    %dma_start3A_300 = tpu.memref_slice %arg10[%dma_start3A_298, %dma_start3A_299] : memref<125x80xi32, #tpu.memory_space<vmem>> -> memref<1x80xi32, #tpu.memory_space<vmem>>
    %dma_start3A_301 = tpu.memref_squeeze %dma_start3A_300 : memref<1x80xi32, #tpu.memory_space<vmem>> -> memref<80xi32, #tpu.memory_space<vmem>>
    %dma_start3A_302 = arith.constant 0 : i32
    %dma_start3A_303 = arith.constant 0 : i32
    %dma_start3A_304 = tpu.memref_slice %arg20[%dma_start3A_302, %dma_start3A_303] : memref<10240x64xf32, #tpu.memory_space<vmem_shared>> -> memref<10240x64xf32, #tpu.memory_space<vmem_shared>>
    tpu.enqueue_indirect_dma source(%arg15 : memref<80x64xf32, #tpu.memory_space<vmem>>) target(%dma_start3A_304 : memref<10240x64xf32, #tpu.memory_space<vmem_shared>>) offsets(%dma_start3A_301 : memref<80xi32, #tpu.memory_space<vmem>>) semaphore(%arg34 : memref<!tpu.dma_semaphore, #tpu.memory_space<semaphore_mem>>) {add = true}
    %dma_start3A_305 = arith.constant 116 : i32
    %dma_start3A_306 = arith.constant 0 : i32
    %dma_start3A_307 = tpu.memref_slice %arg10[%dma_start3A_305, %dma_start3A_306] : memref<125x80xi32, #tpu.memory_space<vmem>> -> memref<1x80xi32, #tpu.memory_space<vmem>>
    %dma_start3A_308 = tpu.memref_squeeze %dma_start3A_307 : memref<1x80xi32, #tpu.memory_space<vmem>> -> memref<80xi32, #tpu.memory_space<vmem>>
    %dma_start3A_309 = arith.constant 0 : i32
    %dma_start3A_310 = arith.constant 0 : i32
    %dma_start3A_311 = tpu.memref_slice %arg21[%dma_start3A_309, %dma_start3A_310] : memref<10240x16xf32, #tpu.memory_space<vmem_shared>> -> memref<10240x16xf32, #tpu.memory_space<vmem_shared>>
    tpu.enqueue_indirect_dma source(%arg19 : memref<80x16xf32, #tpu.memory_space<vmem>>) target(%dma_start3A_311 : memref<10240x16xf32, #tpu.memory_space<vmem_shared>>) offsets(%dma_start3A_308 : memref<80xi32, #tpu.memory_space<vmem>>) semaphore(%arg34 : memref<!tpu.dma_semaphore, #tpu.memory_space<semaphore_mem>>) {add = true}
    %dma_wait3A_312 = arith.constant 115 : i32
    %dma_wait3A_313 = arith.constant 0 : i32
    %dma_wait3A_314 = tpu.memref_slice %arg10[%dma_wait3A_312, %dma_wait3A_313] : memref<125x80xi32, #tpu.memory_space<vmem>> -> memref<1x80xi32, #tpu.memory_space<vmem>>
    %dma_wait3A_315 = tpu.memref_squeeze %dma_wait3A_314 : memref<1x80xi32, #tpu.memory_space<vmem>> -> memref<80xi32, #tpu.memory_space<vmem>>
    %dma_wait3A_316 = arith.constant 0 : i32
    %dma_wait3A_317 = arith.constant 0 : i32
    %dma_wait3A_318 = tpu.memref_slice %arg20[%dma_wait3A_316, %dma_wait3A_317] : memref<10240x64xf32, #tpu.memory_space<vmem_shared>> -> memref<10240x64xf32, #tpu.memory_space<vmem_shared>>
    tpu.wait_indirect_dma semaphore(%arg33 : memref<!tpu.dma_semaphore, #tpu.memory_space<semaphore_mem>>) src(%arg14 : memref<80x64xf32, #tpu.memory_space<vmem>>) dst(%dma_wait3A_318 : memref<10240x64xf32, #tpu.memory_space<vmem_shared>>)
    %dma_wait3A_319 = arith.constant 115 : i32
    %dma_wait3A_320 = arith.constant 0 : i32
    %dma_wait3A_321 = tpu.memref_slice %arg10[%dma_wait3A_319, %dma_wait3A_320] : memref<125x80xi32, #tpu.memory_space<vmem>> -> memref<1x80xi32, #tpu.memory_space<vmem>>
    %dma_wait3A_322 = tpu.memref_squeeze %dma_wait3A_321 : memref<1x80xi32, #tpu.memory_space<vmem>> -> memref<80xi32, #tpu.memory_space<vmem>>
    %dma_wait3A_323 = arith.constant 0 : i32
    %dma_wait3A_324 = arith.constant 0 : i32
    %dma_wait3A_325 = tpu.memref_slice %arg21[%dma_wait3A_323, %dma_wait3A_324] : memref<10240x16xf32, #tpu.memory_space<vmem_shared>> -> memref<10240x16xf32, #tpu.memory_space<vmem_shared>>
    tpu.wait_indirect_dma semaphore(%arg33 : memref<!tpu.dma_semaphore, #tpu.memory_space<semaphore_mem>>) src(%arg19 : memref<80x16xf32, #tpu.memory_space<vmem>>) dst(%dma_wait3A_325 : memref<10240x16xf32, #tpu.memory_space<vmem_shared>>)
    %dma_start3A_326 = arith.constant 0 : i32
    %dma_start3A_327 = arith.constant 123 : i32
    %dma_start3A_328 = arith.constant 0 : i32
    %dma_start3A_329 = tpu.memref_slice %arg9[%dma_start3A_327, %dma_start3A_328] : memref<125x80xi32, #tpu.memory_space<vmem>> -> memref<1x80xi32, #tpu.memory_space<vmem>>
    %dma_start3A_330 = tpu.memref_squeeze %dma_start3A_329 : memref<1x80xi32, #tpu.memory_space<vmem>> -> memref<80xi32, #tpu.memory_space<vmem>>
    %dma_start3A_331 = arith.constant 0 : i32
    %dma_start3A_332 = arith.constant 0 : i32
    %dma_start3A_333 = tpu.memref_slice %arg2[%dma_start3A_326, %dma_start3A_331, %dma_start3A_332] : memref<2x10000x64xf32, #tpu.memory_space<hbm>> -> memref<1x10000x64xf32, #tpu.memory_space<hbm>>
    %dma_start3A_334 = tpu.memref_squeeze %dma_start3A_333 : memref<1x10000x64xf32, #tpu.memory_space<hbm>> -> memref<10000x64xf32, #tpu.memory_space<hbm>>
    %dma_start3A_335 = arith.constant 0 : i32
    %dma_start3A_336 = arith.constant 0 : i32
    %dma_start3A_337 = tpu.memref_slice %dma_start3A_334[%dma_start3A_335, %dma_start3A_336] : memref<10000x64xf32, #tpu.memory_space<hbm>> -> memref<10000x64xf32, #tpu.memory_space<hbm>>
    tpu.enqueue_indirect_dma source(%dma_start3A_337 : memref<10000x64xf32, #tpu.memory_space<hbm>>) target(%arg14 : memref<80x64xf32, #tpu.memory_space<vmem>>) offsets(%dma_start3A_330 : memref<80xi32, #tpu.memory_space<vmem>>) semaphore(%arg25 : memref<!tpu.dma_semaphore, #tpu.memory_space<semaphore_mem>>)
    %dma_wait3A_338 = arith.constant 0 : i32
    %dma_wait3A_339 = arith.constant 117 : i32
    %dma_wait3A_340 = arith.constant 0 : i32
    %dma_wait3A_341 = tpu.memref_slice %arg9[%dma_wait3A_339, %dma_wait3A_340] : memref<125x80xi32, #tpu.memory_space<vmem>> -> memref<1x80xi32, #tpu.memory_space<vmem>>
    %dma_wait3A_342 = tpu.memref_squeeze %dma_wait3A_341 : memref<1x80xi32, #tpu.memory_space<vmem>> -> memref<80xi32, #tpu.memory_space<vmem>>
    %dma_wait3A_343 = arith.constant 0 : i32
    %dma_wait3A_344 = arith.constant 0 : i32
    %dma_wait3A_345 = tpu.memref_slice %arg2[%dma_wait3A_338, %dma_wait3A_343, %dma_wait3A_344] : memref<2x10000x64xf32, #tpu.memory_space<hbm>> -> memref<1x10000x64xf32, #tpu.memory_space<hbm>>
    %dma_wait3A_346 = tpu.memref_squeeze %dma_wait3A_345 : memref<1x10000x64xf32, #tpu.memory_space<hbm>> -> memref<10000x64xf32, #tpu.memory_space<hbm>>
    %dma_wait3A_347 = arith.constant 0 : i32
    %dma_wait3A_348 = arith.constant 0 : i32
    %dma_wait3A_349 = tpu.memref_slice %dma_wait3A_346[%dma_wait3A_347, %dma_wait3A_348] : memref<10000x64xf32, #tpu.memory_space<hbm>> -> memref<10000x64xf32, #tpu.memory_space<hbm>>
    tpu.wait_indirect_dma semaphore(%arg27 : memref<!tpu.dma_semaphore, #tpu.memory_space<semaphore_mem>>) src(%dma_wait3A_349 : memref<10000x64xf32, #tpu.memory_space<hbm>>) dst(%arg16 : memref<80x64xf32, #tpu.memory_space<vmem>>)
    %dma_start3A_350 = arith.constant 117 : i32
    %dma_start3A_351 = arith.constant 0 : i32
    %dma_start3A_352 = tpu.memref_slice %arg10[%dma_start3A_350, %dma_start3A_351] : memref<125x80xi32, #tpu.memory_space<vmem>> -> memref<1x80xi32, #tpu.memory_space<vmem>>
    %dma_start3A_353 = tpu.memref_squeeze %dma_start3A_352 : memref<1x80xi32, #tpu.memory_space<vmem>> -> memref<80xi32, #tpu.memory_space<vmem>>
    %dma_start3A_354 = arith.constant 0 : i32
    %dma_start3A_355 = arith.constant 0 : i32
    %dma_start3A_356 = tpu.memref_slice %arg20[%dma_start3A_354, %dma_start3A_355] : memref<10240x64xf32, #tpu.memory_space<vmem_shared>> -> memref<10240x64xf32, #tpu.memory_space<vmem_shared>>
    tpu.enqueue_indirect_dma source(%arg16 : memref<80x64xf32, #tpu.memory_space<vmem>>) target(%dma_start3A_356 : memref<10240x64xf32, #tpu.memory_space<vmem_shared>>) offsets(%dma_start3A_353 : memref<80xi32, #tpu.memory_space<vmem>>) semaphore(%arg35 : memref<!tpu.dma_semaphore, #tpu.memory_space<semaphore_mem>>) {add = true}
    %dma_start3A_357 = arith.constant 117 : i32
    %dma_start3A_358 = arith.constant 0 : i32
    %dma_start3A_359 = tpu.memref_slice %arg10[%dma_start3A_357, %dma_start3A_358] : memref<125x80xi32, #tpu.memory_space<vmem>> -> memref<1x80xi32, #tpu.memory_space<vmem>>
    %dma_start3A_360 = tpu.memref_squeeze %dma_start3A_359 : memref<1x80xi32, #tpu.memory_space<vmem>> -> memref<80xi32, #tpu.memory_space<vmem>>
    %dma_start3A_361 = arith.constant 0 : i32
    %dma_start3A_362 = arith.constant 0 : i32
    %dma_start3A_363 = tpu.memref_slice %arg21[%dma_start3A_361, %dma_start3A_362] : memref<10240x16xf32, #tpu.memory_space<vmem_shared>> -> memref<10240x16xf32, #tpu.memory_space<vmem_shared>>
    tpu.enqueue_indirect_dma source(%arg19 : memref<80x16xf32, #tpu.memory_space<vmem>>) target(%dma_start3A_363 : memref<10240x16xf32, #tpu.memory_space<vmem_shared>>) offsets(%dma_start3A_360 : memref<80xi32, #tpu.memory_space<vmem>>) semaphore(%arg35 : memref<!tpu.dma_semaphore, #tpu.memory_space<semaphore_mem>>) {add = true}
    %dma_wait3A_364 = arith.constant 116 : i32
    %dma_wait3A_365 = arith.constant 0 : i32
    %dma_wait3A_366 = tpu.memref_slice %arg10[%dma_wait3A_364, %dma_wait3A_365] : memref<125x80xi32, #tpu.memory_space<vmem>> -> memref<1x80xi32, #tpu.memory_space<vmem>>
    %dma_wait3A_367 = tpu.memref_squeeze %dma_wait3A_366 : memref<1x80xi32, #tpu.memory_space<vmem>> -> memref<80xi32, #tpu.memory_space<vmem>>
    %dma_wait3A_368 = arith.constant 0 : i32
    %dma_wait3A_369 = arith.constant 0 : i32
    %dma_wait3A_370 = tpu.memref_slice %arg20[%dma_wait3A_368, %dma_wait3A_369] : memref<10240x64xf32, #tpu.memory_space<vmem_shared>> -> memref<10240x64xf32, #tpu.memory_space<vmem_shared>>
    tpu.wait_indirect_dma semaphore(%arg34 : memref<!tpu.dma_semaphore, #tpu.memory_space<semaphore_mem>>) src(%arg15 : memref<80x64xf32, #tpu.memory_space<vmem>>) dst(%dma_wait3A_370 : memref<10240x64xf32, #tpu.memory_space<vmem_shared>>)
    %dma_wait3A_371 = arith.constant 116 : i32
    %dma_wait3A_372 = arith.constant 0 : i32
    %dma_wait3A_373 = tpu.memref_slice %arg10[%dma_wait3A_371, %dma_wait3A_372] : memref<125x80xi32, #tpu.memory_space<vmem>> -> memref<1x80xi32, #tpu.memory_space<vmem>>
    %dma_wait3A_374 = tpu.memref_squeeze %dma_wait3A_373 : memref<1x80xi32, #tpu.memory_space<vmem>> -> memref<80xi32, #tpu.memory_space<vmem>>
    %dma_wait3A_375 = arith.constant 0 : i32
    %dma_wait3A_376 = arith.constant 0 : i32
    %dma_wait3A_377 = tpu.memref_slice %arg21[%dma_wait3A_375, %dma_wait3A_376] : memref<10240x16xf32, #tpu.memory_space<vmem_shared>> -> memref<10240x16xf32, #tpu.memory_space<vmem_shared>>
    tpu.wait_indirect_dma semaphore(%arg34 : memref<!tpu.dma_semaphore, #tpu.memory_space<semaphore_mem>>) src(%arg19 : memref<80x16xf32, #tpu.memory_space<vmem>>) dst(%dma_wait3A_377 : memref<10240x16xf32, #tpu.memory_space<vmem_shared>>)
    %dma_start3A_378 = arith.constant 0 : i32
    %dma_start3A_379 = arith.constant 124 : i32
    %dma_start3A_380 = arith.constant 0 : i32
    %dma_start3A_381 = tpu.memref_slice %arg9[%dma_start3A_379, %dma_start3A_380] : memref<125x80xi32, #tpu.memory_space<vmem>> -> memref<1x80xi32, #tpu.memory_space<vmem>>
    %dma_start3A_382 = tpu.memref_squeeze %dma_start3A_381 : memref<1x80xi32, #tpu.memory_space<vmem>> -> memref<80xi32, #tpu.memory_space<vmem>>
    %dma_start3A_383 = arith.constant 0 : i32
    %dma_start3A_384 = arith.constant 0 : i32
    %dma_start3A_385 = tpu.memref_slice %arg2[%dma_start3A_378, %dma_start3A_383, %dma_start3A_384] : memref<2x10000x64xf32, #tpu.memory_space<hbm>> -> memref<1x10000x64xf32, #tpu.memory_space<hbm>>
    %dma_start3A_386 = tpu.memref_squeeze %dma_start3A_385 : memref<1x10000x64xf32, #tpu.memory_space<hbm>> -> memref<10000x64xf32, #tpu.memory_space<hbm>>
    %dma_start3A_387 = arith.constant 0 : i32
    %dma_start3A_388 = arith.constant 0 : i32
    %dma_start3A_389 = tpu.memref_slice %dma_start3A_386[%dma_start3A_387, %dma_start3A_388] : memref<10000x64xf32, #tpu.memory_space<hbm>> -> memref<10000x64xf32, #tpu.memory_space<hbm>>
    tpu.enqueue_indirect_dma source(%dma_start3A_389 : memref<10000x64xf32, #tpu.memory_space<hbm>>) target(%arg15 : memref<80x64xf32, #tpu.memory_space<vmem>>) offsets(%dma_start3A_382 : memref<80xi32, #tpu.memory_space<vmem>>) semaphore(%arg26 : memref<!tpu.dma_semaphore, #tpu.memory_space<semaphore_mem>>)
    %dma_wait3A_390 = arith.constant 0 : i32
    %dma_wait3A_391 = arith.constant 118 : i32
    %dma_wait3A_392 = arith.constant 0 : i32
    %dma_wait3A_393 = tpu.memref_slice %arg9[%dma_wait3A_391, %dma_wait3A_392] : memref<125x80xi32, #tpu.memory_space<vmem>> -> memref<1x80xi32, #tpu.memory_space<vmem>>
    %dma_wait3A_394 = tpu.memref_squeeze %dma_wait3A_393 : memref<1x80xi32, #tpu.memory_space<vmem>> -> memref<80xi32, #tpu.memory_space<vmem>>
    %dma_wait3A_395 = arith.constant 0 : i32
    %dma_wait3A_396 = arith.constant 0 : i32
    %dma_wait3A_397 = tpu.memref_slice %arg2[%dma_wait3A_390, %dma_wait3A_395, %dma_wait3A_396] : memref<2x10000x64xf32, #tpu.memory_space<hbm>> -> memref<1x10000x64xf32, #tpu.memory_space<hbm>>
    %dma_wait3A_398 = tpu.memref_squeeze %dma_wait3A_397 : memref<1x10000x64xf32, #tpu.memory_space<hbm>> -> memref<10000x64xf32, #tpu.memory_space<hbm>>
    %dma_wait3A_399 = arith.constant 0 : i32
    %dma_wait3A_400 = arith.constant 0 : i32
    %dma_wait3A_401 = tpu.memref_slice %dma_wait3A_398[%dma_wait3A_399, %dma_wait3A_400] : memref<10000x64xf32, #tpu.memory_space<hbm>> -> memref<10000x64xf32, #tpu.memory_space<hbm>>
    tpu.wait_indirect_dma semaphore(%arg28 : memref<!tpu.dma_semaphore, #tpu.memory_space<semaphore_mem>>) src(%dma_wait3A_401 : memref<10000x64xf32, #tpu.memory_space<hbm>>) dst(%arg17 : memref<80x64xf32, #tpu.memory_space<vmem>>)
    %dma_start3A_402 = arith.constant 118 : i32
    %dma_start3A_403 = arith.constant 0 : i32
    %dma_start3A_404 = tpu.memref_slice %arg10[%dma_start3A_402, %dma_start3A_403] : memref<125x80xi32, #tpu.memory_space<vmem>> -> memref<1x80xi32, #tpu.memory_space<vmem>>
    %dma_start3A_405 = tpu.memref_squeeze %dma_start3A_404 : memref<1x80xi32, #tpu.memory_space<vmem>> -> memref<80xi32, #tpu.memory_space<vmem>>
    %dma_start3A_406 = arith.constant 0 : i32
    %dma_start3A_407 = arith.constant 0 : i32
    %dma_start3A_408 = tpu.memref_slice %arg20[%dma_start3A_406, %dma_start3A_407] : memref<10240x64xf32, #tpu.memory_space<vmem_shared>> -> memref<10240x64xf32, #tpu.memory_space<vmem_shared>>
    tpu.enqueue_indirect_dma source(%arg17 : memref<80x64xf32, #tpu.memory_space<vmem>>) target(%dma_start3A_408 : memref<10240x64xf32, #tpu.memory_space<vmem_shared>>) offsets(%dma_start3A_405 : memref<80xi32, #tpu.memory_space<vmem>>) semaphore(%arg36 : memref<!tpu.dma_semaphore, #tpu.memory_space<semaphore_mem>>) {add = true}
    %dma_start3A_409 = arith.constant 118 : i32
    %dma_start3A_410 = arith.constant 0 : i32
    %dma_start3A_411 = tpu.memref_slice %arg10[%dma_start3A_409, %dma_start3A_410] : memref<125x80xi32, #tpu.memory_space<vmem>> -> memref<1x80xi32, #tpu.memory_space<vmem>>
    %dma_start3A_412 = tpu.memref_squeeze %dma_start3A_411 : memref<1x80xi32, #tpu.memory_space<vmem>> -> memref<80xi32, #tpu.memory_space<vmem>>
    %dma_start3A_413 = arith.constant 0 : i32
    %dma_start3A_414 = arith.constant 0 : i32
    %dma_start3A_415 = tpu.memref_slice %arg21[%dma_start3A_413, %dma_start3A_414] : memref<10240x16xf32, #tpu.memory_space<vmem_shared>> -> memref<10240x16xf32, #tpu.memory_space<vmem_shared>>
    tpu.enqueue_indirect_dma source(%arg19 : memref<80x16xf32, #tpu.memory_space<vmem>>) target(%dma_start3A_415 : memref<10240x16xf32, #tpu.memory_space<vmem_shared>>) offsets(%dma_start3A_412 : memref<80xi32, #tpu.memory_space<vmem>>) semaphore(%arg36 : memref<!tpu.dma_semaphore, #tpu.memory_space<semaphore_mem>>) {add = true}
    %dma_wait3A_416 = arith.constant 117 : i32
    %dma_wait3A_417 = arith.constant 0 : i32
    %dma_wait3A_418 = tpu.memref_slice %arg10[%dma_wait3A_416, %dma_wait3A_417] : memref<125x80xi32, #tpu.memory_space<vmem>> -> memref<1x80xi32, #tpu.memory_space<vmem>>
    %dma_wait3A_419 = tpu.memref_squeeze %dma_wait3A_418 : memref<1x80xi32, #tpu.memory_space<vmem>> -> memref<80xi32, #tpu.memory_space<vmem>>
    %dma_wait3A_420 = arith.constant 0 : i32
    %dma_wait3A_421 = arith.constant 0 : i32
    %dma_wait3A_422 = tpu.memref_slice %arg20[%dma_wait3A_420, %dma_wait3A_421] : memref<10240x64xf32, #tpu.memory_space<vmem_shared>> -> memref<10240x64xf32, #tpu.memory_space<vmem_shared>>
    tpu.wait_indirect_dma semaphore(%arg35 : memref<!tpu.dma_semaphore, #tpu.memory_space<semaphore_mem>>) src(%arg16 : memref<80x64xf32, #tpu.memory_space<vmem>>) dst(%dma_wait3A_422 : memref<10240x64xf32, #tpu.memory_space<vmem_shared>>)
    %dma_wait3A_423 = arith.constant 117 : i32
    %dma_wait3A_424 = arith.constant 0 : i32
    %dma_wait3A_425 = tpu.memref_slice %arg10[%dma_wait3A_423, %dma_wait3A_424] : memref<125x80xi32, #tpu.memory_space<vmem>> -> memref<1x80xi32, #tpu.memory_space<vmem>>
    %dma_wait3A_426 = tpu.memref_squeeze %dma_wait3A_425 : memref<1x80xi32, #tpu.memory_space<vmem>> -> memref<80xi32, #tpu.memory_space<vmem>>
    %dma_wait3A_427 = arith.constant 0 : i32
    %dma_wait3A_428 = arith.constant 0 : i32
    %dma_wait3A_429 = tpu.memref_slice %arg21[%dma_wait3A_427, %dma_wait3A_428] : memref<10240x16xf32, #tpu.memory_space<vmem_shared>> -> memref<10240x16xf32, #tpu.memory_space<vmem_shared>>
    tpu.wait_indirect_dma semaphore(%arg35 : memref<!tpu.dma_semaphore, #tpu.memory_space<semaphore_mem>>) src(%arg19 : memref<80x16xf32, #tpu.memory_space<vmem>>) dst(%dma_wait3A_429 : memref<10240x16xf32, #tpu.memory_space<vmem_shared>>)
    %dma_wait3A_430 = arith.constant 0 : i32
    %dma_wait3A_431 = arith.constant 119 : i32
    %dma_wait3A_432 = arith.constant 0 : i32
    %dma_wait3A_433 = tpu.memref_slice %arg9[%dma_wait3A_431, %dma_wait3A_432] : memref<125x80xi32, #tpu.memory_space<vmem>> -> memref<1x80xi32, #tpu.memory_space<vmem>>
    %dma_wait3A_434 = tpu.memref_squeeze %dma_wait3A_433 : memref<1x80xi32, #tpu.memory_space<vmem>> -> memref<80xi32, #tpu.memory_space<vmem>>
    %dma_wait3A_435 = arith.constant 0 : i32
    %dma_wait3A_436 = arith.constant 0 : i32
    %dma_wait3A_437 = tpu.memref_slice %arg2[%dma_wait3A_430, %dma_wait3A_435, %dma_wait3A_436] : memref<2x10000x64xf32, #tpu.memory_space<hbm>> -> memref<1x10000x64xf32, #tpu.memory_space<hbm>>
    %dma_wait3A_438 = tpu.memref_squeeze %dma_wait3A_437 : memref<1x10000x64xf32, #tpu.memory_space<hbm>> -> memref<10000x64xf32, #tpu.memory_space<hbm>>
    %dma_wait3A_439 = arith.constant 0 : i32
    %dma_wait3A_440 = arith.constant 0 : i32
    %dma_wait3A_441 = tpu.memref_slice %dma_wait3A_438[%dma_wait3A_439, %dma_wait3A_440] : memref<10000x64xf32, #tpu.memory_space<hbm>> -> memref<10000x64xf32, #tpu.memory_space<hbm>>
    tpu.wait_indirect_dma semaphore(%arg29 : memref<!tpu.dma_semaphore, #tpu.memory_space<semaphore_mem>>) src(%dma_wait3A_441 : memref<10000x64xf32, #tpu.memory_space<hbm>>) dst(%arg18 : memref<80x64xf32, #tpu.memory_space<vmem>>)
    %dma_start3A_442 = arith.constant 119 : i32
    %dma_start3A_443 = arith.constant 0 : i32
    %dma_start3A_444 = tpu.memref_slice %arg10[%dma_start3A_442, %dma_start3A_443] : memref<125x80xi32, #tpu.memory_space<vmem>> -> memref<1x80xi32, #tpu.memory_space<vmem>>
    %dma_start3A_445 = tpu.memref_squeeze %dma_start3A_444 : memref<1x80xi32, #tpu.memory_space<vmem>> -> memref<80xi32, #tpu.memory_space<vmem>>
    %dma_start3A_446 = arith.constant 0 : i32
    %dma_start3A_447 = arith.constant 0 : i32
    %dma_start3A_448 = tpu.memref_slice %arg20[%dma_start3A_446, %dma_start3A_447] : memref<10240x64xf32, #tpu.memory_space<vmem_shared>> -> memref<10240x64xf32, #tpu.memory_space<vmem_shared>>
    tpu.enqueue_indirect_dma source(%arg18 : memref<80x64xf32, #tpu.memory_space<vmem>>) target(%dma_start3A_448 : memref<10240x64xf32, #tpu.memory_space<vmem_shared>>) offsets(%dma_start3A_445 : memref<80xi32, #tpu.memory_space<vmem>>) semaphore(%arg37 : memref<!tpu.dma_semaphore, #tpu.memory_space<semaphore_mem>>) {add = true}
    %dma_start3A_449 = arith.constant 119 : i32
    %dma_start3A_450 = arith.constant 0 : i32
    %dma_start3A_451 = tpu.memref_slice %arg10[%dma_start3A_449, %dma_start3A_450] : memref<125x80xi32, #tpu.memory_space<vmem>> -> memref<1x80xi32, #tpu.memory_space<vmem>>
    %dma_start3A_452 = tpu.memref_squeeze %dma_start3A_451 : memref<1x80xi32, #tpu.memory_space<vmem>> -> memref<80xi32, #tpu.memory_space<vmem>>
    %dma_start3A_453 = arith.constant 0 : i32
    %dma_start3A_454 = arith.constant 0 : i32
    %dma_start3A_455 = tpu.memref_slice %arg21[%dma_start3A_453, %dma_start3A_454] : memref<10240x16xf32, #tpu.memory_space<vmem_shared>> -> memref<10240x16xf32, #tpu.memory_space<vmem_shared>>
    tpu.enqueue_indirect_dma source(%arg19 : memref<80x16xf32, #tpu.memory_space<vmem>>) target(%dma_start3A_455 : memref<10240x16xf32, #tpu.memory_space<vmem_shared>>) offsets(%dma_start3A_452 : memref<80xi32, #tpu.memory_space<vmem>>) semaphore(%arg37 : memref<!tpu.dma_semaphore, #tpu.memory_space<semaphore_mem>>) {add = true}
    %dma_wait3A_456 = arith.constant 118 : i32
    %dma_wait3A_457 = arith.constant 0 : i32
    %dma_wait3A_458 = tpu.memref_slice %arg10[%dma_wait3A_456, %dma_wait3A_457] : memref<125x80xi32, #tpu.memory_space<vmem>> -> memref<1x80xi32, #tpu.memory_space<vmem>>
    %dma_wait3A_459 = tpu.memref_squeeze %dma_wait3A_458 : memref<1x80xi32, #tpu.memory_space<vmem>> -> memref<80xi32, #tpu.memory_space<vmem>>
    %dma_wait3A_460 = arith.constant 0 : i32
    %dma_wait3A_461 = arith.constant 0 : i32
    %dma_wait3A_462 = tpu.memref_slice %arg20[%dma_wait3A_460, %dma_wait3A_461] : memref<10240x64xf32, #tpu.memory_space<vmem_shared>> -> memref<10240x64xf32, #tpu.memory_space<vmem_shared>>
    tpu.wait_indirect_dma semaphore(%arg36 : memref<!tpu.dma_semaphore, #tpu.memory_space<semaphore_mem>>) src(%arg17 : memref<80x64xf32, #tpu.memory_space<vmem>>) dst(%dma_wait3A_462 : memref<10240x64xf32, #tpu.memory_space<vmem_shared>>)
    %dma_wait3A_463 = arith.constant 118 : i32
    %dma_wait3A_464 = arith.constant 0 : i32
    %dma_wait3A_465 = tpu.memref_slice %arg10[%dma_wait3A_463, %dma_wait3A_464] : memref<125x80xi32, #tpu.memory_space<vmem>> -> memref<1x80xi32, #tpu.memory_space<vmem>>
    %dma_wait3A_466 = tpu.memref_squeeze %dma_wait3A_465 : memref<1x80xi32, #tpu.memory_space<vmem>> -> memref<80xi32, #tpu.memory_space<vmem>>
    %dma_wait3A_467 = arith.constant 0 : i32
    %dma_wait3A_468 = arith.constant 0 : i32
    %dma_wait3A_469 = tpu.memref_slice %arg21[%dma_wait3A_467, %dma_wait3A_468] : memref<10240x16xf32, #tpu.memory_space<vmem_shared>> -> memref<10240x16xf32, #tpu.memory_space<vmem_shared>>
    tpu.wait_indirect_dma semaphore(%arg36 : memref<!tpu.dma_semaphore, #tpu.memory_space<semaphore_mem>>) src(%arg19 : memref<80x16xf32, #tpu.memory_space<vmem>>) dst(%dma_wait3A_469 : memref<10240x16xf32, #tpu.memory_space<vmem_shared>>)
    %dma_wait3A_470 = arith.constant 0 : i32
    %dma_wait3A_471 = arith.constant 120 : i32
    %dma_wait3A_472 = arith.constant 0 : i32
    %dma_wait3A_473 = tpu.memref_slice %arg9[%dma_wait3A_471, %dma_wait3A_472] : memref<125x80xi32, #tpu.memory_space<vmem>> -> memref<1x80xi32, #tpu.memory_space<vmem>>
    %dma_wait3A_474 = tpu.memref_squeeze %dma_wait3A_473 : memref<1x80xi32, #tpu.memory_space<vmem>> -> memref<80xi32, #tpu.memory_space<vmem>>
    %dma_wait3A_475 = arith.constant 0 : i32
    %dma_wait3A_476 = arith.constant 0 : i32
    %dma_wait3A_477 = tpu.memref_slice %arg2[%dma_wait3A_470, %dma_wait3A_475, %dma_wait3A_476] : memref<2x10000x64xf32, #tpu.memory_space<hbm>> -> memref<1x10000x64xf32, #tpu.memory_space<hbm>>
    %dma_wait3A_478 = tpu.memref_squeeze %dma_wait3A_477 : memref<1x10000x64xf32, #tpu.memory_space<hbm>> -> memref<10000x64xf32, #tpu.memory_space<hbm>>
    %dma_wait3A_479 = arith.constant 0 : i32
    %dma_wait3A_480 = arith.constant 0 : i32
    %dma_wait3A_481 = tpu.memref_slice %dma_wait3A_478[%dma_wait3A_479, %dma_wait3A_480] : memref<10000x64xf32, #tpu.memory_space<hbm>> -> memref<10000x64xf32, #tpu.memory_space<hbm>>
    tpu.wait_indirect_dma semaphore(%arg22 : memref<!tpu.dma_semaphore, #tpu.memory_space<semaphore_mem>>) src(%dma_wait3A_481 : memref<10000x64xf32, #tpu.memory_space<hbm>>) dst(%arg11 : memref<80x64xf32, #tpu.memory_space<vmem>>)
    %dma_start3A_482 = arith.constant 120 : i32
    %dma_start3A_483 = arith.constant 0 : i32
    %dma_start3A_484 = tpu.memref_slice %arg10[%dma_start3A_482, %dma_start3A_483] : memref<125x80xi32, #tpu.memory_space<vmem>> -> memref<1x80xi32, #tpu.memory_space<vmem>>
    %dma_start3A_485 = tpu.memref_squeeze %dma_start3A_484 : memref<1x80xi32, #tpu.memory_space<vmem>> -> memref<80xi32, #tpu.memory_space<vmem>>
    %dma_start3A_486 = arith.constant 0 : i32
    %dma_start3A_487 = arith.constant 0 : i32
    %dma_start3A_488 = tpu.memref_slice %arg20[%dma_start3A_486, %dma_start3A_487] : memref<10240x64xf32, #tpu.memory_space<vmem_shared>> -> memref<10240x64xf32, #tpu.memory_space<vmem_shared>>
    tpu.enqueue_indirect_dma source(%arg11 : memref<80x64xf32, #tpu.memory_space<vmem>>) target(%dma_start3A_488 : memref<10240x64xf32, #tpu.memory_space<vmem_shared>>) offsets(%dma_start3A_485 : memref<80xi32, #tpu.memory_space<vmem>>) semaphore(%arg30 : memref<!tpu.dma_semaphore, #tpu.memory_space<semaphore_mem>>) {add = true}
    %dma_start3A_489 = arith.constant 120 : i32
    %dma_start3A_490 = arith.constant 0 : i32
    %dma_start3A_491 = tpu.memref_slice %arg10[%dma_start3A_489, %dma_start3A_490] : memref<125x80xi32, #tpu.memory_space<vmem>> -> memref<1x80xi32, #tpu.memory_space<vmem>>
    %dma_start3A_492 = tpu.memref_squeeze %dma_start3A_491 : memref<1x80xi32, #tpu.memory_space<vmem>> -> memref<80xi32, #tpu.memory_space<vmem>>
    %dma_start3A_493 = arith.constant 0 : i32
    %dma_start3A_494 = arith.constant 0 : i32
    %dma_start3A_495 = tpu.memref_slice %arg21[%dma_start3A_493, %dma_start3A_494] : memref<10240x16xf32, #tpu.memory_space<vmem_shared>> -> memref<10240x16xf32, #tpu.memory_space<vmem_shared>>
    tpu.enqueue_indirect_dma source(%arg19 : memref<80x16xf32, #tpu.memory_space<vmem>>) target(%dma_start3A_495 : memref<10240x16xf32, #tpu.memory_space<vmem_shared>>) offsets(%dma_start3A_492 : memref<80xi32, #tpu.memory_space<vmem>>) semaphore(%arg30 : memref<!tpu.dma_semaphore, #tpu.memory_space<semaphore_mem>>) {add = true}
    %dma_wait3A_496 = arith.constant 119 : i32
    %dma_wait3A_497 = arith.constant 0 : i32
    %dma_wait3A_498 = tpu.memref_slice %arg10[%dma_wait3A_496, %dma_wait3A_497] : memref<125x80xi32, #tpu.memory_space<vmem>> -> memref<1x80xi32, #tpu.memory_space<vmem>>
    %dma_wait3A_499 = tpu.memref_squeeze %dma_wait3A_498 : memref<1x80xi32, #tpu.memory_space<vmem>> -> memref<80xi32, #tpu.memory_space<vmem>>
    %dma_wait3A_500 = arith.constant 0 : i32
    %dma_wait3A_501 = arith.constant 0 : i32
    %dma_wait3A_502 = tpu.memref_slice %arg20[%dma_wait3A_500, %dma_wait3A_501] : memref<10240x64xf32, #tpu.memory_space<vmem_shared>> -> memref<10240x64xf32, #tpu.memory_space<vmem_shared>>
    tpu.wait_indirect_dma semaphore(%arg37 : memref<!tpu.dma_semaphore, #tpu.memory_space<semaphore_mem>>) src(%arg18 : memref<80x64xf32, #tpu.memory_space<vmem>>) dst(%dma_wait3A_502 : memref<10240x64xf32, #tpu.memory_space<vmem_shared>>)
    %dma_wait3A_503 = arith.constant 119 : i32
    %dma_wait3A_504 = arith.constant 0 : i32
    %dma_wait3A_505 = tpu.memref_slice %arg10[%dma_wait3A_503, %dma_wait3A_504] : memref<125x80xi32, #tpu.memory_space<vmem>> -> memref<1x80xi32, #tpu.memory_space<vmem>>
    %dma_wait3A_506 = tpu.memref_squeeze %dma_wait3A_505 : memref<1x80xi32, #tpu.memory_space<vmem>> -> memref<80xi32, #tpu.memory_space<vmem>>
    %dma_wait3A_507 = arith.constant 0 : i32
    %dma_wait3A_508 = arith.constant 0 : i32
    %dma_wait3A_509 = tpu.memref_slice %arg21[%dma_wait3A_507, %dma_wait3A_508] : memref<10240x16xf32, #tpu.memory_space<vmem_shared>> -> memref<10240x16xf32, #tpu.memory_space<vmem_shared>>
    tpu.wait_indirect_dma semaphore(%arg37 : memref<!tpu.dma_semaphore, #tpu.memory_space<semaphore_mem>>) src(%arg19 : memref<80x16xf32, #tpu.memory_space<vmem>>) dst(%dma_wait3A_509 : memref<10240x16xf32, #tpu.memory_space<vmem_shared>>)
    %dma_wait3A_510 = arith.constant 0 : i32
    %dma_wait3A_511 = arith.constant 121 : i32
    %dma_wait3A_512 = arith.constant 0 : i32
    %dma_wait3A_513 = tpu.memref_slice %arg9[%dma_wait3A_511, %dma_wait3A_512] : memref<125x80xi32, #tpu.memory_space<vmem>> -> memref<1x80xi32, #tpu.memory_space<vmem>>
    %dma_wait3A_514 = tpu.memref_squeeze %dma_wait3A_513 : memref<1x80xi32, #tpu.memory_space<vmem>> -> memref<80xi32, #tpu.memory_space<vmem>>
    %dma_wait3A_515 = arith.constant 0 : i32
    %dma_wait3A_516 = arith.constant 0 : i32
    %dma_wait3A_517 = tpu.memref_slice %arg2[%dma_wait3A_510, %dma_wait3A_515, %dma_wait3A_516] : memref<2x10000x64xf32, #tpu.memory_space<hbm>> -> memref<1x10000x64xf32, #tpu.memory_space<hbm>>
    %dma_wait3A_518 = tpu.memref_squeeze %dma_wait3A_517 : memref<1x10000x64xf32, #tpu.memory_space<hbm>> -> memref<10000x64xf32, #tpu.memory_space<hbm>>
    %dma_wait3A_519 = arith.constant 0 : i32
    %dma_wait3A_520 = arith.constant 0 : i32
    %dma_wait3A_521 = tpu.memref_slice %dma_wait3A_518[%dma_wait3A_519, %dma_wait3A_520] : memref<10000x64xf32, #tpu.memory_space<hbm>> -> memref<10000x64xf32, #tpu.memory_space<hbm>>
    tpu.wait_indirect_dma semaphore(%arg23 : memref<!tpu.dma_semaphore, #tpu.memory_space<semaphore_mem>>) src(%dma_wait3A_521 : memref<10000x64xf32, #tpu.memory_space<hbm>>) dst(%arg12 : memref<80x64xf32, #tpu.memory_space<vmem>>)
    %dma_start3A_522 = arith.constant 121 : i32
    %dma_start3A_523 = arith.constant 0 : i32
    %dma_start3A_524 = tpu.memref_slice %arg10[%dma_start3A_522, %dma_start3A_523] : memref<125x80xi32, #tpu.memory_space<vmem>> -> memref<1x80xi32, #tpu.memory_space<vmem>>
    %dma_start3A_525 = tpu.memref_squeeze %dma_start3A_524 : memref<1x80xi32, #tpu.memory_space<vmem>> -> memref<80xi32, #tpu.memory_space<vmem>>
    %dma_start3A_526 = arith.constant 0 : i32
    %dma_start3A_527 = arith.constant 0 : i32
    %dma_start3A_528 = tpu.memref_slice %arg20[%dma_start3A_526, %dma_start3A_527] : memref<10240x64xf32, #tpu.memory_space<vmem_shared>> -> memref<10240x64xf32, #tpu.memory_space<vmem_shared>>
    tpu.enqueue_indirect_dma source(%arg12 : memref<80x64xf32, #tpu.memory_space<vmem>>) target(%dma_start3A_528 : memref<10240x64xf32, #tpu.memory_space<vmem_shared>>) offsets(%dma_start3A_525 : memref<80xi32, #tpu.memory_space<vmem>>) semaphore(%arg31 : memref<!tpu.dma_semaphore, #tpu.memory_space<semaphore_mem>>) {add = true}
    %dma_start3A_529 = arith.constant 121 : i32
    %dma_start3A_530 = arith.constant 0 : i32
    %dma_start3A_531 = tpu.memref_slice %arg10[%dma_start3A_529, %dma_start3A_530] : memref<125x80xi32, #tpu.memory_space<vmem>> -> memref<1x80xi32, #tpu.memory_space<vmem>>
    %dma_start3A_532 = tpu.memref_squeeze %dma_start3A_531 : memref<1x80xi32, #tpu.memory_space<vmem>> -> memref<80xi32, #tpu.memory_space<vmem>>
    %dma_start3A_533 = arith.constant 0 : i32
    %dma_start3A_534 = arith.constant 0 : i32
    %dma_start3A_535 = tpu.memref_slice %arg21[%dma_start3A_533, %dma_start3A_534] : memref<10240x16xf32, #tpu.memory_space<vmem_shared>> -> memref<10240x16xf32, #tpu.memory_space<vmem_shared>>
    tpu.enqueue_indirect_dma source(%arg19 : memref<80x16xf32, #tpu.memory_space<vmem>>) target(%dma_start3A_535 : memref<10240x16xf32, #tpu.memory_space<vmem_shared>>) offsets(%dma_start3A_532 : memref<80xi32, #tpu.memory_space<vmem>>) semaphore(%arg31 : memref<!tpu.dma_semaphore, #tpu.memory_space<semaphore_mem>>) {add = true}
    %dma_wait3A_536 = arith.constant 120 : i32
    %dma_wait3A_537 = arith.constant 0 : i32
    %dma_wait3A_538 = tpu.memref_slice %arg10[%dma_wait3A_536, %dma_wait3A_537] : memref<125x80xi32, #tpu.memory_space<vmem>> -> memref<1x80xi32, #tpu.memory_space<vmem>>
    %dma_wait3A_539 = tpu.memref_squeeze %dma_wait3A_538 : memref<1x80xi32, #tpu.memory_space<vmem>> -> memref<80xi32, #tpu.memory_space<vmem>>
    %dma_wait3A_540 = arith.constant 0 : i32
    %dma_wait3A_541 = arith.constant 0 : i32
    %dma_wait3A_542 = tpu.memref_slice %arg20[%dma_wait3A_540, %dma_wait3A_541] : memref<10240x64xf32, #tpu.memory_space<vmem_shared>> -> memref<10240x64xf32, #tpu.memory_space<vmem_shared>>
    tpu.wait_indirect_dma semaphore(%arg30 : memref<!tpu.dma_semaphore, #tpu.memory_space<semaphore_mem>>) src(%arg11 : memref<80x64xf32, #tpu.memory_space<vmem>>) dst(%dma_wait3A_542 : memref<10240x64xf32, #tpu.memory_space<vmem_shared>>)
    %dma_wait3A_543 = arith.constant 120 : i32
    %dma_wait3A_544 = arith.constant 0 : i32
    %dma_wait3A_545 = tpu.memref_slice %arg10[%dma_wait3A_543, %dma_wait3A_544] : memref<125x80xi32, #tpu.memory_space<vmem>> -> memref<1x80xi32, #tpu.memory_space<vmem>>
    %dma_wait3A_546 = tpu.memref_squeeze %dma_wait3A_545 : memref<1x80xi32, #tpu.memory_space<vmem>> -> memref<80xi32, #tpu.memory_space<vmem>>
    %dma_wait3A_547 = arith.constant 0 : i32
    %dma_wait3A_548 = arith.constant 0 : i32
    %dma_wait3A_549 = tpu.memref_slice %arg21[%dma_wait3A_547, %dma_wait3A_548] : memref<10240x16xf32, #tpu.memory_space<vmem_shared>> -> memref<10240x16xf32, #tpu.memory_space<vmem_shared>>
    tpu.wait_indirect_dma semaphore(%arg30 : memref<!tpu.dma_semaphore, #tpu.memory_space<semaphore_mem>>) src(%arg19 : memref<80x16xf32, #tpu.memory_space<vmem>>) dst(%dma_wait3A_549 : memref<10240x16xf32, #tpu.memory_space<vmem_shared>>)
    %dma_wait3A_550 = arith.constant 0 : i32
    %dma_wait3A_551 = arith.constant 122 : i32
    %dma_wait3A_552 = arith.constant 0 : i32
    %dma_wait3A_553 = tpu.memref_slice %arg9[%dma_wait3A_551, %dma_wait3A_552] : memref<125x80xi32, #tpu.memory_space<vmem>> -> memref<1x80xi32, #tpu.memory_space<vmem>>
    %dma_wait3A_554 = tpu.memref_squeeze %dma_wait3A_553 : memref<1x80xi32, #tpu.memory_space<vmem>> -> memref<80xi32, #tpu.memory_space<vmem>>
    %dma_wait3A_555 = arith.constant 0 : i32
    %dma_wait3A_556 = arith.constant 0 : i32
    %dma_wait3A_557 = tpu.memref_slice %arg2[%dma_wait3A_550, %dma_wait3A_555, %dma_wait3A_556] : memref<2x10000x64xf32, #tpu.memory_space<hbm>> -> memref<1x10000x64xf32, #tpu.memory_space<hbm>>
    %dma_wait3A_558 = tpu.memref_squeeze %dma_wait3A_557 : memref<1x10000x64xf32, #tpu.memory_space<hbm>> -> memref<10000x64xf32, #tpu.memory_space<hbm>>
    %dma_wait3A_559 = arith.constant 0 : i32
    %dma_wait3A_560 = arith.constant 0 : i32
    %dma_wait3A_561 = tpu.memref_slice %dma_wait3A_558[%dma_wait3A_559, %dma_wait3A_560] : memref<10000x64xf32, #tpu.memory_space<hbm>> -> memref<10000x64xf32, #tpu.memory_space<hbm>>
    tpu.wait_indirect_dma semaphore(%arg24 : memref<!tpu.dma_semaphore, #tpu.memory_space<semaphore_mem>>) src(%dma_wait3A_561 : memref<10000x64xf32, #tpu.memory_space<hbm>>) dst(%arg13 : memref<80x64xf32, #tpu.memory_space<vmem>>)
    %dma_start3A_562 = arith.constant 122 : i32
    %dma_start3A_563 = arith.constant 0 : i32
    %dma_start3A_564 = tpu.memref_slice %arg10[%dma_start3A_562, %dma_start3A_563] : memref<125x80xi32, #tpu.memory_space<vmem>> -> memref<1x80xi32, #tpu.memory_space<vmem>>
    %dma_start3A_565 = tpu.memref_squeeze %dma_start3A_564 : memref<1x80xi32, #tpu.memory_space<vmem>> -> memref<80xi32, #tpu.memory_space<vmem>>
    %dma_start3A_566 = arith.constant 0 : i32
    %dma_start3A_567 = arith.constant 0 : i32
    %dma_start3A_568 = tpu.memref_slice %arg20[%dma_start3A_566, %dma_start3A_567] : memref<10240x64xf32, #tpu.memory_space<vmem_shared>> -> memref<10240x64xf32, #tpu.memory_space<vmem_shared>>
    tpu.enqueue_indirect_dma source(%arg13 : memref<80x64xf32, #tpu.memory_space<vmem>>) target(%dma_start3A_568 : memref<10240x64xf32, #tpu.memory_space<vmem_shared>>) offsets(%dma_start3A_565 : memref<80xi32, #tpu.memory_space<vmem>>) semaphore(%arg32 : memref<!tpu.dma_semaphore, #tpu.memory_space<semaphore_mem>>) {add = true}
    %dma_start3A_569 = arith.constant 122 : i32
    %dma_start3A_570 = arith.constant 0 : i32
    %dma_start3A_571 = tpu.memref_slice %arg10[%dma_start3A_569, %dma_start3A_570] : memref<125x80xi32, #tpu.memory_space<vmem>> -> memref<1x80xi32, #tpu.memory_space<vmem>>
    %dma_start3A_572 = tpu.memref_squeeze %dma_start3A_571 : memref<1x80xi32, #tpu.memory_space<vmem>> -> memref<80xi32, #tpu.memory_space<vmem>>
    %dma_start3A_573 = arith.constant 0 : i32
    %dma_start3A_574 = arith.constant 0 : i32
    %dma_start3A_575 = tpu.memref_slice %arg21[%dma_start3A_573, %dma_start3A_574] : memref<10240x16xf32, #tpu.memory_space<vmem_shared>> -> memref<10240x16xf32, #tpu.memory_space<vmem_shared>>
    tpu.enqueue_indirect_dma source(%arg19 : memref<80x16xf32, #tpu.memory_space<vmem>>) target(%dma_start3A_575 : memref<10240x16xf32, #tpu.memory_space<vmem_shared>>) offsets(%dma_start3A_572 : memref<80xi32, #tpu.memory_space<vmem>>) semaphore(%arg32 : memref<!tpu.dma_semaphore, #tpu.memory_space<semaphore_mem>>) {add = true}
    %dma_wait3A_576 = arith.constant 121 : i32
    %dma_wait3A_577 = arith.constant 0 : i32
    %dma_wait3A_578 = tpu.memref_slice %arg10[%dma_wait3A_576, %dma_wait3A_577] : memref<125x80xi32, #tpu.memory_space<vmem>> -> memref<1x80xi32, #tpu.memory_space<vmem>>
    %dma_wait3A_579 = tpu.memref_squeeze %dma_wait3A_578 : memref<1x80xi32, #tpu.memory_space<vmem>> -> memref<80xi32, #tpu.memory_space<vmem>>
    %dma_wait3A_580 = arith.constant 0 : i32
    %dma_wait3A_581 = arith.constant 0 : i32
    %dma_wait3A_582 = tpu.memref_slice %arg20[%dma_wait3A_580, %dma_wait3A_581] : memref<10240x64xf32, #tpu.memory_space<vmem_shared>> -> memref<10240x64xf32, #tpu.memory_space<vmem_shared>>
    tpu.wait_indirect_dma semaphore(%arg31 : memref<!tpu.dma_semaphore, #tpu.memory_space<semaphore_mem>>) src(%arg12 : memref<80x64xf32, #tpu.memory_space<vmem>>) dst(%dma_wait3A_582 : memref<10240x64xf32, #tpu.memory_space<vmem_shared>>)
    %dma_wait3A_583 = arith.constant 121 : i32
    %dma_wait3A_584 = arith.constant 0 : i32
    %dma_wait3A_585 = tpu.memref_slice %arg10[%dma_wait3A_583, %dma_wait3A_584] : memref<125x80xi32, #tpu.memory_space<vmem>> -> memref<1x80xi32, #tpu.memory_space<vmem>>
    %dma_wait3A_586 = tpu.memref_squeeze %dma_wait3A_585 : memref<1x80xi32, #tpu.memory_space<vmem>> -> memref<80xi32, #tpu.memory_space<vmem>>
    %dma_wait3A_587 = arith.constant 0 : i32
    %dma_wait3A_588 = arith.constant 0 : i32
    %dma_wait3A_589 = tpu.memref_slice %arg21[%dma_wait3A_587, %dma_wait3A_588] : memref<10240x16xf32, #tpu.memory_space<vmem_shared>> -> memref<10240x16xf32, #tpu.memory_space<vmem_shared>>
    tpu.wait_indirect_dma semaphore(%arg31 : memref<!tpu.dma_semaphore, #tpu.memory_space<semaphore_mem>>) src(%arg19 : memref<80x16xf32, #tpu.memory_space<vmem>>) dst(%dma_wait3A_589 : memref<10240x16xf32, #tpu.memory_space<vmem_shared>>)
    %dma_wait3A_590 = arith.constant 0 : i32
    %dma_wait3A_591 = arith.constant 123 : i32
    %dma_wait3A_592 = arith.constant 0 : i32
    %dma_wait3A_593 = tpu.memref_slice %arg9[%dma_wait3A_591, %dma_wait3A_592] : memref<125x80xi32, #tpu.memory_space<vmem>> -> memref<1x80xi32, #tpu.memory_space<vmem>>
    %dma_wait3A_594 = tpu.memref_squeeze %dma_wait3A_593 : memref<1x80xi32, #tpu.memory_space<vmem>> -> memref<80xi32, #tpu.memory_space<vmem>>
    %dma_wait3A_595 = arith.constant 0 : i32
    %dma_wait3A_596 = arith.constant 0 : i32
    %dma_wait3A_597 = tpu.memref_slice %arg2[%dma_wait3A_590, %dma_wait3A_595, %dma_wait3A_596] : memref<2x10000x64xf32, #tpu.memory_space<hbm>> -> memref<1x10000x64xf32, #tpu.memory_space<hbm>>
    %dma_wait3A_598 = tpu.memref_squeeze %dma_wait3A_597 : memref<1x10000x64xf32, #tpu.memory_space<hbm>> -> memref<10000x64xf32, #tpu.memory_space<hbm>>
    %dma_wait3A_599 = arith.constant 0 : i32
    %dma_wait3A_600 = arith.constant 0 : i32
    %dma_wait3A_601 = tpu.memref_slice %dma_wait3A_598[%dma_wait3A_599, %dma_wait3A_600] : memref<10000x64xf32, #tpu.memory_space<hbm>> -> memref<10000x64xf32, #tpu.memory_space<hbm>>
    tpu.wait_indirect_dma semaphore(%arg25 : memref<!tpu.dma_semaphore, #tpu.memory_space<semaphore_mem>>) src(%dma_wait3A_601 : memref<10000x64xf32, #tpu.memory_space<hbm>>) dst(%arg14 : memref<80x64xf32, #tpu.memory_space<vmem>>)
    %dma_start3A_602 = arith.constant 123 : i32
    %dma_start3A_603 = arith.constant 0 : i32
    %dma_start3A_604 = tpu.memref_slice %arg10[%dma_start3A_602, %dma_start3A_603] : memref<125x80xi32, #tpu.memory_space<vmem>> -> memref<1x80xi32, #tpu.memory_space<vmem>>
    %dma_start3A_605 = tpu.memref_squeeze %dma_start3A_604 : memref<1x80xi32, #tpu.memory_space<vmem>> -> memref<80xi32, #tpu.memory_space<vmem>>
    %dma_start3A_606 = arith.constant 0 : i32
    %dma_start3A_607 = arith.constant 0 : i32
    %dma_start3A_608 = tpu.memref_slice %arg20[%dma_start3A_606, %dma_start3A_607] : memref<10240x64xf32, #tpu.memory_space<vmem_shared>> -> memref<10240x64xf32, #tpu.memory_space<vmem_shared>>
    tpu.enqueue_indirect_dma source(%arg14 : memref<80x64xf32, #tpu.memory_space<vmem>>) target(%dma_start3A_608 : memref<10240x64xf32, #tpu.memory_space<vmem_shared>>) offsets(%dma_start3A_605 : memref<80xi32, #tpu.memory_space<vmem>>) semaphore(%arg33 : memref<!tpu.dma_semaphore, #tpu.memory_space<semaphore_mem>>) {add = true}
    %dma_start3A_609 = arith.constant 123 : i32
    %dma_start3A_610 = arith.constant 0 : i32
    %dma_start3A_611 = tpu.memref_slice %arg10[%dma_start3A_609, %dma_start3A_610] : memref<125x80xi32, #tpu.memory_space<vmem>> -> memref<1x80xi32, #tpu.memory_space<vmem>>
    %dma_start3A_612 = tpu.memref_squeeze %dma_start3A_611 : memref<1x80xi32, #tpu.memory_space<vmem>> -> memref<80xi32, #tpu.memory_space<vmem>>
    %dma_start3A_613 = arith.constant 0 : i32
    %dma_start3A_614 = arith.constant 0 : i32
    %dma_start3A_615 = tpu.memref_slice %arg21[%dma_start3A_613, %dma_start3A_614] : memref<10240x16xf32, #tpu.memory_space<vmem_shared>> -> memref<10240x16xf32, #tpu.memory_space<vmem_shared>>
    tpu.enqueue_indirect_dma source(%arg19 : memref<80x16xf32, #tpu.memory_space<vmem>>) target(%dma_start3A_615 : memref<10240x16xf32, #tpu.memory_space<vmem_shared>>) offsets(%dma_start3A_612 : memref<80xi32, #tpu.memory_space<vmem>>) semaphore(%arg33 : memref<!tpu.dma_semaphore, #tpu.memory_space<semaphore_mem>>) {add = true}
    %dma_wait3A_616 = arith.constant 122 : i32
    %dma_wait3A_617 = arith.constant 0 : i32
    %dma_wait3A_618 = tpu.memref_slice %arg10[%dma_wait3A_616, %dma_wait3A_617] : memref<125x80xi32, #tpu.memory_space<vmem>> -> memref<1x80xi32, #tpu.memory_space<vmem>>
    %dma_wait3A_619 = tpu.memref_squeeze %dma_wait3A_618 : memref<1x80xi32, #tpu.memory_space<vmem>> -> memref<80xi32, #tpu.memory_space<vmem>>
    %dma_wait3A_620 = arith.constant 0 : i32
    %dma_wait3A_621 = arith.constant 0 : i32
    %dma_wait3A_622 = tpu.memref_slice %arg20[%dma_wait3A_620, %dma_wait3A_621] : memref<10240x64xf32, #tpu.memory_space<vmem_shared>> -> memref<10240x64xf32, #tpu.memory_space<vmem_shared>>
    tpu.wait_indirect_dma semaphore(%arg32 : memref<!tpu.dma_semaphore, #tpu.memory_space<semaphore_mem>>) src(%arg13 : memref<80x64xf32, #tpu.memory_space<vmem>>) dst(%dma_wait3A_622 : memref<10240x64xf32, #tpu.memory_space<vmem_shared>>)
    %dma_wait3A_623 = arith.constant 122 : i32
    %dma_wait3A_624 = arith.constant 0 : i32
    %dma_wait3A_625 = tpu.memref_slice %arg10[%dma_wait3A_623, %dma_wait3A_624] : memref<125x80xi32, #tpu.memory_space<vmem>> -> memref<1x80xi32, #tpu.memory_space<vmem>>
    %dma_wait3A_626 = tpu.memref_squeeze %dma_wait3A_625 : memref<1x80xi32, #tpu.memory_space<vmem>> -> memref<80xi32, #tpu.memory_space<vmem>>
    %dma_wait3A_627 = arith.constant 0 : i32
    %dma_wait3A_628 = arith.constant 0 : i32
    %dma_wait3A_629 = tpu.memref_slice %arg21[%dma_wait3A_627, %dma_wait3A_628] : memref<10240x16xf32, #tpu.memory_space<vmem_shared>> -> memref<10240x16xf32, #tpu.memory_space<vmem_shared>>
    tpu.wait_indirect_dma semaphore(%arg32 : memref<!tpu.dma_semaphore, #tpu.memory_space<semaphore_mem>>) src(%arg19 : memref<80x16xf32, #tpu.memory_space<vmem>>) dst(%dma_wait3A_629 : memref<10240x16xf32, #tpu.memory_space<vmem_shared>>)
    %dma_wait3A_630 = arith.constant 0 : i32
    %dma_wait3A_631 = arith.constant 124 : i32
    %dma_wait3A_632 = arith.constant 0 : i32
    %dma_wait3A_633 = tpu.memref_slice %arg9[%dma_wait3A_631, %dma_wait3A_632] : memref<125x80xi32, #tpu.memory_space<vmem>> -> memref<1x80xi32, #tpu.memory_space<vmem>>
    %dma_wait3A_634 = tpu.memref_squeeze %dma_wait3A_633 : memref<1x80xi32, #tpu.memory_space<vmem>> -> memref<80xi32, #tpu.memory_space<vmem>>
    %dma_wait3A_635 = arith.constant 0 : i32
    %dma_wait3A_636 = arith.constant 0 : i32
    %dma_wait3A_637 = tpu.memref_slice %arg2[%dma_wait3A_630, %dma_wait3A_635, %dma_wait3A_636] : memref<2x10000x64xf32, #tpu.memory_space<hbm>> -> memref<1x10000x64xf32, #tpu.memory_space<hbm>>
    %dma_wait3A_638 = tpu.memref_squeeze %dma_wait3A_637 : memref<1x10000x64xf32, #tpu.memory_space<hbm>> -> memref<10000x64xf32, #tpu.memory_space<hbm>>
    %dma_wait3A_639 = arith.constant 0 : i32
    %dma_wait3A_640 = arith.constant 0 : i32
    %dma_wait3A_641 = tpu.memref_slice %dma_wait3A_638[%dma_wait3A_639, %dma_wait3A_640] : memref<10000x64xf32, #tpu.memory_space<hbm>> -> memref<10000x64xf32, #tpu.memory_space<hbm>>
    tpu.wait_indirect_dma semaphore(%arg26 : memref<!tpu.dma_semaphore, #tpu.memory_space<semaphore_mem>>) src(%dma_wait3A_641 : memref<10000x64xf32, #tpu.memory_space<hbm>>) dst(%arg15 : memref<80x64xf32, #tpu.memory_space<vmem>>)
    %dma_start3A_642 = arith.constant 124 : i32
    %dma_start3A_643 = arith.constant 0 : i32
    %dma_start3A_644 = tpu.memref_slice %arg10[%dma_start3A_642, %dma_start3A_643] : memref<125x80xi32, #tpu.memory_space<vmem>> -> memref<1x80xi32, #tpu.memory_space<vmem>>
    %dma_start3A_645 = tpu.memref_squeeze %dma_start3A_644 : memref<1x80xi32, #tpu.memory_space<vmem>> -> memref<80xi32, #tpu.memory_space<vmem>>
    %dma_start3A_646 = arith.constant 0 : i32
    %dma_start3A_647 = arith.constant 0 : i32
    %dma_start3A_648 = tpu.memref_slice %arg20[%dma_start3A_646, %dma_start3A_647] : memref<10240x64xf32, #tpu.memory_space<vmem_shared>> -> memref<10240x64xf32, #tpu.memory_space<vmem_shared>>
    tpu.enqueue_indirect_dma source(%arg15 : memref<80x64xf32, #tpu.memory_space<vmem>>) target(%dma_start3A_648 : memref<10240x64xf32, #tpu.memory_space<vmem_shared>>) offsets(%dma_start3A_645 : memref<80xi32, #tpu.memory_space<vmem>>) semaphore(%arg34 : memref<!tpu.dma_semaphore, #tpu.memory_space<semaphore_mem>>) {add = true}
    %dma_start3A_649 = arith.constant 124 : i32
    %dma_start3A_650 = arith.constant 0 : i32
    %dma_start3A_651 = tpu.memref_slice %arg10[%dma_start3A_649, %dma_start3A_650] : memref<125x80xi32, #tpu.memory_space<vmem>> -> memref<1x80xi32, #tpu.memory_space<vmem>>
    %dma_start3A_652 = tpu.memref_squeeze %dma_start3A_651 : memref<1x80xi32, #tpu.memory_space<vmem>> -> memref<80xi32, #tpu.memory_space<vmem>>
    %dma_start3A_653 = arith.constant 0 : i32
    %dma_start3A_654 = arith.constant 0 : i32
    %dma_start3A_655 = tpu.memref_slice %arg21[%dma_start3A_653, %dma_start3A_654] : memref<10240x16xf32, #tpu.memory_space<vmem_shared>> -> memref<10240x16xf32, #tpu.memory_space<vmem_shared>>
    tpu.enqueue_indirect_dma source(%arg19 : memref<80x16xf32, #tpu.memory_space<vmem>>) target(%dma_start3A_655 : memref<10240x16xf32, #tpu.memory_space<vmem_shared>>) offsets(%dma_start3A_652 : memref<80xi32, #tpu.memory_space<vmem>>) semaphore(%arg34 : memref<!tpu.dma_semaphore, #tpu.memory_space<semaphore_mem>>) {add = true}
    %dma_wait3A_656 = arith.constant 123 : i32
    %dma_wait3A_657 = arith.constant 0 : i32
    %dma_wait3A_658 = tpu.memref_slice %arg10[%dma_wait3A_656, %dma_wait3A_657] : memref<125x80xi32, #tpu.memory_space<vmem>> -> memref<1x80xi32, #tpu.memory_space<vmem>>
    %dma_wait3A_659 = tpu.memref_squeeze %dma_wait3A_658 : memref<1x80xi32, #tpu.memory_space<vmem>> -> memref<80xi32, #tpu.memory_space<vmem>>
    %dma_wait3A_660 = arith.constant 0 : i32
    %dma_wait3A_661 = arith.constant 0 : i32
    %dma_wait3A_662 = tpu.memref_slice %arg20[%dma_wait3A_660, %dma_wait3A_661] : memref<10240x64xf32, #tpu.memory_space<vmem_shared>> -> memref<10240x64xf32, #tpu.memory_space<vmem_shared>>
    tpu.wait_indirect_dma semaphore(%arg33 : memref<!tpu.dma_semaphore, #tpu.memory_space<semaphore_mem>>) src(%arg14 : memref<80x64xf32, #tpu.memory_space<vmem>>) dst(%dma_wait3A_662 : memref<10240x64xf32, #tpu.memory_space<vmem_shared>>)
    %dma_wait3A_663 = arith.constant 123 : i32
    %dma_wait3A_664 = arith.constant 0 : i32
    %dma_wait3A_665 = tpu.memref_slice %arg10[%dma_wait3A_663, %dma_wait3A_664] : memref<125x80xi32, #tpu.memory_space<vmem>> -> memref<1x80xi32, #tpu.memory_space<vmem>>
    %dma_wait3A_666 = tpu.memref_squeeze %dma_wait3A_665 : memref<1x80xi32, #tpu.memory_space<vmem>> -> memref<80xi32, #tpu.memory_space<vmem>>
    %dma_wait3A_667 = arith.constant 0 : i32
    %dma_wait3A_668 = arith.constant 0 : i32
    %dma_wait3A_669 = tpu.memref_slice %arg21[%dma_wait3A_667, %dma_wait3A_668] : memref<10240x16xf32, #tpu.memory_space<vmem_shared>> -> memref<10240x16xf32, #tpu.memory_space<vmem_shared>>
    tpu.wait_indirect_dma semaphore(%arg33 : memref<!tpu.dma_semaphore, #tpu.memory_space<semaphore_mem>>) src(%arg19 : memref<80x16xf32, #tpu.memory_space<vmem>>) dst(%dma_wait3A_669 : memref<10240x16xf32, #tpu.memory_space<vmem_shared>>)
    %dma_wait3A_670 = arith.constant 124 : i32
    %dma_wait3A_671 = arith.constant 0 : i32
    %dma_wait3A_672 = tpu.memref_slice %arg10[%dma_wait3A_670, %dma_wait3A_671] : memref<125x80xi32, #tpu.memory_space<vmem>> -> memref<1x80xi32, #tpu.memory_space<vmem>>
    %dma_wait3A_673 = tpu.memref_squeeze %dma_wait3A_672 : memref<1x80xi32, #tpu.memory_space<vmem>> -> memref<80xi32, #tpu.memory_space<vmem>>
    %dma_wait3A_674 = arith.constant 0 : i32
    %dma_wait3A_675 = arith.constant 0 : i32
    %dma_wait3A_676 = tpu.memref_slice %arg20[%dma_wait3A_674, %dma_wait3A_675] : memref<10240x64xf32, #tpu.memory_space<vmem_shared>> -> memref<10240x64xf32, #tpu.memory_space<vmem_shared>>
    tpu.wait_indirect_dma semaphore(%arg34 : memref<!tpu.dma_semaphore, #tpu.memory_space<semaphore_mem>>) src(%arg15 : memref<80x64xf32, #tpu.memory_space<vmem>>) dst(%dma_wait3A_676 : memref<10240x64xf32, #tpu.memory_space<vmem_shared>>)
    %dma_wait3A_677 = arith.constant 124 : i32
    %dma_wait3A_678 = arith.constant 0 : i32
    %dma_wait3A_679 = tpu.memref_slice %arg10[%dma_wait3A_677, %dma_wait3A_678] : memref<125x80xi32, #tpu.memory_space<vmem>> -> memref<1x80xi32, #tpu.memory_space<vmem>>
    %dma_wait3A_680 = tpu.memref_squeeze %dma_wait3A_679 : memref<1x80xi32, #tpu.memory_space<vmem>> -> memref<80xi32, #tpu.memory_space<vmem>>
    %dma_wait3A_681 = arith.constant 0 : i32
    %dma_wait3A_682 = arith.constant 0 : i32
    %dma_wait3A_683 = tpu.memref_slice %arg21[%dma_wait3A_681, %dma_wait3A_682] : memref<10240x16xf32, #tpu.memory_space<vmem_shared>> -> memref<10240x16xf32, #tpu.memory_space<vmem_shared>>
    tpu.wait_indirect_dma semaphore(%arg34 : memref<!tpu.dma_semaphore, #tpu.memory_space<semaphore_mem>>) src(%arg19 : memref<80x16xf32, #tpu.memory_space<vmem>>) dst(%dma_wait3A_683 : memref<10240x16xf32, #tpu.memory_space<vmem_shared>>)
    %barrier3A_684 = arith.constant 0 : index
    tpu.barrier barrier_id(%barrier3A_684)
    %run_scoped3A_685 = arith.constant 0 : i32
    "tpu.region"() ({
      %run_scoped3A_1190 = tpu.sem_alloc : memref<!tpu.dma_semaphore, #tpu.memory_space<semaphore_mem>>
      %dma_start3A_1191 = arith.constant 0 : i32
      %dma_start3A_1192 = tpu.memref_slice %arg7[%run_scoped3A_685, %arg0, %mul3A_2, %dma_start3A_1191] : memref<2x2x10240x64xf32, #tpu.memory_space<hbm>> -> memref<1x1x640x64xf32, #tpu.memory_space<hbm>>
      %dma_start3A_1193 = tpu.memref_squeeze %dma_start3A_1192 : memref<1x1x640x64xf32, #tpu.memory_space<hbm>> -> memref<640x64xf32, #tpu.memory_space<hbm>>
      %dma_start3A_1194 = arith.constant 0 : i32
      %dma_start3A_1195 = tpu.memref_slice %arg20[%mul3A_2, %dma_start3A_1194] : memref<10240x64xf32, #tpu.memory_space<vmem_shared>> -> memref<640x64xf32, #tpu.memory_space<vmem_shared>>
      tpu.enqueue_dma source(%dma_start3A_1195 : memref<640x64xf32, #tpu.memory_space<vmem_shared>>) target(%dma_start3A_1193 : memref<640x64xf32, #tpu.memory_space<hbm>>) target_semaphore(%run_scoped3A_1190 : memref<!tpu.dma_semaphore, #tpu.memory_space<semaphore_mem>>)
      %dma_wait3A_1196 = arith.constant 0 : i32
      %dma_wait3A_1197 = tpu.memref_slice %arg7[%run_scoped3A_685, %arg0, %mul3A_2, %dma_wait3A_1196] : memref<2x2x10240x64xf32, #tpu.memory_space<hbm>> -> memref<1x1x640x64xf32, #tpu.memory_space<hbm>>
      %dma_wait3A_1198 = tpu.memref_squeeze %dma_wait3A_1197 : memref<1x1x640x64xf32, #tpu.memory_space<hbm>> -> memref<640x64xf32, #tpu.memory_space<hbm>>
      %dma_wait3A_1199 = arith.constant 0 : i32
      %dma_wait3A_1200 = tpu.memref_slice %arg20[%mul3A_2, %dma_wait3A_1199] : memref<10240x64xf32, #tpu.memory_space<vmem_shared>> -> memref<640x64xf32, #tpu.memory_space<vmem_shared>>
      tpu.wait_dma2 semaphore(%run_scoped3A_1190 : memref<!tpu.dma_semaphore, #tpu.memory_space<semaphore_mem>>) src(%dma_wait3A_1200 : memref<640x64xf32, #tpu.memory_space<vmem_shared>>) dst(%dma_wait3A_1198 : memref<640x64xf32, #tpu.memory_space<hbm>>)
      tpu.yield
    }) : () -> ()
    "tpu.region"() ({
      %run_scoped3A_1190 = tpu.sem_alloc : memref<!tpu.dma_semaphore, #tpu.memory_space<semaphore_mem>>
      %dma_start3A_1191 = arith.constant 0 : i32
      %dma_start3A_1192 = tpu.memref_slice %arg8[%arg0, %mul3A_2, %dma_start3A_1191] : memref<2x10240x16xf32, #tpu.memory_space<hbm>> -> memref<1x640x16xf32, #tpu.memory_space<hbm>>
      %dma_start3A_1193 = tpu.memref_squeeze %dma_start3A_1192 : memref<1x640x16xf32, #tpu.memory_space<hbm>> -> memref<640x16xf32, #tpu.memory_space<hbm>>
      %dma_start3A_1194 = arith.constant 0 : i32
      %dma_start3A_1195 = tpu.memref_slice %arg21[%mul3A_2, %dma_start3A_1194] : memref<10240x16xf32, #tpu.memory_space<vmem_shared>> -> memref<640x16xf32, #tpu.memory_space<vmem_shared>>
      tpu.enqueue_dma source(%dma_start3A_1195 : memref<640x16xf32, #tpu.memory_space<vmem_shared>>) target(%dma_start3A_1193 : memref<640x16xf32, #tpu.memory_space<hbm>>) target_semaphore(%run_scoped3A_1190 : memref<!tpu.dma_semaphore, #tpu.memory_space<semaphore_mem>>)
      %dma_wait3A_1196 = arith.constant 0 : i32
      %dma_wait3A_1197 = tpu.memref_slice %arg8[%arg0, %mul3A_2, %dma_wait3A_1196] : memref<2x10240x16xf32, #tpu.memory_space<hbm>> -> memref<1x640x16xf32, #tpu.memory_space<hbm>>
      %dma_wait3A_1198 = tpu.memref_squeeze %dma_wait3A_1197 : memref<1x640x16xf32, #tpu.memory_space<hbm>> -> memref<640x16xf32, #tpu.memory_space<hbm>>
      %dma_wait3A_1199 = arith.constant 0 : i32
      %dma_wait3A_1200 = tpu.memref_slice %arg21[%mul3A_2, %dma_wait3A_1199] : memref<10240x16xf32, #tpu.memory_space<vmem_shared>> -> memref<640x16xf32, #tpu.memory_space<vmem_shared>>
      tpu.wait_dma2 semaphore(%run_scoped3A_1190 : memref<!tpu.dma_semaphore, #tpu.memory_space<semaphore_mem>>) src(%dma_wait3A_1200 : memref<640x16xf32, #tpu.memory_space<vmem_shared>>) dst(%dma_wait3A_1198 : memref<640x16xf32, #tpu.memory_space<hbm>>)
      tpu.yield
    }) : () -> ()
    "tpu.region"() ({
      %run_scoped3A_1190 = tpu.sem_alloc : memref<!tpu.dma_semaphore, #tpu.memory_space<semaphore_mem>>
      %dma_start3A_1191 = arith.constant 0 : i32
      %dma_start3A_1192 = tpu.memref_slice %arg20[%mul3A_2, %dma_start3A_1191] : memref<10240x64xf32, #tpu.memory_space<vmem_shared>> -> memref<640x64xf32, #tpu.memory_space<vmem_shared>>
      tpu.enqueue_dma source(%arg4 : memref<640x64xf32, #tpu.memory_space<hbm>>) target(%dma_start3A_1192 : memref<640x64xf32, #tpu.memory_space<vmem_shared>>) target_semaphore(%run_scoped3A_1190 : memref<!tpu.dma_semaphore, #tpu.memory_space<semaphore_mem>>)
      %dma_wait3A_1193 = arith.constant 0 : i32
      %dma_wait3A_1194 = tpu.memref_slice %arg20[%mul3A_2, %dma_wait3A_1193] : memref<10240x64xf32, #tpu.memory_space<vmem_shared>> -> memref<640x64xf32, #tpu.memory_space<vmem_shared>>
      tpu.wait_dma2 semaphore(%run_scoped3A_1190 : memref<!tpu.dma_semaphore, #tpu.memory_space<semaphore_mem>>) src(%arg4 : memref<640x64xf32, #tpu.memory_space<hbm>>) dst(%dma_wait3A_1194 : memref<640x64xf32, #tpu.memory_space<vmem_shared>>)
      tpu.yield
    }) : () -> ()
    %barrier3A_686 = arith.constant 0 : index
    tpu.barrier barrier_id(%barrier3A_686)
    %dma_start3A_687 = arith.constant 1 : i32
    %dma_start3A_688 = arith.constant 0 : i32
    %dma_start3A_689 = arith.constant 0 : i32
    %dma_start3A_690 = tpu.memref_slice %arg9[%dma_start3A_688, %dma_start3A_689] : memref<125x80xi32, #tpu.memory_space<vmem>> -> memref<1x80xi32, #tpu.memory_space<vmem>>
    %dma_start3A_691 = tpu.memref_squeeze %dma_start3A_690 : memref<1x80xi32, #tpu.memory_space<vmem>> -> memref<80xi32, #tpu.memory_space<vmem>>
    %dma_start3A_692 = arith.constant 0 : i32
    %dma_start3A_693 = arith.constant 0 : i32
    %dma_start3A_694 = tpu.memref_slice %arg2[%dma_start3A_687, %dma_start3A_692, %dma_start3A_693] : memref<2x10000x64xf32, #tpu.memory_space<hbm>> -> memref<1x10000x64xf32, #tpu.memory_space<hbm>>
    %dma_start3A_695 = tpu.memref_squeeze %dma_start3A_694 : memref<1x10000x64xf32, #tpu.memory_space<hbm>> -> memref<10000x64xf32, #tpu.memory_space<hbm>>
    %dma_start3A_696 = arith.constant 0 : i32
    %dma_start3A_697 = arith.constant 0 : i32
    %dma_start3A_698 = tpu.memref_slice %dma_start3A_695[%dma_start3A_696, %dma_start3A_697] : memref<10000x64xf32, #tpu.memory_space<hbm>> -> memref<10000x64xf32, #tpu.memory_space<hbm>>
    tpu.enqueue_indirect_dma source(%dma_start3A_698 : memref<10000x64xf32, #tpu.memory_space<hbm>>) target(%arg11 : memref<80x64xf32, #tpu.memory_space<vmem>>) offsets(%dma_start3A_691 : memref<80xi32, #tpu.memory_space<vmem>>) semaphore(%arg22 : memref<!tpu.dma_semaphore, #tpu.memory_space<semaphore_mem>>)
    %dma_start3A_699 = arith.constant 1 : i32
    %dma_start3A_700 = arith.constant 1 : i32
    %dma_start3A_701 = arith.constant 0 : i32
    %dma_start3A_702 = tpu.memref_slice %arg9[%dma_start3A_700, %dma_start3A_701] : memref<125x80xi32, #tpu.memory_space<vmem>> -> memref<1x80xi32, #tpu.memory_space<vmem>>
    %dma_start3A_703 = tpu.memref_squeeze %dma_start3A_702 : memref<1x80xi32, #tpu.memory_space<vmem>> -> memref<80xi32, #tpu.memory_space<vmem>>
    %dma_start3A_704 = arith.constant 0 : i32
    %dma_start3A_705 = arith.constant 0 : i32
    %dma_start3A_706 = tpu.memref_slice %arg2[%dma_start3A_699, %dma_start3A_704, %dma_start3A_705] : memref<2x10000x64xf32, #tpu.memory_space<hbm>> -> memref<1x10000x64xf32, #tpu.memory_space<hbm>>
    %dma_start3A_707 = tpu.memref_squeeze %dma_start3A_706 : memref<1x10000x64xf32, #tpu.memory_space<hbm>> -> memref<10000x64xf32, #tpu.memory_space<hbm>>
    %dma_start3A_708 = arith.constant 0 : i32
    %dma_start3A_709 = arith.constant 0 : i32
    %dma_start3A_710 = tpu.memref_slice %dma_start3A_707[%dma_start3A_708, %dma_start3A_709] : memref<10000x64xf32, #tpu.memory_space<hbm>> -> memref<10000x64xf32, #tpu.memory_space<hbm>>
    tpu.enqueue_indirect_dma source(%dma_start3A_710 : memref<10000x64xf32, #tpu.memory_space<hbm>>) target(%arg12 : memref<80x64xf32, #tpu.memory_space<vmem>>) offsets(%dma_start3A_703 : memref<80xi32, #tpu.memory_space<vmem>>) semaphore(%arg23 : memref<!tpu.dma_semaphore, #tpu.memory_space<semaphore_mem>>)
    %dma_start3A_711 = arith.constant 1 : i32
    %dma_start3A_712 = arith.constant 2 : i32
    %dma_start3A_713 = arith.constant 0 : i32
    %dma_start3A_714 = tpu.memref_slice %arg9[%dma_start3A_712, %dma_start3A_713] : memref<125x80xi32, #tpu.memory_space<vmem>> -> memref<1x80xi32, #tpu.memory_space<vmem>>
    %dma_start3A_715 = tpu.memref_squeeze %dma_start3A_714 : memref<1x80xi32, #tpu.memory_space<vmem>> -> memref<80xi32, #tpu.memory_space<vmem>>
    %dma_start3A_716 = arith.constant 0 : i32
    %dma_start3A_717 = arith.constant 0 : i32
    %dma_start3A_718 = tpu.memref_slice %arg2[%dma_start3A_711, %dma_start3A_716, %dma_start3A_717] : memref<2x10000x64xf32, #tpu.memory_space<hbm>> -> memref<1x10000x64xf32, #tpu.memory_space<hbm>>
    %dma_start3A_719 = tpu.memref_squeeze %dma_start3A_718 : memref<1x10000x64xf32, #tpu.memory_space<hbm>> -> memref<10000x64xf32, #tpu.memory_space<hbm>>
    %dma_start3A_720 = arith.constant 0 : i32
    %dma_start3A_721 = arith.constant 0 : i32
    %dma_start3A_722 = tpu.memref_slice %dma_start3A_719[%dma_start3A_720, %dma_start3A_721] : memref<10000x64xf32, #tpu.memory_space<hbm>> -> memref<10000x64xf32, #tpu.memory_space<hbm>>
    tpu.enqueue_indirect_dma source(%dma_start3A_722 : memref<10000x64xf32, #tpu.memory_space<hbm>>) target(%arg13 : memref<80x64xf32, #tpu.memory_space<vmem>>) offsets(%dma_start3A_715 : memref<80xi32, #tpu.memory_space<vmem>>) semaphore(%arg24 : memref<!tpu.dma_semaphore, #tpu.memory_space<semaphore_mem>>)
    %dma_start3A_723 = arith.constant 1 : i32
    %dma_start3A_724 = arith.constant 3 : i32
    %dma_start3A_725 = arith.constant 0 : i32
    %dma_start3A_726 = tpu.memref_slice %arg9[%dma_start3A_724, %dma_start3A_725] : memref<125x80xi32, #tpu.memory_space<vmem>> -> memref<1x80xi32, #tpu.memory_space<vmem>>
    %dma_start3A_727 = tpu.memref_squeeze %dma_start3A_726 : memref<1x80xi32, #tpu.memory_space<vmem>> -> memref<80xi32, #tpu.memory_space<vmem>>
    %dma_start3A_728 = arith.constant 0 : i32
    %dma_start3A_729 = arith.constant 0 : i32
    %dma_start3A_730 = tpu.memref_slice %arg2[%dma_start3A_723, %dma_start3A_728, %dma_start3A_729] : memref<2x10000x64xf32, #tpu.memory_space<hbm>> -> memref<1x10000x64xf32, #tpu.memory_space<hbm>>
    %dma_start3A_731 = tpu.memref_squeeze %dma_start3A_730 : memref<1x10000x64xf32, #tpu.memory_space<hbm>> -> memref<10000x64xf32, #tpu.memory_space<hbm>>
    %dma_start3A_732 = arith.constant 0 : i32
    %dma_start3A_733 = arith.constant 0 : i32
    %dma_start3A_734 = tpu.memref_slice %dma_start3A_731[%dma_start3A_732, %dma_start3A_733] : memref<10000x64xf32, #tpu.memory_space<hbm>> -> memref<10000x64xf32, #tpu.memory_space<hbm>>
    tpu.enqueue_indirect_dma source(%dma_start3A_734 : memref<10000x64xf32, #tpu.memory_space<hbm>>) target(%arg14 : memref<80x64xf32, #tpu.memory_space<vmem>>) offsets(%dma_start3A_727 : memref<80xi32, #tpu.memory_space<vmem>>) semaphore(%arg25 : memref<!tpu.dma_semaphore, #tpu.memory_space<semaphore_mem>>)
    %dma_start3A_735 = arith.constant 1 : i32
    %dma_start3A_736 = arith.constant 4 : i32
    %dma_start3A_737 = arith.constant 0 : i32
    %dma_start3A_738 = tpu.memref_slice %arg9[%dma_start3A_736, %dma_start3A_737] : memref<125x80xi32, #tpu.memory_space<vmem>> -> memref<1x80xi32, #tpu.memory_space<vmem>>
    %dma_start3A_739 = tpu.memref_squeeze %dma_start3A_738 : memref<1x80xi32, #tpu.memory_space<vmem>> -> memref<80xi32, #tpu.memory_space<vmem>>
    %dma_start3A_740 = arith.constant 0 : i32
    %dma_start3A_741 = arith.constant 0 : i32
    %dma_start3A_742 = tpu.memref_slice %arg2[%dma_start3A_735, %dma_start3A_740, %dma_start3A_741] : memref<2x10000x64xf32, #tpu.memory_space<hbm>> -> memref<1x10000x64xf32, #tpu.memory_space<hbm>>
    %dma_start3A_743 = tpu.memref_squeeze %dma_start3A_742 : memref<1x10000x64xf32, #tpu.memory_space<hbm>> -> memref<10000x64xf32, #tpu.memory_space<hbm>>
    %dma_start3A_744 = arith.constant 0 : i32
    %dma_start3A_745 = arith.constant 0 : i32
    %dma_start3A_746 = tpu.memref_slice %dma_start3A_743[%dma_start3A_744, %dma_start3A_745] : memref<10000x64xf32, #tpu.memory_space<hbm>> -> memref<10000x64xf32, #tpu.memory_space<hbm>>
    tpu.enqueue_indirect_dma source(%dma_start3A_746 : memref<10000x64xf32, #tpu.memory_space<hbm>>) target(%arg15 : memref<80x64xf32, #tpu.memory_space<vmem>>) offsets(%dma_start3A_739 : memref<80xi32, #tpu.memory_space<vmem>>) semaphore(%arg26 : memref<!tpu.dma_semaphore, #tpu.memory_space<semaphore_mem>>)
    %dma_start3A_747 = arith.constant 1 : i32
    %dma_start3A_748 = arith.constant 5 : i32
    %dma_start3A_749 = arith.constant 0 : i32
    %dma_start3A_750 = tpu.memref_slice %arg9[%dma_start3A_748, %dma_start3A_749] : memref<125x80xi32, #tpu.memory_space<vmem>> -> memref<1x80xi32, #tpu.memory_space<vmem>>
    %dma_start3A_751 = tpu.memref_squeeze %dma_start3A_750 : memref<1x80xi32, #tpu.memory_space<vmem>> -> memref<80xi32, #tpu.memory_space<vmem>>
    %dma_start3A_752 = arith.constant 0 : i32
    %dma_start3A_753 = arith.constant 0 : i32
    %dma_start3A_754 = tpu.memref_slice %arg2[%dma_start3A_747, %dma_start3A_752, %dma_start3A_753] : memref<2x10000x64xf32, #tpu.memory_space<hbm>> -> memref<1x10000x64xf32, #tpu.memory_space<hbm>>
    %dma_start3A_755 = tpu.memref_squeeze %dma_start3A_754 : memref<1x10000x64xf32, #tpu.memory_space<hbm>> -> memref<10000x64xf32, #tpu.memory_space<hbm>>
    %dma_start3A_756 = arith.constant 0 : i32
    %dma_start3A_757 = arith.constant 0 : i32
    %dma_start3A_758 = tpu.memref_slice %dma_start3A_755[%dma_start3A_756, %dma_start3A_757] : memref<10000x64xf32, #tpu.memory_space<hbm>> -> memref<10000x64xf32, #tpu.memory_space<hbm>>
    tpu.enqueue_indirect_dma source(%dma_start3A_758 : memref<10000x64xf32, #tpu.memory_space<hbm>>) target(%arg16 : memref<80x64xf32, #tpu.memory_space<vmem>>) offsets(%dma_start3A_751 : memref<80xi32, #tpu.memory_space<vmem>>) semaphore(%arg27 : memref<!tpu.dma_semaphore, #tpu.memory_space<semaphore_mem>>)
    %dma_start3A_759 = arith.constant 1 : i32
    %dma_start3A_760 = arith.constant 6 : i32
    %dma_start3A_761 = arith.constant 0 : i32
    %dma_start3A_762 = tpu.memref_slice %arg9[%dma_start3A_760, %dma_start3A_761] : memref<125x80xi32, #tpu.memory_space<vmem>> -> memref<1x80xi32, #tpu.memory_space<vmem>>
    %dma_start3A_763 = tpu.memref_squeeze %dma_start3A_762 : memref<1x80xi32, #tpu.memory_space<vmem>> -> memref<80xi32, #tpu.memory_space<vmem>>
    %dma_start3A_764 = arith.constant 0 : i32
    %dma_start3A_765 = arith.constant 0 : i32
    %dma_start3A_766 = tpu.memref_slice %arg2[%dma_start3A_759, %dma_start3A_764, %dma_start3A_765] : memref<2x10000x64xf32, #tpu.memory_space<hbm>> -> memref<1x10000x64xf32, #tpu.memory_space<hbm>>
    %dma_start3A_767 = tpu.memref_squeeze %dma_start3A_766 : memref<1x10000x64xf32, #tpu.memory_space<hbm>> -> memref<10000x64xf32, #tpu.memory_space<hbm>>
    %dma_start3A_768 = arith.constant 0 : i32
    %dma_start3A_769 = arith.constant 0 : i32
    %dma_start3A_770 = tpu.memref_slice %dma_start3A_767[%dma_start3A_768, %dma_start3A_769] : memref<10000x64xf32, #tpu.memory_space<hbm>> -> memref<10000x64xf32, #tpu.memory_space<hbm>>
    tpu.enqueue_indirect_dma source(%dma_start3A_770 : memref<10000x64xf32, #tpu.memory_space<hbm>>) target(%arg17 : memref<80x64xf32, #tpu.memory_space<vmem>>) offsets(%dma_start3A_763 : memref<80xi32, #tpu.memory_space<vmem>>) semaphore(%arg28 : memref<!tpu.dma_semaphore, #tpu.memory_space<semaphore_mem>>)
    %dma_start3A_771 = arith.constant 1 : i32
    %dma_start3A_772 = arith.constant 7 : i32
    %dma_start3A_773 = arith.constant 0 : i32
    %dma_start3A_774 = tpu.memref_slice %arg9[%dma_start3A_772, %dma_start3A_773] : memref<125x80xi32, #tpu.memory_space<vmem>> -> memref<1x80xi32, #tpu.memory_space<vmem>>
    %dma_start3A_775 = tpu.memref_squeeze %dma_start3A_774 : memref<1x80xi32, #tpu.memory_space<vmem>> -> memref<80xi32, #tpu.memory_space<vmem>>
    %dma_start3A_776 = arith.constant 0 : i32
    %dma_start3A_777 = arith.constant 0 : i32
    %dma_start3A_778 = tpu.memref_slice %arg2[%dma_start3A_771, %dma_start3A_776, %dma_start3A_777] : memref<2x10000x64xf32, #tpu.memory_space<hbm>> -> memref<1x10000x64xf32, #tpu.memory_space<hbm>>
    %dma_start3A_779 = tpu.memref_squeeze %dma_start3A_778 : memref<1x10000x64xf32, #tpu.memory_space<hbm>> -> memref<10000x64xf32, #tpu.memory_space<hbm>>
    %dma_start3A_780 = arith.constant 0 : i32
    %dma_start3A_781 = arith.constant 0 : i32
    %dma_start3A_782 = tpu.memref_slice %dma_start3A_779[%dma_start3A_780, %dma_start3A_781] : memref<10000x64xf32, #tpu.memory_space<hbm>> -> memref<10000x64xf32, #tpu.memory_space<hbm>>
    tpu.enqueue_indirect_dma source(%dma_start3A_782 : memref<10000x64xf32, #tpu.memory_space<hbm>>) target(%arg18 : memref<80x64xf32, #tpu.memory_space<vmem>>) offsets(%dma_start3A_775 : memref<80xi32, #tpu.memory_space<vmem>>) semaphore(%arg29 : memref<!tpu.dma_semaphore, #tpu.memory_space<semaphore_mem>>)
    %scan3A_783 = arith.constant 0 : i32
    %scan3A_784 = arith.constant 1 : i32
    %scan3A_785 = arith.constant 0 : i32
    %scan3A_786 = arith.constant 14 : i32
    %scan3A_787 = arith.addi %scan3A_785, %scan3A_786 : i32
    %scan3A_788 = arith.constant 1 : i32
    scf.for %scan3A_1190 = %scan3A_785 to %scan3A_787 step %scan3A_788  : i32 {
      %mul3A_1191 = arith.constant 8 : i32
      %mul3A_1192 = arith.muli %mul3A_1191, %scan3A_1190 : i32
      %add3A_1193 = arith.constant 0 : i32
      %add3A_1194 = arith.addi %mul3A_1192, %add3A_1193 : i32
      %dma_wait3A_1195 = arith.constant 0 : i32
      %dma_wait3A_1196 = tpu.memref_slice %arg9[%add3A_1194, %dma_wait3A_1195] : memref<125x80xi32, #tpu.memory_space<vmem>> -> memref<1x80xi32, #tpu.memory_space<vmem>>
      %dma_wait3A_1197 = tpu.memref_squeeze %dma_wait3A_1196 : memref<1x80xi32, #tpu.memory_space<vmem>> -> memref<80xi32, #tpu.memory_space<vmem>>
      %dma_wait3A_1198 = arith.constant 0 : i32
      %dma_wait3A_1199 = arith.constant 0 : i32
      %dma_wait3A_1200 = tpu.memref_slice %arg2[%scan3A_784, %dma_wait3A_1198, %dma_wait3A_1199] : memref<2x10000x64xf32, #tpu.memory_space<hbm>> -> memref<1x10000x64xf32, #tpu.memory_space<hbm>>
      %dma_wait3A_1201 = tpu.memref_squeeze %dma_wait3A_1200 : memref<1x10000x64xf32, #tpu.memory_space<hbm>> -> memref<10000x64xf32, #tpu.memory_space<hbm>>
      %dma_wait3A_1202 = arith.constant 0 : i32
      %dma_wait3A_1203 = arith.constant 0 : i32
      %dma_wait3A_1204 = tpu.memref_slice %dma_wait3A_1201[%dma_wait3A_1202, %dma_wait3A_1203] : memref<10000x64xf32, #tpu.memory_space<hbm>> -> memref<10000x64xf32, #tpu.memory_space<hbm>>
      tpu.wait_indirect_dma semaphore(%arg22 : memref<!tpu.dma_semaphore, #tpu.memory_space<semaphore_mem>>) src(%dma_wait3A_1204 : memref<10000x64xf32, #tpu.memory_space<hbm>>) dst(%arg11 : memref<80x64xf32, #tpu.memory_space<vmem>>)
      %add3A_1205 = arith.constant 0 : i32
      %add3A_1206 = arith.addi %mul3A_1192, %add3A_1205 : i32
      %dma_start3A_1207 = arith.constant 0 : i32
      %dma_start3A_1208 = tpu.memref_slice %arg10[%add3A_1206, %dma_start3A_1207] : memref<125x80xi32, #tpu.memory_space<vmem>> -> memref<1x80xi32, #tpu.memory_space<vmem>>
      %dma_start3A_1209 = tpu.memref_squeeze %dma_start3A_1208 : memref<1x80xi32, #tpu.memory_space<vmem>> -> memref<80xi32, #tpu.memory_space<vmem>>
      %dma_start3A_1210 = arith.constant 0 : i32
      %dma_start3A_1211 = arith.constant 0 : i32
      %dma_start3A_1212 = tpu.memref_slice %arg20[%dma_start3A_1210, %dma_start3A_1211] : memref<10240x64xf32, #tpu.memory_space<vmem_shared>> -> memref<10240x64xf32, #tpu.memory_space<vmem_shared>>
      tpu.enqueue_indirect_dma source(%arg11 : memref<80x64xf32, #tpu.memory_space<vmem>>) target(%dma_start3A_1212 : memref<10240x64xf32, #tpu.memory_space<vmem_shared>>) offsets(%dma_start3A_1209 : memref<80xi32, #tpu.memory_space<vmem>>) semaphore(%arg30 : memref<!tpu.dma_semaphore, #tpu.memory_space<semaphore_mem>>) {add = true}
      %add3A_1213 = arith.constant 1 : i32
      %add3A_1214 = arith.addi %mul3A_1192, %add3A_1213 : i32
      %dma_wait3A_1215 = arith.constant 0 : i32
      %dma_wait3A_1216 = tpu.memref_slice %arg9[%add3A_1214, %dma_wait3A_1215] : memref<125x80xi32, #tpu.memory_space<vmem>> -> memref<1x80xi32, #tpu.memory_space<vmem>>
      %dma_wait3A_1217 = tpu.memref_squeeze %dma_wait3A_1216 : memref<1x80xi32, #tpu.memory_space<vmem>> -> memref<80xi32, #tpu.memory_space<vmem>>
      %dma_wait3A_1218 = arith.constant 0 : i32
      %dma_wait3A_1219 = arith.constant 0 : i32
      %dma_wait3A_1220 = tpu.memref_slice %arg2[%scan3A_784, %dma_wait3A_1218, %dma_wait3A_1219] : memref<2x10000x64xf32, #tpu.memory_space<hbm>> -> memref<1x10000x64xf32, #tpu.memory_space<hbm>>
      %dma_wait3A_1221 = tpu.memref_squeeze %dma_wait3A_1220 : memref<1x10000x64xf32, #tpu.memory_space<hbm>> -> memref<10000x64xf32, #tpu.memory_space<hbm>>
      %dma_wait3A_1222 = arith.constant 0 : i32
      %dma_wait3A_1223 = arith.constant 0 : i32
      %dma_wait3A_1224 = tpu.memref_slice %dma_wait3A_1221[%dma_wait3A_1222, %dma_wait3A_1223] : memref<10000x64xf32, #tpu.memory_space<hbm>> -> memref<10000x64xf32, #tpu.memory_space<hbm>>
      tpu.wait_indirect_dma semaphore(%arg23 : memref<!tpu.dma_semaphore, #tpu.memory_space<semaphore_mem>>) src(%dma_wait3A_1224 : memref<10000x64xf32, #tpu.memory_space<hbm>>) dst(%arg12 : memref<80x64xf32, #tpu.memory_space<vmem>>)
      %add3A_1225 = arith.constant 1 : i32
      %add3A_1226 = arith.addi %mul3A_1192, %add3A_1225 : i32
      %dma_start3A_1227 = arith.constant 0 : i32
      %dma_start3A_1228 = tpu.memref_slice %arg10[%add3A_1226, %dma_start3A_1227] : memref<125x80xi32, #tpu.memory_space<vmem>> -> memref<1x80xi32, #tpu.memory_space<vmem>>
      %dma_start3A_1229 = tpu.memref_squeeze %dma_start3A_1228 : memref<1x80xi32, #tpu.memory_space<vmem>> -> memref<80xi32, #tpu.memory_space<vmem>>
      %dma_start3A_1230 = arith.constant 0 : i32
      %dma_start3A_1231 = arith.constant 0 : i32
      %dma_start3A_1232 = tpu.memref_slice %arg20[%dma_start3A_1230, %dma_start3A_1231] : memref<10240x64xf32, #tpu.memory_space<vmem_shared>> -> memref<10240x64xf32, #tpu.memory_space<vmem_shared>>
      tpu.enqueue_indirect_dma source(%arg12 : memref<80x64xf32, #tpu.memory_space<vmem>>) target(%dma_start3A_1232 : memref<10240x64xf32, #tpu.memory_space<vmem_shared>>) offsets(%dma_start3A_1229 : memref<80xi32, #tpu.memory_space<vmem>>) semaphore(%arg31 : memref<!tpu.dma_semaphore, #tpu.memory_space<semaphore_mem>>) {add = true}
      %add3A_1233 = arith.constant 1 : i32
      %add3A_1234 = arith.addi %mul3A_1192, %add3A_1233 : i32
      %sub3A = arith.constant 1 : i32
      %sub3A_1235 = arith.subi %add3A_1234, %sub3A : i32
      %dma_wait3A_1236 = arith.constant 0 : i32
      %dma_wait3A_1237 = tpu.memref_slice %arg10[%sub3A_1235, %dma_wait3A_1236] : memref<125x80xi32, #tpu.memory_space<vmem>> -> memref<1x80xi32, #tpu.memory_space<vmem>>
      %dma_wait3A_1238 = tpu.memref_squeeze %dma_wait3A_1237 : memref<1x80xi32, #tpu.memory_space<vmem>> -> memref<80xi32, #tpu.memory_space<vmem>>
      %dma_wait3A_1239 = arith.constant 0 : i32
      %dma_wait3A_1240 = arith.constant 0 : i32
      %dma_wait3A_1241 = tpu.memref_slice %arg20[%dma_wait3A_1239, %dma_wait3A_1240] : memref<10240x64xf32, #tpu.memory_space<vmem_shared>> -> memref<10240x64xf32, #tpu.memory_space<vmem_shared>>
      tpu.wait_indirect_dma semaphore(%arg30 : memref<!tpu.dma_semaphore, #tpu.memory_space<semaphore_mem>>) src(%arg11 : memref<80x64xf32, #tpu.memory_space<vmem>>) dst(%dma_wait3A_1241 : memref<10240x64xf32, #tpu.memory_space<vmem_shared>>)
      %add3A_1242 = arith.constant 1 : i32
      %add3A_1243 = arith.addi %mul3A_1192, %add3A_1242 : i32
      %sub3A_1244 = arith.constant 1 : i32
      %sub3A_1245 = arith.subi %add3A_1243, %sub3A_1244 : i32
      %add3A_1246 = arith.constant 8 : i32
      %add3A_1247 = arith.addi %sub3A_1245, %add3A_1246 : i32
      %dma_start3A_1248 = arith.constant 0 : i32
      %dma_start3A_1249 = tpu.memref_slice %arg9[%add3A_1247, %dma_start3A_1248] : memref<125x80xi32, #tpu.memory_space<vmem>> -> memref<1x80xi32, #tpu.memory_space<vmem>>
      %dma_start3A_1250 = tpu.memref_squeeze %dma_start3A_1249 : memref<1x80xi32, #tpu.memory_space<vmem>> -> memref<80xi32, #tpu.memory_space<vmem>>
      %dma_start3A_1251 = arith.constant 0 : i32
      %dma_start3A_1252 = arith.constant 0 : i32
      %dma_start3A_1253 = tpu.memref_slice %arg2[%scan3A_784, %dma_start3A_1251, %dma_start3A_1252] : memref<2x10000x64xf32, #tpu.memory_space<hbm>> -> memref<1x10000x64xf32, #tpu.memory_space<hbm>>
      %dma_start3A_1254 = tpu.memref_squeeze %dma_start3A_1253 : memref<1x10000x64xf32, #tpu.memory_space<hbm>> -> memref<10000x64xf32, #tpu.memory_space<hbm>>
      %dma_start3A_1255 = arith.constant 0 : i32
      %dma_start3A_1256 = arith.constant 0 : i32
      %dma_start3A_1257 = tpu.memref_slice %dma_start3A_1254[%dma_start3A_1255, %dma_start3A_1256] : memref<10000x64xf32, #tpu.memory_space<hbm>> -> memref<10000x64xf32, #tpu.memory_space<hbm>>
      tpu.enqueue_indirect_dma source(%dma_start3A_1257 : memref<10000x64xf32, #tpu.memory_space<hbm>>) target(%arg11 : memref<80x64xf32, #tpu.memory_space<vmem>>) offsets(%dma_start3A_1250 : memref<80xi32, #tpu.memory_space<vmem>>) semaphore(%arg22 : memref<!tpu.dma_semaphore, #tpu.memory_space<semaphore_mem>>)
      %add3A_1258 = arith.constant 2 : i32
      %add3A_1259 = arith.addi %mul3A_1192, %add3A_1258 : i32
      %dma_wait3A_1260 = arith.constant 0 : i32
      %dma_wait3A_1261 = tpu.memref_slice %arg9[%add3A_1259, %dma_wait3A_1260] : memref<125x80xi32, #tpu.memory_space<vmem>> -> memref<1x80xi32, #tpu.memory_space<vmem>>
      %dma_wait3A_1262 = tpu.memref_squeeze %dma_wait3A_1261 : memref<1x80xi32, #tpu.memory_space<vmem>> -> memref<80xi32, #tpu.memory_space<vmem>>
      %dma_wait3A_1263 = arith.constant 0 : i32
      %dma_wait3A_1264 = arith.constant 0 : i32
      %dma_wait3A_1265 = tpu.memref_slice %arg2[%scan3A_784, %dma_wait3A_1263, %dma_wait3A_1264] : memref<2x10000x64xf32, #tpu.memory_space<hbm>> -> memref<1x10000x64xf32, #tpu.memory_space<hbm>>
      %dma_wait3A_1266 = tpu.memref_squeeze %dma_wait3A_1265 : memref<1x10000x64xf32, #tpu.memory_space<hbm>> -> memref<10000x64xf32, #tpu.memory_space<hbm>>
      %dma_wait3A_1267 = arith.constant 0 : i32
      %dma_wait3A_1268 = arith.constant 0 : i32
      %dma_wait3A_1269 = tpu.memref_slice %dma_wait3A_1266[%dma_wait3A_1267, %dma_wait3A_1268] : memref<10000x64xf32, #tpu.memory_space<hbm>> -> memref<10000x64xf32, #tpu.memory_space<hbm>>
      tpu.wait_indirect_dma semaphore(%arg24 : memref<!tpu.dma_semaphore, #tpu.memory_space<semaphore_mem>>) src(%dma_wait3A_1269 : memref<10000x64xf32, #tpu.memory_space<hbm>>) dst(%arg13 : memref<80x64xf32, #tpu.memory_space<vmem>>)
      %add3A_1270 = arith.constant 2 : i32
      %add3A_1271 = arith.addi %mul3A_1192, %add3A_1270 : i32
      %dma_start3A_1272 = arith.constant 0 : i32
      %dma_start3A_1273 = tpu.memref_slice %arg10[%add3A_1271, %dma_start3A_1272] : memref<125x80xi32, #tpu.memory_space<vmem>> -> memref<1x80xi32, #tpu.memory_space<vmem>>
      %dma_start3A_1274 = tpu.memref_squeeze %dma_start3A_1273 : memref<1x80xi32, #tpu.memory_space<vmem>> -> memref<80xi32, #tpu.memory_space<vmem>>
      %dma_start3A_1275 = arith.constant 0 : i32
      %dma_start3A_1276 = arith.constant 0 : i32
      %dma_start3A_1277 = tpu.memref_slice %arg20[%dma_start3A_1275, %dma_start3A_1276] : memref<10240x64xf32, #tpu.memory_space<vmem_shared>> -> memref<10240x64xf32, #tpu.memory_space<vmem_shared>>
      tpu.enqueue_indirect_dma source(%arg13 : memref<80x64xf32, #tpu.memory_space<vmem>>) target(%dma_start3A_1277 : memref<10240x64xf32, #tpu.memory_space<vmem_shared>>) offsets(%dma_start3A_1274 : memref<80xi32, #tpu.memory_space<vmem>>) semaphore(%arg32 : memref<!tpu.dma_semaphore, #tpu.memory_space<semaphore_mem>>) {add = true}
      %add3A_1278 = arith.constant 2 : i32
      %add3A_1279 = arith.addi %mul3A_1192, %add3A_1278 : i32
      %sub3A_1280 = arith.constant 1 : i32
      %sub3A_1281 = arith.subi %add3A_1279, %sub3A_1280 : i32
      %dma_wait3A_1282 = arith.constant 0 : i32
      %dma_wait3A_1283 = tpu.memref_slice %arg10[%sub3A_1281, %dma_wait3A_1282] : memref<125x80xi32, #tpu.memory_space<vmem>> -> memref<1x80xi32, #tpu.memory_space<vmem>>
      %dma_wait3A_1284 = tpu.memref_squeeze %dma_wait3A_1283 : memref<1x80xi32, #tpu.memory_space<vmem>> -> memref<80xi32, #tpu.memory_space<vmem>>
      %dma_wait3A_1285 = arith.constant 0 : i32
      %dma_wait3A_1286 = arith.constant 0 : i32
      %dma_wait3A_1287 = tpu.memref_slice %arg20[%dma_wait3A_1285, %dma_wait3A_1286] : memref<10240x64xf32, #tpu.memory_space<vmem_shared>> -> memref<10240x64xf32, #tpu.memory_space<vmem_shared>>
      tpu.wait_indirect_dma semaphore(%arg31 : memref<!tpu.dma_semaphore, #tpu.memory_space<semaphore_mem>>) src(%arg12 : memref<80x64xf32, #tpu.memory_space<vmem>>) dst(%dma_wait3A_1287 : memref<10240x64xf32, #tpu.memory_space<vmem_shared>>)
      %add3A_1288 = arith.constant 2 : i32
      %add3A_1289 = arith.addi %mul3A_1192, %add3A_1288 : i32
      %sub3A_1290 = arith.constant 1 : i32
      %sub3A_1291 = arith.subi %add3A_1289, %sub3A_1290 : i32
      %add3A_1292 = arith.constant 8 : i32
      %add3A_1293 = arith.addi %sub3A_1291, %add3A_1292 : i32
      %dma_start3A_1294 = arith.constant 0 : i32
      %dma_start3A_1295 = tpu.memref_slice %arg9[%add3A_1293, %dma_start3A_1294] : memref<125x80xi32, #tpu.memory_space<vmem>> -> memref<1x80xi32, #tpu.memory_space<vmem>>
      %dma_start3A_1296 = tpu.memref_squeeze %dma_start3A_1295 : memref<1x80xi32, #tpu.memory_space<vmem>> -> memref<80xi32, #tpu.memory_space<vmem>>
      %dma_start3A_1297 = arith.constant 0 : i32
      %dma_start3A_1298 = arith.constant 0 : i32
      %dma_start3A_1299 = tpu.memref_slice %arg2[%scan3A_784, %dma_start3A_1297, %dma_start3A_1298] : memref<2x10000x64xf32, #tpu.memory_space<hbm>> -> memref<1x10000x64xf32, #tpu.memory_space<hbm>>
      %dma_start3A_1300 = tpu.memref_squeeze %dma_start3A_1299 : memref<1x10000x64xf32, #tpu.memory_space<hbm>> -> memref<10000x64xf32, #tpu.memory_space<hbm>>
      %dma_start3A_1301 = arith.constant 0 : i32
      %dma_start3A_1302 = arith.constant 0 : i32
      %dma_start3A_1303 = tpu.memref_slice %dma_start3A_1300[%dma_start3A_1301, %dma_start3A_1302] : memref<10000x64xf32, #tpu.memory_space<hbm>> -> memref<10000x64xf32, #tpu.memory_space<hbm>>
      tpu.enqueue_indirect_dma source(%dma_start3A_1303 : memref<10000x64xf32, #tpu.memory_space<hbm>>) target(%arg12 : memref<80x64xf32, #tpu.memory_space<vmem>>) offsets(%dma_start3A_1296 : memref<80xi32, #tpu.memory_space<vmem>>) semaphore(%arg23 : memref<!tpu.dma_semaphore, #tpu.memory_space<semaphore_mem>>)
      %add3A_1304 = arith.constant 3 : i32
      %add3A_1305 = arith.addi %mul3A_1192, %add3A_1304 : i32
      %dma_wait3A_1306 = arith.constant 0 : i32
      %dma_wait3A_1307 = tpu.memref_slice %arg9[%add3A_1305, %dma_wait3A_1306] : memref<125x80xi32, #tpu.memory_space<vmem>> -> memref<1x80xi32, #tpu.memory_space<vmem>>
      %dma_wait3A_1308 = tpu.memref_squeeze %dma_wait3A_1307 : memref<1x80xi32, #tpu.memory_space<vmem>> -> memref<80xi32, #tpu.memory_space<vmem>>
      %dma_wait3A_1309 = arith.constant 0 : i32
      %dma_wait3A_1310 = arith.constant 0 : i32
      %dma_wait3A_1311 = tpu.memref_slice %arg2[%scan3A_784, %dma_wait3A_1309, %dma_wait3A_1310] : memref<2x10000x64xf32, #tpu.memory_space<hbm>> -> memref<1x10000x64xf32, #tpu.memory_space<hbm>>
      %dma_wait3A_1312 = tpu.memref_squeeze %dma_wait3A_1311 : memref<1x10000x64xf32, #tpu.memory_space<hbm>> -> memref<10000x64xf32, #tpu.memory_space<hbm>>
      %dma_wait3A_1313 = arith.constant 0 : i32
      %dma_wait3A_1314 = arith.constant 0 : i32
      %dma_wait3A_1315 = tpu.memref_slice %dma_wait3A_1312[%dma_wait3A_1313, %dma_wait3A_1314] : memref<10000x64xf32, #tpu.memory_space<hbm>> -> memref<10000x64xf32, #tpu.memory_space<hbm>>
      tpu.wait_indirect_dma semaphore(%arg25 : memref<!tpu.dma_semaphore, #tpu.memory_space<semaphore_mem>>) src(%dma_wait3A_1315 : memref<10000x64xf32, #tpu.memory_space<hbm>>) dst(%arg14 : memref<80x64xf32, #tpu.memory_space<vmem>>)
      %add3A_1316 = arith.constant 3 : i32
      %add3A_1317 = arith.addi %mul3A_1192, %add3A_1316 : i32
      %dma_start3A_1318 = arith.constant 0 : i32
      %dma_start3A_1319 = tpu.memref_slice %arg10[%add3A_1317, %dma_start3A_1318] : memref<125x80xi32, #tpu.memory_space<vmem>> -> memref<1x80xi32, #tpu.memory_space<vmem>>
      %dma_start3A_1320 = tpu.memref_squeeze %dma_start3A_1319 : memref<1x80xi32, #tpu.memory_space<vmem>> -> memref<80xi32, #tpu.memory_space<vmem>>
      %dma_start3A_1321 = arith.constant 0 : i32
      %dma_start3A_1322 = arith.constant 0 : i32
      %dma_start3A_1323 = tpu.memref_slice %arg20[%dma_start3A_1321, %dma_start3A_1322] : memref<10240x64xf32, #tpu.memory_space<vmem_shared>> -> memref<10240x64xf32, #tpu.memory_space<vmem_shared>>
      tpu.enqueue_indirect_dma source(%arg14 : memref<80x64xf32, #tpu.memory_space<vmem>>) target(%dma_start3A_1323 : memref<10240x64xf32, #tpu.memory_space<vmem_shared>>) offsets(%dma_start3A_1320 : memref<80xi32, #tpu.memory_space<vmem>>) semaphore(%arg33 : memref<!tpu.dma_semaphore, #tpu.memory_space<semaphore_mem>>) {add = true}
      %add3A_1324 = arith.constant 3 : i32
      %add3A_1325 = arith.addi %mul3A_1192, %add3A_1324 : i32
      %sub3A_1326 = arith.constant 1 : i32
      %sub3A_1327 = arith.subi %add3A_1325, %sub3A_1326 : i32
      %dma_wait3A_1328 = arith.constant 0 : i32
      %dma_wait3A_1329 = tpu.memref_slice %arg10[%sub3A_1327, %dma_wait3A_1328] : memref<125x80xi32, #tpu.memory_space<vmem>> -> memref<1x80xi32, #tpu.memory_space<vmem>>
      %dma_wait3A_1330 = tpu.memref_squeeze %dma_wait3A_1329 : memref<1x80xi32, #tpu.memory_space<vmem>> -> memref<80xi32, #tpu.memory_space<vmem>>
      %dma_wait3A_1331 = arith.constant 0 : i32
      %dma_wait3A_1332 = arith.constant 0 : i32
      %dma_wait3A_1333 = tpu.memref_slice %arg20[%dma_wait3A_1331, %dma_wait3A_1332] : memref<10240x64xf32, #tpu.memory_space<vmem_shared>> -> memref<10240x64xf32, #tpu.memory_space<vmem_shared>>
      tpu.wait_indirect_dma semaphore(%arg32 : memref<!tpu.dma_semaphore, #tpu.memory_space<semaphore_mem>>) src(%arg13 : memref<80x64xf32, #tpu.memory_space<vmem>>) dst(%dma_wait3A_1333 : memref<10240x64xf32, #tpu.memory_space<vmem_shared>>)
      %add3A_1334 = arith.constant 3 : i32
      %add3A_1335 = arith.addi %mul3A_1192, %add3A_1334 : i32
      %sub3A_1336 = arith.constant 1 : i32
      %sub3A_1337 = arith.subi %add3A_1335, %sub3A_1336 : i32
      %add3A_1338 = arith.constant 8 : i32
      %add3A_1339 = arith.addi %sub3A_1337, %add3A_1338 : i32
      %dma_start3A_1340 = arith.constant 0 : i32
      %dma_start3A_1341 = tpu.memref_slice %arg9[%add3A_1339, %dma_start3A_1340] : memref<125x80xi32, #tpu.memory_space<vmem>> -> memref<1x80xi32, #tpu.memory_space<vmem>>
      %dma_start3A_1342 = tpu.memref_squeeze %dma_start3A_1341 : memref<1x80xi32, #tpu.memory_space<vmem>> -> memref<80xi32, #tpu.memory_space<vmem>>
      %dma_start3A_1343 = arith.constant 0 : i32
      %dma_start3A_1344 = arith.constant 0 : i32
      %dma_start3A_1345 = tpu.memref_slice %arg2[%scan3A_784, %dma_start3A_1343, %dma_start3A_1344] : memref<2x10000x64xf32, #tpu.memory_space<hbm>> -> memref<1x10000x64xf32, #tpu.memory_space<hbm>>
      %dma_start3A_1346 = tpu.memref_squeeze %dma_start3A_1345 : memref<1x10000x64xf32, #tpu.memory_space<hbm>> -> memref<10000x64xf32, #tpu.memory_space<hbm>>
      %dma_start3A_1347 = arith.constant 0 : i32
      %dma_start3A_1348 = arith.constant 0 : i32
      %dma_start3A_1349 = tpu.memref_slice %dma_start3A_1346[%dma_start3A_1347, %dma_start3A_1348] : memref<10000x64xf32, #tpu.memory_space<hbm>> -> memref<10000x64xf32, #tpu.memory_space<hbm>>
      tpu.enqueue_indirect_dma source(%dma_start3A_1349 : memref<10000x64xf32, #tpu.memory_space<hbm>>) target(%arg13 : memref<80x64xf32, #tpu.memory_space<vmem>>) offsets(%dma_start3A_1342 : memref<80xi32, #tpu.memory_space<vmem>>) semaphore(%arg24 : memref<!tpu.dma_semaphore, #tpu.memory_space<semaphore_mem>>)
      %add3A_1350 = arith.constant 4 : i32
      %add3A_1351 = arith.addi %mul3A_1192, %add3A_1350 : i32
      %dma_wait3A_1352 = arith.constant 0 : i32
      %dma_wait3A_1353 = tpu.memref_slice %arg9[%add3A_1351, %dma_wait3A_1352] : memref<125x80xi32, #tpu.memory_space<vmem>> -> memref<1x80xi32, #tpu.memory_space<vmem>>
      %dma_wait3A_1354 = tpu.memref_squeeze %dma_wait3A_1353 : memref<1x80xi32, #tpu.memory_space<vmem>> -> memref<80xi32, #tpu.memory_space<vmem>>
      %dma_wait3A_1355 = arith.constant 0 : i32
      %dma_wait3A_1356 = arith.constant 0 : i32
      %dma_wait3A_1357 = tpu.memref_slice %arg2[%scan3A_784, %dma_wait3A_1355, %dma_wait3A_1356] : memref<2x10000x64xf32, #tpu.memory_space<hbm>> -> memref<1x10000x64xf32, #tpu.memory_space<hbm>>
      %dma_wait3A_1358 = tpu.memref_squeeze %dma_wait3A_1357 : memref<1x10000x64xf32, #tpu.memory_space<hbm>> -> memref<10000x64xf32, #tpu.memory_space<hbm>>
      %dma_wait3A_1359 = arith.constant 0 : i32
      %dma_wait3A_1360 = arith.constant 0 : i32
      %dma_wait3A_1361 = tpu.memref_slice %dma_wait3A_1358[%dma_wait3A_1359, %dma_wait3A_1360] : memref<10000x64xf32, #tpu.memory_space<hbm>> -> memref<10000x64xf32, #tpu.memory_space<hbm>>
      tpu.wait_indirect_dma semaphore(%arg26 : memref<!tpu.dma_semaphore, #tpu.memory_space<semaphore_mem>>) src(%dma_wait3A_1361 : memref<10000x64xf32, #tpu.memory_space<hbm>>) dst(%arg15 : memref<80x64xf32, #tpu.memory_space<vmem>>)
      %add3A_1362 = arith.constant 4 : i32
      %add3A_1363 = arith.addi %mul3A_1192, %add3A_1362 : i32
      %dma_start3A_1364 = arith.constant 0 : i32
      %dma_start3A_1365 = tpu.memref_slice %arg10[%add3A_1363, %dma_start3A_1364] : memref<125x80xi32, #tpu.memory_space<vmem>> -> memref<1x80xi32, #tpu.memory_space<vmem>>
      %dma_start3A_1366 = tpu.memref_squeeze %dma_start3A_1365 : memref<1x80xi32, #tpu.memory_space<vmem>> -> memref<80xi32, #tpu.memory_space<vmem>>
      %dma_start3A_1367 = arith.constant 0 : i32
      %dma_start3A_1368 = arith.constant 0 : i32
      %dma_start3A_1369 = tpu.memref_slice %arg20[%dma_start3A_1367, %dma_start3A_1368] : memref<10240x64xf32, #tpu.memory_space<vmem_shared>> -> memref<10240x64xf32, #tpu.memory_space<vmem_shared>>
      tpu.enqueue_indirect_dma source(%arg15 : memref<80x64xf32, #tpu.memory_space<vmem>>) target(%dma_start3A_1369 : memref<10240x64xf32, #tpu.memory_space<vmem_shared>>) offsets(%dma_start3A_1366 : memref<80xi32, #tpu.memory_space<vmem>>) semaphore(%arg34 : memref<!tpu.dma_semaphore, #tpu.memory_space<semaphore_mem>>) {add = true}
      %add3A_1370 = arith.constant 4 : i32
      %add3A_1371 = arith.addi %mul3A_1192, %add3A_1370 : i32
      %sub3A_1372 = arith.constant 1 : i32
      %sub3A_1373 = arith.subi %add3A_1371, %sub3A_1372 : i32
      %dma_wait3A_1374 = arith.constant 0 : i32
      %dma_wait3A_1375 = tpu.memref_slice %arg10[%sub3A_1373, %dma_wait3A_1374] : memref<125x80xi32, #tpu.memory_space<vmem>> -> memref<1x80xi32, #tpu.memory_space<vmem>>
      %dma_wait3A_1376 = tpu.memref_squeeze %dma_wait3A_1375 : memref<1x80xi32, #tpu.memory_space<vmem>> -> memref<80xi32, #tpu.memory_space<vmem>>
      %dma_wait3A_1377 = arith.constant 0 : i32
      %dma_wait3A_1378 = arith.constant 0 : i32
      %dma_wait3A_1379 = tpu.memref_slice %arg20[%dma_wait3A_1377, %dma_wait3A_1378] : memref<10240x64xf32, #tpu.memory_space<vmem_shared>> -> memref<10240x64xf32, #tpu.memory_space<vmem_shared>>
      tpu.wait_indirect_dma semaphore(%arg33 : memref<!tpu.dma_semaphore, #tpu.memory_space<semaphore_mem>>) src(%arg14 : memref<80x64xf32, #tpu.memory_space<vmem>>) dst(%dma_wait3A_1379 : memref<10240x64xf32, #tpu.memory_space<vmem_shared>>)
      %add3A_1380 = arith.constant 4 : i32
      %add3A_1381 = arith.addi %mul3A_1192, %add3A_1380 : i32
      %sub3A_1382 = arith.constant 1 : i32
      %sub3A_1383 = arith.subi %add3A_1381, %sub3A_1382 : i32
      %add3A_1384 = arith.constant 8 : i32
      %add3A_1385 = arith.addi %sub3A_1383, %add3A_1384 : i32
      %dma_start3A_1386 = arith.constant 0 : i32
      %dma_start3A_1387 = tpu.memref_slice %arg9[%add3A_1385, %dma_start3A_1386] : memref<125x80xi32, #tpu.memory_space<vmem>> -> memref<1x80xi32, #tpu.memory_space<vmem>>
      %dma_start3A_1388 = tpu.memref_squeeze %dma_start3A_1387 : memref<1x80xi32, #tpu.memory_space<vmem>> -> memref<80xi32, #tpu.memory_space<vmem>>
      %dma_start3A_1389 = arith.constant 0 : i32
      %dma_start3A_1390 = arith.constant 0 : i32
      %dma_start3A_1391 = tpu.memref_slice %arg2[%scan3A_784, %dma_start3A_1389, %dma_start3A_1390] : memref<2x10000x64xf32, #tpu.memory_space<hbm>> -> memref<1x10000x64xf32, #tpu.memory_space<hbm>>
      %dma_start3A_1392 = tpu.memref_squeeze %dma_start3A_1391 : memref<1x10000x64xf32, #tpu.memory_space<hbm>> -> memref<10000x64xf32, #tpu.memory_space<hbm>>
      %dma_start3A_1393 = arith.constant 0 : i32
      %dma_start3A_1394 = arith.constant 0 : i32
      %dma_start3A_1395 = tpu.memref_slice %dma_start3A_1392[%dma_start3A_1393, %dma_start3A_1394] : memref<10000x64xf32, #tpu.memory_space<hbm>> -> memref<10000x64xf32, #tpu.memory_space<hbm>>
      tpu.enqueue_indirect_dma source(%dma_start3A_1395 : memref<10000x64xf32, #tpu.memory_space<hbm>>) target(%arg14 : memref<80x64xf32, #tpu.memory_space<vmem>>) offsets(%dma_start3A_1388 : memref<80xi32, #tpu.memory_space<vmem>>) semaphore(%arg25 : memref<!tpu.dma_semaphore, #tpu.memory_space<semaphore_mem>>)
      %add3A_1396 = arith.constant 5 : i32
      %add3A_1397 = arith.addi %mul3A_1192, %add3A_1396 : i32
      %dma_wait3A_1398 = arith.constant 0 : i32
      %dma_wait3A_1399 = tpu.memref_slice %arg9[%add3A_1397, %dma_wait3A_1398] : memref<125x80xi32, #tpu.memory_space<vmem>> -> memref<1x80xi32, #tpu.memory_space<vmem>>
      %dma_wait3A_1400 = tpu.memref_squeeze %dma_wait3A_1399 : memref<1x80xi32, #tpu.memory_space<vmem>> -> memref<80xi32, #tpu.memory_space<vmem>>
      %dma_wait3A_1401 = arith.constant 0 : i32
      %dma_wait3A_1402 = arith.constant 0 : i32
      %dma_wait3A_1403 = tpu.memref_slice %arg2[%scan3A_784, %dma_wait3A_1401, %dma_wait3A_1402] : memref<2x10000x64xf32, #tpu.memory_space<hbm>> -> memref<1x10000x64xf32, #tpu.memory_space<hbm>>
      %dma_wait3A_1404 = tpu.memref_squeeze %dma_wait3A_1403 : memref<1x10000x64xf32, #tpu.memory_space<hbm>> -> memref<10000x64xf32, #tpu.memory_space<hbm>>
      %dma_wait3A_1405 = arith.constant 0 : i32
      %dma_wait3A_1406 = arith.constant 0 : i32
      %dma_wait3A_1407 = tpu.memref_slice %dma_wait3A_1404[%dma_wait3A_1405, %dma_wait3A_1406] : memref<10000x64xf32, #tpu.memory_space<hbm>> -> memref<10000x64xf32, #tpu.memory_space<hbm>>
      tpu.wait_indirect_dma semaphore(%arg27 : memref<!tpu.dma_semaphore, #tpu.memory_space<semaphore_mem>>) src(%dma_wait3A_1407 : memref<10000x64xf32, #tpu.memory_space<hbm>>) dst(%arg16 : memref<80x64xf32, #tpu.memory_space<vmem>>)
      %add3A_1408 = arith.constant 5 : i32
      %add3A_1409 = arith.addi %mul3A_1192, %add3A_1408 : i32
      %dma_start3A_1410 = arith.constant 0 : i32
      %dma_start3A_1411 = tpu.memref_slice %arg10[%add3A_1409, %dma_start3A_1410] : memref<125x80xi32, #tpu.memory_space<vmem>> -> memref<1x80xi32, #tpu.memory_space<vmem>>
      %dma_start3A_1412 = tpu.memref_squeeze %dma_start3A_1411 : memref<1x80xi32, #tpu.memory_space<vmem>> -> memref<80xi32, #tpu.memory_space<vmem>>
      %dma_start3A_1413 = arith.constant 0 : i32
      %dma_start3A_1414 = arith.constant 0 : i32
      %dma_start3A_1415 = tpu.memref_slice %arg20[%dma_start3A_1413, %dma_start3A_1414] : memref<10240x64xf32, #tpu.memory_space<vmem_shared>> -> memref<10240x64xf32, #tpu.memory_space<vmem_shared>>
      tpu.enqueue_indirect_dma source(%arg16 : memref<80x64xf32, #tpu.memory_space<vmem>>) target(%dma_start3A_1415 : memref<10240x64xf32, #tpu.memory_space<vmem_shared>>) offsets(%dma_start3A_1412 : memref<80xi32, #tpu.memory_space<vmem>>) semaphore(%arg35 : memref<!tpu.dma_semaphore, #tpu.memory_space<semaphore_mem>>) {add = true}
      %add3A_1416 = arith.constant 5 : i32
      %add3A_1417 = arith.addi %mul3A_1192, %add3A_1416 : i32
      %sub3A_1418 = arith.constant 1 : i32
      %sub3A_1419 = arith.subi %add3A_1417, %sub3A_1418 : i32
      %dma_wait3A_1420 = arith.constant 0 : i32
      %dma_wait3A_1421 = tpu.memref_slice %arg10[%sub3A_1419, %dma_wait3A_1420] : memref<125x80xi32, #tpu.memory_space<vmem>> -> memref<1x80xi32, #tpu.memory_space<vmem>>
      %dma_wait3A_1422 = tpu.memref_squeeze %dma_wait3A_1421 : memref<1x80xi32, #tpu.memory_space<vmem>> -> memref<80xi32, #tpu.memory_space<vmem>>
      %dma_wait3A_1423 = arith.constant 0 : i32
      %dma_wait3A_1424 = arith.constant 0 : i32
      %dma_wait3A_1425 = tpu.memref_slice %arg20[%dma_wait3A_1423, %dma_wait3A_1424] : memref<10240x64xf32, #tpu.memory_space<vmem_shared>> -> memref<10240x64xf32, #tpu.memory_space<vmem_shared>>
      tpu.wait_indirect_dma semaphore(%arg34 : memref<!tpu.dma_semaphore, #tpu.memory_space<semaphore_mem>>) src(%arg15 : memref<80x64xf32, #tpu.memory_space<vmem>>) dst(%dma_wait3A_1425 : memref<10240x64xf32, #tpu.memory_space<vmem_shared>>)
      %add3A_1426 = arith.constant 5 : i32
      %add3A_1427 = arith.addi %mul3A_1192, %add3A_1426 : i32
      %sub3A_1428 = arith.constant 1 : i32
      %sub3A_1429 = arith.subi %add3A_1427, %sub3A_1428 : i32
      %add3A_1430 = arith.constant 8 : i32
      %add3A_1431 = arith.addi %sub3A_1429, %add3A_1430 : i32
      %dma_start3A_1432 = arith.constant 0 : i32
      %dma_start3A_1433 = tpu.memref_slice %arg9[%add3A_1431, %dma_start3A_1432] : memref<125x80xi32, #tpu.memory_space<vmem>> -> memref<1x80xi32, #tpu.memory_space<vmem>>
      %dma_start3A_1434 = tpu.memref_squeeze %dma_start3A_1433 : memref<1x80xi32, #tpu.memory_space<vmem>> -> memref<80xi32, #tpu.memory_space<vmem>>
      %dma_start3A_1435 = arith.constant 0 : i32
      %dma_start3A_1436 = arith.constant 0 : i32
      %dma_start3A_1437 = tpu.memref_slice %arg2[%scan3A_784, %dma_start3A_1435, %dma_start3A_1436] : memref<2x10000x64xf32, #tpu.memory_space<hbm>> -> memref<1x10000x64xf32, #tpu.memory_space<hbm>>
      %dma_start3A_1438 = tpu.memref_squeeze %dma_start3A_1437 : memref<1x10000x64xf32, #tpu.memory_space<hbm>> -> memref<10000x64xf32, #tpu.memory_space<hbm>>
      %dma_start3A_1439 = arith.constant 0 : i32
      %dma_start3A_1440 = arith.constant 0 : i32
      %dma_start3A_1441 = tpu.memref_slice %dma_start3A_1438[%dma_start3A_1439, %dma_start3A_1440] : memref<10000x64xf32, #tpu.memory_space<hbm>> -> memref<10000x64xf32, #tpu.memory_space<hbm>>
      tpu.enqueue_indirect_dma source(%dma_start3A_1441 : memref<10000x64xf32, #tpu.memory_space<hbm>>) target(%arg15 : memref<80x64xf32, #tpu.memory_space<vmem>>) offsets(%dma_start3A_1434 : memref<80xi32, #tpu.memory_space<vmem>>) semaphore(%arg26 : memref<!tpu.dma_semaphore, #tpu.memory_space<semaphore_mem>>)
      %add3A_1442 = arith.constant 6 : i32
      %add3A_1443 = arith.addi %mul3A_1192, %add3A_1442 : i32
      %dma_wait3A_1444 = arith.constant 0 : i32
      %dma_wait3A_1445 = tpu.memref_slice %arg9[%add3A_1443, %dma_wait3A_1444] : memref<125x80xi32, #tpu.memory_space<vmem>> -> memref<1x80xi32, #tpu.memory_space<vmem>>
      %dma_wait3A_1446 = tpu.memref_squeeze %dma_wait3A_1445 : memref<1x80xi32, #tpu.memory_space<vmem>> -> memref<80xi32, #tpu.memory_space<vmem>>
      %dma_wait3A_1447 = arith.constant 0 : i32
      %dma_wait3A_1448 = arith.constant 0 : i32
      %dma_wait3A_1449 = tpu.memref_slice %arg2[%scan3A_784, %dma_wait3A_1447, %dma_wait3A_1448] : memref<2x10000x64xf32, #tpu.memory_space<hbm>> -> memref<1x10000x64xf32, #tpu.memory_space<hbm>>
      %dma_wait3A_1450 = tpu.memref_squeeze %dma_wait3A_1449 : memref<1x10000x64xf32, #tpu.memory_space<hbm>> -> memref<10000x64xf32, #tpu.memory_space<hbm>>
      %dma_wait3A_1451 = arith.constant 0 : i32
      %dma_wait3A_1452 = arith.constant 0 : i32
      %dma_wait3A_1453 = tpu.memref_slice %dma_wait3A_1450[%dma_wait3A_1451, %dma_wait3A_1452] : memref<10000x64xf32, #tpu.memory_space<hbm>> -> memref<10000x64xf32, #tpu.memory_space<hbm>>
      tpu.wait_indirect_dma semaphore(%arg28 : memref<!tpu.dma_semaphore, #tpu.memory_space<semaphore_mem>>) src(%dma_wait3A_1453 : memref<10000x64xf32, #tpu.memory_space<hbm>>) dst(%arg17 : memref<80x64xf32, #tpu.memory_space<vmem>>)
      %add3A_1454 = arith.constant 6 : i32
      %add3A_1455 = arith.addi %mul3A_1192, %add3A_1454 : i32
      %dma_start3A_1456 = arith.constant 0 : i32
      %dma_start3A_1457 = tpu.memref_slice %arg10[%add3A_1455, %dma_start3A_1456] : memref<125x80xi32, #tpu.memory_space<vmem>> -> memref<1x80xi32, #tpu.memory_space<vmem>>
      %dma_start3A_1458 = tpu.memref_squeeze %dma_start3A_1457 : memref<1x80xi32, #tpu.memory_space<vmem>> -> memref<80xi32, #tpu.memory_space<vmem>>
      %dma_start3A_1459 = arith.constant 0 : i32
      %dma_start3A_1460 = arith.constant 0 : i32
      %dma_start3A_1461 = tpu.memref_slice %arg20[%dma_start3A_1459, %dma_start3A_1460] : memref<10240x64xf32, #tpu.memory_space<vmem_shared>> -> memref<10240x64xf32, #tpu.memory_space<vmem_shared>>
      tpu.enqueue_indirect_dma source(%arg17 : memref<80x64xf32, #tpu.memory_space<vmem>>) target(%dma_start3A_1461 : memref<10240x64xf32, #tpu.memory_space<vmem_shared>>) offsets(%dma_start3A_1458 : memref<80xi32, #tpu.memory_space<vmem>>) semaphore(%arg36 : memref<!tpu.dma_semaphore, #tpu.memory_space<semaphore_mem>>) {add = true}
      %add3A_1462 = arith.constant 6 : i32
      %add3A_1463 = arith.addi %mul3A_1192, %add3A_1462 : i32
      %sub3A_1464 = arith.constant 1 : i32
      %sub3A_1465 = arith.subi %add3A_1463, %sub3A_1464 : i32
      %dma_wait3A_1466 = arith.constant 0 : i32
      %dma_wait3A_1467 = tpu.memref_slice %arg10[%sub3A_1465, %dma_wait3A_1466] : memref<125x80xi32, #tpu.memory_space<vmem>> -> memref<1x80xi32, #tpu.memory_space<vmem>>
      %dma_wait3A_1468 = tpu.memref_squeeze %dma_wait3A_1467 : memref<1x80xi32, #tpu.memory_space<vmem>> -> memref<80xi32, #tpu.memory_space<vmem>>
      %dma_wait3A_1469 = arith.constant 0 : i32
      %dma_wait3A_1470 = arith.constant 0 : i32
      %dma_wait3A_1471 = tpu.memref_slice %arg20[%dma_wait3A_1469, %dma_wait3A_1470] : memref<10240x64xf32, #tpu.memory_space<vmem_shared>> -> memref<10240x64xf32, #tpu.memory_space<vmem_shared>>
      tpu.wait_indirect_dma semaphore(%arg35 : memref<!tpu.dma_semaphore, #tpu.memory_space<semaphore_mem>>) src(%arg16 : memref<80x64xf32, #tpu.memory_space<vmem>>) dst(%dma_wait3A_1471 : memref<10240x64xf32, #tpu.memory_space<vmem_shared>>)
      %add3A_1472 = arith.constant 6 : i32
      %add3A_1473 = arith.addi %mul3A_1192, %add3A_1472 : i32
      %sub3A_1474 = arith.constant 1 : i32
      %sub3A_1475 = arith.subi %add3A_1473, %sub3A_1474 : i32
      %add3A_1476 = arith.constant 8 : i32
      %add3A_1477 = arith.addi %sub3A_1475, %add3A_1476 : i32
      %dma_start3A_1478 = arith.constant 0 : i32
      %dma_start3A_1479 = tpu.memref_slice %arg9[%add3A_1477, %dma_start3A_1478] : memref<125x80xi32, #tpu.memory_space<vmem>> -> memref<1x80xi32, #tpu.memory_space<vmem>>
      %dma_start3A_1480 = tpu.memref_squeeze %dma_start3A_1479 : memref<1x80xi32, #tpu.memory_space<vmem>> -> memref<80xi32, #tpu.memory_space<vmem>>
      %dma_start3A_1481 = arith.constant 0 : i32
      %dma_start3A_1482 = arith.constant 0 : i32
      %dma_start3A_1483 = tpu.memref_slice %arg2[%scan3A_784, %dma_start3A_1481, %dma_start3A_1482] : memref<2x10000x64xf32, #tpu.memory_space<hbm>> -> memref<1x10000x64xf32, #tpu.memory_space<hbm>>
      %dma_start3A_1484 = tpu.memref_squeeze %dma_start3A_1483 : memref<1x10000x64xf32, #tpu.memory_space<hbm>> -> memref<10000x64xf32, #tpu.memory_space<hbm>>
      %dma_start3A_1485 = arith.constant 0 : i32
      %dma_start3A_1486 = arith.constant 0 : i32
      %dma_start3A_1487 = tpu.memref_slice %dma_start3A_1484[%dma_start3A_1485, %dma_start3A_1486] : memref<10000x64xf32, #tpu.memory_space<hbm>> -> memref<10000x64xf32, #tpu.memory_space<hbm>>
      tpu.enqueue_indirect_dma source(%dma_start3A_1487 : memref<10000x64xf32, #tpu.memory_space<hbm>>) target(%arg16 : memref<80x64xf32, #tpu.memory_space<vmem>>) offsets(%dma_start3A_1480 : memref<80xi32, #tpu.memory_space<vmem>>) semaphore(%arg27 : memref<!tpu.dma_semaphore, #tpu.memory_space<semaphore_mem>>)
      %add3A_1488 = arith.constant 7 : i32
      %add3A_1489 = arith.addi %mul3A_1192, %add3A_1488 : i32
      %dma_wait3A_1490 = arith.constant 0 : i32
      %dma_wait3A_1491 = tpu.memref_slice %arg9[%add3A_1489, %dma_wait3A_1490] : memref<125x80xi32, #tpu.memory_space<vmem>> -> memref<1x80xi32, #tpu.memory_space<vmem>>
      %dma_wait3A_1492 = tpu.memref_squeeze %dma_wait3A_1491 : memref<1x80xi32, #tpu.memory_space<vmem>> -> memref<80xi32, #tpu.memory_space<vmem>>
      %dma_wait3A_1493 = arith.constant 0 : i32
      %dma_wait3A_1494 = arith.constant 0 : i32
      %dma_wait3A_1495 = tpu.memref_slice %arg2[%scan3A_784, %dma_wait3A_1493, %dma_wait3A_1494] : memref<2x10000x64xf32, #tpu.memory_space<hbm>> -> memref<1x10000x64xf32, #tpu.memory_space<hbm>>
      %dma_wait3A_1496 = tpu.memref_squeeze %dma_wait3A_1495 : memref<1x10000x64xf32, #tpu.memory_space<hbm>> -> memref<10000x64xf32, #tpu.memory_space<hbm>>
      %dma_wait3A_1497 = arith.constant 0 : i32
      %dma_wait3A_1498 = arith.constant 0 : i32
      %dma_wait3A_1499 = tpu.memref_slice %dma_wait3A_1496[%dma_wait3A_1497, %dma_wait3A_1498] : memref<10000x64xf32, #tpu.memory_space<hbm>> -> memref<10000x64xf32, #tpu.memory_space<hbm>>
      tpu.wait_indirect_dma semaphore(%arg29 : memref<!tpu.dma_semaphore, #tpu.memory_space<semaphore_mem>>) src(%dma_wait3A_1499 : memref<10000x64xf32, #tpu.memory_space<hbm>>) dst(%arg18 : memref<80x64xf32, #tpu.memory_space<vmem>>)
      %add3A_1500 = arith.constant 7 : i32
      %add3A_1501 = arith.addi %mul3A_1192, %add3A_1500 : i32
      %dma_start3A_1502 = arith.constant 0 : i32
      %dma_start3A_1503 = tpu.memref_slice %arg10[%add3A_1501, %dma_start3A_1502] : memref<125x80xi32, #tpu.memory_space<vmem>> -> memref<1x80xi32, #tpu.memory_space<vmem>>
      %dma_start3A_1504 = tpu.memref_squeeze %dma_start3A_1503 : memref<1x80xi32, #tpu.memory_space<vmem>> -> memref<80xi32, #tpu.memory_space<vmem>>
      %dma_start3A_1505 = arith.constant 0 : i32
      %dma_start3A_1506 = arith.constant 0 : i32
      %dma_start3A_1507 = tpu.memref_slice %arg20[%dma_start3A_1505, %dma_start3A_1506] : memref<10240x64xf32, #tpu.memory_space<vmem_shared>> -> memref<10240x64xf32, #tpu.memory_space<vmem_shared>>
      tpu.enqueue_indirect_dma source(%arg18 : memref<80x64xf32, #tpu.memory_space<vmem>>) target(%dma_start3A_1507 : memref<10240x64xf32, #tpu.memory_space<vmem_shared>>) offsets(%dma_start3A_1504 : memref<80xi32, #tpu.memory_space<vmem>>) semaphore(%arg37 : memref<!tpu.dma_semaphore, #tpu.memory_space<semaphore_mem>>) {add = true}
      %add3A_1508 = arith.constant 7 : i32
      %add3A_1509 = arith.addi %mul3A_1192, %add3A_1508 : i32
      %sub3A_1510 = arith.constant 1 : i32
      %sub3A_1511 = arith.subi %add3A_1509, %sub3A_1510 : i32
      %dma_wait3A_1512 = arith.constant 0 : i32
      %dma_wait3A_1513 = tpu.memref_slice %arg10[%sub3A_1511, %dma_wait3A_1512] : memref<125x80xi32, #tpu.memory_space<vmem>> -> memref<1x80xi32, #tpu.memory_space<vmem>>
      %dma_wait3A_1514 = tpu.memref_squeeze %dma_wait3A_1513 : memref<1x80xi32, #tpu.memory_space<vmem>> -> memref<80xi32, #tpu.memory_space<vmem>>
      %dma_wait3A_1515 = arith.constant 0 : i32
      %dma_wait3A_1516 = arith.constant 0 : i32
      %dma_wait3A_1517 = tpu.memref_slice %arg20[%dma_wait3A_1515, %dma_wait3A_1516] : memref<10240x64xf32, #tpu.memory_space<vmem_shared>> -> memref<10240x64xf32, #tpu.memory_space<vmem_shared>>
      tpu.wait_indirect_dma semaphore(%arg36 : memref<!tpu.dma_semaphore, #tpu.memory_space<semaphore_mem>>) src(%arg17 : memref<80x64xf32, #tpu.memory_space<vmem>>) dst(%dma_wait3A_1517 : memref<10240x64xf32, #tpu.memory_space<vmem_shared>>)
      %add3A_1518 = arith.constant 7 : i32
      %add3A_1519 = arith.addi %mul3A_1192, %add3A_1518 : i32
      %sub3A_1520 = arith.constant 1 : i32
      %sub3A_1521 = arith.subi %add3A_1519, %sub3A_1520 : i32
      %add3A_1522 = arith.constant 8 : i32
      %add3A_1523 = arith.addi %sub3A_1521, %add3A_1522 : i32
      %dma_start3A_1524 = arith.constant 0 : i32
      %dma_start3A_1525 = tpu.memref_slice %arg9[%add3A_1523, %dma_start3A_1524] : memref<125x80xi32, #tpu.memory_space<vmem>> -> memref<1x80xi32, #tpu.memory_space<vmem>>
      %dma_start3A_1526 = tpu.memref_squeeze %dma_start3A_1525 : memref<1x80xi32, #tpu.memory_space<vmem>> -> memref<80xi32, #tpu.memory_space<vmem>>
      %dma_start3A_1527 = arith.constant 0 : i32
      %dma_start3A_1528 = arith.constant 0 : i32
      %dma_start3A_1529 = tpu.memref_slice %arg2[%scan3A_784, %dma_start3A_1527, %dma_start3A_1528] : memref<2x10000x64xf32, #tpu.memory_space<hbm>> -> memref<1x10000x64xf32, #tpu.memory_space<hbm>>
      %dma_start3A_1530 = tpu.memref_squeeze %dma_start3A_1529 : memref<1x10000x64xf32, #tpu.memory_space<hbm>> -> memref<10000x64xf32, #tpu.memory_space<hbm>>
      %dma_start3A_1531 = arith.constant 0 : i32
      %dma_start3A_1532 = arith.constant 0 : i32
      %dma_start3A_1533 = tpu.memref_slice %dma_start3A_1530[%dma_start3A_1531, %dma_start3A_1532] : memref<10000x64xf32, #tpu.memory_space<hbm>> -> memref<10000x64xf32, #tpu.memory_space<hbm>>
      tpu.enqueue_indirect_dma source(%dma_start3A_1533 : memref<10000x64xf32, #tpu.memory_space<hbm>>) target(%arg17 : memref<80x64xf32, #tpu.memory_space<vmem>>) offsets(%dma_start3A_1526 : memref<80xi32, #tpu.memory_space<vmem>>) semaphore(%arg28 : memref<!tpu.dma_semaphore, #tpu.memory_space<semaphore_mem>>)
      %add3A_1534 = arith.constant 8 : i32
      %add3A_1535 = arith.addi %mul3A_1192, %add3A_1534 : i32
      %sub3A_1536 = arith.constant 1 : i32
      %sub3A_1537 = arith.subi %add3A_1535, %sub3A_1536 : i32
      %dma_wait3A_1538 = arith.constant 0 : i32
      %dma_wait3A_1539 = tpu.memref_slice %arg10[%sub3A_1537, %dma_wait3A_1538] : memref<125x80xi32, #tpu.memory_space<vmem>> -> memref<1x80xi32, #tpu.memory_space<vmem>>
      %dma_wait3A_1540 = tpu.memref_squeeze %dma_wait3A_1539 : memref<1x80xi32, #tpu.memory_space<vmem>> -> memref<80xi32, #tpu.memory_space<vmem>>
      %dma_wait3A_1541 = arith.constant 0 : i32
      %dma_wait3A_1542 = arith.constant 0 : i32
      %dma_wait3A_1543 = tpu.memref_slice %arg20[%dma_wait3A_1541, %dma_wait3A_1542] : memref<10240x64xf32, #tpu.memory_space<vmem_shared>> -> memref<10240x64xf32, #tpu.memory_space<vmem_shared>>
      tpu.wait_indirect_dma semaphore(%arg37 : memref<!tpu.dma_semaphore, #tpu.memory_space<semaphore_mem>>) src(%arg18 : memref<80x64xf32, #tpu.memory_space<vmem>>) dst(%dma_wait3A_1543 : memref<10240x64xf32, #tpu.memory_space<vmem_shared>>)
      %add3A_1544 = arith.constant 16 : i32
      %add3A_1545 = arith.addi %mul3A_1192, %add3A_1544 : i32
      %sub3A_1546 = arith.constant 1 : i32
      %sub3A_1547 = arith.subi %add3A_1545, %sub3A_1546 : i32
      %dma_start3A_1548 = arith.constant 0 : i32
      %dma_start3A_1549 = tpu.memref_slice %arg9[%sub3A_1547, %dma_start3A_1548] : memref<125x80xi32, #tpu.memory_space<vmem>> -> memref<1x80xi32, #tpu.memory_space<vmem>>
      %dma_start3A_1550 = tpu.memref_squeeze %dma_start3A_1549 : memref<1x80xi32, #tpu.memory_space<vmem>> -> memref<80xi32, #tpu.memory_space<vmem>>
      %dma_start3A_1551 = arith.constant 0 : i32
      %dma_start3A_1552 = arith.constant 0 : i32
      %dma_start3A_1553 = tpu.memref_slice %arg2[%scan3A_784, %dma_start3A_1551, %dma_start3A_1552] : memref<2x10000x64xf32, #tpu.memory_space<hbm>> -> memref<1x10000x64xf32, #tpu.memory_space<hbm>>
      %dma_start3A_1554 = tpu.memref_squeeze %dma_start3A_1553 : memref<1x10000x64xf32, #tpu.memory_space<hbm>> -> memref<10000x64xf32, #tpu.memory_space<hbm>>
      %dma_start3A_1555 = arith.constant 0 : i32
      %dma_start3A_1556 = arith.constant 0 : i32
      %dma_start3A_1557 = tpu.memref_slice %dma_start3A_1554[%dma_start3A_1555, %dma_start3A_1556] : memref<10000x64xf32, #tpu.memory_space<hbm>> -> memref<10000x64xf32, #tpu.memory_space<hbm>>
      tpu.enqueue_indirect_dma source(%dma_start3A_1557 : memref<10000x64xf32, #tpu.memory_space<hbm>>) target(%arg18 : memref<80x64xf32, #tpu.memory_space<vmem>>) offsets(%dma_start3A_1550 : memref<80xi32, #tpu.memory_space<vmem>>) semaphore(%arg29 : memref<!tpu.dma_semaphore, #tpu.memory_space<semaphore_mem>>)
    }
    %scan3A_789 = arith.constant 14 : i32
    %dma_wait3A_790 = arith.constant 1 : i32
    %dma_wait3A_791 = arith.constant 112 : i32
    %dma_wait3A_792 = arith.constant 0 : i32
    %dma_wait3A_793 = tpu.memref_slice %arg9[%dma_wait3A_791, %dma_wait3A_792] : memref<125x80xi32, #tpu.memory_space<vmem>> -> memref<1x80xi32, #tpu.memory_space<vmem>>
    %dma_wait3A_794 = tpu.memref_squeeze %dma_wait3A_793 : memref<1x80xi32, #tpu.memory_space<vmem>> -> memref<80xi32, #tpu.memory_space<vmem>>
    %dma_wait3A_795 = arith.constant 0 : i32
    %dma_wait3A_796 = arith.constant 0 : i32
    %dma_wait3A_797 = tpu.memref_slice %arg2[%dma_wait3A_790, %dma_wait3A_795, %dma_wait3A_796] : memref<2x10000x64xf32, #tpu.memory_space<hbm>> -> memref<1x10000x64xf32, #tpu.memory_space<hbm>>
    %dma_wait3A_798 = tpu.memref_squeeze %dma_wait3A_797 : memref<1x10000x64xf32, #tpu.memory_space<hbm>> -> memref<10000x64xf32, #tpu.memory_space<hbm>>
    %dma_wait3A_799 = arith.constant 0 : i32
    %dma_wait3A_800 = arith.constant 0 : i32
    %dma_wait3A_801 = tpu.memref_slice %dma_wait3A_798[%dma_wait3A_799, %dma_wait3A_800] : memref<10000x64xf32, #tpu.memory_space<hbm>> -> memref<10000x64xf32, #tpu.memory_space<hbm>>
    tpu.wait_indirect_dma semaphore(%arg22 : memref<!tpu.dma_semaphore, #tpu.memory_space<semaphore_mem>>) src(%dma_wait3A_801 : memref<10000x64xf32, #tpu.memory_space<hbm>>) dst(%arg11 : memref<80x64xf32, #tpu.memory_space<vmem>>)
    %dma_start3A_802 = arith.constant 112 : i32
    %dma_start3A_803 = arith.constant 0 : i32
    %dma_start3A_804 = tpu.memref_slice %arg10[%dma_start3A_802, %dma_start3A_803] : memref<125x80xi32, #tpu.memory_space<vmem>> -> memref<1x80xi32, #tpu.memory_space<vmem>>
    %dma_start3A_805 = tpu.memref_squeeze %dma_start3A_804 : memref<1x80xi32, #tpu.memory_space<vmem>> -> memref<80xi32, #tpu.memory_space<vmem>>
    %dma_start3A_806 = arith.constant 0 : i32
    %dma_start3A_807 = arith.constant 0 : i32
    %dma_start3A_808 = tpu.memref_slice %arg20[%dma_start3A_806, %dma_start3A_807] : memref<10240x64xf32, #tpu.memory_space<vmem_shared>> -> memref<10240x64xf32, #tpu.memory_space<vmem_shared>>
    tpu.enqueue_indirect_dma source(%arg11 : memref<80x64xf32, #tpu.memory_space<vmem>>) target(%dma_start3A_808 : memref<10240x64xf32, #tpu.memory_space<vmem_shared>>) offsets(%dma_start3A_805 : memref<80xi32, #tpu.memory_space<vmem>>) semaphore(%arg30 : memref<!tpu.dma_semaphore, #tpu.memory_space<semaphore_mem>>) {add = true}
    %dma_wait3A_809 = arith.constant 1 : i32
    %dma_wait3A_810 = arith.constant 113 : i32
    %dma_wait3A_811 = arith.constant 0 : i32
    %dma_wait3A_812 = tpu.memref_slice %arg9[%dma_wait3A_810, %dma_wait3A_811] : memref<125x80xi32, #tpu.memory_space<vmem>> -> memref<1x80xi32, #tpu.memory_space<vmem>>
    %dma_wait3A_813 = tpu.memref_squeeze %dma_wait3A_812 : memref<1x80xi32, #tpu.memory_space<vmem>> -> memref<80xi32, #tpu.memory_space<vmem>>
    %dma_wait3A_814 = arith.constant 0 : i32
    %dma_wait3A_815 = arith.constant 0 : i32
    %dma_wait3A_816 = tpu.memref_slice %arg2[%dma_wait3A_809, %dma_wait3A_814, %dma_wait3A_815] : memref<2x10000x64xf32, #tpu.memory_space<hbm>> -> memref<1x10000x64xf32, #tpu.memory_space<hbm>>
    %dma_wait3A_817 = tpu.memref_squeeze %dma_wait3A_816 : memref<1x10000x64xf32, #tpu.memory_space<hbm>> -> memref<10000x64xf32, #tpu.memory_space<hbm>>
    %dma_wait3A_818 = arith.constant 0 : i32
    %dma_wait3A_819 = arith.constant 0 : i32
    %dma_wait3A_820 = tpu.memref_slice %dma_wait3A_817[%dma_wait3A_818, %dma_wait3A_819] : memref<10000x64xf32, #tpu.memory_space<hbm>> -> memref<10000x64xf32, #tpu.memory_space<hbm>>
    tpu.wait_indirect_dma semaphore(%arg23 : memref<!tpu.dma_semaphore, #tpu.memory_space<semaphore_mem>>) src(%dma_wait3A_820 : memref<10000x64xf32, #tpu.memory_space<hbm>>) dst(%arg12 : memref<80x64xf32, #tpu.memory_space<vmem>>)
    %dma_start3A_821 = arith.constant 113 : i32
    %dma_start3A_822 = arith.constant 0 : i32
    %dma_start3A_823 = tpu.memref_slice %arg10[%dma_start3A_821, %dma_start3A_822] : memref<125x80xi32, #tpu.memory_space<vmem>> -> memref<1x80xi32, #tpu.memory_space<vmem>>
    %dma_start3A_824 = tpu.memref_squeeze %dma_start3A_823 : memref<1x80xi32, #tpu.memory_space<vmem>> -> memref<80xi32, #tpu.memory_space<vmem>>
    %dma_start3A_825 = arith.constant 0 : i32
    %dma_start3A_826 = arith.constant 0 : i32
    %dma_start3A_827 = tpu.memref_slice %arg20[%dma_start3A_825, %dma_start3A_826] : memref<10240x64xf32, #tpu.memory_space<vmem_shared>> -> memref<10240x64xf32, #tpu.memory_space<vmem_shared>>
    tpu.enqueue_indirect_dma source(%arg12 : memref<80x64xf32, #tpu.memory_space<vmem>>) target(%dma_start3A_827 : memref<10240x64xf32, #tpu.memory_space<vmem_shared>>) offsets(%dma_start3A_824 : memref<80xi32, #tpu.memory_space<vmem>>) semaphore(%arg31 : memref<!tpu.dma_semaphore, #tpu.memory_space<semaphore_mem>>) {add = true}
    %dma_wait3A_828 = arith.constant 112 : i32
    %dma_wait3A_829 = arith.constant 0 : i32
    %dma_wait3A_830 = tpu.memref_slice %arg10[%dma_wait3A_828, %dma_wait3A_829] : memref<125x80xi32, #tpu.memory_space<vmem>> -> memref<1x80xi32, #tpu.memory_space<vmem>>
    %dma_wait3A_831 = tpu.memref_squeeze %dma_wait3A_830 : memref<1x80xi32, #tpu.memory_space<vmem>> -> memref<80xi32, #tpu.memory_space<vmem>>
    %dma_wait3A_832 = arith.constant 0 : i32
    %dma_wait3A_833 = arith.constant 0 : i32
    %dma_wait3A_834 = tpu.memref_slice %arg20[%dma_wait3A_832, %dma_wait3A_833] : memref<10240x64xf32, #tpu.memory_space<vmem_shared>> -> memref<10240x64xf32, #tpu.memory_space<vmem_shared>>
    tpu.wait_indirect_dma semaphore(%arg30 : memref<!tpu.dma_semaphore, #tpu.memory_space<semaphore_mem>>) src(%arg11 : memref<80x64xf32, #tpu.memory_space<vmem>>) dst(%dma_wait3A_834 : memref<10240x64xf32, #tpu.memory_space<vmem_shared>>)
    %dma_start3A_835 = arith.constant 1 : i32
    %dma_start3A_836 = arith.constant 120 : i32
    %dma_start3A_837 = arith.constant 0 : i32
    %dma_start3A_838 = tpu.memref_slice %arg9[%dma_start3A_836, %dma_start3A_837] : memref<125x80xi32, #tpu.memory_space<vmem>> -> memref<1x80xi32, #tpu.memory_space<vmem>>
    %dma_start3A_839 = tpu.memref_squeeze %dma_start3A_838 : memref<1x80xi32, #tpu.memory_space<vmem>> -> memref<80xi32, #tpu.memory_space<vmem>>
    %dma_start3A_840 = arith.constant 0 : i32
    %dma_start3A_841 = arith.constant 0 : i32
    %dma_start3A_842 = tpu.memref_slice %arg2[%dma_start3A_835, %dma_start3A_840, %dma_start3A_841] : memref<2x10000x64xf32, #tpu.memory_space<hbm>> -> memref<1x10000x64xf32, #tpu.memory_space<hbm>>
    %dma_start3A_843 = tpu.memref_squeeze %dma_start3A_842 : memref<1x10000x64xf32, #tpu.memory_space<hbm>> -> memref<10000x64xf32, #tpu.memory_space<hbm>>
    %dma_start3A_844 = arith.constant 0 : i32
    %dma_start3A_845 = arith.constant 0 : i32
    %dma_start3A_846 = tpu.memref_slice %dma_start3A_843[%dma_start3A_844, %dma_start3A_845] : memref<10000x64xf32, #tpu.memory_space<hbm>> -> memref<10000x64xf32, #tpu.memory_space<hbm>>
    tpu.enqueue_indirect_dma source(%dma_start3A_846 : memref<10000x64xf32, #tpu.memory_space<hbm>>) target(%arg11 : memref<80x64xf32, #tpu.memory_space<vmem>>) offsets(%dma_start3A_839 : memref<80xi32, #tpu.memory_space<vmem>>) semaphore(%arg22 : memref<!tpu.dma_semaphore, #tpu.memory_space<semaphore_mem>>)
    %dma_wait3A_847 = arith.constant 1 : i32
    %dma_wait3A_848 = arith.constant 114 : i32
    %dma_wait3A_849 = arith.constant 0 : i32
    %dma_wait3A_850 = tpu.memref_slice %arg9[%dma_wait3A_848, %dma_wait3A_849] : memref<125x80xi32, #tpu.memory_space<vmem>> -> memref<1x80xi32, #tpu.memory_space<vmem>>
    %dma_wait3A_851 = tpu.memref_squeeze %dma_wait3A_850 : memref<1x80xi32, #tpu.memory_space<vmem>> -> memref<80xi32, #tpu.memory_space<vmem>>
    %dma_wait3A_852 = arith.constant 0 : i32
    %dma_wait3A_853 = arith.constant 0 : i32
    %dma_wait3A_854 = tpu.memref_slice %arg2[%dma_wait3A_847, %dma_wait3A_852, %dma_wait3A_853] : memref<2x10000x64xf32, #tpu.memory_space<hbm>> -> memref<1x10000x64xf32, #tpu.memory_space<hbm>>
    %dma_wait3A_855 = tpu.memref_squeeze %dma_wait3A_854 : memref<1x10000x64xf32, #tpu.memory_space<hbm>> -> memref<10000x64xf32, #tpu.memory_space<hbm>>
    %dma_wait3A_856 = arith.constant 0 : i32
    %dma_wait3A_857 = arith.constant 0 : i32
    %dma_wait3A_858 = tpu.memref_slice %dma_wait3A_855[%dma_wait3A_856, %dma_wait3A_857] : memref<10000x64xf32, #tpu.memory_space<hbm>> -> memref<10000x64xf32, #tpu.memory_space<hbm>>
    tpu.wait_indirect_dma semaphore(%arg24 : memref<!tpu.dma_semaphore, #tpu.memory_space<semaphore_mem>>) src(%dma_wait3A_858 : memref<10000x64xf32, #tpu.memory_space<hbm>>) dst(%arg13 : memref<80x64xf32, #tpu.memory_space<vmem>>)
    %dma_start3A_859 = arith.constant 114 : i32
    %dma_start3A_860 = arith.constant 0 : i32
    %dma_start3A_861 = tpu.memref_slice %arg10[%dma_start3A_859, %dma_start3A_860] : memref<125x80xi32, #tpu.memory_space<vmem>> -> memref<1x80xi32, #tpu.memory_space<vmem>>
    %dma_start3A_862 = tpu.memref_squeeze %dma_start3A_861 : memref<1x80xi32, #tpu.memory_space<vmem>> -> memref<80xi32, #tpu.memory_space<vmem>>
    %dma_start3A_863 = arith.constant 0 : i32
    %dma_start3A_864 = arith.constant 0 : i32
    %dma_start3A_865 = tpu.memref_slice %arg20[%dma_start3A_863, %dma_start3A_864] : memref<10240x64xf32, #tpu.memory_space<vmem_shared>> -> memref<10240x64xf32, #tpu.memory_space<vmem_shared>>
    tpu.enqueue_indirect_dma source(%arg13 : memref<80x64xf32, #tpu.memory_space<vmem>>) target(%dma_start3A_865 : memref<10240x64xf32, #tpu.memory_space<vmem_shared>>) offsets(%dma_start3A_862 : memref<80xi32, #tpu.memory_space<vmem>>) semaphore(%arg32 : memref<!tpu.dma_semaphore, #tpu.memory_space<semaphore_mem>>) {add = true}
    %dma_wait3A_866 = arith.constant 113 : i32
    %dma_wait3A_867 = arith.constant 0 : i32
    %dma_wait3A_868 = tpu.memref_slice %arg10[%dma_wait3A_866, %dma_wait3A_867] : memref<125x80xi32, #tpu.memory_space<vmem>> -> memref<1x80xi32, #tpu.memory_space<vmem>>
    %dma_wait3A_869 = tpu.memref_squeeze %dma_wait3A_868 : memref<1x80xi32, #tpu.memory_space<vmem>> -> memref<80xi32, #tpu.memory_space<vmem>>
    %dma_wait3A_870 = arith.constant 0 : i32
    %dma_wait3A_871 = arith.constant 0 : i32
    %dma_wait3A_872 = tpu.memref_slice %arg20[%dma_wait3A_870, %dma_wait3A_871] : memref<10240x64xf32, #tpu.memory_space<vmem_shared>> -> memref<10240x64xf32, #tpu.memory_space<vmem_shared>>
    tpu.wait_indirect_dma semaphore(%arg31 : memref<!tpu.dma_semaphore, #tpu.memory_space<semaphore_mem>>) src(%arg12 : memref<80x64xf32, #tpu.memory_space<vmem>>) dst(%dma_wait3A_872 : memref<10240x64xf32, #tpu.memory_space<vmem_shared>>)
    %dma_start3A_873 = arith.constant 1 : i32
    %dma_start3A_874 = arith.constant 121 : i32
    %dma_start3A_875 = arith.constant 0 : i32
    %dma_start3A_876 = tpu.memref_slice %arg9[%dma_start3A_874, %dma_start3A_875] : memref<125x80xi32, #tpu.memory_space<vmem>> -> memref<1x80xi32, #tpu.memory_space<vmem>>
    %dma_start3A_877 = tpu.memref_squeeze %dma_start3A_876 : memref<1x80xi32, #tpu.memory_space<vmem>> -> memref<80xi32, #tpu.memory_space<vmem>>
    %dma_start3A_878 = arith.constant 0 : i32
    %dma_start3A_879 = arith.constant 0 : i32
    %dma_start3A_880 = tpu.memref_slice %arg2[%dma_start3A_873, %dma_start3A_878, %dma_start3A_879] : memref<2x10000x64xf32, #tpu.memory_space<hbm>> -> memref<1x10000x64xf32, #tpu.memory_space<hbm>>
    %dma_start3A_881 = tpu.memref_squeeze %dma_start3A_880 : memref<1x10000x64xf32, #tpu.memory_space<hbm>> -> memref<10000x64xf32, #tpu.memory_space<hbm>>
    %dma_start3A_882 = arith.constant 0 : i32
    %dma_start3A_883 = arith.constant 0 : i32
    %dma_start3A_884 = tpu.memref_slice %dma_start3A_881[%dma_start3A_882, %dma_start3A_883] : memref<10000x64xf32, #tpu.memory_space<hbm>> -> memref<10000x64xf32, #tpu.memory_space<hbm>>
    tpu.enqueue_indirect_dma source(%dma_start3A_884 : memref<10000x64xf32, #tpu.memory_space<hbm>>) target(%arg12 : memref<80x64xf32, #tpu.memory_space<vmem>>) offsets(%dma_start3A_877 : memref<80xi32, #tpu.memory_space<vmem>>) semaphore(%arg23 : memref<!tpu.dma_semaphore, #tpu.memory_space<semaphore_mem>>)
    %dma_wait3A_885 = arith.constant 1 : i32
    %dma_wait3A_886 = arith.constant 115 : i32
    %dma_wait3A_887 = arith.constant 0 : i32
    %dma_wait3A_888 = tpu.memref_slice %arg9[%dma_wait3A_886, %dma_wait3A_887] : memref<125x80xi32, #tpu.memory_space<vmem>> -> memref<1x80xi32, #tpu.memory_space<vmem>>
    %dma_wait3A_889 = tpu.memref_squeeze %dma_wait3A_888 : memref<1x80xi32, #tpu.memory_space<vmem>> -> memref<80xi32, #tpu.memory_space<vmem>>
    %dma_wait3A_890 = arith.constant 0 : i32
    %dma_wait3A_891 = arith.constant 0 : i32
    %dma_wait3A_892 = tpu.memref_slice %arg2[%dma_wait3A_885, %dma_wait3A_890, %dma_wait3A_891] : memref<2x10000x64xf32, #tpu.memory_space<hbm>> -> memref<1x10000x64xf32, #tpu.memory_space<hbm>>
    %dma_wait3A_893 = tpu.memref_squeeze %dma_wait3A_892 : memref<1x10000x64xf32, #tpu.memory_space<hbm>> -> memref<10000x64xf32, #tpu.memory_space<hbm>>
    %dma_wait3A_894 = arith.constant 0 : i32
    %dma_wait3A_895 = arith.constant 0 : i32
    %dma_wait3A_896 = tpu.memref_slice %dma_wait3A_893[%dma_wait3A_894, %dma_wait3A_895] : memref<10000x64xf32, #tpu.memory_space<hbm>> -> memref<10000x64xf32, #tpu.memory_space<hbm>>
    tpu.wait_indirect_dma semaphore(%arg25 : memref<!tpu.dma_semaphore, #tpu.memory_space<semaphore_mem>>) src(%dma_wait3A_896 : memref<10000x64xf32, #tpu.memory_space<hbm>>) dst(%arg14 : memref<80x64xf32, #tpu.memory_space<vmem>>)
    %dma_start3A_897 = arith.constant 115 : i32
    %dma_start3A_898 = arith.constant 0 : i32
    %dma_start3A_899 = tpu.memref_slice %arg10[%dma_start3A_897, %dma_start3A_898] : memref<125x80xi32, #tpu.memory_space<vmem>> -> memref<1x80xi32, #tpu.memory_space<vmem>>
    %dma_start3A_900 = tpu.memref_squeeze %dma_start3A_899 : memref<1x80xi32, #tpu.memory_space<vmem>> -> memref<80xi32, #tpu.memory_space<vmem>>
    %dma_start3A_901 = arith.constant 0 : i32
    %dma_start3A_902 = arith.constant 0 : i32
    %dma_start3A_903 = tpu.memref_slice %arg20[%dma_start3A_901, %dma_start3A_902] : memref<10240x64xf32, #tpu.memory_space<vmem_shared>> -> memref<10240x64xf32, #tpu.memory_space<vmem_shared>>
    tpu.enqueue_indirect_dma source(%arg14 : memref<80x64xf32, #tpu.memory_space<vmem>>) target(%dma_start3A_903 : memref<10240x64xf32, #tpu.memory_space<vmem_shared>>) offsets(%dma_start3A_900 : memref<80xi32, #tpu.memory_space<vmem>>) semaphore(%arg33 : memref<!tpu.dma_semaphore, #tpu.memory_space<semaphore_mem>>) {add = true}
    %dma_wait3A_904 = arith.constant 114 : i32
    %dma_wait3A_905 = arith.constant 0 : i32
    %dma_wait3A_906 = tpu.memref_slice %arg10[%dma_wait3A_904, %dma_wait3A_905] : memref<125x80xi32, #tpu.memory_space<vmem>> -> memref<1x80xi32, #tpu.memory_space<vmem>>
    %dma_wait3A_907 = tpu.memref_squeeze %dma_wait3A_906 : memref<1x80xi32, #tpu.memory_space<vmem>> -> memref<80xi32, #tpu.memory_space<vmem>>
    %dma_wait3A_908 = arith.constant 0 : i32
    %dma_wait3A_909 = arith.constant 0 : i32
    %dma_wait3A_910 = tpu.memref_slice %arg20[%dma_wait3A_908, %dma_wait3A_909] : memref<10240x64xf32, #tpu.memory_space<vmem_shared>> -> memref<10240x64xf32, #tpu.memory_space<vmem_shared>>
    tpu.wait_indirect_dma semaphore(%arg32 : memref<!tpu.dma_semaphore, #tpu.memory_space<semaphore_mem>>) src(%arg13 : memref<80x64xf32, #tpu.memory_space<vmem>>) dst(%dma_wait3A_910 : memref<10240x64xf32, #tpu.memory_space<vmem_shared>>)
    %dma_start3A_911 = arith.constant 1 : i32
    %dma_start3A_912 = arith.constant 122 : i32
    %dma_start3A_913 = arith.constant 0 : i32
    %dma_start3A_914 = tpu.memref_slice %arg9[%dma_start3A_912, %dma_start3A_913] : memref<125x80xi32, #tpu.memory_space<vmem>> -> memref<1x80xi32, #tpu.memory_space<vmem>>
    %dma_start3A_915 = tpu.memref_squeeze %dma_start3A_914 : memref<1x80xi32, #tpu.memory_space<vmem>> -> memref<80xi32, #tpu.memory_space<vmem>>
    %dma_start3A_916 = arith.constant 0 : i32
    %dma_start3A_917 = arith.constant 0 : i32
    %dma_start3A_918 = tpu.memref_slice %arg2[%dma_start3A_911, %dma_start3A_916, %dma_start3A_917] : memref<2x10000x64xf32, #tpu.memory_space<hbm>> -> memref<1x10000x64xf32, #tpu.memory_space<hbm>>
    %dma_start3A_919 = tpu.memref_squeeze %dma_start3A_918 : memref<1x10000x64xf32, #tpu.memory_space<hbm>> -> memref<10000x64xf32, #tpu.memory_space<hbm>>
    %dma_start3A_920 = arith.constant 0 : i32
    %dma_start3A_921 = arith.constant 0 : i32
    %dma_start3A_922 = tpu.memref_slice %dma_start3A_919[%dma_start3A_920, %dma_start3A_921] : memref<10000x64xf32, #tpu.memory_space<hbm>> -> memref<10000x64xf32, #tpu.memory_space<hbm>>
    tpu.enqueue_indirect_dma source(%dma_start3A_922 : memref<10000x64xf32, #tpu.memory_space<hbm>>) target(%arg13 : memref<80x64xf32, #tpu.memory_space<vmem>>) offsets(%dma_start3A_915 : memref<80xi32, #tpu.memory_space<vmem>>) semaphore(%arg24 : memref<!tpu.dma_semaphore, #tpu.memory_space<semaphore_mem>>)
    %dma_wait3A_923 = arith.constant 1 : i32
    %dma_wait3A_924 = arith.constant 116 : i32
    %dma_wait3A_925 = arith.constant 0 : i32
    %dma_wait3A_926 = tpu.memref_slice %arg9[%dma_wait3A_924, %dma_wait3A_925] : memref<125x80xi32, #tpu.memory_space<vmem>> -> memref<1x80xi32, #tpu.memory_space<vmem>>
    %dma_wait3A_927 = tpu.memref_squeeze %dma_wait3A_926 : memref<1x80xi32, #tpu.memory_space<vmem>> -> memref<80xi32, #tpu.memory_space<vmem>>
    %dma_wait3A_928 = arith.constant 0 : i32
    %dma_wait3A_929 = arith.constant 0 : i32
    %dma_wait3A_930 = tpu.memref_slice %arg2[%dma_wait3A_923, %dma_wait3A_928, %dma_wait3A_929] : memref<2x10000x64xf32, #tpu.memory_space<hbm>> -> memref<1x10000x64xf32, #tpu.memory_space<hbm>>
    %dma_wait3A_931 = tpu.memref_squeeze %dma_wait3A_930 : memref<1x10000x64xf32, #tpu.memory_space<hbm>> -> memref<10000x64xf32, #tpu.memory_space<hbm>>
    %dma_wait3A_932 = arith.constant 0 : i32
    %dma_wait3A_933 = arith.constant 0 : i32
    %dma_wait3A_934 = tpu.memref_slice %dma_wait3A_931[%dma_wait3A_932, %dma_wait3A_933] : memref<10000x64xf32, #tpu.memory_space<hbm>> -> memref<10000x64xf32, #tpu.memory_space<hbm>>
    tpu.wait_indirect_dma semaphore(%arg26 : memref<!tpu.dma_semaphore, #tpu.memory_space<semaphore_mem>>) src(%dma_wait3A_934 : memref<10000x64xf32, #tpu.memory_space<hbm>>) dst(%arg15 : memref<80x64xf32, #tpu.memory_space<vmem>>)
    %dma_start3A_935 = arith.constant 116 : i32
    %dma_start3A_936 = arith.constant 0 : i32
    %dma_start3A_937 = tpu.memref_slice %arg10[%dma_start3A_935, %dma_start3A_936] : memref<125x80xi32, #tpu.memory_space<vmem>> -> memref<1x80xi32, #tpu.memory_space<vmem>>
    %dma_start3A_938 = tpu.memref_squeeze %dma_start3A_937 : memref<1x80xi32, #tpu.memory_space<vmem>> -> memref<80xi32, #tpu.memory_space<vmem>>
    %dma_start3A_939 = arith.constant 0 : i32
    %dma_start3A_940 = arith.constant 0 : i32
    %dma_start3A_941 = tpu.memref_slice %arg20[%dma_start3A_939, %dma_start3A_940] : memref<10240x64xf32, #tpu.memory_space<vmem_shared>> -> memref<10240x64xf32, #tpu.memory_space<vmem_shared>>
    tpu.enqueue_indirect_dma source(%arg15 : memref<80x64xf32, #tpu.memory_space<vmem>>) target(%dma_start3A_941 : memref<10240x64xf32, #tpu.memory_space<vmem_shared>>) offsets(%dma_start3A_938 : memref<80xi32, #tpu.memory_space<vmem>>) semaphore(%arg34 : memref<!tpu.dma_semaphore, #tpu.memory_space<semaphore_mem>>) {add = true}
    %dma_wait3A_942 = arith.constant 115 : i32
    %dma_wait3A_943 = arith.constant 0 : i32
    %dma_wait3A_944 = tpu.memref_slice %arg10[%dma_wait3A_942, %dma_wait3A_943] : memref<125x80xi32, #tpu.memory_space<vmem>> -> memref<1x80xi32, #tpu.memory_space<vmem>>
    %dma_wait3A_945 = tpu.memref_squeeze %dma_wait3A_944 : memref<1x80xi32, #tpu.memory_space<vmem>> -> memref<80xi32, #tpu.memory_space<vmem>>
    %dma_wait3A_946 = arith.constant 0 : i32
    %dma_wait3A_947 = arith.constant 0 : i32
    %dma_wait3A_948 = tpu.memref_slice %arg20[%dma_wait3A_946, %dma_wait3A_947] : memref<10240x64xf32, #tpu.memory_space<vmem_shared>> -> memref<10240x64xf32, #tpu.memory_space<vmem_shared>>
    tpu.wait_indirect_dma semaphore(%arg33 : memref<!tpu.dma_semaphore, #tpu.memory_space<semaphore_mem>>) src(%arg14 : memref<80x64xf32, #tpu.memory_space<vmem>>) dst(%dma_wait3A_948 : memref<10240x64xf32, #tpu.memory_space<vmem_shared>>)
    %dma_start3A_949 = arith.constant 1 : i32
    %dma_start3A_950 = arith.constant 123 : i32
    %dma_start3A_951 = arith.constant 0 : i32
    %dma_start3A_952 = tpu.memref_slice %arg9[%dma_start3A_950, %dma_start3A_951] : memref<125x80xi32, #tpu.memory_space<vmem>> -> memref<1x80xi32, #tpu.memory_space<vmem>>
    %dma_start3A_953 = tpu.memref_squeeze %dma_start3A_952 : memref<1x80xi32, #tpu.memory_space<vmem>> -> memref<80xi32, #tpu.memory_space<vmem>>
    %dma_start3A_954 = arith.constant 0 : i32
    %dma_start3A_955 = arith.constant 0 : i32
    %dma_start3A_956 = tpu.memref_slice %arg2[%dma_start3A_949, %dma_start3A_954, %dma_start3A_955] : memref<2x10000x64xf32, #tpu.memory_space<hbm>> -> memref<1x10000x64xf32, #tpu.memory_space<hbm>>
    %dma_start3A_957 = tpu.memref_squeeze %dma_start3A_956 : memref<1x10000x64xf32, #tpu.memory_space<hbm>> -> memref<10000x64xf32, #tpu.memory_space<hbm>>
    %dma_start3A_958 = arith.constant 0 : i32
    %dma_start3A_959 = arith.constant 0 : i32
    %dma_start3A_960 = tpu.memref_slice %dma_start3A_957[%dma_start3A_958, %dma_start3A_959] : memref<10000x64xf32, #tpu.memory_space<hbm>> -> memref<10000x64xf32, #tpu.memory_space<hbm>>
    tpu.enqueue_indirect_dma source(%dma_start3A_960 : memref<10000x64xf32, #tpu.memory_space<hbm>>) target(%arg14 : memref<80x64xf32, #tpu.memory_space<vmem>>) offsets(%dma_start3A_953 : memref<80xi32, #tpu.memory_space<vmem>>) semaphore(%arg25 : memref<!tpu.dma_semaphore, #tpu.memory_space<semaphore_mem>>)
    %dma_wait3A_961 = arith.constant 1 : i32
    %dma_wait3A_962 = arith.constant 117 : i32
    %dma_wait3A_963 = arith.constant 0 : i32
    %dma_wait3A_964 = tpu.memref_slice %arg9[%dma_wait3A_962, %dma_wait3A_963] : memref<125x80xi32, #tpu.memory_space<vmem>> -> memref<1x80xi32, #tpu.memory_space<vmem>>
    %dma_wait3A_965 = tpu.memref_squeeze %dma_wait3A_964 : memref<1x80xi32, #tpu.memory_space<vmem>> -> memref<80xi32, #tpu.memory_space<vmem>>
    %dma_wait3A_966 = arith.constant 0 : i32
    %dma_wait3A_967 = arith.constant 0 : i32
    %dma_wait3A_968 = tpu.memref_slice %arg2[%dma_wait3A_961, %dma_wait3A_966, %dma_wait3A_967] : memref<2x10000x64xf32, #tpu.memory_space<hbm>> -> memref<1x10000x64xf32, #tpu.memory_space<hbm>>
    %dma_wait3A_969 = tpu.memref_squeeze %dma_wait3A_968 : memref<1x10000x64xf32, #tpu.memory_space<hbm>> -> memref<10000x64xf32, #tpu.memory_space<hbm>>
    %dma_wait3A_970 = arith.constant 0 : i32
    %dma_wait3A_971 = arith.constant 0 : i32
    %dma_wait3A_972 = tpu.memref_slice %dma_wait3A_969[%dma_wait3A_970, %dma_wait3A_971] : memref<10000x64xf32, #tpu.memory_space<hbm>> -> memref<10000x64xf32, #tpu.memory_space<hbm>>
    tpu.wait_indirect_dma semaphore(%arg27 : memref<!tpu.dma_semaphore, #tpu.memory_space<semaphore_mem>>) src(%dma_wait3A_972 : memref<10000x64xf32, #tpu.memory_space<hbm>>) dst(%arg16 : memref<80x64xf32, #tpu.memory_space<vmem>>)
    %dma_start3A_973 = arith.constant 117 : i32
    %dma_start3A_974 = arith.constant 0 : i32
    %dma_start3A_975 = tpu.memref_slice %arg10[%dma_start3A_973, %dma_start3A_974] : memref<125x80xi32, #tpu.memory_space<vmem>> -> memref<1x80xi32, #tpu.memory_space<vmem>>
    %dma_start3A_976 = tpu.memref_squeeze %dma_start3A_975 : memref<1x80xi32, #tpu.memory_space<vmem>> -> memref<80xi32, #tpu.memory_space<vmem>>
    %dma_start3A_977 = arith.constant 0 : i32
    %dma_start3A_978 = arith.constant 0 : i32
    %dma_start3A_979 = tpu.memref_slice %arg20[%dma_start3A_977, %dma_start3A_978] : memref<10240x64xf32, #tpu.memory_space<vmem_shared>> -> memref<10240x64xf32, #tpu.memory_space<vmem_shared>>
    tpu.enqueue_indirect_dma source(%arg16 : memref<80x64xf32, #tpu.memory_space<vmem>>) target(%dma_start3A_979 : memref<10240x64xf32, #tpu.memory_space<vmem_shared>>) offsets(%dma_start3A_976 : memref<80xi32, #tpu.memory_space<vmem>>) semaphore(%arg35 : memref<!tpu.dma_semaphore, #tpu.memory_space<semaphore_mem>>) {add = true}
    %dma_wait3A_980 = arith.constant 116 : i32
    %dma_wait3A_981 = arith.constant 0 : i32
    %dma_wait3A_982 = tpu.memref_slice %arg10[%dma_wait3A_980, %dma_wait3A_981] : memref<125x80xi32, #tpu.memory_space<vmem>> -> memref<1x80xi32, #tpu.memory_space<vmem>>
    %dma_wait3A_983 = tpu.memref_squeeze %dma_wait3A_982 : memref<1x80xi32, #tpu.memory_space<vmem>> -> memref<80xi32, #tpu.memory_space<vmem>>
    %dma_wait3A_984 = arith.constant 0 : i32
    %dma_wait3A_985 = arith.constant 0 : i32
    %dma_wait3A_986 = tpu.memref_slice %arg20[%dma_wait3A_984, %dma_wait3A_985] : memref<10240x64xf32, #tpu.memory_space<vmem_shared>> -> memref<10240x64xf32, #tpu.memory_space<vmem_shared>>
    tpu.wait_indirect_dma semaphore(%arg34 : memref<!tpu.dma_semaphore, #tpu.memory_space<semaphore_mem>>) src(%arg15 : memref<80x64xf32, #tpu.memory_space<vmem>>) dst(%dma_wait3A_986 : memref<10240x64xf32, #tpu.memory_space<vmem_shared>>)
    %dma_start3A_987 = arith.constant 1 : i32
    %dma_start3A_988 = arith.constant 124 : i32
    %dma_start3A_989 = arith.constant 0 : i32
    %dma_start3A_990 = tpu.memref_slice %arg9[%dma_start3A_988, %dma_start3A_989] : memref<125x80xi32, #tpu.memory_space<vmem>> -> memref<1x80xi32, #tpu.memory_space<vmem>>
    %dma_start3A_991 = tpu.memref_squeeze %dma_start3A_990 : memref<1x80xi32, #tpu.memory_space<vmem>> -> memref<80xi32, #tpu.memory_space<vmem>>
    %dma_start3A_992 = arith.constant 0 : i32
    %dma_start3A_993 = arith.constant 0 : i32
    %dma_start3A_994 = tpu.memref_slice %arg2[%dma_start3A_987, %dma_start3A_992, %dma_start3A_993] : memref<2x10000x64xf32, #tpu.memory_space<hbm>> -> memref<1x10000x64xf32, #tpu.memory_space<hbm>>
    %dma_start3A_995 = tpu.memref_squeeze %dma_start3A_994 : memref<1x10000x64xf32, #tpu.memory_space<hbm>> -> memref<10000x64xf32, #tpu.memory_space<hbm>>
    %dma_start3A_996 = arith.constant 0 : i32
    %dma_start3A_997 = arith.constant 0 : i32
    %dma_start3A_998 = tpu.memref_slice %dma_start3A_995[%dma_start3A_996, %dma_start3A_997] : memref<10000x64xf32, #tpu.memory_space<hbm>> -> memref<10000x64xf32, #tpu.memory_space<hbm>>
    tpu.enqueue_indirect_dma source(%dma_start3A_998 : memref<10000x64xf32, #tpu.memory_space<hbm>>) target(%arg15 : memref<80x64xf32, #tpu.memory_space<vmem>>) offsets(%dma_start3A_991 : memref<80xi32, #tpu.memory_space<vmem>>) semaphore(%arg26 : memref<!tpu.dma_semaphore, #tpu.memory_space<semaphore_mem>>)
    %dma_wait3A_999 = arith.constant 1 : i32
    %dma_wait3A_1000 = arith.constant 118 : i32
    %dma_wait3A_1001 = arith.constant 0 : i32
    %dma_wait3A_1002 = tpu.memref_slice %arg9[%dma_wait3A_1000, %dma_wait3A_1001] : memref<125x80xi32, #tpu.memory_space<vmem>> -> memref<1x80xi32, #tpu.memory_space<vmem>>
    %dma_wait3A_1003 = tpu.memref_squeeze %dma_wait3A_1002 : memref<1x80xi32, #tpu.memory_space<vmem>> -> memref<80xi32, #tpu.memory_space<vmem>>
    %dma_wait3A_1004 = arith.constant 0 : i32
    %dma_wait3A_1005 = arith.constant 0 : i32
    %dma_wait3A_1006 = tpu.memref_slice %arg2[%dma_wait3A_999, %dma_wait3A_1004, %dma_wait3A_1005] : memref<2x10000x64xf32, #tpu.memory_space<hbm>> -> memref<1x10000x64xf32, #tpu.memory_space<hbm>>
    %dma_wait3A_1007 = tpu.memref_squeeze %dma_wait3A_1006 : memref<1x10000x64xf32, #tpu.memory_space<hbm>> -> memref<10000x64xf32, #tpu.memory_space<hbm>>
    %dma_wait3A_1008 = arith.constant 0 : i32
    %dma_wait3A_1009 = arith.constant 0 : i32
    %dma_wait3A_1010 = tpu.memref_slice %dma_wait3A_1007[%dma_wait3A_1008, %dma_wait3A_1009] : memref<10000x64xf32, #tpu.memory_space<hbm>> -> memref<10000x64xf32, #tpu.memory_space<hbm>>
    tpu.wait_indirect_dma semaphore(%arg28 : memref<!tpu.dma_semaphore, #tpu.memory_space<semaphore_mem>>) src(%dma_wait3A_1010 : memref<10000x64xf32, #tpu.memory_space<hbm>>) dst(%arg17 : memref<80x64xf32, #tpu.memory_space<vmem>>)
    %dma_start3A_1011 = arith.constant 118 : i32
    %dma_start3A_1012 = arith.constant 0 : i32
    %dma_start3A_1013 = tpu.memref_slice %arg10[%dma_start3A_1011, %dma_start3A_1012] : memref<125x80xi32, #tpu.memory_space<vmem>> -> memref<1x80xi32, #tpu.memory_space<vmem>>
    %dma_start3A_1014 = tpu.memref_squeeze %dma_start3A_1013 : memref<1x80xi32, #tpu.memory_space<vmem>> -> memref<80xi32, #tpu.memory_space<vmem>>
    %dma_start3A_1015 = arith.constant 0 : i32
    %dma_start3A_1016 = arith.constant 0 : i32
    %dma_start3A_1017 = tpu.memref_slice %arg20[%dma_start3A_1015, %dma_start3A_1016] : memref<10240x64xf32, #tpu.memory_space<vmem_shared>> -> memref<10240x64xf32, #tpu.memory_space<vmem_shared>>
    tpu.enqueue_indirect_dma source(%arg17 : memref<80x64xf32, #tpu.memory_space<vmem>>) target(%dma_start3A_1017 : memref<10240x64xf32, #tpu.memory_space<vmem_shared>>) offsets(%dma_start3A_1014 : memref<80xi32, #tpu.memory_space<vmem>>) semaphore(%arg36 : memref<!tpu.dma_semaphore, #tpu.memory_space<semaphore_mem>>) {add = true}
    %dma_wait3A_1018 = arith.constant 117 : i32
    %dma_wait3A_1019 = arith.constant 0 : i32
    %dma_wait3A_1020 = tpu.memref_slice %arg10[%dma_wait3A_1018, %dma_wait3A_1019] : memref<125x80xi32, #tpu.memory_space<vmem>> -> memref<1x80xi32, #tpu.memory_space<vmem>>
    %dma_wait3A_1021 = tpu.memref_squeeze %dma_wait3A_1020 : memref<1x80xi32, #tpu.memory_space<vmem>> -> memref<80xi32, #tpu.memory_space<vmem>>
    %dma_wait3A_1022 = arith.constant 0 : i32
    %dma_wait3A_1023 = arith.constant 0 : i32
    %dma_wait3A_1024 = tpu.memref_slice %arg20[%dma_wait3A_1022, %dma_wait3A_1023] : memref<10240x64xf32, #tpu.memory_space<vmem_shared>> -> memref<10240x64xf32, #tpu.memory_space<vmem_shared>>
    tpu.wait_indirect_dma semaphore(%arg35 : memref<!tpu.dma_semaphore, #tpu.memory_space<semaphore_mem>>) src(%arg16 : memref<80x64xf32, #tpu.memory_space<vmem>>) dst(%dma_wait3A_1024 : memref<10240x64xf32, #tpu.memory_space<vmem_shared>>)
    %dma_wait3A_1025 = arith.constant 1 : i32
    %dma_wait3A_1026 = arith.constant 119 : i32
    %dma_wait3A_1027 = arith.constant 0 : i32
    %dma_wait3A_1028 = tpu.memref_slice %arg9[%dma_wait3A_1026, %dma_wait3A_1027] : memref<125x80xi32, #tpu.memory_space<vmem>> -> memref<1x80xi32, #tpu.memory_space<vmem>>
    %dma_wait3A_1029 = tpu.memref_squeeze %dma_wait3A_1028 : memref<1x80xi32, #tpu.memory_space<vmem>> -> memref<80xi32, #tpu.memory_space<vmem>>
    %dma_wait3A_1030 = arith.constant 0 : i32
    %dma_wait3A_1031 = arith.constant 0 : i32
    %dma_wait3A_1032 = tpu.memref_slice %arg2[%dma_wait3A_1025, %dma_wait3A_1030, %dma_wait3A_1031] : memref<2x10000x64xf32, #tpu.memory_space<hbm>> -> memref<1x10000x64xf32, #tpu.memory_space<hbm>>
    %dma_wait3A_1033 = tpu.memref_squeeze %dma_wait3A_1032 : memref<1x10000x64xf32, #tpu.memory_space<hbm>> -> memref<10000x64xf32, #tpu.memory_space<hbm>>
    %dma_wait3A_1034 = arith.constant 0 : i32
    %dma_wait3A_1035 = arith.constant 0 : i32
    %dma_wait3A_1036 = tpu.memref_slice %dma_wait3A_1033[%dma_wait3A_1034, %dma_wait3A_1035] : memref<10000x64xf32, #tpu.memory_space<hbm>> -> memref<10000x64xf32, #tpu.memory_space<hbm>>
    tpu.wait_indirect_dma semaphore(%arg29 : memref<!tpu.dma_semaphore, #tpu.memory_space<semaphore_mem>>) src(%dma_wait3A_1036 : memref<10000x64xf32, #tpu.memory_space<hbm>>) dst(%arg18 : memref<80x64xf32, #tpu.memory_space<vmem>>)
    %dma_start3A_1037 = arith.constant 119 : i32
    %dma_start3A_1038 = arith.constant 0 : i32
    %dma_start3A_1039 = tpu.memref_slice %arg10[%dma_start3A_1037, %dma_start3A_1038] : memref<125x80xi32, #tpu.memory_space<vmem>> -> memref<1x80xi32, #tpu.memory_space<vmem>>
    %dma_start3A_1040 = tpu.memref_squeeze %dma_start3A_1039 : memref<1x80xi32, #tpu.memory_space<vmem>> -> memref<80xi32, #tpu.memory_space<vmem>>
    %dma_start3A_1041 = arith.constant 0 : i32
    %dma_start3A_1042 = arith.constant 0 : i32
    %dma_start3A_1043 = tpu.memref_slice %arg20[%dma_start3A_1041, %dma_start3A_1042] : memref<10240x64xf32, #tpu.memory_space<vmem_shared>> -> memref<10240x64xf32, #tpu.memory_space<vmem_shared>>
    tpu.enqueue_indirect_dma source(%arg18 : memref<80x64xf32, #tpu.memory_space<vmem>>) target(%dma_start3A_1043 : memref<10240x64xf32, #tpu.memory_space<vmem_shared>>) offsets(%dma_start3A_1040 : memref<80xi32, #tpu.memory_space<vmem>>) semaphore(%arg37 : memref<!tpu.dma_semaphore, #tpu.memory_space<semaphore_mem>>) {add = true}
    %dma_wait3A_1044 = arith.constant 118 : i32
    %dma_wait3A_1045 = arith.constant 0 : i32
    %dma_wait3A_1046 = tpu.memref_slice %arg10[%dma_wait3A_1044, %dma_wait3A_1045] : memref<125x80xi32, #tpu.memory_space<vmem>> -> memref<1x80xi32, #tpu.memory_space<vmem>>
    %dma_wait3A_1047 = tpu.memref_squeeze %dma_wait3A_1046 : memref<1x80xi32, #tpu.memory_space<vmem>> -> memref<80xi32, #tpu.memory_space<vmem>>
    %dma_wait3A_1048 = arith.constant 0 : i32
    %dma_wait3A_1049 = arith.constant 0 : i32
    %dma_wait3A_1050 = tpu.memref_slice %arg20[%dma_wait3A_1048, %dma_wait3A_1049] : memref<10240x64xf32, #tpu.memory_space<vmem_shared>> -> memref<10240x64xf32, #tpu.memory_space<vmem_shared>>
    tpu.wait_indirect_dma semaphore(%arg36 : memref<!tpu.dma_semaphore, #tpu.memory_space<semaphore_mem>>) src(%arg17 : memref<80x64xf32, #tpu.memory_space<vmem>>) dst(%dma_wait3A_1050 : memref<10240x64xf32, #tpu.memory_space<vmem_shared>>)
    %dma_wait3A_1051 = arith.constant 1 : i32
    %dma_wait3A_1052 = arith.constant 120 : i32
    %dma_wait3A_1053 = arith.constant 0 : i32
    %dma_wait3A_1054 = tpu.memref_slice %arg9[%dma_wait3A_1052, %dma_wait3A_1053] : memref<125x80xi32, #tpu.memory_space<vmem>> -> memref<1x80xi32, #tpu.memory_space<vmem>>
    %dma_wait3A_1055 = tpu.memref_squeeze %dma_wait3A_1054 : memref<1x80xi32, #tpu.memory_space<vmem>> -> memref<80xi32, #tpu.memory_space<vmem>>
    %dma_wait3A_1056 = arith.constant 0 : i32
    %dma_wait3A_1057 = arith.constant 0 : i32
    %dma_wait3A_1058 = tpu.memref_slice %arg2[%dma_wait3A_1051, %dma_wait3A_1056, %dma_wait3A_1057] : memref<2x10000x64xf32, #tpu.memory_space<hbm>> -> memref<1x10000x64xf32, #tpu.memory_space<hbm>>
    %dma_wait3A_1059 = tpu.memref_squeeze %dma_wait3A_1058 : memref<1x10000x64xf32, #tpu.memory_space<hbm>> -> memref<10000x64xf32, #tpu.memory_space<hbm>>
    %dma_wait3A_1060 = arith.constant 0 : i32
    %dma_wait3A_1061 = arith.constant 0 : i32
    %dma_wait3A_1062 = tpu.memref_slice %dma_wait3A_1059[%dma_wait3A_1060, %dma_wait3A_1061] : memref<10000x64xf32, #tpu.memory_space<hbm>> -> memref<10000x64xf32, #tpu.memory_space<hbm>>
    tpu.wait_indirect_dma semaphore(%arg22 : memref<!tpu.dma_semaphore, #tpu.memory_space<semaphore_mem>>) src(%dma_wait3A_1062 : memref<10000x64xf32, #tpu.memory_space<hbm>>) dst(%arg11 : memref<80x64xf32, #tpu.memory_space<vmem>>)
    %dma_start3A_1063 = arith.constant 120 : i32
    %dma_start3A_1064 = arith.constant 0 : i32
    %dma_start3A_1065 = tpu.memref_slice %arg10[%dma_start3A_1063, %dma_start3A_1064] : memref<125x80xi32, #tpu.memory_space<vmem>> -> memref<1x80xi32, #tpu.memory_space<vmem>>
    %dma_start3A_1066 = tpu.memref_squeeze %dma_start3A_1065 : memref<1x80xi32, #tpu.memory_space<vmem>> -> memref<80xi32, #tpu.memory_space<vmem>>
    %dma_start3A_1067 = arith.constant 0 : i32
    %dma_start3A_1068 = arith.constant 0 : i32
    %dma_start3A_1069 = tpu.memref_slice %arg20[%dma_start3A_1067, %dma_start3A_1068] : memref<10240x64xf32, #tpu.memory_space<vmem_shared>> -> memref<10240x64xf32, #tpu.memory_space<vmem_shared>>
    tpu.enqueue_indirect_dma source(%arg11 : memref<80x64xf32, #tpu.memory_space<vmem>>) target(%dma_start3A_1069 : memref<10240x64xf32, #tpu.memory_space<vmem_shared>>) offsets(%dma_start3A_1066 : memref<80xi32, #tpu.memory_space<vmem>>) semaphore(%arg30 : memref<!tpu.dma_semaphore, #tpu.memory_space<semaphore_mem>>) {add = true}
    %dma_wait3A_1070 = arith.constant 119 : i32
    %dma_wait3A_1071 = arith.constant 0 : i32
    %dma_wait3A_1072 = tpu.memref_slice %arg10[%dma_wait3A_1070, %dma_wait3A_1071] : memref<125x80xi32, #tpu.memory_space<vmem>> -> memref<1x80xi32, #tpu.memory_space<vmem>>
    %dma_wait3A_1073 = tpu.memref_squeeze %dma_wait3A_1072 : memref<1x80xi32, #tpu.memory_space<vmem>> -> memref<80xi32, #tpu.memory_space<vmem>>
    %dma_wait3A_1074 = arith.constant 0 : i32
    %dma_wait3A_1075 = arith.constant 0 : i32
    %dma_wait3A_1076 = tpu.memref_slice %arg20[%dma_wait3A_1074, %dma_wait3A_1075] : memref<10240x64xf32, #tpu.memory_space<vmem_shared>> -> memref<10240x64xf32, #tpu.memory_space<vmem_shared>>
    tpu.wait_indirect_dma semaphore(%arg37 : memref<!tpu.dma_semaphore, #tpu.memory_space<semaphore_mem>>) src(%arg18 : memref<80x64xf32, #tpu.memory_space<vmem>>) dst(%dma_wait3A_1076 : memref<10240x64xf32, #tpu.memory_space<vmem_shared>>)
    %dma_wait3A_1077 = arith.constant 1 : i32
    %dma_wait3A_1078 = arith.constant 121 : i32
    %dma_wait3A_1079 = arith.constant 0 : i32
    %dma_wait3A_1080 = tpu.memref_slice %arg9[%dma_wait3A_1078, %dma_wait3A_1079] : memref<125x80xi32, #tpu.memory_space<vmem>> -> memref<1x80xi32, #tpu.memory_space<vmem>>
    %dma_wait3A_1081 = tpu.memref_squeeze %dma_wait3A_1080 : memref<1x80xi32, #tpu.memory_space<vmem>> -> memref<80xi32, #tpu.memory_space<vmem>>
    %dma_wait3A_1082 = arith.constant 0 : i32
    %dma_wait3A_1083 = arith.constant 0 : i32
    %dma_wait3A_1084 = tpu.memref_slice %arg2[%dma_wait3A_1077, %dma_wait3A_1082, %dma_wait3A_1083] : memref<2x10000x64xf32, #tpu.memory_space<hbm>> -> memref<1x10000x64xf32, #tpu.memory_space<hbm>>
    %dma_wait3A_1085 = tpu.memref_squeeze %dma_wait3A_1084 : memref<1x10000x64xf32, #tpu.memory_space<hbm>> -> memref<10000x64xf32, #tpu.memory_space<hbm>>
    %dma_wait3A_1086 = arith.constant 0 : i32
    %dma_wait3A_1087 = arith.constant 0 : i32
    %dma_wait3A_1088 = tpu.memref_slice %dma_wait3A_1085[%dma_wait3A_1086, %dma_wait3A_1087] : memref<10000x64xf32, #tpu.memory_space<hbm>> -> memref<10000x64xf32, #tpu.memory_space<hbm>>
    tpu.wait_indirect_dma semaphore(%arg23 : memref<!tpu.dma_semaphore, #tpu.memory_space<semaphore_mem>>) src(%dma_wait3A_1088 : memref<10000x64xf32, #tpu.memory_space<hbm>>) dst(%arg12 : memref<80x64xf32, #tpu.memory_space<vmem>>)
    %dma_start3A_1089 = arith.constant 121 : i32
    %dma_start3A_1090 = arith.constant 0 : i32
    %dma_start3A_1091 = tpu.memref_slice %arg10[%dma_start3A_1089, %dma_start3A_1090] : memref<125x80xi32, #tpu.memory_space<vmem>> -> memref<1x80xi32, #tpu.memory_space<vmem>>
    %dma_start3A_1092 = tpu.memref_squeeze %dma_start3A_1091 : memref<1x80xi32, #tpu.memory_space<vmem>> -> memref<80xi32, #tpu.memory_space<vmem>>
    %dma_start3A_1093 = arith.constant 0 : i32
    %dma_start3A_1094 = arith.constant 0 : i32
    %dma_start3A_1095 = tpu.memref_slice %arg20[%dma_start3A_1093, %dma_start3A_1094] : memref<10240x64xf32, #tpu.memory_space<vmem_shared>> -> memref<10240x64xf32, #tpu.memory_space<vmem_shared>>
    tpu.enqueue_indirect_dma source(%arg12 : memref<80x64xf32, #tpu.memory_space<vmem>>) target(%dma_start3A_1095 : memref<10240x64xf32, #tpu.memory_space<vmem_shared>>) offsets(%dma_start3A_1092 : memref<80xi32, #tpu.memory_space<vmem>>) semaphore(%arg31 : memref<!tpu.dma_semaphore, #tpu.memory_space<semaphore_mem>>) {add = true}
    %dma_wait3A_1096 = arith.constant 120 : i32
    %dma_wait3A_1097 = arith.constant 0 : i32
    %dma_wait3A_1098 = tpu.memref_slice %arg10[%dma_wait3A_1096, %dma_wait3A_1097] : memref<125x80xi32, #tpu.memory_space<vmem>> -> memref<1x80xi32, #tpu.memory_space<vmem>>
    %dma_wait3A_1099 = tpu.memref_squeeze %dma_wait3A_1098 : memref<1x80xi32, #tpu.memory_space<vmem>> -> memref<80xi32, #tpu.memory_space<vmem>>
    %dma_wait3A_1100 = arith.constant 0 : i32
    %dma_wait3A_1101 = arith.constant 0 : i32
    %dma_wait3A_1102 = tpu.memref_slice %arg20[%dma_wait3A_1100, %dma_wait3A_1101] : memref<10240x64xf32, #tpu.memory_space<vmem_shared>> -> memref<10240x64xf32, #tpu.memory_space<vmem_shared>>
    tpu.wait_indirect_dma semaphore(%arg30 : memref<!tpu.dma_semaphore, #tpu.memory_space<semaphore_mem>>) src(%arg11 : memref<80x64xf32, #tpu.memory_space<vmem>>) dst(%dma_wait3A_1102 : memref<10240x64xf32, #tpu.memory_space<vmem_shared>>)
    %dma_wait3A_1103 = arith.constant 1 : i32
    %dma_wait3A_1104 = arith.constant 122 : i32
    %dma_wait3A_1105 = arith.constant 0 : i32
    %dma_wait3A_1106 = tpu.memref_slice %arg9[%dma_wait3A_1104, %dma_wait3A_1105] : memref<125x80xi32, #tpu.memory_space<vmem>> -> memref<1x80xi32, #tpu.memory_space<vmem>>
    %dma_wait3A_1107 = tpu.memref_squeeze %dma_wait3A_1106 : memref<1x80xi32, #tpu.memory_space<vmem>> -> memref<80xi32, #tpu.memory_space<vmem>>
    %dma_wait3A_1108 = arith.constant 0 : i32
    %dma_wait3A_1109 = arith.constant 0 : i32
    %dma_wait3A_1110 = tpu.memref_slice %arg2[%dma_wait3A_1103, %dma_wait3A_1108, %dma_wait3A_1109] : memref<2x10000x64xf32, #tpu.memory_space<hbm>> -> memref<1x10000x64xf32, #tpu.memory_space<hbm>>
    %dma_wait3A_1111 = tpu.memref_squeeze %dma_wait3A_1110 : memref<1x10000x64xf32, #tpu.memory_space<hbm>> -> memref<10000x64xf32, #tpu.memory_space<hbm>>
    %dma_wait3A_1112 = arith.constant 0 : i32
    %dma_wait3A_1113 = arith.constant 0 : i32
    %dma_wait3A_1114 = tpu.memref_slice %dma_wait3A_1111[%dma_wait3A_1112, %dma_wait3A_1113] : memref<10000x64xf32, #tpu.memory_space<hbm>> -> memref<10000x64xf32, #tpu.memory_space<hbm>>
    tpu.wait_indirect_dma semaphore(%arg24 : memref<!tpu.dma_semaphore, #tpu.memory_space<semaphore_mem>>) src(%dma_wait3A_1114 : memref<10000x64xf32, #tpu.memory_space<hbm>>) dst(%arg13 : memref<80x64xf32, #tpu.memory_space<vmem>>)
    %dma_start3A_1115 = arith.constant 122 : i32
    %dma_start3A_1116 = arith.constant 0 : i32
    %dma_start3A_1117 = tpu.memref_slice %arg10[%dma_start3A_1115, %dma_start3A_1116] : memref<125x80xi32, #tpu.memory_space<vmem>> -> memref<1x80xi32, #tpu.memory_space<vmem>>
    %dma_start3A_1118 = tpu.memref_squeeze %dma_start3A_1117 : memref<1x80xi32, #tpu.memory_space<vmem>> -> memref<80xi32, #tpu.memory_space<vmem>>
    %dma_start3A_1119 = arith.constant 0 : i32
    %dma_start3A_1120 = arith.constant 0 : i32
    %dma_start3A_1121 = tpu.memref_slice %arg20[%dma_start3A_1119, %dma_start3A_1120] : memref<10240x64xf32, #tpu.memory_space<vmem_shared>> -> memref<10240x64xf32, #tpu.memory_space<vmem_shared>>
    tpu.enqueue_indirect_dma source(%arg13 : memref<80x64xf32, #tpu.memory_space<vmem>>) target(%dma_start3A_1121 : memref<10240x64xf32, #tpu.memory_space<vmem_shared>>) offsets(%dma_start3A_1118 : memref<80xi32, #tpu.memory_space<vmem>>) semaphore(%arg32 : memref<!tpu.dma_semaphore, #tpu.memory_space<semaphore_mem>>) {add = true}
    %dma_wait3A_1122 = arith.constant 121 : i32
    %dma_wait3A_1123 = arith.constant 0 : i32
    %dma_wait3A_1124 = tpu.memref_slice %arg10[%dma_wait3A_1122, %dma_wait3A_1123] : memref<125x80xi32, #tpu.memory_space<vmem>> -> memref<1x80xi32, #tpu.memory_space<vmem>>
    %dma_wait3A_1125 = tpu.memref_squeeze %dma_wait3A_1124 : memref<1x80xi32, #tpu.memory_space<vmem>> -> memref<80xi32, #tpu.memory_space<vmem>>
    %dma_wait3A_1126 = arith.constant 0 : i32
    %dma_wait3A_1127 = arith.constant 0 : i32
    %dma_wait3A_1128 = tpu.memref_slice %arg20[%dma_wait3A_1126, %dma_wait3A_1127] : memref<10240x64xf32, #tpu.memory_space<vmem_shared>> -> memref<10240x64xf32, #tpu.memory_space<vmem_shared>>
    tpu.wait_indirect_dma semaphore(%arg31 : memref<!tpu.dma_semaphore, #tpu.memory_space<semaphore_mem>>) src(%arg12 : memref<80x64xf32, #tpu.memory_space<vmem>>) dst(%dma_wait3A_1128 : memref<10240x64xf32, #tpu.memory_space<vmem_shared>>)
    %dma_wait3A_1129 = arith.constant 1 : i32
    %dma_wait3A_1130 = arith.constant 123 : i32
    %dma_wait3A_1131 = arith.constant 0 : i32
    %dma_wait3A_1132 = tpu.memref_slice %arg9[%dma_wait3A_1130, %dma_wait3A_1131] : memref<125x80xi32, #tpu.memory_space<vmem>> -> memref<1x80xi32, #tpu.memory_space<vmem>>
    %dma_wait3A_1133 = tpu.memref_squeeze %dma_wait3A_1132 : memref<1x80xi32, #tpu.memory_space<vmem>> -> memref<80xi32, #tpu.memory_space<vmem>>
    %dma_wait3A_1134 = arith.constant 0 : i32
    %dma_wait3A_1135 = arith.constant 0 : i32
    %dma_wait3A_1136 = tpu.memref_slice %arg2[%dma_wait3A_1129, %dma_wait3A_1134, %dma_wait3A_1135] : memref<2x10000x64xf32, #tpu.memory_space<hbm>> -> memref<1x10000x64xf32, #tpu.memory_space<hbm>>
    %dma_wait3A_1137 = tpu.memref_squeeze %dma_wait3A_1136 : memref<1x10000x64xf32, #tpu.memory_space<hbm>> -> memref<10000x64xf32, #tpu.memory_space<hbm>>
    %dma_wait3A_1138 = arith.constant 0 : i32
    %dma_wait3A_1139 = arith.constant 0 : i32
    %dma_wait3A_1140 = tpu.memref_slice %dma_wait3A_1137[%dma_wait3A_1138, %dma_wait3A_1139] : memref<10000x64xf32, #tpu.memory_space<hbm>> -> memref<10000x64xf32, #tpu.memory_space<hbm>>
    tpu.wait_indirect_dma semaphore(%arg25 : memref<!tpu.dma_semaphore, #tpu.memory_space<semaphore_mem>>) src(%dma_wait3A_1140 : memref<10000x64xf32, #tpu.memory_space<hbm>>) dst(%arg14 : memref<80x64xf32, #tpu.memory_space<vmem>>)
    %dma_start3A_1141 = arith.constant 123 : i32
    %dma_start3A_1142 = arith.constant 0 : i32
    %dma_start3A_1143 = tpu.memref_slice %arg10[%dma_start3A_1141, %dma_start3A_1142] : memref<125x80xi32, #tpu.memory_space<vmem>> -> memref<1x80xi32, #tpu.memory_space<vmem>>
    %dma_start3A_1144 = tpu.memref_squeeze %dma_start3A_1143 : memref<1x80xi32, #tpu.memory_space<vmem>> -> memref<80xi32, #tpu.memory_space<vmem>>
    %dma_start3A_1145 = arith.constant 0 : i32
    %dma_start3A_1146 = arith.constant 0 : i32
    %dma_start3A_1147 = tpu.memref_slice %arg20[%dma_start3A_1145, %dma_start3A_1146] : memref<10240x64xf32, #tpu.memory_space<vmem_shared>> -> memref<10240x64xf32, #tpu.memory_space<vmem_shared>>
    tpu.enqueue_indirect_dma source(%arg14 : memref<80x64xf32, #tpu.memory_space<vmem>>) target(%dma_start3A_1147 : memref<10240x64xf32, #tpu.memory_space<vmem_shared>>) offsets(%dma_start3A_1144 : memref<80xi32, #tpu.memory_space<vmem>>) semaphore(%arg33 : memref<!tpu.dma_semaphore, #tpu.memory_space<semaphore_mem>>) {add = true}
    %dma_wait3A_1148 = arith.constant 122 : i32
    %dma_wait3A_1149 = arith.constant 0 : i32
    %dma_wait3A_1150 = tpu.memref_slice %arg10[%dma_wait3A_1148, %dma_wait3A_1149] : memref<125x80xi32, #tpu.memory_space<vmem>> -> memref<1x80xi32, #tpu.memory_space<vmem>>
    %dma_wait3A_1151 = tpu.memref_squeeze %dma_wait3A_1150 : memref<1x80xi32, #tpu.memory_space<vmem>> -> memref<80xi32, #tpu.memory_space<vmem>>
    %dma_wait3A_1152 = arith.constant 0 : i32
    %dma_wait3A_1153 = arith.constant 0 : i32
    %dma_wait3A_1154 = tpu.memref_slice %arg20[%dma_wait3A_1152, %dma_wait3A_1153] : memref<10240x64xf32, #tpu.memory_space<vmem_shared>> -> memref<10240x64xf32, #tpu.memory_space<vmem_shared>>
    tpu.wait_indirect_dma semaphore(%arg32 : memref<!tpu.dma_semaphore, #tpu.memory_space<semaphore_mem>>) src(%arg13 : memref<80x64xf32, #tpu.memory_space<vmem>>) dst(%dma_wait3A_1154 : memref<10240x64xf32, #tpu.memory_space<vmem_shared>>)
    %dma_wait3A_1155 = arith.constant 1 : i32
    %dma_wait3A_1156 = arith.constant 124 : i32
    %dma_wait3A_1157 = arith.constant 0 : i32
    %dma_wait3A_1158 = tpu.memref_slice %arg9[%dma_wait3A_1156, %dma_wait3A_1157] : memref<125x80xi32, #tpu.memory_space<vmem>> -> memref<1x80xi32, #tpu.memory_space<vmem>>
    %dma_wait3A_1159 = tpu.memref_squeeze %dma_wait3A_1158 : memref<1x80xi32, #tpu.memory_space<vmem>> -> memref<80xi32, #tpu.memory_space<vmem>>
    %dma_wait3A_1160 = arith.constant 0 : i32
    %dma_wait3A_1161 = arith.constant 0 : i32
    %dma_wait3A_1162 = tpu.memref_slice %arg2[%dma_wait3A_1155, %dma_wait3A_1160, %dma_wait3A_1161] : memref<2x10000x64xf32, #tpu.memory_space<hbm>> -> memref<1x10000x64xf32, #tpu.memory_space<hbm>>
    %dma_wait3A_1163 = tpu.memref_squeeze %dma_wait3A_1162 : memref<1x10000x64xf32, #tpu.memory_space<hbm>> -> memref<10000x64xf32, #tpu.memory_space<hbm>>
    %dma_wait3A_1164 = arith.constant 0 : i32
    %dma_wait3A_1165 = arith.constant 0 : i32
    %dma_wait3A_1166 = tpu.memref_slice %dma_wait3A_1163[%dma_wait3A_1164, %dma_wait3A_1165] : memref<10000x64xf32, #tpu.memory_space<hbm>> -> memref<10000x64xf32, #tpu.memory_space<hbm>>
    tpu.wait_indirect_dma semaphore(%arg26 : memref<!tpu.dma_semaphore, #tpu.memory_space<semaphore_mem>>) src(%dma_wait3A_1166 : memref<10000x64xf32, #tpu.memory_space<hbm>>) dst(%arg15 : memref<80x64xf32, #tpu.memory_space<vmem>>)
    %dma_start3A_1167 = arith.constant 124 : i32
    %dma_start3A_1168 = arith.constant 0 : i32
    %dma_start3A_1169 = tpu.memref_slice %arg10[%dma_start3A_1167, %dma_start3A_1168] : memref<125x80xi32, #tpu.memory_space<vmem>> -> memref<1x80xi32, #tpu.memory_space<vmem>>
    %dma_start3A_1170 = tpu.memref_squeeze %dma_start3A_1169 : memref<1x80xi32, #tpu.memory_space<vmem>> -> memref<80xi32, #tpu.memory_space<vmem>>
    %dma_start3A_1171 = arith.constant 0 : i32
    %dma_start3A_1172 = arith.constant 0 : i32
    %dma_start3A_1173 = tpu.memref_slice %arg20[%dma_start3A_1171, %dma_start3A_1172] : memref<10240x64xf32, #tpu.memory_space<vmem_shared>> -> memref<10240x64xf32, #tpu.memory_space<vmem_shared>>
    tpu.enqueue_indirect_dma source(%arg15 : memref<80x64xf32, #tpu.memory_space<vmem>>) target(%dma_start3A_1173 : memref<10240x64xf32, #tpu.memory_space<vmem_shared>>) offsets(%dma_start3A_1170 : memref<80xi32, #tpu.memory_space<vmem>>) semaphore(%arg34 : memref<!tpu.dma_semaphore, #tpu.memory_space<semaphore_mem>>) {add = true}
    %dma_wait3A_1174 = arith.constant 123 : i32
    %dma_wait3A_1175 = arith.constant 0 : i32
    %dma_wait3A_1176 = tpu.memref_slice %arg10[%dma_wait3A_1174, %dma_wait3A_1175] : memref<125x80xi32, #tpu.memory_space<vmem>> -> memref<1x80xi32, #tpu.memory_space<vmem>>
    %dma_wait3A_1177 = tpu.memref_squeeze %dma_wait3A_1176 : memref<1x80xi32, #tpu.memory_space<vmem>> -> memref<80xi32, #tpu.memory_space<vmem>>
    %dma_wait3A_1178 = arith.constant 0 : i32
    %dma_wait3A_1179 = arith.constant 0 : i32
    %dma_wait3A_1180 = tpu.memref_slice %arg20[%dma_wait3A_1178, %dma_wait3A_1179] : memref<10240x64xf32, #tpu.memory_space<vmem_shared>> -> memref<10240x64xf32, #tpu.memory_space<vmem_shared>>
    tpu.wait_indirect_dma semaphore(%arg33 : memref<!tpu.dma_semaphore, #tpu.memory_space<semaphore_mem>>) src(%arg14 : memref<80x64xf32, #tpu.memory_space<vmem>>) dst(%dma_wait3A_1180 : memref<10240x64xf32, #tpu.memory_space<vmem_shared>>)
    %dma_wait3A_1181 = arith.constant 124 : i32
    %dma_wait3A_1182 = arith.constant 0 : i32
    %dma_wait3A_1183 = tpu.memref_slice %arg10[%dma_wait3A_1181, %dma_wait3A_1182] : memref<125x80xi32, #tpu.memory_space<vmem>> -> memref<1x80xi32, #tpu.memory_space<vmem>>
    %dma_wait3A_1184 = tpu.memref_squeeze %dma_wait3A_1183 : memref<1x80xi32, #tpu.memory_space<vmem>> -> memref<80xi32, #tpu.memory_space<vmem>>
    %dma_wait3A_1185 = arith.constant 0 : i32
    %dma_wait3A_1186 = arith.constant 0 : i32
    %dma_wait3A_1187 = tpu.memref_slice %arg20[%dma_wait3A_1185, %dma_wait3A_1186] : memref<10240x64xf32, #tpu.memory_space<vmem_shared>> -> memref<10240x64xf32, #tpu.memory_space<vmem_shared>>
    tpu.wait_indirect_dma semaphore(%arg34 : memref<!tpu.dma_semaphore, #tpu.memory_space<semaphore_mem>>) src(%arg15 : memref<80x64xf32, #tpu.memory_space<vmem>>) dst(%dma_wait3A_1187 : memref<10240x64xf32, #tpu.memory_space<vmem_shared>>)
    %barrier3A_1188 = arith.constant 0 : index
    tpu.barrier barrier_id(%barrier3A_1188)
    %run_scoped3A_1189 = arith.constant 1 : i32
    "tpu.region"() ({
      %run_scoped3A_1190 = tpu.sem_alloc : memref<!tpu.dma_semaphore, #tpu.memory_space<semaphore_mem>>
      %dma_start3A_1191 = arith.constant 0 : i32
      %dma_start3A_1192 = tpu.memref_slice %arg7[%run_scoped3A_1189, %arg0, %mul3A_2, %dma_start3A_1191] : memref<2x2x10240x64xf32, #tpu.memory_space<hbm>> -> memref<1x1x640x64xf32, #tpu.memory_space<hbm>>
      %dma_start3A_1193 = tpu.memref_squeeze %dma_start3A_1192 : memref<1x1x640x64xf32, #tpu.memory_space<hbm>> -> memref<640x64xf32, #tpu.memory_space<hbm>>
      %dma_start3A_1194 = arith.constant 0 : i32
      %dma_start3A_1195 = tpu.memref_slice %arg20[%mul3A_2, %dma_start3A_1194] : memref<10240x64xf32, #tpu.memory_space<vmem_shared>> -> memref<640x64xf32, #tpu.memory_space<vmem_shared>>
      tpu.enqueue_dma source(%dma_start3A_1195 : memref<640x64xf32, #tpu.memory_space<vmem_shared>>) target(%dma_start3A_1193 : memref<640x64xf32, #tpu.memory_space<hbm>>) target_semaphore(%run_scoped3A_1190 : memref<!tpu.dma_semaphore, #tpu.memory_space<semaphore_mem>>)
      %dma_wait3A_1196 = arith.constant 0 : i32
      %dma_wait3A_1197 = tpu.memref_slice %arg7[%run_scoped3A_1189, %arg0, %mul3A_2, %dma_wait3A_1196] : memref<2x2x10240x64xf32, #tpu.memory_space<hbm>> -> memref<1x1x640x64xf32, #tpu.memory_space<hbm>>
      %dma_wait3A_1198 = tpu.memref_squeeze %dma_wait3A_1197 : memref<1x1x640x64xf32, #tpu.memory_space<hbm>> -> memref<640x64xf32, #tpu.memory_space<hbm>>
      %dma_wait3A_1199 = arith.constant 0 : i32
      %dma_wait3A_1200 = tpu.memref_slice %arg20[%mul3A_2, %dma_wait3A_1199] : memref<10240x64xf32, #tpu.memory_space<vmem_shared>> -> memref<640x64xf32, #tpu.memory_space<vmem_shared>>
      tpu.wait_dma2 semaphore(%run_scoped3A_1190 : memref<!tpu.dma_semaphore, #tpu.memory_space<semaphore_mem>>) src(%dma_wait3A_1200 : memref<640x64xf32, #tpu.memory_space<vmem_shared>>) dst(%dma_wait3A_1198 : memref<640x64xf32, #tpu.memory_space<hbm>>)
      tpu.yield
    }) : () -> ()
    return
  }
}

module attributes {stable_mosaic.version = 14 : i64} {
  func.func @_h_body(%arg0: i32, %arg1: memref<1000x128xf32, #tpu.memory_space<vmem>>, %arg2: memref<128x128xf32, #tpu.memory_space<vmem>>, %arg3: memref<1x128xf32, #tpu.memory_space<vmem>>, %arg4: memref<2x1000x64xf32, #tpu.memory_space<vmem>>) attributes {dimension_semantics = [#tpu.dimension_semantics<arbitrary>], iteration_bounds = array<i64: 10>, scalar_prefetch = 0 : i64, scratch_operands = 0 : i64, tpu.core_type = #tpu.core_type<tc>, window_params = [{transform_indices = @transform_0, window_bounds = array<i64: 1000, 128>}, {pipeline_mode = #tpu.pipeline_mode<synchronous>, transform_indices = @transform_1, window_bounds = array<i64: 128, 128>}, {pipeline_mode = #tpu.pipeline_mode<synchronous>, transform_indices = @transform_2, window_bounds = array<i64: 1, 128>}, {transform_indices = @transform_3, window_bounds = array<i64: 2, 1000, 64>}]} {
    %get3A = arith.constant 0 : index
    %get3A_0 = arith.constant 0 : index
    %get3A_1 = vector.load %arg1[%get3A, %get3A_0] : memref<1000x128xf32, #tpu.memory_space<vmem>>, vector<1000x128xf32>
    %get3A_2 = arith.constant 0 : index
    %get3A_3 = arith.constant 0 : index
    %get3A_4 = vector.load %arg2[%get3A_2, %get3A_3] : memref<128x128xf32, #tpu.memory_space<vmem>>, vector<128x128xf32>
    %dot_general3A = arith.constant dense<0.000000e+00> : vector<1000x128xf32>
    %dot_general3A_5 = tpu.matmul %get3A_1, %get3A_4, %dot_general3A {dimension_numbers = #tpu.dot_dimension_numbers<[1], [0], [0], [1], [0, 0, 1, 1], [], []>, transpose_lhs_hint = false} : vector<1000x128xf32>, vector<128x128xf32>, vector<1000x128xf32> -> vector<1000x128xf32>
    %get3A_6 = arith.constant 0 : index
    %get3A_7 = arith.constant 0 : index
    %get3A_8 = vector.load %arg3[%get3A_6, %get3A_7] : memref<1x128xf32, #tpu.memory_space<vmem>>, vector<1x128xf32>
    %add3A = vector.broadcast %get3A_8 : vector<1x128xf32> to vector<1000x128xf32>
    %add3A_9 = arith.addf %dot_general3A_5, %add3A : vector<1000x128xf32>
    %max3A = arith.constant 0.000000e+00 : f32
    %max3A_10 = vector.broadcast %max3A : f32 to vector<1000x128xf32>
    %max3A_11 = arith.maximumf %add3A_9, %max3A_10 : vector<1000x128xf32>
    %slice3A = vector.extract_strided_slice %max3A_11 {offsets = [0, 0], sizes = [1000, 64], strides = [1, 1]} : vector<1000x128xf32> to vector<1000x64xf32>
    %swap3A = arith.constant 0 : index
    %swap3A_12 = arith.constant 0 : index
    %swap3A_13 = arith.constant 0 : index
    %swap3A_14 = vector.load %arg4[%swap3A, %swap3A_12, %swap3A_13] : memref<2x1000x64xf32, #tpu.memory_space<vmem>>, vector<1x1000x64xf32>
    %swap3A_15 = vector.shape_cast %swap3A_14 : vector<1x1000x64xf32> to vector<1000x64xf32>
    %swap3A_16 = vector.shape_cast %slice3A : vector<1000x64xf32> to vector<1x1000x64xf32>
    tpu.vector_store %arg4[%swap3A, %swap3A_12, %swap3A_13], %swap3A_16 {strides = array<i32>} : memref<2x1000x64xf32, #tpu.memory_space<vmem>>, vector<1x1000x64xf32>,
    %slice3A_17 = vector.extract_strided_slice %max3A_11 {offsets = [0, 64], sizes = [1000, 64], strides = [1, 1]} : vector<1000x128xf32> to vector<1000x64xf32>
    %swap3A_18 = arith.constant 1 : index
    %swap3A_19 = arith.constant 0 : index
    %swap3A_20 = arith.constant 0 : index
    %swap3A_21 = vector.load %arg4[%swap3A_18, %swap3A_19, %swap3A_20] : memref<2x1000x64xf32, #tpu.memory_space<vmem>>, vector<1x1000x64xf32>
    %swap3A_22 = vector.shape_cast %swap3A_21 : vector<1x1000x64xf32> to vector<1000x64xf32>
    %swap3A_23 = vector.shape_cast %slice3A_17 : vector<1000x64xf32> to vector<1x1000x64xf32>
    tpu.vector_store %arg4[%swap3A_18, %swap3A_19, %swap3A_20], %swap3A_23 {strides = array<i32>} : memref<2x1000x64xf32, #tpu.memory_space<vmem>>, vector<1x1000x64xf32>,
    return
  }
  func.func @transform_0(%arg0: i32) -> (i32, i32) {
    %c0_i32 = arith.constant 0 : i32
    %c0_i32_0 = arith.constant 0 : i32
    return %arg0, %c0_i32 : i32, i32
  }
  func.func @transform_1(%arg0: i32) -> (i32, i32) {
    %c0_i32 = arith.constant 0 : i32
    %c0_i32_0 = arith.constant 0 : i32
    %c0_i32_1 = arith.constant 0 : i32
    return %c0_i32, %c0_i32_0 : i32, i32
  }
  func.func @transform_2(%arg0: i32) -> (i32, i32) {
    %c0_i32 = arith.constant 0 : i32
    %c0_i32_0 = arith.constant 0 : i32
    %c0_i32_1 = arith.constant 0 : i32
    return %c0_i32, %c0_i32_0 : i32, i32
  }
  func.func @transform_3(%arg0: i32) -> (i32, i32, i32) {
    %c0_i32 = arith.constant 0 : i32
    %c0_i32_0 = arith.constant 0 : i32
    %c0_i32_1 = arith.constant 0 : i32
    return %c0_i32, %arg0, %c0_i32_0 : i32, i32, i32
  }
}

module attributes {stable_mosaic.version = 14 : i64} {
  func.func @_gate_body(%arg0: i32, %arg1: memref<2x1000x64xf32, #tpu.memory_space<vmem>>, %arg2: memref<1000x8xf32, #tpu.memory_space<vmem>>, %arg3: memref<128x8xf32, #tpu.memory_space<vmem>>, %arg4: memref<128x8xf32, #tpu.memory_space<vmem>>, %arg5: memref<1000x8xf32, #tpu.memory_space<vmem>>, %arg6: memref<1000x8xf32, #tpu.memory_space<vmem>>, %arg7: memref<2x8xf32, #tpu.memory_space<vmem>>) attributes {dimension_semantics = [#tpu.dimension_semantics<arbitrary>], iteration_bounds = array<i64: 10>, scalar_prefetch = 0 : i64, scratch_operands = 0 : i64, tpu.core_type = #tpu.core_type<tc>, window_params = [{transform_indices = @transform_0, window_bounds = array<i64: 2, 1000, 64>}, {transform_indices = @transform_1, window_bounds = array<i64: 1000, 8>}, {pipeline_mode = #tpu.pipeline_mode<synchronous>, transform_indices = @transform_2, window_bounds = array<i64: 128, 8>}, {pipeline_mode = #tpu.pipeline_mode<synchronous>, transform_indices = @transform_3, window_bounds = array<i64: 128, 8>}, {transform_indices = @transform_4, window_bounds = array<i64: 1000, 8>}, {transform_indices = @transform_5, window_bounds = array<i64: 1000, 8>}, {pipeline_mode = #tpu.pipeline_mode<synchronous>, transform_indices = @transform_6, window_bounds = array<i64: 2, 8>}]} {
    %get3A = arith.constant 0 : index
    %get3A_0 = arith.constant 0 : index
    %get3A_1 = arith.constant 0 : index
    %get3A_2 = vector.load %arg1[%get3A, %get3A_0, %get3A_1] : memref<2x1000x64xf32, #tpu.memory_space<vmem>>, vector<1x1000x64xf32>
    %get3A_3 = vector.shape_cast %get3A_2 : vector<1x1000x64xf32> to vector<1000x64xf32>
    %get3A_4 = arith.constant 1 : index
    %get3A_5 = arith.constant 0 : index
    %get3A_6 = arith.constant 0 : index
    %get3A_7 = vector.load %arg1[%get3A_4, %get3A_5, %get3A_6] : memref<2x1000x64xf32, #tpu.memory_space<vmem>>, vector<1x1000x64xf32>
    %get3A_8 = vector.shape_cast %get3A_7 : vector<1x1000x64xf32> to vector<1000x64xf32>
    %concatenate3A = tpu.concatenate %get3A_3, %get3A_8 in 1 : vector<1000x64xf32>, vector<1000x64xf32> -> vector<1000x128xf32>
    %get3A_9 = arith.constant 0 : index
    %get3A_10 = arith.constant 0 : index
    %get3A_11 = vector.load %arg3[%get3A_9, %get3A_10] : memref<128x8xf32, #tpu.memory_space<vmem>>, vector<128x8xf32>
    %dot_general3A = arith.constant dense<0.000000e+00> : vector<1000x8xf32>
    %dot_general3A_12 = tpu.matmul %concatenate3A, %get3A_11, %dot_general3A {dimension_numbers = #tpu.dot_dimension_numbers<[1], [0], [0], [1], [0, 0, 1, 1], [], []>, transpose_lhs_hint = false} : vector<1000x128xf32>, vector<128x8xf32>, vector<1000x8xf32> -> vector<1000x8xf32>
    %get3A_13 = arith.constant 0 : index
    %get3A_14 = arith.constant 0 : index
    %get3A_15 = vector.load %arg4[%get3A_13, %get3A_14] : memref<128x8xf32, #tpu.memory_space<vmem>>, vector<128x8xf32>
    %dot_general3A_16 = arith.constant dense<0.000000e+00> : vector<1000x8xf32>
    %dot_general3A_17 = tpu.matmul %concatenate3A, %get3A_15, %dot_general3A_16 {dimension_numbers = #tpu.dot_dimension_numbers<[1], [0], [0], [1], [0, 0, 1, 1], [], []>, transpose_lhs_hint = false} : vector<1000x128xf32>, vector<128x8xf32>, vector<1000x8xf32> -> vector<1000x8xf32>
    %max3A = arith.constant 0.000000e+00 : f32
    %max3A_18 = vector.broadcast %max3A : f32 to vector<1000x8xf32>
    %max3A_19 = arith.maximumf %dot_general3A_17, %max3A_18 : vector<1000x8xf32>
    %abs3A = math.absf %dot_general3A_17 : vector<1000x8xf32>
    %neg3A = arith.constant 0.000000e+00 : f32
    %neg3A_20 = vector.broadcast %neg3A : f32 to vector<1000x8xf32>
    %neg3A_21 = arith.subf %neg3A_20, %abs3A : vector<1000x8xf32>
    %exp3A = math.exp %neg3A_21 : vector<1000x8xf32>
    %log1p3A = math.log1p %exp3A : vector<1000x8xf32>
    %add3A = arith.addf %max3A_19, %log1p3A : vector<1000x8xf32>
    %add3A_22 = arith.constant 0.00999999977 : f32
    %add3A_23 = vector.broadcast %add3A_22 : f32 to vector<1000x8xf32>
    %add3A_24 = arith.addf %add3A, %add3A_23 : vector<1000x8xf32>
    %get3A_25 = arith.constant 0 : index
    %get3A_26 = arith.constant 0 : index
    %get3A_27 = vector.load %arg2[%get3A_25, %get3A_26] : memref<1000x8xf32, #tpu.memory_space<vmem>>, vector<1000x8xf32>
    %mul3A = arith.mulf %get3A_27, %add3A_24 : vector<1000x8xf32>
    %add3A_28 = arith.addf %dot_general3A_12, %mul3A : vector<1000x8xf32>
    %swap3A = arith.constant 0 : index
    %swap3A_29 = arith.constant 0 : index
    %swap3A_30 = vector.load %arg5[%swap3A, %swap3A_29] : memref<1000x8xf32, #tpu.memory_space<vmem>>, vector<1000x8xf32>
    tpu.vector_store %arg5[%swap3A, %swap3A_29], %add3A_28 {strides = array<i32>} : memref<1000x8xf32, #tpu.memory_space<vmem>>, vector<1000x8xf32>,
    %iota3A = tpu.iota {dimensions = array<i32: 1>} : vector<1000x8xi32>
    %reduce_max3A = arith.constant dense<0xFF800000> : vector<1000xf32>
    %reduce_max3A_31 = vector.multi_reduction <maximumf>, %add3A_28, %reduce_max3A [1] : vector<1000x8xf32> to vector<1000xf32>
    %broadcast_in_dim3A = vector.shape_cast %reduce_max3A_31 : vector<1000xf32> to vector<1000x1xf32>
    %ge3A = vector.broadcast %broadcast_in_dim3A : vector<1000x1xf32> to vector<1000x8xf32>
    %ge3A_32 = arith.cmpf oge, %add3A_28, %ge3A : vector<1000x8xf32>
    %jit3A = arith.constant 8 : i32
    %broadcast_in_dim3A_33 = vector.broadcast %jit3A : i32 to vector<1000x8xi32>
    %select_n3A = arith.select %ge3A_32, %iota3A, %broadcast_in_dim3A_33 : vector<1000x8xi1>, vector<1000x8xi32>
    %reduce_min3A = arith.constant dense<2147483647> : vector<1000xi32>
    %reduce_min3A_34 = vector.multi_reduction <minsi>, %select_n3A, %reduce_min3A [1] : vector<1000x8xi32> to vector<1000xi32>
    %broadcast_in_dim3A_35 = vector.shape_cast %reduce_min3A_34 : vector<1000xi32> to vector<1000x1xi32>
    %eq3A = vector.broadcast %broadcast_in_dim3A_35 : vector<1000x1xi32> to vector<1000x8xi32>
    %eq3A_36 = arith.cmpi eq, %iota3A, %eq3A : vector<1000x8xi32>
    %jit3A_37 = arith.constant 0xFF800000 : f32
    %broadcast_in_dim3A_38 = vector.broadcast %jit3A_37 : f32 to vector<1000x8xf32>
    %select_n3A_39 = arith.select %eq3A_36, %broadcast_in_dim3A_38, %add3A_28 : vector<1000x8xi1>, vector<1000x8xf32>
    %reduce_max3A_40 = arith.constant dense<0xFF800000> : vector<1000xf32>
    %reduce_max3A_41 = vector.multi_reduction <maximumf>, %select_n3A_39, %reduce_max3A_40 [1] : vector<1000x8xf32> to vector<1000xf32>
    %broadcast_in_dim3A_42 = vector.shape_cast %reduce_max3A_41 : vector<1000xf32> to vector<1000x1xf32>
    %ge3A_43 = vector.broadcast %broadcast_in_dim3A_42 : vector<1000x1xf32> to vector<1000x8xf32>
    %ge3A_44 = arith.cmpf oge, %select_n3A_39, %ge3A_43 : vector<1000x8xf32>
    %jit3A_45 = arith.constant 8 : i32
    %broadcast_in_dim3A_46 = vector.broadcast %jit3A_45 : i32 to vector<1000x8xi32>
    %select_n3A_47 = arith.select %ge3A_44, %iota3A, %broadcast_in_dim3A_46 : vector<1000x8xi1>, vector<1000x8xi32>
    %reduce_min3A_48 = arith.constant dense<2147483647> : vector<1000xi32>
    %reduce_min3A_49 = vector.multi_reduction <minsi>, %select_n3A_47, %reduce_min3A_48 [1] : vector<1000x8xi32> to vector<1000xi32>
    %broadcast_in_dim3A_50 = vector.shape_cast %reduce_min3A_49 : vector<1000xi32> to vector<1000x1xi32>
    %sub3A = arith.subf %broadcast_in_dim3A_42, %broadcast_in_dim3A : vector<1000x1xf32>
    %exp3A_51 = math.exp %sub3A : vector<1000x1xf32>
    %add3A_52 = arith.constant 1.000000e+00 : f32
    %add3A_53 = vector.broadcast %add3A_52 : f32 to vector<1000x1xf32>
    %add3A_54 = arith.addf %add3A_53, %exp3A_51 : vector<1000x1xf32>
    %div3A = arith.constant 1.000000e+00 : f32
    %div3A_55 = vector.broadcast %div3A : f32 to vector<1000x1xf32>
    %div3A_56 = arith.divf %div3A_55, %add3A_54 : vector<1000x1xf32>
    %add3A_57 = arith.constant 1.000000e+00 : f32
    %add3A_58 = vector.broadcast %add3A_57 : f32 to vector<1000x1xf32>
    %add3A_59 = arith.addf %add3A_58, %exp3A_51 : vector<1000x1xf32>
    %div3A_60 = arith.divf %exp3A_51, %add3A_59 : vector<1000x1xf32>
    %eq3A_61 = vector.broadcast %broadcast_in_dim3A_35 : vector<1000x1xi32> to vector<1000x8xi32>
    %eq3A_62 = arith.cmpi eq, %iota3A, %eq3A_61 : vector<1000x8xi32>
    %jit3A_63 = arith.constant 0.000000e+00 : f32
    %broadcast_in_dim3A_64 = vector.shape_cast %div3A_56 : vector<1000x1xf32> to vector<1000x1xf32>
    %broadcast_in_dim3A_65 = vector.broadcast %broadcast_in_dim3A_64 : vector<1000x1xf32> to vector<1000x8xf32>
    %broadcast_in_dim3A_66 = vector.broadcast %jit3A_63 : f32 to vector<1000x8xf32>
    %select_n3A_67 = arith.select %eq3A_62, %broadcast_in_dim3A_65, %broadcast_in_dim3A_66 : vector<1000x8xi1>, vector<1000x8xf32>
    %eq3A_68 = vector.broadcast %broadcast_in_dim3A_50 : vector<1000x1xi32> to vector<1000x8xi32>
    %eq3A_69 = arith.cmpi eq, %iota3A, %eq3A_68 : vector<1000x8xi32>
    %jit3A_70 = arith.constant 0.000000e+00 : f32
    %broadcast_in_dim3A_71 = vector.shape_cast %div3A_60 : vector<1000x1xf32> to vector<1000x1xf32>
    %broadcast_in_dim3A_72 = vector.broadcast %broadcast_in_dim3A_71 : vector<1000x1xf32> to vector<1000x8xf32>
    %broadcast_in_dim3A_73 = vector.broadcast %jit3A_70 : f32 to vector<1000x8xf32>
    %select_n3A_74 = arith.select %eq3A_69, %broadcast_in_dim3A_72, %broadcast_in_dim3A_73 : vector<1000x8xi1>, vector<1000x8xf32>
    %add3A_75 = arith.addf %select_n3A_67, %select_n3A_74 : vector<1000x8xf32>
    %swap3A_76 = arith.constant 0 : index
    %swap3A_77 = arith.constant 0 : index
    %swap3A_78 = vector.load %arg6[%swap3A_76, %swap3A_77] : memref<1000x8xf32, #tpu.memory_space<vmem>>, vector<1000x8xf32>
    tpu.vector_store %arg6[%swap3A_76, %swap3A_77], %add3A_75 {strides = array<i32>} : memref<1000x8xf32, #tpu.memory_space<vmem>>, vector<1000x8xf32>,
    %eq3A_79 = arith.constant 0 : i32
    %eq3A_80 = arith.cmpi eq, %arg0, %eq3A_79 : i32
    %convert_element_type3A = arith.extui %eq3A_80 : i1 to i32
    %cond3A = arith.constant 0 : i32
    %cond3A_81 = arith.cmpi ne, %convert_element_type3A, %cond3A : i32
    scf.if %cond3A_81 {
      %broadcast_in_dim3A_99 = arith.constant 0.000000e+00 : f32
      %broadcast_in_dim3A_100 = vector.broadcast %broadcast_in_dim3A_99 : f32 to vector<2x8xf32>
      %swap3A_101 = arith.constant 0 : index
      %swap3A_102 = arith.constant 0 : index
      %swap3A_103 = vector.load %arg7[%swap3A_101, %swap3A_102] : memref<2x8xf32, #tpu.memory_space<vmem>>, vector<2x8xf32>
      tpu.vector_store %arg7[%swap3A_101, %swap3A_102], %broadcast_in_dim3A_100 {strides = array<i32>} : memref<2x8xf32, #tpu.memory_space<vmem>>, vector<2x8xf32>,
    } else {
    }
    %reduce_sum3A = arith.constant dense<0.000000e+00> : vector<8xf32>
    %reduce_sum3A_82 = vector.multi_reduction <add>, %add3A_75, %reduce_sum3A [0] : vector<1000x8xf32> to vector<8xf32>
    %broadcast_in_dim3A_83 = vector.shape_cast %reduce_sum3A_82 : vector<8xf32> to vector<1x8xf32>
    %gt3A = arith.constant 0.000000e+00 : f32
    %gt3A_84 = vector.broadcast %gt3A : f32 to vector<1000x8xf32>
    %gt3A_85 = arith.cmpf ogt, %add3A_75, %gt3A_84 : vector<1000x8xf32>
    %convert_element_type3A_86 = arith.extui %gt3A_85 : vector<1000x8xi1> to vector<1000x8xi32>
    %convert_element_type3A_87 = arith.sitofp %convert_element_type3A_86 : vector<1000x8xi32> to vector<1000x8xf32>
    %reduce_sum3A_88 = arith.constant dense<0.000000e+00> : vector<8xf32>
    %reduce_sum3A_89 = vector.multi_reduction <add>, %convert_element_type3A_87, %reduce_sum3A_88 [0] : vector<1000x8xf32> to vector<8xf32>
    %broadcast_in_dim3A_90 = vector.shape_cast %reduce_sum3A_89 : vector<8xf32> to vector<1x8xf32>
    %get3A_91 = arith.constant 0 : index
    %get3A_92 = arith.constant 0 : index
    %get3A_93 = vector.load %arg7[%get3A_91, %get3A_92] : memref<2x8xf32, #tpu.memory_space<vmem>>, vector<2x8xf32>
    %concatenate3A_94 = tpu.concatenate %broadcast_in_dim3A_83, %broadcast_in_dim3A_90 in 0 : vector<1x8xf32>, vector<1x8xf32> -> vector<2x8xf32>
    %add3A_95 = arith.addf %get3A_93, %concatenate3A_94 : vector<2x8xf32>
    %swap3A_96 = arith.constant 0 : index
    %swap3A_97 = arith.constant 0 : index
    %swap3A_98 = vector.load %arg7[%swap3A_96, %swap3A_97] : memref<2x8xf32, #tpu.memory_space<vmem>>, vector<2x8xf32>
    tpu.vector_store %arg7[%swap3A_96, %swap3A_97], %add3A_95 {strides = array<i32>} : memref<2x8xf32, #tpu.memory_space<vmem>>, vector<2x8xf32>,
    return
  }
  func.func @transform_0(%arg0: i32) -> (i32, i32, i32) {
    %c0_i32 = arith.constant 0 : i32
    %c0_i32_0 = arith.constant 0 : i32
    %c0_i32_1 = arith.constant 0 : i32
    return %c0_i32, %arg0, %c0_i32_0 : i32, i32, i32
  }
  func.func @transform_1(%arg0: i32) -> (i32, i32) {
    %c0_i32 = arith.constant 0 : i32
    %c0_i32_0 = arith.constant 0 : i32
    return %arg0, %c0_i32 : i32, i32
  }
  func.func @transform_2(%arg0: i32) -> (i32, i32) {
    %c0_i32 = arith.constant 0 : i32
    %c0_i32_0 = arith.constant 0 : i32
    %c0_i32_1 = arith.constant 0 : i32
    return %c0_i32, %c0_i32_0 : i32, i32
  }
  func.func @transform_3(%arg0: i32) -> (i32, i32) {
    %c0_i32 = arith.constant 0 : i32
    %c0_i32_0 = arith.constant 0 : i32
    %c0_i32_1 = arith.constant 0 : i32
    return %c0_i32, %c0_i32_0 : i32, i32
  }
  func.func @transform_4(%arg0: i32) -> (i32, i32) {
    %c0_i32 = arith.constant 0 : i32
    %c0_i32_0 = arith.constant 0 : i32
    return %arg0, %c0_i32 : i32, i32
  }
  func.func @transform_5(%arg0: i32) -> (i32, i32) {
    %c0_i32 = arith.constant 0 : i32
    %c0_i32_0 = arith.constant 0 : i32
    return %arg0, %c0_i32 : i32, i32
  }
  func.func @transform_6(%arg0: i32) -> (i32, i32) {
    %c0_i32 = arith.constant 0 : i32
    %c0_i32_0 = arith.constant 0 : i32
    %c0_i32_1 = arith.constant 0 : i32
    return %c0_i32, %c0_i32_0 : i32, i32
  }
}

module attributes {stable_mosaic.version = 14 : i64} {
  func.func @_moe_body(%arg0: i32, %arg1: memref<2x2x1000x64xf32, #tpu.memory_space<vmem>>, %arg2: memref<2x1000x16xf32, #tpu.memory_space<vmem>>, %arg3: memref<1000x8xf32, #tpu.memory_space<vmem>>, %arg4: memref<2x8xf32, #tpu.memory_space<vmem>>, %arg5: memref<8x128x128xf32, #tpu.memory_space<vmem>>, %arg6: memref<8x128xf32, #tpu.memory_space<vmem>>, %arg7: memref<128x64xf32, #tpu.memory_space<vmem>>, %arg8: memref<1x64xf32, #tpu.memory_space<vmem>>, %arg9: memref<1000x64xf32, #tpu.memory_space<vmem>>, %arg10: memref<1x1xf32, #tpu.memory_space<vmem>>) attributes {dimension_semantics = [#tpu.dimension_semantics<arbitrary>], iteration_bounds = array<i64: 10>, scalar_prefetch = 0 : i64, scratch_operands = 0 : i64, tpu.core_type = #tpu.core_type<tc>, window_params = [{transform_indices = @transform_0, window_bounds = array<i64: 2, 2, 1000, 64>}, {transform_indices = @transform_1, window_bounds = array<i64: 2, 1000, 16>}, {transform_indices = @transform_2, window_bounds = array<i64: 1000, 8>}, {pipeline_mode = #tpu.pipeline_mode<synchronous>, transform_indices = @transform_3, window_bounds = array<i64: 2, 8>}, {pipeline_mode = #tpu.pipeline_mode<synchronous>, transform_indices = @transform_4, window_bounds = array<i64: 8, 128, 128>}, {pipeline_mode = #tpu.pipeline_mode<synchronous>, transform_indices = @transform_5, window_bounds = array<i64: 8, 128>}, {pipeline_mode = #tpu.pipeline_mode<synchronous>, transform_indices = @transform_6, window_bounds = array<i64: 128, 64>}, {pipeline_mode = #tpu.pipeline_mode<synchronous>, transform_indices = @transform_7, window_bounds = array<i64: 1, 64>}, {transform_indices = @transform_8, window_bounds = array<i64: 1000, 64>}, {pipeline_mode = #tpu.pipeline_mode<synchronous>, transform_indices = @transform_9, window_bounds = array<i64: 1, 1>}]} {
    %get3A = arith.constant 0 : index
    %get3A_0 = arith.constant 0 : index
    %get3A_1 = arith.constant 0 : index
    %get3A_2 = arith.constant 0 : index
    %get3A_3 = vector.load %arg1[%get3A, %get3A_0, %get3A_1, %get3A_2] : memref<2x2x1000x64xf32, #tpu.memory_space<vmem>>, vector<2x2x1000x64xf32>
    %slice3A = vector.extract_strided_slice %get3A_3 {offsets = [0, 0, 0, 0], sizes = [1, 1, 1000, 64], strides = [1, 1, 1, 1]} : vector<2x2x1000x64xf32> to vector<1x1x1000x64xf32>
    %squeeze3A = vector.shape_cast %slice3A : vector<1x1x1000x64xf32> to vector<1000x64xf32>
    %slice3A_4 = vector.extract_strided_slice %get3A_3 {offsets = [0, 1, 0, 0], sizes = [1, 1, 1000, 64], strides = [1, 1, 1, 1]} : vector<2x2x1000x64xf32> to vector<1x1x1000x64xf32>
    %squeeze3A_5 = vector.shape_cast %slice3A_4 : vector<1x1x1000x64xf32> to vector<1000x64xf32>
    %add3A = arith.addf %squeeze3A, %squeeze3A_5 : vector<1000x64xf32>
    %slice3A_6 = vector.extract_strided_slice %get3A_3 {offsets = [1, 0, 0, 0], sizes = [1, 1, 1000, 64], strides = [1, 1, 1, 1]} : vector<2x2x1000x64xf32> to vector<1x1x1000x64xf32>
    %squeeze3A_7 = vector.shape_cast %slice3A_6 : vector<1x1x1000x64xf32> to vector<1000x64xf32>
    %slice3A_8 = vector.extract_strided_slice %get3A_3 {offsets = [1, 1, 0, 0], sizes = [1, 1, 1000, 64], strides = [1, 1, 1, 1]} : vector<2x2x1000x64xf32> to vector<1x1x1000x64xf32>
    %squeeze3A_9 = vector.shape_cast %slice3A_8 : vector<1x1x1000x64xf32> to vector<1000x64xf32>
    %add3A_10 = arith.addf %squeeze3A_7, %squeeze3A_9 : vector<1000x64xf32>
    %concatenate3A = tpu.concatenate %add3A, %add3A_10 in 1 : vector<1000x64xf32>, vector<1000x64xf32> -> vector<1000x128xf32>
    %get3A_11 = arith.constant 0 : index
    %get3A_12 = arith.constant 0 : index
    %get3A_13 = arith.constant 0 : index
    %get3A_14 = vector.load %arg2[%get3A_11, %get3A_12, %get3A_13] : memref<2x1000x16xf32, #tpu.memory_space<vmem>>, vector<1x1000x1xf32>
    %get3A_15 = vector.shape_cast %get3A_14 : vector<1x1000x1xf32> to vector<1000xf32>
    %get3A_16 = arith.constant 1 : index
    %get3A_17 = arith.constant 0 : index
    %get3A_18 = arith.constant 0 : index
    %get3A_19 = vector.load %arg2[%get3A_16, %get3A_17, %get3A_18] : memref<2x1000x16xf32, #tpu.memory_space<vmem>>, vector<1x1000x1xf32>
    %get3A_20 = vector.shape_cast %get3A_19 : vector<1x1000x1xf32> to vector<1000xf32>
    %add3A_21 = arith.addf %get3A_15, %get3A_20 : vector<1000xf32>
    %max3A = arith.constant 1.000000e+00 : f32
    %max3A_22 = vector.broadcast %max3A : f32 to vector<1000xf32>
    %max3A_23 = arith.maximumf %add3A_21, %max3A_22 : vector<1000xf32>
    %broadcast_in_dim3A = vector.shape_cast %max3A_23 : vector<1000xf32> to vector<1000x1xf32>
    %div3A = vector.broadcast %broadcast_in_dim3A : vector<1000x1xf32> to vector<1000x128xf32>
    %div3A_24 = arith.divf %concatenate3A, %div3A : vector<1000x128xf32>
    %get3A_25 = arith.constant 0 : index
    %get3A_26 = arith.constant 0 : index
    %get3A_27 = vector.load %arg3[%get3A_25, %get3A_26] : memref<1000x8xf32, #tpu.memory_space<vmem>>, vector<1000x8xf32>
    %broadcast_in_dim3A_28 = arith.constant 0.000000e+00 : f32
    %broadcast_in_dim3A_29 = vector.broadcast %broadcast_in_dim3A_28 : f32 to vector<1000x128xf32>
    %get3A_30 = arith.constant 0 : index
    %get3A_31 = arith.constant 0 : index
    %get3A_32 = arith.constant 0 : index
    %get3A_33 = vector.load %arg5[%get3A_30, %get3A_31, %get3A_32] : memref<8x128x128xf32, #tpu.memory_space<vmem>>, vector<1x128x128xf32>
    %get3A_34 = vector.shape_cast %get3A_33 : vector<1x128x128xf32> to vector<128x128xf32>
    %dot_general3A = arith.constant dense<0.000000e+00> : vector<1000x128xf32>
    %dot_general3A_35 = tpu.matmul %div3A_24, %get3A_34, %dot_general3A {dimension_numbers = #tpu.dot_dimension_numbers<[1], [0], [0], [1], [0, 0, 1, 1], [], []>, transpose_lhs_hint = false} : vector<1000x128xf32>, vector<128x128xf32>, vector<1000x128xf32> -> vector<1000x128xf32>
    %get3A_36 = arith.constant 0 : index
    %get3A_37 = arith.constant 0 : index
    %get3A_38 = vector.load %arg6[%get3A_36, %get3A_37] : memref<8x128xf32, #tpu.memory_space<vmem>>, vector<1x128xf32>
    %get3A_39 = vector.shape_cast %get3A_38 : vector<1x128xf32> to vector<128xf32>
    %broadcast_in_dim3A_40 = vector.shape_cast %get3A_39 : vector<128xf32> to vector<1x128xf32>
    %add3A_41 = vector.broadcast %broadcast_in_dim3A_40 : vector<1x128xf32> to vector<1000x128xf32>
    %add3A_42 = arith.addf %dot_general3A_35, %add3A_41 : vector<1000x128xf32>
    %max3A_43 = arith.constant 0.000000e+00 : f32
    %max3A_44 = vector.broadcast %max3A_43 : f32 to vector<1000x128xf32>
    %max3A_45 = arith.maximumf %add3A_42, %max3A_44 : vector<1000x128xf32>
    %slice3A_46 = vector.extract_strided_slice %get3A_27 {offsets = [0, 0], sizes = [1000, 1], strides = [1, 1]} : vector<1000x8xf32> to vector<1000x1xf32>
    %squeeze3A_47 = vector.shape_cast %slice3A_46 : vector<1000x1xf32> to vector<1000xf32>
    %broadcast_in_dim3A_48 = vector.shape_cast %squeeze3A_47 : vector<1000xf32> to vector<1000x1xf32>
    %mul3A = vector.broadcast %broadcast_in_dim3A_48 : vector<1000x1xf32> to vector<1000x128xf32>
    %mul3A_49 = arith.mulf %mul3A, %max3A_45 : vector<1000x128xf32>
    %add3A_50 = arith.addf %broadcast_in_dim3A_29, %mul3A_49 : vector<1000x128xf32>
    %get3A_51 = arith.constant 1 : index
    %get3A_52 = arith.constant 0 : index
    %get3A_53 = arith.constant 0 : index
    %get3A_54 = vector.load %arg5[%get3A_51, %get3A_52, %get3A_53] : memref<8x128x128xf32, #tpu.memory_space<vmem>>, vector<1x128x128xf32>
    %get3A_55 = vector.shape_cast %get3A_54 : vector<1x128x128xf32> to vector<128x128xf32>
    %dot_general3A_56 = arith.constant dense<0.000000e+00> : vector<1000x128xf32>
    %dot_general3A_57 = tpu.matmul %div3A_24, %get3A_55, %dot_general3A_56 {dimension_numbers = #tpu.dot_dimension_numbers<[1], [0], [0], [1], [0, 0, 1, 1], [], []>, transpose_lhs_hint = false} : vector<1000x128xf32>, vector<128x128xf32>, vector<1000x128xf32> -> vector<1000x128xf32>
    %get3A_58 = arith.constant 1 : index
    %get3A_59 = arith.constant 0 : index
    %get3A_60 = vector.load %arg6[%get3A_58, %get3A_59] : memref<8x128xf32, #tpu.memory_space<vmem>>, vector<1x128xf32>
    %get3A_61 = vector.shape_cast %get3A_60 : vector<1x128xf32> to vector<128xf32>
    %broadcast_in_dim3A_62 = vector.shape_cast %get3A_61 : vector<128xf32> to vector<1x128xf32>
    %add3A_63 = vector.broadcast %broadcast_in_dim3A_62 : vector<1x128xf32> to vector<1000x128xf32>
    %add3A_64 = arith.addf %dot_general3A_57, %add3A_63 : vector<1000x128xf32>
    %max3A_65 = arith.constant 0.000000e+00 : f32
    %max3A_66 = vector.broadcast %max3A_65 : f32 to vector<1000x128xf32>
    %max3A_67 = arith.maximumf %add3A_64, %max3A_66 : vector<1000x128xf32>
    %slice3A_68 = vector.extract_strided_slice %get3A_27 {offsets = [0, 1], sizes = [1000, 1], strides = [1, 1]} : vector<1000x8xf32> to vector<1000x1xf32>
    %squeeze3A_69 = vector.shape_cast %slice3A_68 : vector<1000x1xf32> to vector<1000xf32>
    %broadcast_in_dim3A_70 = vector.shape_cast %squeeze3A_69 : vector<1000xf32> to vector<1000x1xf32>
    %mul3A_71 = vector.broadcast %broadcast_in_dim3A_70 : vector<1000x1xf32> to vector<1000x128xf32>
    %mul3A_72 = arith.mulf %mul3A_71, %max3A_67 : vector<1000x128xf32>
    %add3A_73 = arith.addf %add3A_50, %mul3A_72 : vector<1000x128xf32>
    %get3A_74 = arith.constant 2 : index
    %get3A_75 = arith.constant 0 : index
    %get3A_76 = arith.constant 0 : index
    %get3A_77 = vector.load %arg5[%get3A_74, %get3A_75, %get3A_76] : memref<8x128x128xf32, #tpu.memory_space<vmem>>, vector<1x128x128xf32>
    %get3A_78 = vector.shape_cast %get3A_77 : vector<1x128x128xf32> to vector<128x128xf32>
    %dot_general3A_79 = arith.constant dense<0.000000e+00> : vector<1000x128xf32>
    %dot_general3A_80 = tpu.matmul %div3A_24, %get3A_78, %dot_general3A_79 {dimension_numbers = #tpu.dot_dimension_numbers<[1], [0], [0], [1], [0, 0, 1, 1], [], []>, transpose_lhs_hint = false} : vector<1000x128xf32>, vector<128x128xf32>, vector<1000x128xf32> -> vector<1000x128xf32>
    %get3A_81 = arith.constant 2 : index
    %get3A_82 = arith.constant 0 : index
    %get3A_83 = vector.load %arg6[%get3A_81, %get3A_82] : memref<8x128xf32, #tpu.memory_space<vmem>>, vector<1x128xf32>
    %get3A_84 = vector.shape_cast %get3A_83 : vector<1x128xf32> to vector<128xf32>
    %broadcast_in_dim3A_85 = vector.shape_cast %get3A_84 : vector<128xf32> to vector<1x128xf32>
    %add3A_86 = vector.broadcast %broadcast_in_dim3A_85 : vector<1x128xf32> to vector<1000x128xf32>
    %add3A_87 = arith.addf %dot_general3A_80, %add3A_86 : vector<1000x128xf32>
    %max3A_88 = arith.constant 0.000000e+00 : f32
    %max3A_89 = vector.broadcast %max3A_88 : f32 to vector<1000x128xf32>
    %max3A_90 = arith.maximumf %add3A_87, %max3A_89 : vector<1000x128xf32>
    %slice3A_91 = vector.extract_strided_slice %get3A_27 {offsets = [0, 2], sizes = [1000, 1], strides = [1, 1]} : vector<1000x8xf32> to vector<1000x1xf32>
    %squeeze3A_92 = vector.shape_cast %slice3A_91 : vector<1000x1xf32> to vector<1000xf32>
    %broadcast_in_dim3A_93 = vector.shape_cast %squeeze3A_92 : vector<1000xf32> to vector<1000x1xf32>
    %mul3A_94 = vector.broadcast %broadcast_in_dim3A_93 : vector<1000x1xf32> to vector<1000x128xf32>
    %mul3A_95 = arith.mulf %mul3A_94, %max3A_90 : vector<1000x128xf32>
    %add3A_96 = arith.addf %add3A_73, %mul3A_95 : vector<1000x128xf32>
    %get3A_97 = arith.constant 3 : index
    %get3A_98 = arith.constant 0 : index
    %get3A_99 = arith.constant 0 : index
    %get3A_100 = vector.load %arg5[%get3A_97, %get3A_98, %get3A_99] : memref<8x128x128xf32, #tpu.memory_space<vmem>>, vector<1x128x128xf32>
    %get3A_101 = vector.shape_cast %get3A_100 : vector<1x128x128xf32> to vector<128x128xf32>
    %dot_general3A_102 = arith.constant dense<0.000000e+00> : vector<1000x128xf32>
    %dot_general3A_103 = tpu.matmul %div3A_24, %get3A_101, %dot_general3A_102 {dimension_numbers = #tpu.dot_dimension_numbers<[1], [0], [0], [1], [0, 0, 1, 1], [], []>, transpose_lhs_hint = false} : vector<1000x128xf32>, vector<128x128xf32>, vector<1000x128xf32> -> vector<1000x128xf32>
    %get3A_104 = arith.constant 3 : index
    %get3A_105 = arith.constant 0 : index
    %get3A_106 = vector.load %arg6[%get3A_104, %get3A_105] : memref<8x128xf32, #tpu.memory_space<vmem>>, vector<1x128xf32>
    %get3A_107 = vector.shape_cast %get3A_106 : vector<1x128xf32> to vector<128xf32>
    %broadcast_in_dim3A_108 = vector.shape_cast %get3A_107 : vector<128xf32> to vector<1x128xf32>
    %add3A_109 = vector.broadcast %broadcast_in_dim3A_108 : vector<1x128xf32> to vector<1000x128xf32>
    %add3A_110 = arith.addf %dot_general3A_103, %add3A_109 : vector<1000x128xf32>
    %max3A_111 = arith.constant 0.000000e+00 : f32
    %max3A_112 = vector.broadcast %max3A_111 : f32 to vector<1000x128xf32>
    %max3A_113 = arith.maximumf %add3A_110, %max3A_112 : vector<1000x128xf32>
    %slice3A_114 = vector.extract_strided_slice %get3A_27 {offsets = [0, 3], sizes = [1000, 1], strides = [1, 1]} : vector<1000x8xf32> to vector<1000x1xf32>
    %squeeze3A_115 = vector.shape_cast %slice3A_114 : vector<1000x1xf32> to vector<1000xf32>
    %broadcast_in_dim3A_116 = vector.shape_cast %squeeze3A_115 : vector<1000xf32> to vector<1000x1xf32>
    %mul3A_117 = vector.broadcast %broadcast_in_dim3A_116 : vector<1000x1xf32> to vector<1000x128xf32>
    %mul3A_118 = arith.mulf %mul3A_117, %max3A_113 : vector<1000x128xf32>
    %add3A_119 = arith.addf %add3A_96, %mul3A_118 : vector<1000x128xf32>
    %get3A_120 = arith.constant 4 : index
    %get3A_121 = arith.constant 0 : index
    %get3A_122 = arith.constant 0 : index
    %get3A_123 = vector.load %arg5[%get3A_120, %get3A_121, %get3A_122] : memref<8x128x128xf32, #tpu.memory_space<vmem>>, vector<1x128x128xf32>
    %get3A_124 = vector.shape_cast %get3A_123 : vector<1x128x128xf32> to vector<128x128xf32>
    %dot_general3A_125 = arith.constant dense<0.000000e+00> : vector<1000x128xf32>
    %dot_general3A_126 = tpu.matmul %div3A_24, %get3A_124, %dot_general3A_125 {dimension_numbers = #tpu.dot_dimension_numbers<[1], [0], [0], [1], [0, 0, 1, 1], [], []>, transpose_lhs_hint = false} : vector<1000x128xf32>, vector<128x128xf32>, vector<1000x128xf32> -> vector<1000x128xf32>
    %get3A_127 = arith.constant 4 : index
    %get3A_128 = arith.constant 0 : index
    %get3A_129 = vector.load %arg6[%get3A_127, %get3A_128] : memref<8x128xf32, #tpu.memory_space<vmem>>, vector<1x128xf32>
    %get3A_130 = vector.shape_cast %get3A_129 : vector<1x128xf32> to vector<128xf32>
    %broadcast_in_dim3A_131 = vector.shape_cast %get3A_130 : vector<128xf32> to vector<1x128xf32>
    %add3A_132 = vector.broadcast %broadcast_in_dim3A_131 : vector<1x128xf32> to vector<1000x128xf32>
    %add3A_133 = arith.addf %dot_general3A_126, %add3A_132 : vector<1000x128xf32>
    %max3A_134 = arith.constant 0.000000e+00 : f32
    %max3A_135 = vector.broadcast %max3A_134 : f32 to vector<1000x128xf32>
    %max3A_136 = arith.maximumf %add3A_133, %max3A_135 : vector<1000x128xf32>
    %slice3A_137 = vector.extract_strided_slice %get3A_27 {offsets = [0, 4], sizes = [1000, 1], strides = [1, 1]} : vector<1000x8xf32> to vector<1000x1xf32>
    %squeeze3A_138 = vector.shape_cast %slice3A_137 : vector<1000x1xf32> to vector<1000xf32>
    %broadcast_in_dim3A_139 = vector.shape_cast %squeeze3A_138 : vector<1000xf32> to vector<1000x1xf32>
    %mul3A_140 = vector.broadcast %broadcast_in_dim3A_139 : vector<1000x1xf32> to vector<1000x128xf32>
    %mul3A_141 = arith.mulf %mul3A_140, %max3A_136 : vector<1000x128xf32>
    %add3A_142 = arith.addf %add3A_119, %mul3A_141 : vector<1000x128xf32>
    %get3A_143 = arith.constant 5 : index
    %get3A_144 = arith.constant 0 : index
    %get3A_145 = arith.constant 0 : index
    %get3A_146 = vector.load %arg5[%get3A_143, %get3A_144, %get3A_145] : memref<8x128x128xf32, #tpu.memory_space<vmem>>, vector<1x128x128xf32>
    %get3A_147 = vector.shape_cast %get3A_146 : vector<1x128x128xf32> to vector<128x128xf32>
    %dot_general3A_148 = arith.constant dense<0.000000e+00> : vector<1000x128xf32>
    %dot_general3A_149 = tpu.matmul %div3A_24, %get3A_147, %dot_general3A_148 {dimension_numbers = #tpu.dot_dimension_numbers<[1], [0], [0], [1], [0, 0, 1, 1], [], []>, transpose_lhs_hint = false} : vector<1000x128xf32>, vector<128x128xf32>, vector<1000x128xf32> -> vector<1000x128xf32>
    %get3A_150 = arith.constant 5 : index
    %get3A_151 = arith.constant 0 : index
    %get3A_152 = vector.load %arg6[%get3A_150, %get3A_151] : memref<8x128xf32, #tpu.memory_space<vmem>>, vector<1x128xf32>
    %get3A_153 = vector.shape_cast %get3A_152 : vector<1x128xf32> to vector<128xf32>
    %broadcast_in_dim3A_154 = vector.shape_cast %get3A_153 : vector<128xf32> to vector<1x128xf32>
    %add3A_155 = vector.broadcast %broadcast_in_dim3A_154 : vector<1x128xf32> to vector<1000x128xf32>
    %add3A_156 = arith.addf %dot_general3A_149, %add3A_155 : vector<1000x128xf32>
    %max3A_157 = arith.constant 0.000000e+00 : f32
    %max3A_158 = vector.broadcast %max3A_157 : f32 to vector<1000x128xf32>
    %max3A_159 = arith.maximumf %add3A_156, %max3A_158 : vector<1000x128xf32>
    %slice3A_160 = vector.extract_strided_slice %get3A_27 {offsets = [0, 5], sizes = [1000, 1], strides = [1, 1]} : vector<1000x8xf32> to vector<1000x1xf32>
    %squeeze3A_161 = vector.shape_cast %slice3A_160 : vector<1000x1xf32> to vector<1000xf32>
    %broadcast_in_dim3A_162 = vector.shape_cast %squeeze3A_161 : vector<1000xf32> to vector<1000x1xf32>
    %mul3A_163 = vector.broadcast %broadcast_in_dim3A_162 : vector<1000x1xf32> to vector<1000x128xf32>
    %mul3A_164 = arith.mulf %mul3A_163, %max3A_159 : vector<1000x128xf32>
    %add3A_165 = arith.addf %add3A_142, %mul3A_164 : vector<1000x128xf32>
    %get3A_166 = arith.constant 6 : index
    %get3A_167 = arith.constant 0 : index
    %get3A_168 = arith.constant 0 : index
    %get3A_169 = vector.load %arg5[%get3A_166, %get3A_167, %get3A_168] : memref<8x128x128xf32, #tpu.memory_space<vmem>>, vector<1x128x128xf32>
    %get3A_170 = vector.shape_cast %get3A_169 : vector<1x128x128xf32> to vector<128x128xf32>
    %dot_general3A_171 = arith.constant dense<0.000000e+00> : vector<1000x128xf32>
    %dot_general3A_172 = tpu.matmul %div3A_24, %get3A_170, %dot_general3A_171 {dimension_numbers = #tpu.dot_dimension_numbers<[1], [0], [0], [1], [0, 0, 1, 1], [], []>, transpose_lhs_hint = false} : vector<1000x128xf32>, vector<128x128xf32>, vector<1000x128xf32> -> vector<1000x128xf32>
    %get3A_173 = arith.constant 6 : index
    %get3A_174 = arith.constant 0 : index
    %get3A_175 = vector.load %arg6[%get3A_173, %get3A_174] : memref<8x128xf32, #tpu.memory_space<vmem>>, vector<1x128xf32>
    %get3A_176 = vector.shape_cast %get3A_175 : vector<1x128xf32> to vector<128xf32>
    %broadcast_in_dim3A_177 = vector.shape_cast %get3A_176 : vector<128xf32> to vector<1x128xf32>
    %add3A_178 = vector.broadcast %broadcast_in_dim3A_177 : vector<1x128xf32> to vector<1000x128xf32>
    %add3A_179 = arith.addf %dot_general3A_172, %add3A_178 : vector<1000x128xf32>
    %max3A_180 = arith.constant 0.000000e+00 : f32
    %max3A_181 = vector.broadcast %max3A_180 : f32 to vector<1000x128xf32>
    %max3A_182 = arith.maximumf %add3A_179, %max3A_181 : vector<1000x128xf32>
    %slice3A_183 = vector.extract_strided_slice %get3A_27 {offsets = [0, 6], sizes = [1000, 1], strides = [1, 1]} : vector<1000x8xf32> to vector<1000x1xf32>
    %squeeze3A_184 = vector.shape_cast %slice3A_183 : vector<1000x1xf32> to vector<1000xf32>
    %broadcast_in_dim3A_185 = vector.shape_cast %squeeze3A_184 : vector<1000xf32> to vector<1000x1xf32>
    %mul3A_186 = vector.broadcast %broadcast_in_dim3A_185 : vector<1000x1xf32> to vector<1000x128xf32>
    %mul3A_187 = arith.mulf %mul3A_186, %max3A_182 : vector<1000x128xf32>
    %add3A_188 = arith.addf %add3A_165, %mul3A_187 : vector<1000x128xf32>
    %get3A_189 = arith.constant 7 : index
    %get3A_190 = arith.constant 0 : index
    %get3A_191 = arith.constant 0 : index
    %get3A_192 = vector.load %arg5[%get3A_189, %get3A_190, %get3A_191] : memref<8x128x128xf32, #tpu.memory_space<vmem>>, vector<1x128x128xf32>
    %get3A_193 = vector.shape_cast %get3A_192 : vector<1x128x128xf32> to vector<128x128xf32>
    %dot_general3A_194 = arith.constant dense<0.000000e+00> : vector<1000x128xf32>
    %dot_general3A_195 = tpu.matmul %div3A_24, %get3A_193, %dot_general3A_194 {dimension_numbers = #tpu.dot_dimension_numbers<[1], [0], [0], [1], [0, 0, 1, 1], [], []>, transpose_lhs_hint = false} : vector<1000x128xf32>, vector<128x128xf32>, vector<1000x128xf32> -> vector<1000x128xf32>
    %get3A_196 = arith.constant 7 : index
    %get3A_197 = arith.constant 0 : index
    %get3A_198 = vector.load %arg6[%get3A_196, %get3A_197] : memref<8x128xf32, #tpu.memory_space<vmem>>, vector<1x128xf32>
    %get3A_199 = vector.shape_cast %get3A_198 : vector<1x128xf32> to vector<128xf32>
    %broadcast_in_dim3A_200 = vector.shape_cast %get3A_199 : vector<128xf32> to vector<1x128xf32>
    %add3A_201 = vector.broadcast %broadcast_in_dim3A_200 : vector<1x128xf32> to vector<1000x128xf32>
    %add3A_202 = arith.addf %dot_general3A_195, %add3A_201 : vector<1000x128xf32>
    %max3A_203 = arith.constant 0.000000e+00 : f32
    %max3A_204 = vector.broadcast %max3A_203 : f32 to vector<1000x128xf32>
    %max3A_205 = arith.maximumf %add3A_202, %max3A_204 : vector<1000x128xf32>
    %slice3A_206 = vector.extract_strided_slice %get3A_27 {offsets = [0, 7], sizes = [1000, 1], strides = [1, 1]} : vector<1000x8xf32> to vector<1000x1xf32>
    %squeeze3A_207 = vector.shape_cast %slice3A_206 : vector<1000x1xf32> to vector<1000xf32>
    %broadcast_in_dim3A_208 = vector.shape_cast %squeeze3A_207 : vector<1000xf32> to vector<1000x1xf32>
    %mul3A_209 = vector.broadcast %broadcast_in_dim3A_208 : vector<1000x1xf32> to vector<1000x128xf32>
    %mul3A_210 = arith.mulf %mul3A_209, %max3A_205 : vector<1000x128xf32>
    %add3A_211 = arith.addf %add3A_188, %mul3A_210 : vector<1000x128xf32>
    %get3A_212 = arith.constant 0 : index
    %get3A_213 = arith.constant 0 : index
    %get3A_214 = vector.load %arg7[%get3A_212, %get3A_213] : memref<128x64xf32, #tpu.memory_space<vmem>>, vector<128x64xf32>
    %dot_general3A_215 = arith.constant dense<0.000000e+00> : vector<1000x64xf32>
    %dot_general3A_216 = tpu.matmul %add3A_211, %get3A_214, %dot_general3A_215 {dimension_numbers = #tpu.dot_dimension_numbers<[1], [0], [0], [1], [0, 0, 1, 1], [], []>, transpose_lhs_hint = false} : vector<1000x128xf32>, vector<128x64xf32>, vector<1000x64xf32> -> vector<1000x64xf32>
    %get3A_217 = arith.constant 0 : index
    %get3A_218 = arith.constant 0 : index
    %get3A_219 = vector.load %arg8[%get3A_217, %get3A_218] : memref<1x64xf32, #tpu.memory_space<vmem>>, vector<1x64xf32>
    %add3A_220 = vector.broadcast %get3A_219 : vector<1x64xf32> to vector<1000x64xf32>
    %add3A_221 = arith.addf %dot_general3A_216, %add3A_220 : vector<1000x64xf32>
    %swap3A = arith.constant 0 : index
    %swap3A_222 = arith.constant 0 : index
    %swap3A_223 = vector.load %arg9[%swap3A, %swap3A_222] : memref<1000x64xf32, #tpu.memory_space<vmem>>, vector<1000x64xf32>
    tpu.vector_store %arg9[%swap3A, %swap3A_222], %add3A_221 {strides = array<i32>} : memref<1000x64xf32, #tpu.memory_space<vmem>>, vector<1000x64xf32>,
    %eq3A = arith.constant 0 : i32
    %eq3A_224 = arith.cmpi eq, %arg0, %eq3A : i32
    %convert_element_type3A = arith.extui %eq3A_224 : i1 to i32
    %cond3A = arith.constant 0 : i32
    %cond3A_225 = arith.cmpi ne, %convert_element_type3A, %cond3A : i32
    scf.if %cond3A_225 {
      %get3A_226 = arith.constant 0 : index
      %get3A_227 = arith.constant 0 : index
      %get3A_228 = vector.load %arg4[%get3A_226, %get3A_227] : memref<2x8xf32, #tpu.memory_space<vmem>>, vector<2x8xf32>
      %slice3A_229 = vector.extract_strided_slice %get3A_228 {offsets = [0, 0], sizes = [1, 8], strides = [1, 1]} : vector<2x8xf32> to vector<1x8xf32>
      %squeeze3A_230 = vector.shape_cast %slice3A_229 : vector<1x8xf32> to vector<8xf32>
      %reduce_sum3A = vector.shape_cast %squeeze3A_230 : vector<8xf32> to vector<1x8xf32>
      %reduce_sum3A_231 = arith.constant dense<0.000000e+00> : vector<1xf32>
      %reduce_sum3A_232 = vector.multi_reduction <add>, %reduce_sum3A, %reduce_sum3A_231 [1] : vector<1x8xf32> to vector<1xf32>
      %reduce_sum3A_233 = vector.shape_cast %reduce_sum3A_232 : vector<1xf32> to vector<1x1xf32>
      %reduce_sum3A_234 = vector.extract %reduce_sum3A_233[0, 0] : f32 from vector<1x1xf32>
      %div3A_235 = arith.constant 8.000000e+00 : f32
      %div3A_236 = arith.divf %reduce_sum3A_234, %div3A_235 : f32
      %sub3A = vector.broadcast %div3A_236 : f32 to vector<8xf32>
      %sub3A_237 = arith.subf %squeeze3A_230, %sub3A : vector<8xf32>
      %integer_pow3A = arith.mulf %sub3A_237, %sub3A_237 : vector<8xf32>
      %reduce_sum3A_238 = vector.shape_cast %integer_pow3A : vector<8xf32> to vector<1x8xf32>
      %reduce_sum3A_239 = arith.constant dense<0.000000e+00> : vector<1xf32>
      %reduce_sum3A_240 = vector.multi_reduction <add>, %reduce_sum3A_238, %reduce_sum3A_239 [1] : vector<1x8xf32> to vector<1xf32>
      %reduce_sum3A_241 = vector.shape_cast %reduce_sum3A_240 : vector<1xf32> to vector<1x1xf32>
      %reduce_sum3A_242 = vector.extract %reduce_sum3A_241[0, 0] : f32 from vector<1x1xf32>
      %div3A_243 = arith.constant 7.000000e+00 : f32
      %div3A_244 = arith.divf %reduce_sum3A_242, %div3A_243 : f32
      %mul3A_245 = arith.mulf %div3A_236, %div3A_236 : f32
      %add3A_246 = arith.constant 1.000000e-10 : f32
      %add3A_247 = arith.addf %mul3A_245, %add3A_246 : f32
      %div3A_248 = arith.divf %div3A_244, %add3A_247 : f32
      %slice3A_249 = vector.extract_strided_slice %get3A_228 {offsets = [1, 0], sizes = [1, 8], strides = [1, 1]} : vector<2x8xf32> to vector<1x8xf32>
      %squeeze3A_250 = vector.shape_cast %slice3A_249 : vector<1x8xf32> to vector<8xf32>
      %reduce_sum3A_251 = vector.shape_cast %squeeze3A_250 : vector<8xf32> to vector<1x8xf32>
      %reduce_sum3A_252 = arith.constant dense<0.000000e+00> : vector<1xf32>
      %reduce_sum3A_253 = vector.multi_reduction <add>, %reduce_sum3A_251, %reduce_sum3A_252 [1] : vector<1x8xf32> to vector<1xf32>
      %reduce_sum3A_254 = vector.shape_cast %reduce_sum3A_253 : vector<1xf32> to vector<1x1xf32>
      %reduce_sum3A_255 = vector.extract %reduce_sum3A_254[0, 0] : f32 from vector<1x1xf32>
      %div3A_256 = arith.constant 8.000000e+00 : f32
      %div3A_257 = arith.divf %reduce_sum3A_255, %div3A_256 : f32
      %sub3A_258 = vector.broadcast %div3A_257 : f32 to vector<8xf32>
      %sub3A_259 = arith.subf %squeeze3A_250, %sub3A_258 : vector<8xf32>
      %integer_pow3A_260 = arith.mulf %sub3A_259, %sub3A_259 : vector<8xf32>
      %reduce_sum3A_261 = vector.shape_cast %integer_pow3A_260 : vector<8xf32> to vector<1x8xf32>
      %reduce_sum3A_262 = arith.constant dense<0.000000e+00> : vector<1xf32>
      %reduce_sum3A_263 = vector.multi_reduction <add>, %reduce_sum3A_261, %reduce_sum3A_262 [1] : vector<1x8xf32> to vector<1xf32>
      %reduce_sum3A_264 = vector.shape_cast %reduce_sum3A_263 : vector<1xf32> to vector<1x1xf32>
      %reduce_sum3A_265 = vector.extract %reduce_sum3A_264[0, 0] : f32 from vector<1x1xf32>
      %div3A_266 = arith.constant 7.000000e+00 : f32
      %div3A_267 = arith.divf %reduce_sum3A_265, %div3A_266 : f32
      %mul3A_268 = arith.mulf %div3A_257, %div3A_257 : f32
      %add3A_269 = arith.constant 1.000000e-10 : f32
      %add3A_270 = arith.addf %mul3A_268, %add3A_269 : f32
      %div3A_271 = arith.divf %div3A_267, %add3A_270 : f32
      %add3A_272 = arith.addf %div3A_248, %div3A_271 : f32
      %mul3A_273 = arith.constant 0.00999999977 : f32
      %mul3A_274 = arith.mulf %mul3A_273, %add3A_272 : f32
      %reshape3A = vector.broadcast %mul3A_274 : f32 to vector<1x1xf32>
      %swap3A_275 = arith.constant 0 : index
      %swap3A_276 = arith.constant 0 : index
      %swap3A_277 = vector.load %arg10[%swap3A_275, %swap3A_276] : memref<1x1xf32, #tpu.memory_space<vmem>>, vector<1x1xf32>
      tpu.vector_store %arg10[%swap3A_275, %swap3A_276], %reshape3A {strides = array<i32>} : memref<1x1xf32, #tpu.memory_space<vmem>>, vector<1x1xf32>,
    } else {
    }
    return
  }
  func.func @transform_0(%arg0: i32) -> (i32, i32, i32, i32) {
    %c0_i32 = arith.constant 0 : i32
    %c0_i32_0 = arith.constant 0 : i32
    %c0_i32_1 = arith.constant 0 : i32
    %c0_i32_2 = arith.constant 0 : i32
    return %c0_i32, %c0_i32_0, %arg0, %c0_i32_1 : i32, i32, i32, i32
  }
  func.func @transform_1(%arg0: i32) -> (i32, i32, i32) {
    %c0_i32 = arith.constant 0 : i32
    %c0_i32_0 = arith.constant 0 : i32
    %c0_i32_1 = arith.constant 0 : i32
    return %c0_i32, %arg0, %c0_i32_0 : i32, i32, i32
  }
  func.func @transform_2(%arg0: i32) -> (i32, i32) {
    %c0_i32 = arith.constant 0 : i32
    %c0_i32_0 = arith.constant 0 : i32
    return %arg0, %c0_i32 : i32, i32
  }
  func.func @transform_3(%arg0: i32) -> (i32, i32) {
    %c0_i32 = arith.constant 0 : i32
    %c0_i32_0 = arith.constant 0 : i32
    %c0_i32_1 = arith.constant 0 : i32
    return %c0_i32, %c0_i32_0 : i32, i32
  }
  func.func @transform_4(%arg0: i32) -> (i32, i32, i32) {
    %c0_i32 = arith.constant 0 : i32
    %c0_i32_0 = arith.constant 0 : i32
    %c0_i32_1 = arith.constant 0 : i32
    %c0_i32_2 = arith.constant 0 : i32
    return %c0_i32, %c0_i32_0, %c0_i32_1 : i32, i32, i32
  }
  func.func @transform_5(%arg0: i32) -> (i32, i32) {
    %c0_i32 = arith.constant 0 : i32
    %c0_i32_0 = arith.constant 0 : i32
    %c0_i32_1 = arith.constant 0 : i32
    return %c0_i32, %c0_i32_0 : i32, i32
  }
  func.func @transform_6(%arg0: i32) -> (i32, i32) {
    %c0_i32 = arith.constant 0 : i32
    %c0_i32_0 = arith.constant 0 : i32
    %c0_i32_1 = arith.constant 0 : i32
    return %c0_i32, %c0_i32_0 : i32, i32
  }
  func.func @transform_7(%arg0: i32) -> (i32, i32) {
    %c0_i32 = arith.constant 0 : i32
    %c0_i32_0 = arith.constant 0 : i32
    %c0_i32_1 = arith.constant 0 : i32
    return %c0_i32, %c0_i32_0 : i32, i32
  }
  func.func @transform_8(%arg0: i32) -> (i32, i32) {
    %c0_i32 = arith.constant 0 : i32
    %c0_i32_0 = arith.constant 0 : i32
    return %arg0, %c0_i32 : i32, i32
  }
  func.func @transform_9(%arg0: i32) -> (i32, i32) {
    %c0_i32 = arith.constant 0 : i32
    %c0_i32_0 = arith.constant 0 : i32
    %c0_i32_1 = arith.constant 0 : i32
    return %c0_i32, %c0_i32_0 : i32, i32
  }
}

</mosaic_0001>

<sc_bundles>
// kernel: kernel.6.cloned.1.call-start
scs
__scs_entry_jumppad:
0x0: {  	(pc) =	sbr.rel $0x88, $3  }
0x1: {  	(tag) =	ssettag $0x0;
	lr =	simm.s32 $0x1  }
0x2: {  	[smem:$0x3F96] =	sst lr;
	_ =	strace $0xD0000000  }
0x3: {  	_ = 	snop  }
0x4: {  	_ = 	snop  }
0x5: {  	_ = 	snop  }
0x6: {  	_ = 	snop  }
0x7: {  	_ = 	snop  }
__scs_overlays_trampoline_lowered:
0x8: {  	[smem:$0x3FA5] =	sst s0  }
0x9: {  	[smem:$0x3FA6] =	sst s1  }
0xa: {  	[smem:$0x3FA7] =	sst s2  }
0xb: {  	[smem:$0x3FA8] =	sst s3  }
0xc: {  	[smem:$0x3FA9] =	sst s4  }
0xd: {  	[smem:$0x3FAA] =	sst s5  }
0xe: {  	[smem:$0x3FAB] =	sst s6  }
0xf: {  	[smem:$0x3FAC] =	sst s7  }
0x10: {  	[smem:$0x3FAD] =	sst s8  }
0x11: {  	[smem:$0x3FAE] =	sst s9;
	s0 =	simm.s32 @!p0 $0x0  }
0x12: {  	s1 =	sld [smem:$0x3F94];
	s0 =	simm.s32 @p0 $0x1  }
0x13: {  	[smem:$0x3FAF] =	sst s0;
	s0 =	simm.s32 @!p1 $0x0  }
0x14: {  	s2 =	sld [smem:$0x3F93];
	s0 =	simm.s32 @p1 $0x1  }
0x15: {  	[smem:$0x3FB0] =	sst s0;
	s0 =	simm.s32 @!p2 $0x0  }
0x16: {  	s3 =	sld [smem:$0x3FDB];
	s0 =	simm.s32 @p2 $0x1  }
0x17: {  	s4 =	simm.s32 $0x1BF5;
	[smem:$0x3FB2] =	sst s0  }
0x18: {  	s0 =	sld [smem:$0x3F95];
	_ =	swait.ge [sflag:s4], $0x0  }
0x19: {  	s7 =	sld [smem:$0x3F96]  }
0x1a: {  	s8 =	sadd.s32 $0xFFFFE003, lr  }
0x1b: {  	s9 =	sadd.s32 $0xFFFFFEF7, lr;
	s5 =	simm.s32 $0xFFFFFFFF;
	p2 =	slt.u32 s8, $0xFFFFF086  }
0x1c: {  	p1 =	slt.u32 s9, $0xF7A;
	s5 =	simm.s32 @!p2 $0x0  }
0x1d: {  	s5 =	simm.s32 @p1 $0x1;
	p0 =	seq.s32 s7, s2  }
0x1e: {  	s7 =	smul.u32 @!p0 $0xF7A, s2;
	p2 =	seq.s32 @!p0 s5, $0x0  }
0x1f: {  	s9 =	smul.u32 $0xF7A, s1;
	s8 =	simm.s32 @!p0 $0x1BF5;
	p2 =	por !p2, p0  }
0x20: {  	[sflag:s8] =	ssyncset.s32 @!p0 $0xFFFFF086;
	s6 =	sadd.s32 @!p0 s3, s7;
	s7 =	simm.s32 @!p0 $0x108  }
0x21: {  	s3 =	sadd.s32 s3, s9;
	s6 =	sadd.s32 @!p0 $0x88, s6;
	s7 =	simm.s32 @p2 $0x1082  }
0x22: {  	[simem:s7], [sflag:s8] =	dma.local @!p0 [hbm:s6], $0xF7A  }
0x23: {  	s9 =	sor.u32 $0xD0000000, s2;
	s6 =	simm.s32 $0x108;
	_ =	swait.ge @!p0 [sflag:s8], $0x0  }
0x24: {  	s3 =	sadd.s32 $0x88, s3;
	s6 =	simm.s32 @!p1 $0x1082;
	[sflag:s4] =	ssyncset.s32 $0xFFFFF086  }
0x25: {  	[simem:s6], [sflag:s4] =	dma.local [hbm:s3], $0xF7A  }
0x26: {  	[smem:$0x3F96] =	sst s1;
	(tag) =	ssettag s2;
	_ =	strace s9  }
0x27: {  	s1 =	sld [smem:$0x3FA6]  }
0x28: {  	s2 =	sld [smem:$0x3FA7]  }
0x29: {  	s4 =	sld [smem:$0x3FA9]  }
0x2a: {  	p0 =	seq.s32 s5, $0x0;
	s5 =	sld [smem:$0x3FAA]  }
0x2b: {  	s6 =	sld [smem:$0x3FAB]  }
0x2c: {  	s7 =	sld [smem:$0x3FAC]  }
0x2d: {  	s3 =	simm.s32 $0x108;
	s8 =	sld [smem:$0x3FAD]  }
0x2e: {  	s3 =	simm.s32 @!p0 $0x1082;
	s9 =	sld [smem:$0x3FAE]  }
0x2f: {  	lr =	sadd.s32 s0, s3;
	s0 =	sld [smem:$0x3FA5]  }
0x30: {  	s3 =	sld [smem:$0x3FA8]  }
0x31: {  	[smem:$0x3FB1] =	sst s10  }
0x32: {  	s10 =	sld [smem:$0x3FAF];
	_ =	sdelay $0x3  }
0x33: {  	p0 =	seq.s32 s10, $0x1;
	s10 =	sld [smem:$0x3FB1];
	_ =	sdelay $0x3  }
0x34: {  	[smem:$0x3FB1] =	sst s10  }
0x35: {  	s10 =	sld [smem:$0x3FB0];
	_ =	sdelay $0x3  }
0x36: {  	p1 =	seq.s32 s10, $0x1;
	s10 =	sld [smem:$0x3FB1];
	_ =	sdelay $0x3  }
0x37: {  	[smem:$0x3FB1] =	sst s10  }
0x38: {  	s10 =	sld [smem:$0x3FB2]  }
0x39: {  	_ = 	snop;
	(pc) =	sbr.ind lr, $3  }
0x3a: {  	_ = 	snop  }
0x3b: {  	_ = 	snop  }
0x3c: {  	p2 =	seq.s32 s10, $0x1;
	s10 =	sld [smem:$0x3FB1]  }
0x3d: {  	_ =	shalt  }
0x3e: {  	_ =	shalt  }
0x3f: {  	_ =	shalt  }
0x40: {  	_ =	shalt  }
0x41: {  	_ =	shalt  }
0x42: {  	_ =	shalt  }
0x43: {  	_ =	shalt  }
0x44: {  	_ =	shalt  }
0x45: {  	_ =	shalt  }
0x46: {  	_ =	shalt  }
0x47: {  	_ =	shalt  }
0x48: {  	_ =	shalt  }
0x49: {  	_ =	shalt  }
0x4a: {  	_ =	shalt  }
0x4b: {  	_ =	shalt  }
0x4c: {  	_ =	shalt  }
0x4d: {  	_ =	shalt  }
0x4e: {  	_ =	shalt  }
0x4f: {  	_ =	shalt  }
0x50: {  	_ =	shalt  }
0x51: {  	_ =	shalt  }
0x52: {  	_ =	shalt  }
0x53: {  	_ =	shalt  }
0x54: {  	_ =	shalt  }
0x55: {  	_ =	shalt  }
0x56: {  	_ =	shalt  }
0x57: {  	_ =	shalt  }
0x58: {  	_ =	shalt  }
0x59: {  	_ =	shalt  }
0x5a: {  	_ =	shalt  }
0x5b: {  	_ =	shalt  }
0x5c: {  	_ =	shalt  }
0x5d: {  	_ =	shalt  }
0x5e: {  	_ =	shalt  }
0x5f: {  	_ =	shalt  }
0x60: {  	_ =	shalt  }
0x61: {  	_ =	shalt  }
0x62: {  	_ =	shalt  }
0x63: {  	_ =	shalt  }
0x64: {  	_ =	shalt  }
0x65: {  	_ =	shalt  }
0x66: {  	_ =	shalt  }
0x67: {  	_ =	shalt  }
0x68: {  	_ =	shalt  }
0x69: {  	_ =	shalt  }
0x6a: {  	_ =	shalt  }
0x6b: {  	_ =	shalt  }
0x6c: {  	_ =	shalt  }
0x6d: {  	_ =	shalt  }
0x6e: {  	_ =	shalt  }
0x6f: {  	_ =	shalt  }
0x70: {  	_ =	shalt  }
0x71: {  	_ =	shalt  }
0x72: {  	_ =	shalt  }
0x73: {  	_ =	shalt  }
0x74: {  	_ =	shalt  }
0x75: {  	_ =	shalt  }
0x76: {  	_ =	shalt  }
0x77: {  	_ =	shalt  }
0x78: {  	_ =	shalt  }
0x79: {  	_ =	shalt  }
0x7a: {  	_ =	shalt  }
0x7b: {  	_ =	shalt  }
0x7c: {  	_ =	shalt  }
0x7d: {  	_ =	shalt  }
0x7e: {  	_ =	shalt  }
0x7f: {  	_ =	shalt  }
0x80: {  	_ =	shalt  }
0x81: {  	_ =	shalt  }
0x82: {  	_ =	shalt  }
0x83: {  	_ =	shalt  }
0x84: {  	_ =	shalt  }
0x85: {  	_ =	shalt  }
0x86: {  	_ =	shalt  }
0x87: {  	_ =	shalt  }
.Lfunc_end0:
.L_simem_size_0:
called_computation_lowered:
.L_overlay_start_0:
0x88: {  	s2 =	sld [smem:$0x3FD9]  }
0x89: {  	s3 =	sld [smem:$0x3FFE];
	_ =	sdelay $0x1  }
0x8a: {  	s1 =	srdreg.scid  }
0x8b: {  	s0 =	sand.u32 $0x1, s1  }
0x8c: {  	s14 =	sshll.u32 s0, $0xA;
	s2 =	sadd.s32 s3, s2  }
0x8d: {  	s2 =	sadd.s32 s2, s14  }
0x8e: {  	[smem:$0x3FBD] =	sst s2  }
0x8f: {  	_ = 	snop  }
0x90: {  	s2 =	sld [smem:$0x3FD0];
	_ =	sdelay $0x2  }
0x91: {  	s15 =	simm.s32 $0xA;
	s4 =	simm.s32 $0x10  }
0x92: {  	[smem:s4], [sflag:s15] =	dma.local [hbm:s2], $0x1  }
0x93: {  	_ =	swait.eq [sflag:s15], $0x1  }
0x94: {  	[sflag:s15] =	ssyncset.done $0x0  }
0x95: {  	[sflag:s15] =	ssyncadd.s32 $0xFFFFFFFF  }
0x96: {  	s16 =	sld [smem:$0x10];
	(tm) =	ssettm $0x1  }
0x97: {  	s17 =	sld [smem:$0x3FFB];
	_ =	sdelay $0x3  }
0x98: {  	_ =	strace s17  }
0x99: {  	s3 =	sld [smem:$0x3FFC];
	_ =	sdelay $0x3  }
0x9a: {  	_ =	strace s3  }
0x9b: {  	s3 =	sld [smem:$0x3FFD];
	_ =	sdelay $0x3  }
0x9c: {  	_ =	strace s3  }
0x9d: {  	_ =	strace $0x8FFFFFFF  }
0x9e: {  	s18 =	sld [smem:$0x3FDB];
	_ =	sdelay $0x1  }
0x9f: {  	s19 =	simm.s32 $_scs_section_size  }
0xa0: {  	s5 =	simm.s32 $_size__tile_overlayer_lowered;
	s6 =	simm.s32 $_tile_overlayer_lowered  }
0xa1: {  	s22 =	simm.s32 $0x1BFF;
	s21 =	sshll.u32 s6, $0x1;
	s3 =	sadd.s32 s19, s18  }
0xa2: {  	s7 =	simm.s32 $0x0;
	s20 =	sshll.u32 s5, $0x1;
	s5 =	sadd.s32 s21, s3  }
0xa3: {  	[timem:s7], [sflag:s22] =	dma.local [hbm:s5], s20  }
0xa4: {  	_ =	swait.ge [sflag:s22], s20  }
0xa5: {  	s4 =	ssub.s32 $0x0, s20;
	[sflag:s22] =	ssyncset.done $0x0  }
0xa6: {  	[sflag:s22] =	ssyncadd.s32 s4;
	_ =	sdelay $0x1  }
0xa7: {  	s23 =	simm.s32 $0x1B8B  }
0xa8: {  	_ =	swait.ge [sflag:s23], $0x1  }
0xa9: {  	[sflag:s23] =	ssyncset.done $0x0  }
0xaa: {  	s25 =	simm.s32 $0x1B8E;
	s24 =	sld [smem:$0x3FFE];
	[sflag:s23] =	ssyncadd.s32 $0xFFFFFFFF  }
0xab: {  	s26 =	simm.s32 $execute0_lowered;
	[smem:$0x3FD2] =	sst s25  }
0xac: {  	s5 =	sshll.u32 s26, $0x1;
	_ =	strace $0x80000046;
	[dreg:$0x1] =	wrdreg $0xFFFFFFFF  }
0xad: {  	s28 =	simm.s32 $_size_execute0_lowered;
	s3 =	sadd.s32 s3, s5;
	[dreg:$0x0] =	wrdreg $0x0  }
0xae: {  	s5 =	sshll.u32 s28, $0x1;
	[dreg:$0x2] =	wrdreg s3  }
0xaf: {  	[dreg:$0x3] =	wrdreg s5  }
0xb0: {  	[dreg:$0x4] =	wrdreg $0xC0  }
0xb1: {  	_ =	task [dreg:s7], $0x5FFFF  }
0xb2: {  	[dreg:$0x1] =	wrdreg $0xFFFFFFFF  }
0xb3: {  	[dreg:$0x0] =	wrdreg $0x60  }
0xb4: {  	[dreg:$0x2] =	wrdreg s24  }
0xb5: {  	[dreg:$0x3] =	wrdreg s16  }
0xb6: {  	[dreg:$0x4] =	wrdreg $0xF3200  }
0xb7: {  	[dreg:$0x5] =	wrdreg $0x193200  }
0xb8: {  	[dreg:$0x6] =	wrdreg $0x9  }
0xb9: {  	_ =	task.clear_ibuf [dreg:s7], $0x7FFFF;
	_ =	strace $0x90000046  }
0xba: {  	s29 =	simm.s32 $0x9;
	_ =	strace $0x80000048  }
0xbb: {  	_ =	swait.ge [sflag:s29], $0x1  }
0xbc: {  	[sflag:s29] =	ssyncadd.s32 $0xFFFFFFFF  }
0xbd: {  	_ =	strace $0x90000048  }
0xbe: {  	_ =	sfence  }
0xbf: {  	s30 =	sld [smem:$0x0];
	_ =	sdelay $0x2  }
0xc0: {  	s31 =	sshll.u32 s1, $0xD;
	s1 =	sshrl.u32 s1, $0x2  }
0xc1: {  	s3 =	sand.u32 $0x4000, s31;
	s1 =	sadd.s32 s1, s30  }
0xc2: {  	s0 =	sor.u32 s3, s0;
	s1 =	sshll.u32 s1, $0x11  }
0xc3: {  	s0 =	sor.u32 s1, s0  }
0xc4: {  	s0 =	sadd.s32 $0x8F2B, s0  }
0xc5: {  	[sflag:s0] =	ssyncadd.remote.s32 $0x1  }
0xc6: {  	_ =	sfence.sel $0xFFFF  }
0xc7: {  	[dreg:$0x0] =	wrdreg $0xFFFFFFFF;
	(pc) =	sbr.abs _section_cstart, $3  }
0xc8: {  	[dreg:$0x1] =	wrdreg $0xFFFFFFFF  }
0xc9: {  	_ =	task.clear_ibuf [dreg:s7], $0x2FFFF;
	_ =	strace $0x9FFFFFFF  }
0xca: {  	(tm) =	ssettm $0x7FFFFFFF  }
0xcb: {  	_ =	shalt  }
tec
execute0_lowered:
.L_overlay_start_1:
0x0: {  	(tag) =	ssettag $0x1  }
0x1: {  	s0 =	rddreg [dreg:$0x0]  }
0x2: {  	s2 =	rddreg [dreg:$0x1]  }
0x3: {  	s1 =	rddreg [dreg:$0x2]  }
0x4: {  	s3 =	rddreg [dreg:$0x3];
	s5 =	simm.s32 $0x0  }
0x5: {  	s4 =	srdreg.scid;
	s12 =	stileid.u32;
	s31 =	simm.s32 $0x9E20  }
0x6: {  	s28 =	simm.s32 $0x3;
	s30 =	simm.s32 $0xB;
	[smem:$0x7FF] =	sst s5  }
0x7: {  	s4 =	sand.u32 $0x1, s4;
	s6 =	smul.u32 $0xA000, s12;
	s5 =	sadd.s32 $0x50800, s0  }
0x8: {  	s8 =	sadd.s32 $0x77A00, s0;
	s14 =	smul.u32 $0x2800, s12;
	s11 =	sadd.s32 $0x78E00, s0  }
0x9: {  	s15 =	sadd.s32 $0x79400, s0;
	s13 =	sadd.s32 $0x64080, s0;
	s25 =	sshll.u32 s12, $0x6  }
0xa: {  	_ =	strace $0x80000047;
	s7 =	smul.u32 $0xA0000, s4;
	[dreg:$0x5] =	wrdreg s8  }
0xb: {  	s9 =	sshll.u32 s4, $0x4;
	s10 =	smul.u32 $0x28000, s4;
	[dreg:$0x6] =	wrdreg s11  }
0xc: {  	[dreg:$0x7] =	wrdreg s15;
	s4 =	ssub.s32 $0x2, s4;
	s11 =	simm.s32 $0x1  }
0xd: {  	s15 =	simm.s32 $0x4;
	s8 =	simm.s32 $0x6;
	s9 =	sor.u32 s12, s9  }
0xe: {  	s16 =	sshrl.u32 s4, $0x1;
	s19 =	sadd.s32 s6, s1;
	s20 =	sadd.s32 s14, s3  }
0xf: {  	s12 =	simm.s32 $0x9;
	s7 =	sadd.s32 s6, s7;
	s9 =	smul.u32 $0x2710, s9  }
0x10: {  	s10 =	sadd.s32 s14, s10;
	s17 =	ssub.s32 s4, s16;
	s16 =	simm.s32 $0xEE20  }
0x11: {  	s29 =	sshrl.u32 s19, $0x3;
	s26 =	sshrl.u32 s20, $0x3;
	s14 =	simm.s32 $0xA  }
0x12: {  	s4 =	simm.s32 $0x7;
	s6 =	simm.s32 $0xE;
	s20 =	simm.s32 $0xF  }
0x13: {  	s19 =	simm.s32 $0x10;
	s7 =	sshrl.u32 s7, $0x3;
	s10 =	sshrl.u32 s10, $0x3  }
0x14: {  	s24 =	smax.u32 s17, $0x1;
	[dreg:$0x10] =	wrdreg s26;
	s26 =	simm.s32 $0x0  }
0x15: {  	[dreg:$0xf] =	wrdreg s29;
	s7 =	sadd.s32 s7, s0;
	s9 =	sshrl.u32 s9, $0x3  }
0x16: {  	s10 =	sadd.s32 s10, s0;
	[dreg:$0xd] =	wrdreg s24;
	s24 =	simm.s32 $0x11  }
0x17: {  	s0 =	simm.s32 $0x5;
	s9 =	sadd.s32 s2, s9;
	s21 =	sadd.s32 $0x79600, s7  }
0x18: {  	s22 =	sadd.s32 $0xC9600, s10;
	s23 =	sadd.s32 $0xA1600, s7;
	[dreg:$0x8] =	wrdreg s9  }
0x19: {  	s2 =	simm.s32 $0xB220;
	s7 =	simm.s32 $0xC620;
	[dreg:$0xa] =	wrdreg s21  }
0x1a: {  	s10 =	simm.s32 $0xDA20;
	s18 =	sadd.s32 $0x9C40, s9;
	[dreg:$0xb] =	wrdreg s22  }
0x1b: {  	[dreg:$0xc] =	wrdreg s23;
	s23 =	sor.u32 $0x1C11, s25;
	s22 =	simm.s32 $0x50  }
0x1c: {  	s25 =	simm.s32 $0x2;
	s9 =	simm.s32 $0xD;
	[dreg:$0x9] =	wrdreg s18  }
0x1d: {  	s21 =	simm.s32 $0x8;
	s18 =	simm.s32 $0xC;
	[dreg:$0xe] =	wrdreg s23  }
.LBB2_1:
0x1e: {  	[dreg:$0x11] =	wrdreg s26  }
0x1f: {  	s17 =	simm.s32 $0x0;
	s23 =	rddreg [dreg:$0x7]  }
0x20: {  	[tilespmem:s16], [sflag:$0x11] =	stream.linear.gather [hbm4b:s23+s17], $0x500, $0x38;
	[tilespmem:$0x1BB20] =	vst v63  }
0x21: {  	_ =	swait.ge [sflag:s24], $0x500  }
0x22: {  	[sflag:s24] =	ssyncset.done $0x0  }
0x23: {  	s26 =	rddreg [dreg:$0x8];
	[sflag:s24] =	ssyncadd.s32 $0xFFFFFB00  }
0x24: {  	[tilespmem:s17], [sflag:$0x11] =	stream.linear.gather [hbm4b:s26+s17], $0x2710, $0x38;
	[tilespmem:$0x1BB20] =	vst v63  }
0x25: {  	_ =	swait.ge [sflag:s24], $0x2710  }
0x26: {  	s17 =	simm.s32 $0x2710;
	[sflag:s24] =	ssyncset.done $0x0  }
0x27: {  	s26 =	simm.s32 $0x0;
	s23 =	rddreg [dreg:$0x9];
	[sflag:s24] =	ssyncadd.s32 $0xFFFFD8F0  }
0x28: {  	[tilespmem:s17], [sflag:$0x11] =	stream.linear.gather [hbm4b:s23+s26], $0x2710, $0x38;
	[tilespmem:$0x1BB20] =	vst v63  }
0x29: {  	_ =	swait.ge [sflag:s24], $0x2710  }
0x2a: {  	[sflag:s24] =	ssyncset.done $0x0;
	s17 =	rddreg [dreg:$0x5]  }
0x2b: {  	s26 =	rddreg [dreg:$0xe];
	[sflag:s24] =	ssyncadd.s32 $0xFFFFD8F0  }
0x2c: {  	[spmem:s29], [sflag:s26] =	dma.local [hbm:s17], $0x1400  }
0x2d: {  	_ =	swait.ge [sflag:s24], $0x1400  }
0x2e: {  	[sflag:s24] =	ssyncset.done $0x0;
	s17 =	rddreg [dreg:$0x6]  }
0x2f: {  	s29 =	rddreg [dreg:$0x10];
	[sflag:s24] =	ssyncadd.s32 $0xFFFFEC00  }
0x30: {  	[spmem:s29], [sflag:s26] =	dma.local [hbm:s17], $0x500  }
0x31: {  	_ =	swait.ge [sflag:s24], $0x500  }
0x32: {  	[sflag:s24] =	ssyncset.done $0x0  }
0x33: {  	[sflag:s24] =	ssyncadd.s32 $0xFFFFFB00  }
0x34: {  	s23 =	simm.s32 $0x4E20;
	s26 =	simm.s32 $0x0;
	[bflag:$0x0] =	sbarrier.arrive $0xFFFF  }
0x35: {  	[tilespmem:s23], [sflag:$0x1] =	stream.indirect.gather [hbm4b:s5+s22], $0x40, s26, s22, $0xb8;
	[tilespmem:$0x1BB20] =	vst v63  }
0x36: {  	s24 =	simm.s32 $0x6220  }
0x37: {  	[tilespmem:s24], [sflag:$0x2] =	stream.indirect.gather [hbm4b:s5+s22], $0x40, s22, s22, $0xb8;
	[tilespmem:$0x1BB20] =	vst v63  }
0x38: {  	s29 =	simm.s32 $0xA0;
	s26 =	simm.s32 $0x7620  }
0x39: {  	[tilespmem:s26], [sflag:$0x3] =	stream.indirect.gather [hbm4b:s5+s22], $0x40, s29, s22, $0xb8;
	[tilespmem:$0x1BB20] =	vst v63  }
0x3a: {  	s17 =	simm.s32 $0xF0;
	s29 =	simm.s32 $0x8A20  }
0x3b: {  	[tilespmem:s29], [sflag:$0x4] =	stream.indirect.gather [hbm4b:s5+s22], $0x40, s17, s22, $0xb8;
	[tilespmem:$0x1BB20] =	vst v63  }
0x3c: {  	s17 =	simm.s32 $0x140  }
0x3d: {  	[tilespmem:s31], [sflag:$0x5] =	stream.indirect.gather [hbm4b:s5+s22], $0x40, s17, s22, $0xb8;
	[tilespmem:$0x1BB20] =	vst v63  }
0x3e: {  	s17 =	simm.s32 $0x190  }
0x3f: {  	[tilespmem:s2], [sflag:$0x6] =	stream.indirect.gather [hbm4b:s5+s22], $0x40, s17, s22, $0xb8;
	[tilespmem:$0x1BB20] =	vst v63  }
0x40: {  	s17 =	simm.s32 $0x1E0  }
0x41: {  	[tilespmem:s7], [sflag:$0x7] =	stream.indirect.gather [hbm4b:s5+s22], $0x40, s17, s22, $0xb8;
	[tilespmem:$0x1BB20] =	vst v63  }
0x42: {  	s17 =	simm.s32 $0x230  }
0x43: {  	[tilespmem:s10], [sflag:$0x8] =	stream.indirect.gather [hbm4b:s5+s22], $0x40, s17, s22, $0xb8;
	[tilespmem:$0x1BB20] =	vst v63  }
0x44: {  	_ =	swait.ge [sflag:s11], $0x1400  }
0x45: {  	[sflag:s11] =	ssyncset.done $0x0  }
0x46: {  	s17 =	simm.s32 $0x2710;
	[sflag:s11] =	ssyncadd.s32 $0xFFFFEC00  }
0x47: {  	[spmem:s1] =	stream.indirect.scatter.add.f32 [tilespmem:s23], [sflag:$0x9], $0x40, s17, s22, $0xb8;
	[tilespmem:$0x1BB20] =	vst v63  }
0x48: {  	_ = 	snop  }
0x49: {  	[spmem:s3] =	stream.indirect.scatter.add.f32 [tilespmem:s16], [sflag:$0x9], $0x10, s17, s22, $0xb8;
	[tilespmem:$0x1BB20] =	vst v63  }
0x4a: {  	_ =	swait.ge [sflag:s25], $0x1400  }
0x4b: {  	[sflag:s25] =	ssyncset.done $0x0  }
0x4c: {  	s17 =	simm.s32 $0x2760;
	[sflag:s25] =	ssyncadd.s32 $0xFFFFEC00  }
0x4d: {  	[spmem:s1] =	stream.indirect.scatter.add.f32 [tilespmem:s24], [sflag:$0xA], $0x40, s17, s22, $0xb8;
	[tilespmem:$0x1BB20] =	vst v63  }
0x4e: {  	_ = 	snop  }
0x4f: {  	[spmem:s3] =	stream.indirect.scatter.add.f32 [tilespmem:s16], [sflag:$0xA], $0x10, s17, s22, $0xb8;
	[tilespmem:$0x1BB20] =	vst v63  }
0x50: {  	_ =	swait.ge [sflag:s12], $0x1400  }
0x51: {  	[sflag:s12] =	ssyncset.done $0x0  }
0x52: {  	[sflag:s12] =	ssyncadd.s32 $0xFFFFEC00  }
0x53: {  	_ =	swait.ge [sflag:s12], $0x500  }
0x54: {  	[sflag:s12] =	ssyncset.done $0x0  }
0x55: {  	s17 =	simm.s32 $0x280;
	[sflag:s12] =	ssyncadd.s32 $0xFFFFFB00  }
0x56: {  	[tilespmem:s23], [sflag:$0x1] =	stream.indirect.gather [hbm4b:s5+s22], $0x40, s17, s22, $0xb8;
	[tilespmem:$0x1BB20] =	vst v63  }
0x57: {  	_ =	swait.ge [sflag:s28], $0x1400  }
0x58: {  	[sflag:s28] =	ssyncset.done $0x0  }
0x59: {  	s23 =	simm.s32 $0x27B0;
	[sflag:s28] =	ssyncadd.s32 $0xFFFFEC00  }
0x5a: {  	[spmem:s1] =	stream.indirect.scatter.add.f32 [tilespmem:s26], [sflag:$0xB], $0x40, s23, s22, $0xb8;
	[tilespmem:$0x1BB20] =	vst v63  }
0x5b: {  	_ = 	snop  }
0x5c: {  	[spmem:s3] =	stream.indirect.scatter.add.f32 [tilespmem:s16], [sflag:$0xB], $0x10, s23, s22, $0xb8;
	[tilespmem:$0x1BB20] =	vst v63  }
0x5d: {  	_ =	swait.ge [sflag:s14], $0x1400  }
0x5e: {  	[sflag:s14] =	ssyncset.done $0x0  }
0x5f: {  	[sflag:s14] =	ssyncadd.s32 $0xFFFFEC00  }
0x60: {  	_ =	swait.ge [sflag:s14], $0x500  }
0x61: {  	[sflag:s14] =	ssyncset.done $0x0  }
0x62: {  	s23 =	simm.s32 $0x2D0;
	[sflag:s14] =	ssyncadd.s32 $0xFFFFFB00  }
0x63: {  	[tilespmem:s24], [sflag:$0x2] =	stream.indirect.gather [hbm4b:s5+s22], $0x40, s23, s22, $0xb8;
	[tilespmem:$0x1BB20] =	vst v63  }
0x64: {  	_ =	swait.ge [sflag:s15], $0x1400  }
0x65: {  	[sflag:s15] =	ssyncset.done $0x0  }
0x66: {  	s23 =	simm.s32 $0x2800;
	[sflag:s15] =	ssyncadd.s32 $0xFFFFEC00  }
0x67: {  	[spmem:s1] =	stream.indirect.scatter.add.f32 [tilespmem:s29], [sflag:$0xC], $0x40, s23, s22, $0xb8;
	[tilespmem:$0x1BB20] =	vst v63  }
0x68: {  	_ = 	snop  }
0x69: {  	[spmem:s3] =	stream.indirect.scatter.add.f32 [tilespmem:s16], [sflag:$0xC], $0x10, s23, s22, $0xb8;
	[tilespmem:$0x1BB20] =	vst v63  }
0x6a: {  	_ =	swait.ge [sflag:s30], $0x1400  }
0x6b: {  	[sflag:s30] =	ssyncset.done $0x0  }
0x6c: {  	[sflag:s30] =	ssyncadd.s32 $0xFFFFEC00  }
0x6d: {  	_ =	swait.ge [sflag:s30], $0x500  }
0x6e: {  	[sflag:s30] =	ssyncset.done $0x0  }
0x6f: {  	s24 =	simm.s32 $0x320;
	[sflag:s30] =	ssyncadd.s32 $0xFFFFFB00  }
0x70: {  	[tilespmem:s26], [sflag:$0x3] =	stream.indirect.gather [hbm4b:s5+s22], $0x40, s24, s22, $0xb8;
	[tilespmem:$0x1BB20] =	vst v63  }
0x71: {  	_ =	swait.ge [sflag:s0], $0x1400  }
0x72: {  	[sflag:s0] =	ssyncset.done $0x0  }
0x73: {  	s23 =	simm.s32 $0x2850;
	[sflag:s0] =	ssyncadd.s32 $0xFFFFEC00  }
0x74: {  	[spmem:s1] =	stream.indirect.scatter.add.f32 [tilespmem:s31], [sflag:$0xD], $0x40, s23, s22, $0xb8;
	[tilespmem:$0x1BB20] =	vst v63  }
0x75: {  	_ = 	snop  }
0x76: {  	[spmem:s3] =	stream.indirect.scatter.add.f32 [tilespmem:s16], [sflag:$0xD], $0x10, s23, s22, $0xb8;
	[tilespmem:$0x1BB20] =	vst v63  }
0x77: {  	_ =	swait.ge [sflag:s18], $0x1400  }
0x78: {  	[sflag:s18] =	ssyncset.done $0x0  }
0x79: {  	[sflag:s18] =	ssyncadd.s32 $0xFFFFEC00  }
0x7a: {  	_ =	swait.ge [sflag:s18], $0x500  }
0x7b: {  	[sflag:s18] =	ssyncset.done $0x0  }
0x7c: {  	s24 =	simm.s32 $0x370;
	[sflag:s18] =	ssyncadd.s32 $0xFFFFFB00  }
0x7d: {  	[tilespmem:s29], [sflag:$0x4] =	stream.indirect.gather [hbm4b:s5+s22], $0x40, s24, s22, $0xb8;
	[tilespmem:$0x1BB20] =	vst v63  }
0x7e: {  	_ =	swait.ge [sflag:s8], $0x1400  }
0x7f: {  	[sflag:s8] =	ssyncset.done $0x0  }
0x80: {  	s26 =	simm.s32 $0x28A0;
	[sflag:s8] =	ssyncadd.s32 $0xFFFFEC00  }
0x81: {  	[spmem:s1] =	stream.indirect.scatter.add.f32 [tilespmem:s2], [sflag:$0xE], $0x40, s26, s22, $0xb8;
	[tilespmem:$0x1BB20] =	vst v63  }
0x82: {  	_ = 	snop  }
0x83: {  	[spmem:s3] =	stream.indirect.scatter.add.f32 [tilespmem:s16], [sflag:$0xE], $0x10, s26, s22, $0xb8;
	[tilespmem:$0x1BB20] =	vst v63  }
0x84: {  	_ =	swait.ge [sflag:s9], $0x1400  }
0x85: {  	[sflag:s9] =	ssyncset.done $0x0  }
0x86: {  	[sflag:s9] =	ssyncadd.s32 $0xFFFFEC00  }
0x87: {  	_ =	swait.ge [sflag:s9], $0x500  }
0x88: {  	[sflag:s9] =	ssyncset.done $0x0  }
0x89: {  	s29 =	simm.s32 $0x3C0;
	[sflag:s9] =	ssyncadd.s32 $0xFFFFFB00  }
0x8a: {  	[tilespmem:s31], [sflag:$0x5] =	stream.indirect.gather [hbm4b:s5+s22], $0x40, s29, s22, $0xb8;
	[tilespmem:$0x1BB20] =	vst v63  }
0x8b: {  	_ =	swait.ge [sflag:s4], $0x1400  }
0x8c: {  	[sflag:s4] =	ssyncset.done $0x0  }
0x8d: {  	s23 =	simm.s32 $0x28F0;
	[sflag:s4] =	ssyncadd.s32 $0xFFFFEC00  }
0x8e: {  	[spmem:s1] =	stream.indirect.scatter.add.f32 [tilespmem:s7], [sflag:$0xF], $0x40, s23, s22, $0xb8;
	[tilespmem:$0x1BB20] =	vst v63  }
0x8f: {  	_ = 	snop  }
0x90: {  	[spmem:s3] =	stream.indirect.scatter.add.f32 [tilespmem:s16], [sflag:$0xF], $0x10, s23, s22, $0xb8;
	[tilespmem:$0x1BB20] =	vst v63  }
0x91: {  	_ =	swait.ge [sflag:s6], $0x1400  }
0x92: {  	[sflag:s6] =	ssyncset.done $0x0  }
0x93: {  	[sflag:s6] =	ssyncadd.s32 $0xFFFFEC00  }
0x94: {  	_ =	swait.ge [sflag:s6], $0x500  }
0x95: {  	[sflag:s6] =	ssyncset.done $0x0  }
0x96: {  	s24 =	simm.s32 $0x410;
	[sflag:s6] =	ssyncadd.s32 $0xFFFFFB00  }
0x97: {  	[tilespmem:s2], [sflag:$0x6] =	stream.indirect.gather [hbm4b:s5+s22], $0x40, s24, s22, $0xb8;
	[tilespmem:$0x1BB20] =	vst v63  }
0x98: {  	_ =	swait.ge [sflag:s21], $0x1400  }
0x99: {  	[sflag:s21] =	ssyncset.done $0x0  }
0x9a: {  	s26 =	simm.s32 $0x2940;
	[sflag:s21] =	ssyncadd.s32 $0xFFFFEC00  }
0x9b: {  	[spmem:s1] =	stream.indirect.scatter.add.f32 [tilespmem:s10], [sflag:$0x10], $0x40, s26, s22, $0xb8;
	[tilespmem:$0x1BB20] =	vst v63  }
0x9c: {  	_ = 	snop  }
0x9d: {  	[spmem:s3] =	stream.indirect.scatter.add.f32 [tilespmem:s16], [sflag:$0x10], $0x10, s26, s22, $0xb8;
	[tilespmem:$0x1BB20] =	vst v63  }
0x9e: {  	_ =	swait.ge [sflag:s20], $0x1400  }
0x9f: {  	[sflag:s20] =	ssyncset.done $0x0  }
0xa0: {  	[sflag:s20] =	ssyncadd.s32 $0xFFFFEC00  }
0xa1: {  	_ =	swait.ge [sflag:s20], $0x500  }
0xa2: {  	[sflag:s20] =	ssyncset.done $0x0  }
0xa3: {  	s29 =	simm.s32 $0x460;
	[sflag:s20] =	ssyncadd.s32 $0xFFFFFB00  }
0xa4: {  	[tilespmem:s7], [sflag:$0x7] =	stream.indirect.gather [hbm4b:s5+s22], $0x40, s29, s22, $0xb8;
	[tilespmem:$0x1BB20] =	vst v63  }
0xa5: {  	_ =	swait.ge [sflag:s19], $0x1400  }
0xa6: {  	[sflag:s19] =	ssyncset.done $0x0  }
0xa7: {  	[sflag:s19] =	ssyncadd.s32 $0xFFFFEC00  }
0xa8: {  	_ =	swait.ge [sflag:s19], $0x500  }
0xa9: {  	[sflag:s19] =	ssyncset.done $0x0  }
0xaa: {  	s17 =	simm.s32 $0xA00;
	s23 =	simm.s32 $0x4B0;
	[sflag:s19] =	ssyncadd.s32 $0xFFFFFB00  }
.LBB2_2:
0xab: {  	[tilespmem:s10], [sflag:$0x8] =	stream.indirect.gather [hbm4b:s5+s22], $0x40, s23, s22, $0xb8;
	[tilespmem:$0x1BB20] =	vst v63  }
0xac: {  	s23 =	smov.u32 s17  }
0xad: {  	p0 =	sne.s32 s17, $0x8200;
	s17 =	sadd.s32 $0xA00, s17;
	_ =	swait.ge [sflag:s11], $0x1400  }
0xae: {  	s23 =	sshra.s32 s23, $0x2;
	[sflag:s11] =	ssyncset.done $0x0  }
0xaf: {  	s26 =	simm.s32 $0x4E20;
	s24 =	sadd.s32 $0x2710, s23;
	[sflag:s11] =	ssyncadd.s32 $0xFFFFEC00  }
0xb0: {  	[spmem:s1] =	stream.indirect.scatter.add.f32 [tilespmem:s26], [sflag:$0x9], $0x40, s24, s22, $0xb8;
	[tilespmem:$0x1BB20] =	vst v63  }
0xb1: {  	_ = 	snop  }
0xb2: {  	[spmem:s3] =	stream.indirect.scatter.add.f32 [tilespmem:s16], [sflag:$0x9], $0x10, s24, s22, $0xb8;
	[tilespmem:$0x1BB20] =	vst v63  }
0xb3: {  	_ =	swait.ge [sflag:s25], $0x1400  }
0xb4: {  	[sflag:s25] =	ssyncset.done $0x0  }
0xb5: {  	s29 =	simm.s32 $0x6220;
	s24 =	sadd.s32 $0x2760, s23;
	[sflag:s25] =	ssyncadd.s32 $0xFFFFEC00  }
0xb6: {  	[spmem:s1] =	stream.indirect.scatter.add.f32 [tilespmem:s29], [sflag:$0xA], $0x40, s24, s22, $0xb8;
	[tilespmem:$0x1BB20] =	vst v63  }
0xb7: {  	_ = 	snop  }
0xb8: {  	[spmem:s3] =	stream.indirect.scatter.add.f32 [tilespmem:s16], [sflag:$0xA], $0x10, s24, s22, $0xb8;
	[tilespmem:$0x1BB20] =	vst v63  }
0xb9: {  	_ =	swait.ge [sflag:s12], $0x1400  }
0xba: {  	[sflag:s12] =	ssyncset.done $0x0  }
0xbb: {  	[sflag:s12] =	ssyncadd.s32 $0xFFFFEC00  }
0xbc: {  	_ =	swait.ge [sflag:s12], $0x500  }
0xbd: {  	[sflag:s12] =	ssyncset.done $0x0  }
0xbe: {  	s24 =	sadd.s32 $0x280, s23;
	[sflag:s12] =	ssyncadd.s32 $0xFFFFFB00  }
0xbf: {  	[tilespmem:s26], [sflag:$0x1] =	stream.indirect.gather [hbm4b:s5+s22], $0x40, s24, s22, $0xb8;
	[tilespmem:$0x1BB20] =	vst v63  }
0xc0: {  	_ =	swait.ge [sflag:s28], $0x1400  }
0xc1: {  	[sflag:s28] =	ssyncset.done $0x0  }
0xc2: {  	s24 =	sadd.s32 $0x27B0, s23;
	s26 =	simm.s32 $0x7620;
	[sflag:s28] =	ssyncadd.s32 $0xFFFFEC00  }
0xc3: {  	[spmem:s1] =	stream.indirect.scatter.add.f32 [tilespmem:s26], [sflag:$0xB], $0x40, s24, s22, $0xb8;
	[tilespmem:$0x1BB20] =	vst v63  }
0xc4: {  	_ = 	snop  }
0xc5: {  	[spmem:s3] =	stream.indirect.scatter.add.f32 [tilespmem:s16], [sflag:$0xB], $0x10, s24, s22, $0xb8;
	[tilespmem:$0x1BB20] =	vst v63  }
0xc6: {  	_ =	swait.ge [sflag:s14], $0x1400  }
0xc7: {  	[sflag:s14] =	ssyncset.done $0x0  }
0xc8: {  	[sflag:s14] =	ssyncadd.s32 $0xFFFFEC00  }
0xc9: {  	_ =	swait.ge [sflag:s14], $0x500  }
0xca: {  	[sflag:s14] =	ssyncset.done $0x0  }
0xcb: {  	s24 =	sadd.s32 $0x2D0, s23;
	[sflag:s14] =	ssyncadd.s32 $0xFFFFFB00  }
0xcc: {  	[tilespmem:s29], [sflag:$0x2] =	stream.indirect.gather [hbm4b:s5+s22], $0x40, s24, s22, $0xb8;
	[tilespmem:$0x1BB20] =	vst v63  }
0xcd: {  	_ =	swait.ge [sflag:s15], $0x1400  }
0xce: {  	[sflag:s15] =	ssyncset.done $0x0  }
0xcf: {  	s24 =	sadd.s32 $0x2800, s23;
	s29 =	simm.s32 $0x8A20;
	[sflag:s15] =	ssyncadd.s32 $0xFFFFEC00  }
0xd0: {  	[spmem:s1] =	stream.indirect.scatter.add.f32 [tilespmem:s29], [sflag:$0xC], $0x40, s24, s22, $0xb8;
	[tilespmem:$0x1BB20] =	vst v63  }
0xd1: {  	_ = 	snop  }
0xd2: {  	[spmem:s3] =	stream.indirect.scatter.add.f32 [tilespmem:s16], [sflag:$0xC], $0x10, s24, s22, $0xb8;
	[tilespmem:$0x1BB20] =	vst v63  }
0xd3: {  	_ =	swait.ge [sflag:s30], $0x1400  }
0xd4: {  	[sflag:s30] =	ssyncset.done $0x0  }
0xd5: {  	[sflag:s30] =	ssyncadd.s32 $0xFFFFEC00  }
0xd6: {  	_ =	swait.ge [sflag:s30], $0x500  }
0xd7: {  	[sflag:s30] =	ssyncset.done $0x0  }
0xd8: {  	s24 =	sadd.s32 $0x320, s23;
	[sflag:s30] =	ssyncadd.s32 $0xFFFFFB00  }
0xd9: {  	[tilespmem:s26], [sflag:$0x3] =	stream.indirect.gather [hbm4b:s5+s22], $0x40, s24, s22, $0xb8;
	[tilespmem:$0x1BB20] =	vst v63  }
0xda: {  	_ =	swait.ge [sflag:s0], $0x1400  }
0xdb: {  	[sflag:s0] =	ssyncset.done $0x0  }
0xdc: {  	s24 =	sadd.s32 $0x2850, s23;
	[sflag:s0] =	ssyncadd.s32 $0xFFFFEC00  }
0xdd: {  	[spmem:s1] =	stream.indirect.scatter.add.f32 [tilespmem:s31], [sflag:$0xD], $0x40, s24, s22, $0xb8;
	[tilespmem:$0x1BB20] =	vst v63  }
0xde: {  	_ = 	snop  }
0xdf: {  	[spmem:s3] =	stream.indirect.scatter.add.f32 [tilespmem:s16], [sflag:$0xD], $0x10, s24, s22, $0xb8;
	[tilespmem:$0x1BB20] =	vst v63  }
0xe0: {  	_ =	swait.ge [sflag:s18], $0x1400  }
0xe1: {  	[sflag:s18] =	ssyncset.done $0x0  }
0xe2: {  	[sflag:s18] =	ssyncadd.s32 $0xFFFFEC00  }
0xe3: {  	_ =	swait.ge [sflag:s18], $0x500  }
0xe4: {  	[sflag:s18] =	ssyncset.done $0x0  }
0xe5: {  	s24 =	sadd.s32 $0x370, s23;
	[sflag:s18] =	ssyncadd.s32 $0xFFFFFB00  }
0xe6: {  	[tilespmem:s29], [sflag:$0x4] =	stream.indirect.gather [hbm4b:s5+s22], $0x40, s24, s22, $0xb8;
	[tilespmem:$0x1BB20] =	vst v63  }
0xe7: {  	_ =	swait.ge [sflag:s8], $0x1400  }
0xe8: {  	[sflag:s8] =	ssyncset.done $0x0  }
0xe9: {  	s24 =	sadd.s32 $0x28A0, s23;
	[sflag:s8] =	ssyncadd.s32 $0xFFFFEC00  }
0xea: {  	[spmem:s1] =	stream.indirect.scatter.add.f32 [tilespmem:s2], [sflag:$0xE], $0x40, s24, s22, $0xb8;
	[tilespmem:$0x1BB20] =	vst v63  }
0xeb: {  	_ = 	snop  }
0xec: {  	[spmem:s3] =	stream.indirect.scatter.add.f32 [tilespmem:s16], [sflag:$0xE], $0x10, s24, s22, $0xb8;
	[tilespmem:$0x1BB20] =	vst v63  }
0xed: {  	_ =	swait.ge [sflag:s9], $0x1400  }
0xee: {  	[sflag:s9] =	ssyncset.done $0x0  }
0xef: {  	[sflag:s9] =	ssyncadd.s32 $0xFFFFEC00  }
0xf0: {  	_ =	swait.ge [sflag:s9], $0x500  }
0xf1: {  	[sflag:s9] =	ssyncset.done $0x0  }
0xf2: {  	s24 =	sadd.s32 $0x3C0, s23;
	[sflag:s9] =	ssyncadd.s32 $0xFFFFFB00  }
0xf3: {  	[tilespmem:s31], [sflag:$0x5] =	stream.indirect.gather [hbm4b:s5+s22], $0x40, s24, s22, $0xb8;
	[tilespmem:$0x1BB20] =	vst v63  }
0xf4: {  	_ =	swait.ge [sflag:s4], $0x1400  }
0xf5: {  	[sflag:s4] =	ssyncset.done $0x0  }
0xf6: {  	s24 =	sadd.s32 $0x28F0, s23;
	[sflag:s4] =	ssyncadd.s32 $0xFFFFEC00  }
0xf7: {  	[spmem:s1] =	stream.indirect.scatter.add.f32 [tilespmem:s7], [sflag:$0xF], $0x40, s24, s22, $0xb8;
	[tilespmem:$0x1BB20] =	vst v63  }
0xf8: {  	_ = 	snop  }
0xf9: {  	[spmem:s3] =	stream.indirect.scatter.add.f32 [tilespmem:s16], [sflag:$0xF], $0x10, s24, s22, $0xb8;
	[tilespmem:$0x1BB20] =	vst v63  }
0xfa: {  	_ =	swait.ge [sflag:s6], $0x1400  }
0xfb: {  	[sflag:s6] =	ssyncset.done $0x0  }
0xfc: {  	[sflag:s6] =	ssyncadd.s32 $0xFFFFEC00  }
0xfd: {  	_ =	swait.ge [sflag:s6], $0x500  }
0xfe: {  	[sflag:s6] =	ssyncset.done $0x0  }
0xff: {  	s24 =	sadd.s32 $0x410, s23;
	[sflag:s6] =	ssyncadd.s32 $0xFFFFFB00  }
0x100: {  	[tilespmem:s2], [sflag:$0x6] =	stream.indirect.gather [hbm4b:s5+s22], $0x40, s24, s22, $0xb8;
	[tilespmem:$0x1BB20] =	vst v63  }
0x101: {  	_ =	swait.ge [sflag:s21], $0x1400  }
0x102: {  	[sflag:s21] =	ssyncset.done $0x0  }
0x103: {  	s24 =	sadd.s32 $0x2940, s23;
	[sflag:s21] =	ssyncadd.s32 $0xFFFFEC00  }
0x104: {  	[spmem:s1] =	stream.indirect.scatter.add.f32 [tilespmem:s10], [sflag:$0x10], $0x40, s24, s22, $0xb8;
	[tilespmem:$0x1BB20] =	vst v63  }
0x105: {  	_ = 	snop  }
0x106: {  	[spmem:s3] =	stream.indirect.scatter.add.f32 [tilespmem:s16], [sflag:$0x10], $0x10, s24, s22, $0xb8;
	[tilespmem:$0x1BB20] =	vst v63  }
0x107: {  	_ =	swait.ge [sflag:s20], $0x1400  }
0x108: {  	[sflag:s20] =	ssyncset.done $0x0  }
0x109: {  	[sflag:s20] =	ssyncadd.s32 $0xFFFFEC00  }
0x10a: {  	_ =	swait.ge [sflag:s20], $0x500  }
0x10b: {  	[sflag:s20] =	ssyncset.done $0x0  }
0x10c: {  	s24 =	sadd.s32 $0x460, s23;
	[sflag:s20] =	ssyncadd.s32 $0xFFFFFB00  }
0x10d: {  	[tilespmem:s7], [sflag:$0x7] =	stream.indirect.gather [hbm4b:s5+s22], $0x40, s24, s22, $0xb8;
	[tilespmem:$0x1BB20] =	vst v63  }
0x10e: {  	_ =	swait.ge [sflag:s19], $0x1400  }
.Ltmp0:
0x10f: {  	[sflag:s19] =	ssyncset.done $0x0;
	(pc) =	sbr.rel @p0 .LBB2_2-.Ltmp0, $4  }
0x110: {  	[sflag:s19] =	ssyncadd.s32 $0xFFFFEC00  }
0x111: {  	_ =	swait.ge [sflag:s19], $0x500  }
0x112: {  	[sflag:s19] =	ssyncset.done $0x0  }
0x113: {  	s23 =	sadd.s32 $0x4B0, s23;
	[sflag:s19] =	ssyncadd.s32 $0xFFFFFB00  }
0x114: {  	[tilespmem:s10], [sflag:$0x8] =	stream.indirect.gather [hbm4b:s5+s22], $0x40, s23, s22, $0xb8;
	[tilespmem:$0x1BB20] =	vst v63  }
0x115: {  	_ =	swait.ge [sflag:s11], $0x1400  }
0x116: {  	[sflag:s11] =	ssyncset.done $0x0  }
0x117: {  	s24 =	simm.s32 $0x4E20;
	s17 =	simm.s32 $0x4A10;
	[sflag:s11] =	ssyncadd.s32 $0xFFFFEC00  }
0x118: {  	[spmem:s1] =	stream.indirect.scatter.add.f32 [tilespmem:s24], [sflag:$0x9], $0x40, s17, s22, $0xb8;
	[tilespmem:$0x1BB20] =	vst v63  }
0x119: {  	_ = 	snop  }
0x11a: {  	[spmem:s3] =	stream.indirect.scatter.add.f32 [tilespmem:s16], [sflag:$0x9], $0x10, s17, s22, $0xb8;
	[tilespmem:$0x1BB20] =	vst v63  }
0x11b: {  	_ =	swait.ge [sflag:s25], $0x1400  }
0x11c: {  	[sflag:s25] =	ssyncset.done $0x0  }
0x11d: {  	s26 =	simm.s32 $0x6220;
	s29 =	simm.s32 $0x4A60;
	[sflag:s25] =	ssyncadd.s32 $0xFFFFEC00  }
0x11e: {  	[spmem:s1] =	stream.indirect.scatter.add.f32 [tilespmem:s26], [sflag:$0xA], $0x40, s29, s22, $0xb8;
	[tilespmem:$0x1BB20] =	vst v63  }
0x11f: {  	_ = 	snop  }
0x120: {  	[spmem:s3] =	stream.indirect.scatter.add.f32 [tilespmem:s16], [sflag:$0xA], $0x10, s29, s22, $0xb8;
	[tilespmem:$0x1BB20] =	vst v63  }
0x121: {  	_ =	swait.ge [sflag:s12], $0x1400  }
0x122: {  	[sflag:s12] =	ssyncset.done $0x0  }
0x123: {  	[sflag:s12] =	ssyncadd.s32 $0xFFFFEC00  }
0x124: {  	_ =	swait.ge [sflag:s12], $0x500  }
0x125: {  	[sflag:s12] =	ssyncset.done $0x0  }
0x126: {  	s24 =	simm.s32 $0x4E20;
	s26 =	simm.s32 $0x2580;
	[sflag:s12] =	ssyncadd.s32 $0xFFFFFB00  }
0x127: {  	[tilespmem:s24], [sflag:$0x1] =	stream.indirect.gather [hbm4b:s5+s22], $0x40, s26, s22, $0xb8;
	[tilespmem:$0x1BB20] =	vst v63  }
0x128: {  	_ =	swait.ge [sflag:s28], $0x1400  }
0x129: {  	[sflag:s28] =	ssyncset.done $0x0  }
0x12a: {  	s29 =	simm.s32 $0x4AB0;
	s26 =	simm.s32 $0x7620;
	[sflag:s28] =	ssyncadd.s32 $0xFFFFEC00  }
0x12b: {  	[spmem:s1] =	stream.indirect.scatter.add.f32 [tilespmem:s26], [sflag:$0xB], $0x40, s29, s22, $0xb8;
	[tilespmem:$0x1BB20] =	vst v63  }
0x12c: {  	_ = 	snop  }
0x12d: {  	[spmem:s3] =	stream.indirect.scatter.add.f32 [tilespmem:s16], [sflag:$0xB], $0x10, s29, s22, $0xb8;
	[tilespmem:$0x1BB20] =	vst v63  }
0x12e: {  	_ =	swait.ge [sflag:s14], $0x1400  }
0x12f: {  	[sflag:s14] =	ssyncset.done $0x0  }
0x130: {  	[sflag:s14] =	ssyncadd.s32 $0xFFFFEC00  }
0x131: {  	_ =	swait.ge [sflag:s14], $0x500  }
0x132: {  	[sflag:s14] =	ssyncset.done $0x0  }
0x133: {  	s23 =	simm.s32 $0x6220;
	s29 =	simm.s32 $0x25D0;
	[sflag:s14] =	ssyncadd.s32 $0xFFFFFB00  }
0x134: {  	[tilespmem:s23], [sflag:$0x2] =	stream.indirect.gather [hbm4b:s5+s22], $0x40, s29, s22, $0xb8;
	[tilespmem:$0x1BB20] =	vst v63  }
0x135: {  	_ =	swait.ge [sflag:s15], $0x1400  }
0x136: {  	[sflag:s15] =	ssyncset.done $0x0  }
0x137: {  	s17 =	simm.s32 $0x4B00;
	s29 =	simm.s32 $0x8A20;
	[sflag:s15] =	ssyncadd.s32 $0xFFFFEC00  }
0x138: {  	[spmem:s1] =	stream.indirect.scatter.add.f32 [tilespmem:s29], [sflag:$0xC], $0x40, s17, s22, $0xb8;
	[tilespmem:$0x1BB20] =	vst v63  }
0x139: {  	_ = 	snop  }
0x13a: {  	[spmem:s3] =	stream.indirect.scatter.add.f32 [tilespmem:s16], [sflag:$0xC], $0x10, s17, s22, $0xb8;
	[tilespmem:$0x1BB20] =	vst v63  }
0x13b: {  	_ =	swait.ge [sflag:s30], $0x1400  }
0x13c: {  	[sflag:s30] =	ssyncset.done $0x0  }
0x13d: {  	[sflag:s30] =	ssyncadd.s32 $0xFFFFEC00  }
0x13e: {  	_ =	swait.ge [sflag:s30], $0x500  }
0x13f: {  	[sflag:s30] =	ssyncset.done $0x0  }
0x140: {  	s26 =	simm.s32 $0x7620;
	s17 =	simm.s32 $0x2620;
	[sflag:s30] =	ssyncadd.s32 $0xFFFFFB00  }
0x141: {  	[tilespmem:s26], [sflag:$0x3] =	stream.indirect.gather [hbm4b:s5+s22], $0x40, s17, s22, $0xb8;
	[tilespmem:$0x1BB20] =	vst v63  }
0x142: {  	_ =	swait.ge [sflag:s0], $0x1400  }
0x143: {  	[sflag:s0] =	ssyncset.done $0x0  }
0x144: {  	s17 =	simm.s32 $0x4B50;
	[sflag:s0] =	ssyncadd.s32 $0xFFFFEC00  }
0x145: {  	[spmem:s1] =	stream.indirect.scatter.add.f32 [tilespmem:s31], [sflag:$0xD], $0x40, s17, s22, $0xb8;
	[tilespmem:$0x1BB20] =	vst v63  }
0x146: {  	_ = 	snop  }
0x147: {  	[spmem:s3] =	stream.indirect.scatter.add.f32 [tilespmem:s16], [sflag:$0xD], $0x10, s17, s22, $0xb8;
	[tilespmem:$0x1BB20] =	vst v63  }
0x148: {  	_ =	swait.ge [sflag:s18], $0x1400  }
0x149: {  	[sflag:s18] =	ssyncset.done $0x0  }
0x14a: {  	[sflag:s18] =	ssyncadd.s32 $0xFFFFEC00  }
0x14b: {  	_ =	swait.ge [sflag:s18], $0x500  }
0x14c: {  	[sflag:s18] =	ssyncset.done $0x0  }
0x14d: {  	s29 =	simm.s32 $0x8A20;
	s17 =	simm.s32 $0x2670;
	[sflag:s18] =	ssyncadd.s32 $0xFFFFFB00  }
0x14e: {  	[tilespmem:s29], [sflag:$0x4] =	stream.indirect.gather [hbm4b:s5+s22], $0x40, s17, s22, $0xb8;
	[tilespmem:$0x1BB20] =	vst v63  }
0x14f: {  	_ =	swait.ge [sflag:s8], $0x1400  }
0x150: {  	[sflag:s8] =	ssyncset.done $0x0  }
0x151: {  	s17 =	simm.s32 $0x4BA0;
	[sflag:s8] =	ssyncadd.s32 $0xFFFFEC00  }
0x152: {  	[spmem:s1] =	stream.indirect.scatter.add.f32 [tilespmem:s2], [sflag:$0xE], $0x40, s17, s22, $0xb8;
	[tilespmem:$0x1BB20] =	vst v63  }
0x153: {  	_ = 	snop  }
0x154: {  	[spmem:s3] =	stream.indirect.scatter.add.f32 [tilespmem:s16], [sflag:$0xE], $0x10, s17, s22, $0xb8;
	[tilespmem:$0x1BB20] =	vst v63  }
0x155: {  	_ =	swait.ge [sflag:s9], $0x1400  }
0x156: {  	[sflag:s9] =	ssyncset.done $0x0  }
0x157: {  	[sflag:s9] =	ssyncadd.s32 $0xFFFFEC00  }
0x158: {  	_ =	swait.ge [sflag:s9], $0x500  }
0x159: {  	[sflag:s9] =	ssyncset.done $0x0  }
0x15a: {  	s17 =	simm.s32 $0x26C0;
	[sflag:s9] =	ssyncadd.s32 $0xFFFFFB00  }
0x15b: {  	[tilespmem:s31], [sflag:$0x5] =	stream.indirect.gather [hbm4b:s5+s22], $0x40, s17, s22, $0xb8;
	[tilespmem:$0x1BB20] =	vst v63  }
0x15c: {  	_ =	swait.ge [sflag:s4], $0x1400  }
0x15d: {  	[sflag:s4] =	ssyncset.done $0x0  }
0x15e: {  	s17 =	simm.s32 $0x4BF0;
	[sflag:s4] =	ssyncadd.s32 $0xFFFFEC00  }
0x15f: {  	[spmem:s1] =	stream.indirect.scatter.add.f32 [tilespmem:s7], [sflag:$0xF], $0x40, s17, s22, $0xb8;
	[tilespmem:$0x1BB20] =	vst v63  }
0x160: {  	_ = 	snop  }
0x161: {  	[spmem:s3] =	stream.indirect.scatter.add.f32 [tilespmem:s16], [sflag:$0xF], $0x10, s17, s22, $0xb8;
	[tilespmem:$0x1BB20] =	vst v63  }
0x162: {  	_ =	swait.ge [sflag:s6], $0x1400  }
0x163: {  	[sflag:s6] =	ssyncset.done $0x0  }
0x164: {  	[sflag:s6] =	ssyncadd.s32 $0xFFFFEC00  }
0x165: {  	_ =	swait.ge [sflag:s6], $0x500  }
0x166: {  	[sflag:s6] =	ssyncset.done $0x0  }
0x167: {  	[sflag:s6] =	ssyncadd.s32 $0xFFFFFB00  }
0x168: {  	_ =	swait.ge [sflag:s21], $0x1400  }
0x169: {  	[sflag:s21] =	ssyncset.done $0x0  }
0x16a: {  	s17 =	simm.s32 $0x4C40;
	[sflag:s21] =	ssyncadd.s32 $0xFFFFEC00  }
0x16b: {  	[spmem:s1] =	stream.indirect.scatter.add.f32 [tilespmem:s10], [sflag:$0x10], $0x40, s17, s22, $0xb8;
	[tilespmem:$0x1BB20] =	vst v63  }
0x16c: {  	_ = 	snop  }
0x16d: {  	[spmem:s3] =	stream.indirect.scatter.add.f32 [tilespmem:s16], [sflag:$0x10], $0x10, s17, s22, $0xb8;
	[tilespmem:$0x1BB20] =	vst v63  }
0x16e: {  	_ =	swait.ge [sflag:s20], $0x1400  }
0x16f: {  	[sflag:s20] =	ssyncset.done $0x0  }
0x170: {  	[sflag:s20] =	ssyncadd.s32 $0xFFFFEC00  }
0x171: {  	_ =	swait.ge [sflag:s20], $0x500  }
0x172: {  	[sflag:s20] =	ssyncset.done $0x0  }
0x173: {  	[sflag:s20] =	ssyncadd.s32 $0xFFFFFB00  }
0x174: {  	_ =	swait.ge [sflag:s11], $0x1400  }
0x175: {  	[sflag:s11] =	ssyncset.done $0x0  }
0x176: {  	s17 =	simm.s32 $0x4C90;
	[sflag:s11] =	ssyncadd.s32 $0xFFFFEC00  }
0x177: {  	[spmem:s1] =	stream.indirect.scatter.add.f32 [tilespmem:s24], [sflag:$0x9], $0x40, s17, s22, $0xb8;
	[tilespmem:$0x1BB20] =	vst v63  }
0x178: {  	_ = 	snop  }
0x179: {  	[spmem:s3] =	stream.indirect.scatter.add.f32 [tilespmem:s16], [sflag:$0x9], $0x10, s17, s22, $0xb8;
	[tilespmem:$0x1BB20] =	vst v63  }
0x17a: {  	_ =	swait.ge [sflag:s19], $0x1400  }
0x17b: {  	[sflag:s19] =	ssyncset.done $0x0  }
0x17c: {  	[sflag:s19] =	ssyncadd.s32 $0xFFFFEC00  }
0x17d: {  	_ =	swait.ge [sflag:s19], $0x500  }
0x17e: {  	[sflag:s19] =	ssyncset.done $0x0  }
0x17f: {  	[sflag:s19] =	ssyncadd.s32 $0xFFFFFB00  }
0x180: {  	_ =	swait.ge [sflag:s25], $0x1400  }
0x181: {  	[sflag:s25] =	ssyncset.done $0x0  }
0x182: {  	s24 =	simm.s32 $0x4CE0;
	[sflag:s25] =	ssyncadd.s32 $0xFFFFEC00  }
0x183: {  	[spmem:s1] =	stream.indirect.scatter.add.f32 [tilespmem:s23], [sflag:$0xA], $0x40, s24, s22, $0xb8;
	[tilespmem:$0x1BB20] =	vst v63  }
0x184: {  	_ = 	snop  }
0x185: {  	[spmem:s3] =	stream.indirect.scatter.add.f32 [tilespmem:s16], [sflag:$0xA], $0x10, s24, s22, $0xb8;
	[tilespmem:$0x1BB20] =	vst v63  }
0x186: {  	_ =	swait.ge [sflag:s12], $0x1400  }
0x187: {  	[sflag:s12] =	ssyncset.done $0x0  }
0x188: {  	[sflag:s12] =	ssyncadd.s32 $0xFFFFEC00  }
0x189: {  	_ =	swait.ge [sflag:s12], $0x500  }
0x18a: {  	[sflag:s12] =	ssyncset.done $0x0  }
0x18b: {  	[sflag:s12] =	ssyncadd.s32 $0xFFFFFB00  }
0x18c: {  	_ =	swait.ge [sflag:s28], $0x1400  }
0x18d: {  	[sflag:s28] =	ssyncset.done $0x0  }
0x18e: {  	s24 =	simm.s32 $0x4D30;
	[sflag:s28] =	ssyncadd.s32 $0xFFFFEC00  }
0x18f: {  	[spmem:s1] =	stream.indirect.scatter.add.f32 [tilespmem:s26], [sflag:$0xB], $0x40, s24, s22, $0xb8;
	[tilespmem:$0x1BB20] =	vst v63  }
0x190: {  	_ = 	snop  }
0x191: {  	[spmem:s3] =	stream.indirect.scatter.add.f32 [tilespmem:s16], [sflag:$0xB], $0x10, s24, s22, $0xb8;
	[tilespmem:$0x1BB20] =	vst v63  }
0x192: {  	_ =	swait.ge [sflag:s14], $0x1400  }
0x193: {  	[sflag:s14] =	ssyncset.done $0x0  }
0x194: {  	[sflag:s14] =	ssyncadd.s32 $0xFFFFEC00  }
0x195: {  	_ =	swait.ge [sflag:s14], $0x500  }
0x196: {  	[sflag:s14] =	ssyncset.done $0x0  }
0x197: {  	[sflag:s14] =	ssyncadd.s32 $0xFFFFFB00  }
0x198: {  	_ =	swait.ge [sflag:s15], $0x1400  }
0x199: {  	[sflag:s15] =	ssyncset.done $0x0  }
0x19a: {  	s26 =	simm.s32 $0x4D80;
	[sflag:s15] =	ssyncadd.s32 $0xFFFFEC00  }
0x19b: {  	[spmem:s1] =	stream.indirect.scatter.add.f32 [tilespmem:s29], [sflag:$0xC], $0x40, s26, s22, $0xb8;
	[tilespmem:$0x1BB20] =	vst v63  }
0x19c: {  	_ = 	snop  }
0x19d: {  	[spmem:s3] =	stream.indirect.scatter.add.f32 [tilespmem:s16], [sflag:$0xC], $0x10, s26, s22, $0xb8;
	[tilespmem:$0x1BB20] =	vst v63  }
0x19e: {  	_ =	swait.ge [sflag:s30], $0x1400  }
0x19f: {  	[sflag:s30] =	ssyncset.done $0x0  }
0x1a0: {  	[sflag:s30] =	ssyncadd.s32 $0xFFFFEC00  }
0x1a1: {  	_ =	swait.ge [sflag:s30], $0x500  }
0x1a2: {  	[sflag:s30] =	ssyncset.done $0x0  }
0x1a3: {  	[sflag:s30] =	ssyncadd.s32 $0xFFFFFB00  }
0x1a4: {  	_ =	swait.ge [sflag:s0], $0x1400  }
0x1a5: {  	[sflag:s0] =	ssyncset.done $0x0  }
0x1a6: {  	s29 =	simm.s32 $0x4DD0;
	[sflag:s0] =	ssyncadd.s32 $0xFFFFEC00  }
0x1a7: {  	[spmem:s1] =	stream.indirect.scatter.add.f32 [tilespmem:s31], [sflag:$0xD], $0x40, s29, s22, $0xb8;
	[tilespmem:$0x1BB20] =	vst v63  }
0x1a8: {  	_ = 	snop  }
0x1a9: {  	[spmem:s3] =	stream.indirect.scatter.add.f32 [tilespmem:s16], [sflag:$0xD], $0x10, s29, s22, $0xb8;
	[tilespmem:$0x1BB20] =	vst v63  }
0x1aa: {  	_ =	swait.ge [sflag:s18], $0x1400  }
0x1ab: {  	[sflag:s18] =	ssyncset.done $0x0  }
0x1ac: {  	[sflag:s18] =	ssyncadd.s32 $0xFFFFEC00  }
0x1ad: {  	_ =	swait.ge [sflag:s18], $0x500  }
0x1ae: {  	[sflag:s18] =	ssyncset.done $0x0  }
0x1af: {  	[sflag:s18] =	ssyncadd.s32 $0xFFFFFB00  }
0x1b0: {  	_ =	swait.ge [sflag:s9], $0x1400  }
0x1b1: {  	[sflag:s9] =	ssyncset.done $0x0  }
0x1b2: {  	[sflag:s9] =	ssyncadd.s32 $0xFFFFEC00  }
0x1b3: {  	_ =	swait.ge [sflag:s9], $0x500  }
0x1b4: {  	[sflag:s9] =	ssyncset.done $0x0  }
0x1b5: {  	[sflag:s9] =	ssyncadd.s32 $0xFFFFFB00  }
0x1b6: {  	[bflag:$0x0] =	sbarrier.arrive $0xFFFF  }
0x1b7: {  	s23 =	rddreg [dreg:$0xa]  }
0x1b8: {  	s26 =	rddreg [dreg:$0xe]  }
0x1b9: {  	s29 =	rddreg [dreg:$0xf]  }
0x1ba: {  	[hbm:s23], [sflag:s26] =	dma.local [spmem:s29], $0x1400  }
0x1bb: {  	s23 =	simm.s32 $0x11  }
0x1bc: {  	_ =	swait.ge [sflag:s23], $0x1400  }
0x1bd: {  	[sflag:s23] =	ssyncset.done $0x0;
	s17 =	rddreg [dreg:$0xb]  }
0x1be: {  	s24 =	rddreg [dreg:$0x10];
	[sflag:s23] =	ssyncadd.s32 $0xFFFFEC00  }
0x1bf: {  	[hbm:s17], [sflag:s26] =	dma.local [spmem:s24], $0x500  }
0x1c0: {  	_ =	swait.ge [sflag:s23], $0x500  }
0x1c1: {  	[sflag:s23] =	ssyncset.done $0x0  }
0x1c2: {  	s24 =	rddreg [dreg:$0x5];
	[sflag:s23] =	ssyncadd.s32 $0xFFFFFB00  }
0x1c3: {  	[spmem:s29], [sflag:s26] =	dma.local [hbm:s24], $0x1400  }
0x1c4: {  	_ =	swait.ge [sflag:s23], $0x1400  }
0x1c5: {  	[sflag:s23] =	ssyncset.done $0x0  }
0x1c6: {  	[sflag:s23] =	ssyncadd.s32 $0xFFFFEC00  }
0x1c7: {  	s26 =	simm.s32 $0x0;
	s24 =	simm.s32 $0x4E20;
	[bflag:$0x0] =	sbarrier.arrive $0xFFFF  }
0x1c8: {  	[tilespmem:s24], [sflag:$0x1] =	stream.indirect.gather [hbm4b:s13+s22], $0x40, s26, s22, $0xb8;
	[tilespmem:$0x1BB20] =	vst v63  }
0x1c9: {  	s23 =	simm.s32 $0x6220  }
0x1ca: {  	[tilespmem:s23], [sflag:$0x2] =	stream.indirect.gather [hbm4b:s13+s22], $0x40, s22, s22, $0xb8;
	[tilespmem:$0x1BB20] =	vst v63  }
0x1cb: {  	s29 =	simm.s32 $0xA0;
	s26 =	simm.s32 $0x7620  }
0x1cc: {  	[tilespmem:s26], [sflag:$0x3] =	stream.indirect.gather [hbm4b:s13+s22], $0x40, s29, s22, $0xb8;
	[tilespmem:$0x1BB20] =	vst v63  }
0x1cd: {  	s17 =	simm.s32 $0xF0;
	s29 =	simm.s32 $0x8A20  }
0x1ce: {  	[tilespmem:s29], [sflag:$0x4] =	stream.indirect.gather [hbm4b:s13+s22], $0x40, s17, s22, $0xb8;
	[tilespmem:$0x1BB20] =	vst v63  }
0x1cf: {  	s17 =	simm.s32 $0x140  }
0x1d0: {  	[tilespmem:s31], [sflag:$0x5] =	stream.indirect.gather [hbm4b:s13+s22], $0x40, s17, s22, $0xb8;
	[tilespmem:$0x1BB20] =	vst v63  }
0x1d1: {  	s17 =	simm.s32 $0x190  }
0x1d2: {  	[tilespmem:s2], [sflag:$0x6] =	stream.indirect.gather [hbm4b:s13+s22], $0x40, s17, s22, $0xb8;
	[tilespmem:$0x1BB20] =	vst v63  }
0x1d3: {  	s17 =	simm.s32 $0x1E0  }
0x1d4: {  	[tilespmem:s7], [sflag:$0x7] =	stream.indirect.gather [hbm4b:s13+s22], $0x40, s17, s22, $0xb8;
	[tilespmem:$0x1BB20] =	vst v63  }
0x1d5: {  	s17 =	simm.s32 $0x230  }
0x1d6: {  	[tilespmem:s10], [sflag:$0x8] =	stream.indirect.gather [hbm4b:s13+s22], $0x40, s17, s22, $0xb8;
	[tilespmem:$0x1BB20] =	vst v63  }
0x1d7: {  	_ =	swait.ge [sflag:s11], $0x1400  }
0x1d8: {  	[sflag:s11] =	ssyncset.done $0x0  }
0x1d9: {  	s17 =	simm.s32 $0x2710;
	[sflag:s11] =	ssyncadd.s32 $0xFFFFEC00  }
0x1da: {  	[spmem:s1] =	stream.indirect.scatter.add.f32 [tilespmem:s24], [sflag:$0x9], $0x40, s17, s22, $0xb8;
	[tilespmem:$0x1BB20] =	vst v63  }
0x1db: {  	_ =	swait.ge [sflag:s25], $0x1400  }
0x1dc: {  	[sflag:s25] =	ssyncset.done $0x0  }
0x1dd: {  	s17 =	simm.s32 $0x2760;
	[sflag:s25] =	ssyncadd.s32 $0xFFFFEC00  }
0x1de: {  	[spmem:s1] =	stream.indirect.scatter.add.f32 [tilespmem:s23], [sflag:$0xA], $0x40, s17, s22, $0xb8;
	[tilespmem:$0x1BB20] =	vst v63  }
0x1df: {  	_ =	swait.ge [sflag:s12], $0x1400  }
0x1e0: {  	[sflag:s12] =	ssyncset.done $0x0  }
0x1e1: {  	s24 =	simm.s32 $0x4E20;
	s17 =	simm.s32 $0x280;
	[sflag:s12] =	ssyncadd.s32 $0xFFFFEC00  }
0x1e2: {  	[tilespmem:s24], [sflag:$0x1] =	stream.indirect.gather [hbm4b:s13+s22], $0x40, s17, s22, $0xb8;
	[tilespmem:$0x1BB20] =	vst v63  }
0x1e3: {  	_ =	swait.ge [sflag:s28], $0x1400  }
0x1e4: {  	[sflag:s28] =	ssyncset.done $0x0  }
0x1e5: {  	s24 =	simm.s32 $0x27B0;
	[sflag:s28] =	ssyncadd.s32 $0xFFFFEC00  }
0x1e6: {  	[spmem:s1] =	stream.indirect.scatter.add.f32 [tilespmem:s26], [sflag:$0xB], $0x40, s24, s22, $0xb8;
	[tilespmem:$0x1BB20] =	vst v63  }
0x1e7: {  	_ =	swait.ge [sflag:s14], $0x1400  }
0x1e8: {  	[sflag:s14] =	ssyncset.done $0x0  }
0x1e9: {  	s23 =	simm.s32 $0x6220;
	s26 =	simm.s32 $0x2D0;
	[sflag:s14] =	ssyncadd.s32 $0xFFFFEC00  }
0x1ea: {  	[tilespmem:s23], [sflag:$0x2] =	stream.indirect.gather [hbm4b:s13+s22], $0x40, s26, s22, $0xb8;
	[tilespmem:$0x1BB20] =	vst v63  }
0x1eb: {  	_ =	swait.ge [sflag:s15], $0x1400  }
0x1ec: {  	[sflag:s15] =	ssyncset.done $0x0  }
0x1ed: {  	s23 =	simm.s32 $0x2800;
	[sflag:s15] =	ssyncadd.s32 $0xFFFFEC00  }
0x1ee: {  	[spmem:s1] =	stream.indirect.scatter.add.f32 [tilespmem:s29], [sflag:$0xC], $0x40, s23, s22, $0xb8;
	[tilespmem:$0x1BB20] =	vst v63  }
0x1ef: {  	_ =	swait.ge [sflag:s30], $0x1400  }
0x1f0: {  	[sflag:s30] =	ssyncset.done $0x0  }
0x1f1: {  	s24 =	simm.s32 $0x7620;
	s26 =	simm.s32 $0x320;
	[sflag:s30] =	ssyncadd.s32 $0xFFFFEC00  }
0x1f2: {  	[tilespmem:s24], [sflag:$0x3] =	stream.indirect.gather [hbm4b:s13+s22], $0x40, s26, s22, $0xb8;
	[tilespmem:$0x1BB20] =	vst v63  }
0x1f3: {  	_ =	swait.ge [sflag:s0], $0x1400  }
0x1f4: {  	[sflag:s0] =	ssyncset.done $0x0  }
0x1f5: {  	s29 =	simm.s32 $0x2850;
	[sflag:s0] =	ssyncadd.s32 $0xFFFFEC00  }
0x1f6: {  	[spmem:s1] =	stream.indirect.scatter.add.f32 [tilespmem:s31], [sflag:$0xD], $0x40, s29, s22, $0xb8;
	[tilespmem:$0x1BB20] =	vst v63  }
0x1f7: {  	_ =	swait.ge [sflag:s18], $0x1400  }
0x1f8: {  	[sflag:s18] =	ssyncset.done $0x0  }
0x1f9: {  	s23 =	simm.s32 $0x8A20;
	s24 =	simm.s32 $0x370;
	[sflag:s18] =	ssyncadd.s32 $0xFFFFEC00  }
0x1fa: {  	[tilespmem:s23], [sflag:$0x4] =	stream.indirect.gather [hbm4b:s13+s22], $0x40, s24, s22, $0xb8;
	[tilespmem:$0x1BB20] =	vst v63  }
0x1fb: {  	_ =	swait.ge [sflag:s8], $0x1400  }
0x1fc: {  	[sflag:s8] =	ssyncset.done $0x0  }
0x1fd: {  	s26 =	simm.s32 $0x28A0;
	[sflag:s8] =	ssyncadd.s32 $0xFFFFEC00  }
0x1fe: {  	[spmem:s1] =	stream.indirect.scatter.add.f32 [tilespmem:s2], [sflag:$0xE], $0x40, s26, s22, $0xb8;
	[tilespmem:$0x1BB20] =	vst v63  }
0x1ff: {  	_ =	swait.ge [sflag:s9], $0x1400  }
0x200: {  	[sflag:s9] =	ssyncset.done $0x0  }
0x201: {  	s29 =	simm.s32 $0x3C0;
	[sflag:s9] =	ssyncadd.s32 $0xFFFFEC00  }
0x202: {  	[tilespmem:s31], [sflag:$0x5] =	stream.indirect.gather [hbm4b:s13+s22], $0x40, s29, s22, $0xb8;
	[tilespmem:$0x1BB20] =	vst v63  }
0x203: {  	_ =	swait.ge [sflag:s4], $0x1400  }
0x204: {  	[sflag:s4] =	ssyncset.done $0x0  }
0x205: {  	s23 =	simm.s32 $0x28F0;
	[sflag:s4] =	ssyncadd.s32 $0xFFFFEC00  }
0x206: {  	[spmem:s1] =	stream.indirect.scatter.add.f32 [tilespmem:s7], [sflag:$0xF], $0x40, s23, s22, $0xb8;
	[tilespmem:$0x1BB20] =	vst v63  }
0x207: {  	_ =	swait.ge [sflag:s6], $0x1400  }
0x208: {  	[sflag:s6] =	ssyncset.done $0x0  }
0x209: {  	s24 =	simm.s32 $0x410;
	[sflag:s6] =	ssyncadd.s32 $0xFFFFEC00  }
0x20a: {  	[tilespmem:s2], [sflag:$0x6] =	stream.indirect.gather [hbm4b:s13+s22], $0x40, s24, s22, $0xb8;
	[tilespmem:$0x1BB20] =	vst v63  }
0x20b: {  	_ =	swait.ge [sflag:s21], $0x1400  }
0x20c: {  	[sflag:s21] =	ssyncset.done $0x0  }
0x20d: {  	s26 =	simm.s32 $0x2940;
	[sflag:s21] =	ssyncadd.s32 $0xFFFFEC00  }
0x20e: {  	[spmem:s1] =	stream.indirect.scatter.add.f32 [tilespmem:s10], [sflag:$0x10], $0x40, s26, s22, $0xb8;
	[tilespmem:$0x1BB20] =	vst v63  }
0x20f: {  	_ =	swait.ge [sflag:s20], $0x1400  }
0x210: {  	[sflag:s20] =	ssyncset.done $0x0  }
0x211: {  	s29 =	simm.s32 $0x460;
	[sflag:s20] =	ssyncadd.s32 $0xFFFFEC00  }
0x212: {  	[tilespmem:s7], [sflag:$0x7] =	stream.indirect.gather [hbm4b:s13+s22], $0x40, s29, s22, $0xb8;
	[tilespmem:$0x1BB20] =	vst v63  }
0x213: {  	_ =	swait.ge [sflag:s19], $0x1400  }
0x214: {  	[sflag:s19] =	ssyncset.done $0x0  }
0x215: {  	s17 =	simm.s32 $0xA00;
	s23 =	simm.s32 $0x4B0;
	[sflag:s19] =	ssyncadd.s32 $0xFFFFEC00  }
.LBB2_4:
0x216: {  	[tilespmem:s10], [sflag:$0x8] =	stream.indirect.gather [hbm4b:s13+s22], $0x40, s23, s22, $0xb8;
	[tilespmem:$0x1BB20] =	vst v63  }
0x217: {  	s23 =	smov.u32 s17  }
0x218: {  	p0 =	sne.s32 s17, $0x8200;
	s17 =	sadd.s32 $0xA00, s17;
	_ =	swait.ge [sflag:s11], $0x1400  }
0x219: {  	s23 =	sshra.s32 s23, $0x2;
	[sflag:s11] =	ssyncset.done $0x0  }
0x21a: {  	s26 =	simm.s32 $0x4E20;
	s24 =	sadd.s32 $0x2710, s23;
	[sflag:s11] =	ssyncadd.s32 $0xFFFFEC00  }
0x21b: {  	[spmem:s1] =	stream.indirect.scatter.add.f32 [tilespmem:s26], [sflag:$0x9], $0x40, s24, s22, $0xb8;
	[tilespmem:$0x1BB20] =	vst v63  }
0x21c: {  	_ =	swait.ge [sflag:s25], $0x1400  }
0x21d: {  	[sflag:s25] =	ssyncset.done $0x0  }
0x21e: {  	s29 =	simm.s32 $0x6220;
	s24 =	sadd.s32 $0x2760, s23;
	[sflag:s25] =	ssyncadd.s32 $0xFFFFEC00  }
0x21f: {  	[spmem:s1] =	stream.indirect.scatter.add.f32 [tilespmem:s29], [sflag:$0xA], $0x40, s24, s22, $0xb8;
	[tilespmem:$0x1BB20] =	vst v63  }
0x220: {  	_ =	swait.ge [sflag:s12], $0x1400  }
0x221: {  	[sflag:s12] =	ssyncset.done $0x0  }
0x222: {  	s24 =	sadd.s32 $0x280, s23;
	[sflag:s12] =	ssyncadd.s32 $0xFFFFEC00  }
0x223: {  	[tilespmem:s26], [sflag:$0x1] =	stream.indirect.gather [hbm4b:s13+s22], $0x40, s24, s22, $0xb8;
	[tilespmem:$0x1BB20] =	vst v63  }
0x224: {  	_ =	swait.ge [sflag:s28], $0x1400  }
0x225: {  	[sflag:s28] =	ssyncset.done $0x0  }
0x226: {  	s24 =	sadd.s32 $0x27B0, s23;
	s26 =	simm.s32 $0x7620;
	[sflag:s28] =	ssyncadd.s32 $0xFFFFEC00  }
0x227: {  	[spmem:s1] =	stream.indirect.scatter.add.f32 [tilespmem:s26], [sflag:$0xB], $0x40, s24, s22, $0xb8;
	[tilespmem:$0x1BB20] =	vst v63  }
0x228: {  	_ =	swait.ge [sflag:s14], $0x1400  }
0x229: {  	[sflag:s14] =	ssyncset.done $0x0  }
0x22a: {  	s24 =	sadd.s32 $0x2D0, s23;
	[sflag:s14] =	ssyncadd.s32 $0xFFFFEC00  }
0x22b: {  	[tilespmem:s29], [sflag:$0x2] =	stream.indirect.gather [hbm4b:s13+s22], $0x40, s24, s22, $0xb8;
	[tilespmem:$0x1BB20] =	vst v63  }
0x22c: {  	_ =	swait.ge [sflag:s15], $0x1400  }
0x22d: {  	[sflag:s15] =	ssyncset.done $0x0  }
0x22e: {  	s24 =	sadd.s32 $0x2800, s23;
	s29 =	simm.s32 $0x8A20;
	[sflag:s15] =	ssyncadd.s32 $0xFFFFEC00  }
0x22f: {  	[spmem:s1] =	stream.indirect.scatter.add.f32 [tilespmem:s29], [sflag:$0xC], $0x40, s24, s22, $0xb8;
	[tilespmem:$0x1BB20] =	vst v63  }
0x230: {  	_ =	swait.ge [sflag:s30], $0x1400  }
0x231: {  	[sflag:s30] =	ssyncset.done $0x0  }
0x232: {  	s24 =	sadd.s32 $0x320, s23;
	[sflag:s30] =	ssyncadd.s32 $0xFFFFEC00  }
0x233: {  	[tilespmem:s26], [sflag:$0x3] =	stream.indirect.gather [hbm4b:s13+s22], $0x40, s24, s22, $0xb8;
	[tilespmem:$0x1BB20] =	vst v63  }
0x234: {  	_ =	swait.ge [sflag:s0], $0x1400  }
0x235: {  	[sflag:s0] =	ssyncset.done $0x0  }
0x236: {  	s24 =	sadd.s32 $0x2850, s23;
	[sflag:s0] =	ssyncadd.s32 $0xFFFFEC00  }
0x237: {  	[spmem:s1] =	stream.indirect.scatter.add.f32 [tilespmem:s31], [sflag:$0xD], $0x40, s24, s22, $0xb8;
	[tilespmem:$0x1BB20] =	vst v63  }
0x238: {  	_ =	swait.ge [sflag:s18], $0x1400  }
0x239: {  	[sflag:s18] =	ssyncset.done $0x0  }
0x23a: {  	s24 =	sadd.s32 $0x370, s23;
	[sflag:s18] =	ssyncadd.s32 $0xFFFFEC00  }
0x23b: {  	[tilespmem:s29], [sflag:$0x4] =	stream.indirect.gather [hbm4b:s13+s22], $0x40, s24, s22, $0xb8;
	[tilespmem:$0x1BB20] =	vst v63  }
0x23c: {  	_ =	swait.ge [sflag:s8], $0x1400  }
0x23d: {  	[sflag:s8] =	ssyncset.done $0x0  }
0x23e: {  	s24 =	sadd.s32 $0x28A0, s23;
	[sflag:s8] =	ssyncadd.s32 $0xFFFFEC00  }
0x23f: {  	[spmem:s1] =	stream.indirect.scatter.add.f32 [tilespmem:s2], [sflag:$0xE], $0x40, s24, s22, $0xb8;
	[tilespmem:$0x1BB20] =	vst v63  }
0x240: {  	_ =	swait.ge [sflag:s9], $0x1400  }
0x241: {  	[sflag:s9] =	ssyncset.done $0x0  }
0x242: {  	s24 =	sadd.s32 $0x3C0, s23;
	[sflag:s9] =	ssyncadd.s32 $0xFFFFEC00  }
0x243: {  	[tilespmem:s31], [sflag:$0x5] =	stream.indirect.gather [hbm4b:s13+s22], $0x40, s24, s22, $0xb8;
	[tilespmem:$0x1BB20] =	vst v63  }
0x244: {  	_ =	swait.ge [sflag:s4], $0x1400  }
0x245: {  	[sflag:s4] =	ssyncset.done $0x0  }
0x246: {  	s24 =	sadd.s32 $0x28F0, s23;
	[sflag:s4] =	ssyncadd.s32 $0xFFFFEC00  }
0x247: {  	[spmem:s1] =	stream.indirect.scatter.add.f32 [tilespmem:s7], [sflag:$0xF], $0x40, s24, s22, $0xb8;
	[tilespmem:$0x1BB20] =	vst v63  }
0x248: {  	_ =	swait.ge [sflag:s6], $0x1400  }
0x249: {  	[sflag:s6] =	ssyncset.done $0x0  }
0x24a: {  	s24 =	sadd.s32 $0x410, s23;
	[sflag:s6] =	ssyncadd.s32 $0xFFFFEC00  }
0x24b: {  	[tilespmem:s2], [sflag:$0x6] =	stream.indirect.gather [hbm4b:s13+s22], $0x40, s24, s22, $0xb8;
	[tilespmem:$0x1BB20] =	vst v63  }
0x24c: {  	_ =	swait.ge [sflag:s21], $0x1400  }
0x24d: {  	[sflag:s21] =	ssyncset.done $0x0  }
0x24e: {  	s24 =	sadd.s32 $0x2940, s23;
	[sflag:s21] =	ssyncadd.s32 $0xFFFFEC00  }
0x24f: {  	[spmem:s1] =	stream.indirect.scatter.add.f32 [tilespmem:s10], [sflag:$0x10], $0x40, s24, s22, $0xb8;
	[tilespmem:$0x1BB20] =	vst v63  }
0x250: {  	_ =	swait.ge [sflag:s20], $0x1400  }
0x251: {  	[sflag:s20] =	ssyncset.done $0x0  }
.Ltmp1:
0x252: {  	s24 =	sadd.s32 $0x460, s23;
	[sflag:s20] =	ssyncadd.s32 $0xFFFFEC00;
	(pc) =	sbr.rel @p0 .LBB2_4-.Ltmp1, $4  }
0x253: {  	[tilespmem:s7], [sflag:$0x7] =	stream.indirect.gather [hbm4b:s13+s22], $0x40, s24, s22, $0xb8;
	[tilespmem:$0x1BB20] =	vst v63  }
0x254: {  	_ =	swait.ge [sflag:s19], $0x1400  }
0x255: {  	[sflag:s19] =	ssyncset.done $0x0  }
0x256: {  	s23 =	sadd.s32 $0x4B0, s23;
	[sflag:s19] =	ssyncadd.s32 $0xFFFFEC00  }
0x257: {  	[tilespmem:s10], [sflag:$0x8] =	stream.indirect.gather [hbm4b:s13+s22], $0x40, s23, s22, $0xb8;
	[tilespmem:$0x1BB20] =	vst v63  }
0x258: {  	_ =	swait.ge [sflag:s11], $0x1400  }
0x259: {  	[sflag:s11] =	ssyncset.done $0x0  }
0x25a: {  	s17 =	simm.s32 $0x4E20;
	s24 =	simm.s32 $0x4A10;
	[sflag:s11] =	ssyncadd.s32 $0xFFFFEC00  }
0x25b: {  	[spmem:s1] =	stream.indirect.scatter.add.f32 [tilespmem:s17], [sflag:$0x9], $0x40, s24, s22, $0xb8;
	[tilespmem:$0x1BB20] =	vst v63  }
0x25c: {  	_ =	swait.ge [sflag:s25], $0x1400  }
0x25d: {  	[sflag:s25] =	ssyncset.done $0x0  }
0x25e: {  	s23 =	simm.s32 $0x6220;
	s24 =	simm.s32 $0x4A60;
	[sflag:s25] =	ssyncadd.s32 $0xFFFFEC00  }
0x25f: {  	[spmem:s1] =	stream.indirect.scatter.add.f32 [tilespmem:s23], [sflag:$0xA], $0x40, s24, s22, $0xb8;
	[tilespmem:$0x1BB20] =	vst v63  }
0x260: {  	_ =	swait.ge [sflag:s12], $0x1400  }
0x261: {  	[sflag:s12] =	ssyncset.done $0x0  }
0x262: {  	s26 =	simm.s32 $0x2580;
	[sflag:s12] =	ssyncadd.s32 $0xFFFFEC00  }
0x263: {  	[tilespmem:s17], [sflag:$0x1] =	stream.indirect.gather [hbm4b:s13+s22], $0x40, s26, s22, $0xb8;
	[tilespmem:$0x1BB20] =	vst v63  }
0x264: {  	_ =	swait.ge [sflag:s28], $0x1400  }
0x265: {  	[sflag:s28] =	ssyncset.done $0x0  }
0x266: {  	s24 =	simm.s32 $0x7620;
	s26 =	simm.s32 $0x4AB0;
	[sflag:s28] =	ssyncadd.s32 $0xFFFFEC00  }
0x267: {  	[spmem:s1] =	stream.indirect.scatter.add.f32 [tilespmem:s24], [sflag:$0xB], $0x40, s26, s22, $0xb8;
	[tilespmem:$0x1BB20] =	vst v63  }
0x268: {  	_ =	swait.ge [sflag:s14], $0x1400  }
0x269: {  	[sflag:s14] =	ssyncset.done $0x0  }
0x26a: {  	s26 =	simm.s32 $0x25D0;
	[sflag:s14] =	ssyncadd.s32 $0xFFFFEC00  }
0x26b: {  	[tilespmem:s23], [sflag:$0x2] =	stream.indirect.gather [hbm4b:s13+s22], $0x40, s26, s22, $0xb8;
	[tilespmem:$0x1BB20] =	vst v63  }
0x26c: {  	_ =	swait.ge [sflag:s15], $0x1400  }
0x26d: {  	[sflag:s15] =	ssyncset.done $0x0  }
0x26e: {  	s29 =	simm.s32 $0x4B00;
	s26 =	simm.s32 $0x8A20;
	[sflag:s15] =	ssyncadd.s32 $0xFFFFEC00  }
0x26f: {  	[spmem:s1] =	stream.indirect.scatter.add.f32 [tilespmem:s26], [sflag:$0xC], $0x40, s29, s22, $0xb8;
	[tilespmem:$0x1BB20] =	vst v63  }
0x270: {  	_ =	swait.ge [sflag:s30], $0x1400  }
0x271: {  	[sflag:s30] =	ssyncset.done $0x0  }
0x272: {  	s29 =	simm.s32 $0x2620;
	[sflag:s30] =	ssyncadd.s32 $0xFFFFEC00  }
0x273: {  	[tilespmem:s24], [sflag:$0x3] =	stream.indirect.gather [hbm4b:s13+s22], $0x40, s29, s22, $0xb8;
	[tilespmem:$0x1BB20] =	vst v63  }
0x274: {  	_ =	swait.ge [sflag:s0], $0x1400  }
0x275: {  	[sflag:s0] =	ssyncset.done $0x0  }
0x276: {  	s29 =	simm.s32 $0x4B50;
	[sflag:s0] =	ssyncadd.s32 $0xFFFFEC00  }
0x277: {  	[spmem:s1] =	stream.indirect.scatter.add.f32 [tilespmem:s31], [sflag:$0xD], $0x40, s29, s22, $0xb8;
	[tilespmem:$0x1BB20] =	vst v63  }
0x278: {  	_ =	swait.ge [sflag:s18], $0x1400  }
0x279: {  	[sflag:s18] =	ssyncset.done $0x0  }
0x27a: {  	s29 =	simm.s32 $0x2670;
	[sflag:s18] =	ssyncadd.s32 $0xFFFFEC00  }
0x27b: {  	[tilespmem:s26], [sflag:$0x4] =	stream.indirect.gather [hbm4b:s13+s22], $0x40, s29, s22, $0xb8;
	[tilespmem:$0x1BB20] =	vst v63  }
0x27c: {  	_ =	swait.ge [sflag:s8], $0x1400  }
0x27d: {  	[sflag:s8] =	ssyncset.done $0x0  }
0x27e: {  	s29 =	simm.s32 $0x4BA0;
	[sflag:s8] =	ssyncadd.s32 $0xFFFFEC00  }
0x27f: {  	[spmem:s1] =	stream.indirect.scatter.add.f32 [tilespmem:s2], [sflag:$0xE], $0x40, s29, s22, $0xb8;
	[tilespmem:$0x1BB20] =	vst v63  }
0x280: {  	_ =	swait.ge [sflag:s9], $0x1400  }
0x281: {  	[sflag:s9] =	ssyncset.done $0x0  }
0x282: {  	s29 =	simm.s32 $0x26C0;
	[sflag:s9] =	ssyncadd.s32 $0xFFFFEC00  }
0x283: {  	[tilespmem:s31], [sflag:$0x5] =	stream.indirect.gather [hbm4b:s13+s22], $0x40, s29, s22, $0xb8;
	[tilespmem:$0x1BB20] =	vst v63  }
0x284: {  	_ =	swait.ge [sflag:s4], $0x1400  }
0x285: {  	[sflag:s4] =	ssyncset.done $0x0  }
0x286: {  	s29 =	simm.s32 $0x4BF0;
	[sflag:s4] =	ssyncadd.s32 $0xFFFFEC00  }
0x287: {  	[spmem:s1] =	stream.indirect.scatter.add.f32 [tilespmem:s7], [sflag:$0xF], $0x40, s29, s22, $0xb8;
	[tilespmem:$0x1BB20] =	vst v63  }
0x288: {  	_ =	swait.ge [sflag:s6], $0x1400  }
0x289: {  	[sflag:s6] =	ssyncset.done $0x0  }
0x28a: {  	[sflag:s6] =	ssyncadd.s32 $0xFFFFEC00  }
0x28b: {  	_ =	swait.ge [sflag:s21], $0x1400  }
0x28c: {  	[sflag:s21] =	ssyncset.done $0x0  }
0x28d: {  	s29 =	simm.s32 $0x4C40;
	[sflag:s21] =	ssyncadd.s32 $0xFFFFEC00  }
0x28e: {  	[spmem:s1] =	stream.indirect.scatter.add.f32 [tilespmem:s10], [sflag:$0x10], $0x40, s29, s22, $0xb8;
	[tilespmem:$0x1BB20] =	vst v63  }
0x28f: {  	_ =	swait.ge [sflag:s20], $0x1400  }
0x290: {  	[sflag:s20] =	ssyncset.done $0x0  }
0x291: {  	[sflag:s20] =	ssyncadd.s32 $0xFFFFEC00  }
0x292: {  	_ =	swait.ge [sflag:s11], $0x1400  }
0x293: {  	[sflag:s11] =	ssyncset.done $0x0  }
0x294: {  	s29 =	simm.s32 $0x4C90;
	[sflag:s11] =	ssyncadd.s32 $0xFFFFEC00  }
0x295: {  	[spmem:s1] =	stream.indirect.scatter.add.f32 [tilespmem:s17], [sflag:$0x9], $0x40, s29, s22, $0xb8;
	[tilespmem:$0x1BB20] =	vst v63  }
0x296: {  	_ =	swait.ge [sflag:s19], $0x1400  }
0x297: {  	[sflag:s19] =	ssyncset.done $0x0  }
0x298: {  	[sflag:s19] =	ssyncadd.s32 $0xFFFFEC00  }
0x299: {  	_ =	swait.ge [sflag:s25], $0x1400  }
0x29a: {  	[sflag:s25] =	ssyncset.done $0x0  }
0x29b: {  	s17 =	simm.s32 $0x4CE0;
	[sflag:s25] =	ssyncadd.s32 $0xFFFFEC00  }
0x29c: {  	[spmem:s1] =	stream.indirect.scatter.add.f32 [tilespmem:s23], [sflag:$0xA], $0x40, s17, s22, $0xb8;
	[tilespmem:$0x1BB20] =	vst v63  }
0x29d: {  	_ =	swait.ge [sflag:s12], $0x1400  }
0x29e: {  	[sflag:s12] =	ssyncset.done $0x0  }
0x29f: {  	[sflag:s12] =	ssyncadd.s32 $0xFFFFEC00  }
0x2a0: {  	_ =	swait.ge [sflag:s28], $0x1400  }
0x2a1: {  	[sflag:s28] =	ssyncset.done $0x0  }
0x2a2: {  	s23 =	simm.s32 $0x4D30;
	[sflag:s28] =	ssyncadd.s32 $0xFFFFEC00  }
0x2a3: {  	[spmem:s1] =	stream.indirect.scatter.add.f32 [tilespmem:s24], [sflag:$0xB], $0x40, s23, s22, $0xb8;
	[tilespmem:$0x1BB20] =	vst v63  }
0x2a4: {  	_ =	swait.ge [sflag:s14], $0x1400  }
0x2a5: {  	[sflag:s14] =	ssyncset.done $0x0  }
0x2a6: {  	[sflag:s14] =	ssyncadd.s32 $0xFFFFEC00  }
0x2a7: {  	_ =	swait.ge [sflag:s15], $0x1400  }
0x2a8: {  	[sflag:s15] =	ssyncset.done $0x0  }
0x2a9: {  	s24 =	simm.s32 $0x4D80;
	[sflag:s15] =	ssyncadd.s32 $0xFFFFEC00  }
0x2aa: {  	[spmem:s1] =	stream.indirect.scatter.add.f32 [tilespmem:s26], [sflag:$0xC], $0x40, s24, s22, $0xb8;
	[tilespmem:$0x1BB20] =	vst v63  }
0x2ab: {  	_ =	swait.ge [sflag:s30], $0x1400  }
0x2ac: {  	[sflag:s30] =	ssyncset.done $0x0  }
0x2ad: {  	[sflag:s30] =	ssyncadd.s32 $0xFFFFEC00  }
0x2ae: {  	_ =	swait.ge [sflag:s0], $0x1400  }
0x2af: {  	[sflag:s0] =	ssyncset.done $0x0  }
0x2b0: {  	s23 =	simm.s32 $0x4DD0;
	[sflag:s0] =	ssyncadd.s32 $0xFFFFEC00  }
0x2b1: {  	[spmem:s1] =	stream.indirect.scatter.add.f32 [tilespmem:s31], [sflag:$0xD], $0x40, s23, s22, $0xb8;
	[tilespmem:$0x1BB20] =	vst v63  }
0x2b2: {  	_ =	swait.ge [sflag:s18], $0x1400  }
0x2b3: {  	[sflag:s18] =	ssyncset.done $0x0  }
0x2b4: {  	[sflag:s18] =	ssyncadd.s32 $0xFFFFEC00  }
0x2b5: {  	_ =	swait.ge [sflag:s9], $0x1400  }
0x2b6: {  	[sflag:s9] =	ssyncset.done $0x0  }
0x2b7: {  	[sflag:s9] =	ssyncadd.s32 $0xFFFFEC00  }
0x2b8: {  	[bflag:$0x0] =	sbarrier.arrive $0xFFFF  }
0x2b9: {  	s24 =	rddreg [dreg:$0xc]  }
0x2ba: {  	s26 =	rddreg [dreg:$0xe]  }
0x2bb: {  	s29 =	rddreg [dreg:$0xf]  }
0x2bc: {  	[hbm:s24], [sflag:s26] =	dma.local [spmem:s29], $0x1400  }
0x2bd: {  	s24 =	simm.s32 $0x11  }
0x2be: {  	_ =	swait.ge [sflag:s24], $0x1400  }
0x2bf: {  	s17 =	rddreg [dreg:$0x11]  }
0x2c0: {  	s23 =	rddreg [dreg:$0xd];
	s26 =	sadd.s32 $0x1, s17  }
0x2c1: {  	p0 =	sne.s32 s26, s23  }
.Ltmp2:
0x2c2: {  	_ = 	snop;
	(pc) =	sbr.rel @p0 .LBB2_1-.Ltmp2, $3  }
0x2c3: {  	_ =	sdelay $0x1  }
0x2c4: {  	[sflag:s24] =	ssyncset.done $0x0  }
0x2c5: {  	[sflag:s24] =	ssyncadd.s32 $0xFFFFEC00  }
0x2c6: {  	_ =	sfence.sel $0x180000  }
0x2c7: {  	[bflag:$0x0] =	sbarrier.arrive $0xFFFF  }
0x2c8: {  	_ =	strace $0x90000047  }
0x2c9: {  	s0 =	stileid.u32;
	[bflag:$0x2] =	sbarrier.arrive $0xFFFF  }
0x2ca: {  	p0 =	sne.s32 s0, $0x0;
	s0 =	rddreg [dreg:$0x4]  }
0x2cb: {  	s0 =	sadd.s32 @!p0 $0x100000, s0  }
0x2cc: {  	[sflag:s0] =	ssyncadd.tile.s32 @!p0 $0x1;
	_ =	shalt  }
.Lfunc_end2:
_tile_overlayer_lowered:
.L_overlay_start_2:
0x2cd: {  	(tag) =	ssettag $0x2  }
0x2ce: {  	s0 =	rddreg [dreg:$0x0];
	s2 =	stileid.u32  }
0x2cf: {  	s1 =	rddreg [dreg:$0x1];
	p0 =	sne.s32 s2, $0x0  }
0x2d0: {  	s3 =	rddreg [dreg:$0x2];
	[bflag:$0x3] =	sbarrier.arrive $0xFFFF;
	s2 =	simm.s32 @!p0 $0x1C11  }
0x2d1: {  	[timem:s3], [sflag:s2] =	dma.local @!p0 [hbm:s0], s1  }
0x2d2: {  	s0 =	simm.s32 @!p0 $0x11  }
0x2d3: {  	_ =	swait.ge @!p0 [sflag:s0], s1  }
0x2d4: {  	s1 =	ssub.s32 @!p0 $0x0, s1;
	[sflag:s0] =	ssyncset.done @!p0 $0x0  }
0x2d5: {  	[sflag:s0] =	ssyncadd.s32 @!p0 s1  }
0x2d6: {  	[bflag:$0x3] =	sbarrier.arrive $0xFFFF  }
0x2d7: {  	_ =	shalt  }

</sc_bundles>
